<compile_context>
chip_gen: v7x
topology: tpu7x:2x2x1
jax: 0.10.2.dev20260603
libtpu: 0.0.44.dev20260713+nightly
codegen_flags: <defaults>
</compile_context>

<pallas_src>
import functools

import jax
import jax.numpy as jnp
from jax import lax
from jax.experimental import pallas as pl
from jax.experimental.pallas import tpu as pltpu
from jax.experimental.pallas import tpu_sc as plsc

N = 10000
E = 320000
D = 128
OUT = 10

NC = 2
NS = 16
CSZ = 112
CH0 = 96
CH1 = 96
TOTCH = NS * (CH0 + CH1)
EPAD = TOTCH * CSZ
NPAD = 10112
RPW = NPAD // NS

G = 12
GPW = CH0 // G
NG = TOTCH // G


def _idx_stage(src_hbm, dst_hbm, g, buf, sem):
  pltpu.async_copy(src_hbm.at[g], buf.at[pl.ds(0, G)], sem)
  pltpu.async_copy(dst_hbm.at[g], buf.at[pl.ds(G, G)], sem)


def _idx_wait(src_hbm, dst_hbm, g, buf, sem):
  pltpu.make_async_copy(src_hbm.at[g], buf.at[pl.ds(0, G)], sem).wait()
  pltpu.make_async_copy(dst_hbm.at[g], buf.at[pl.ds(G, G)], sem).wait()


def _msg_body(h_hbm, src_hbm, dst_hbm, z_hbm, out_hbm,
              idx_a, idx_b, rows_a, rows_b, rows_c, table,
              sem_ia, sem_ib, sem_a, sem_b, sem_c):
  cid = lax.axis_index("c")
  sid = lax.axis_index("s")
  r0 = sid * RPW
  base = (cid * NS + sid) * GPW
  @pl.when((cid == 0) & (sid < NS - 1))
  def _():
    pltpu.sync_copy(h_hbm.at[pl.ds(r0, RPW)], table.at[pl.ds(r0, RPW)])

  @pl.when((cid == 0) & (sid == NS - 1))
  def _():
    pltpu.sync_copy(h_hbm.at[pl.ds(r0, N - r0)], table.at[pl.ds(r0, N - r0)])
    pltpu.sync_copy(z_hbm.at[pl.ds(N, NPAD - N)], table.at[pl.ds(N, NPAD - N)])

  @pl.when(cid == 1)
  def _():
    pltpu.sync_copy(z_hbm.at[pl.ds(r0, RPW)], table.at[pl.ds(r0, RPW)])

  plsc.subcore_barrier()

  _idx_stage(src_hbm, dst_hbm, base, idx_a, sem_ia)
  _idx_wait(src_hbm, dst_hbm, base, idx_a, sem_ia)
  _idx_stage(src_hbm, dst_hbm, base + 1, idx_b, sem_ib)
  pltpu.async_copy(h_hbm.at[idx_a.at[0]], rows_a, sem_a)
  pltpu.async_copy(h_hbm.at[idx_a.at[1]], rows_b, sem_b)

  def process(buf, nxt, carry):
    @pl.loop(0, G, step=3)
    def _(i):
      pltpu.make_async_copy(h_hbm.at[buf.at[i]], rows_a, sem_a).wait()
      pltpu.async_copy(h_hbm.at[buf.at[i + 2]], rows_c, sem_c)
      pltpu.sync_copy(rows_a, table.at[buf.at[G + i]], add=True)

      pltpu.make_async_copy(h_hbm.at[buf.at[i + 1]], rows_b, sem_b).wait()

      @pl.when(i + 3 < G)
      def _():
        pltpu.async_copy(h_hbm.at[buf.at[i + 3]], rows_a, sem_a)

      @pl.when((i + 3 >= G) & carry)
      def _():
        pltpu.async_copy(h_hbm.at[nxt.at[0]], rows_a, sem_a)

      pltpu.sync_copy(rows_b, table.at[buf.at[G + i + 1]], add=True)

      pltpu.make_async_copy(h_hbm.at[buf.at[i + 2]], rows_c, sem_c).wait()

      @pl.when(i + 4 < G)
      def _():
        pltpu.async_copy(h_hbm.at[buf.at[i + 4]], rows_b, sem_b)

      @pl.when((i + 4 >= G + 1) & carry)
      def _():
        pltpu.async_copy(h_hbm.at[nxt.at[1]], rows_b, sem_b)

      pltpu.sync_copy(rows_c, table.at[buf.at[G + i + 2]], add=True)

  @pl.loop(0, GPW, step=2)
  def _(g):
    _idx_wait(src_hbm, dst_hbm, base + g + 1, idx_b, sem_ib)
    process(idx_a, idx_b, True)

    @pl.when(g + 2 < GPW)
    def _():
      _idx_stage(src_hbm, dst_hbm, base + g + 2, idx_a, sem_ia)
      _idx_wait(src_hbm, dst_hbm, base + g + 2, idx_a, sem_ia)

    process(idx_b, idx_a, g + 2 < GPW)

    @pl.when(g + 3 < GPW)
    def _():
      _idx_stage(src_hbm, dst_hbm, base + g + 3, idx_b, sem_ib)

  plsc.subcore_barrier()
  pltpu.sync_copy(table.at[pl.ds(r0, RPW)], out_hbm.at[cid, pl.ds(r0, RPW)])


@functools.lru_cache(maxsize=1)
def _get_sc_message_pass():
  mesh = plsc.VectorSubcoreMesh(core_axis_name="c", subcore_axis_name="s",
                                num_cores=NC, num_subcores=NS)
  return functools.partial(
      pl.kernel,
      out_type=jax.ShapeDtypeStruct((NC, NPAD, D), jnp.float32),
      mesh=mesh,
      scratch_types=[
          pltpu.VMEM((2 * G, CSZ), jnp.int32),
          pltpu.VMEM((2 * G, CSZ), jnp.int32),
          pltpu.VMEM((CSZ, D), jnp.float32),
          pltpu.VMEM((CSZ, D), jnp.float32),
          pltpu.VMEM((CSZ, D), jnp.float32),
          pltpu.VMEM_SHARED((NPAD, D), jnp.float32),
          pltpu.SemaphoreType.DMA,
          pltpu.SemaphoreType.DMA,
          pltpu.SemaphoreType.DMA,
          pltpu.SemaphoreType.DMA,
          pltpu.SemaphoreType.DMA,
      ],
  )(_msg_body)


R = 2000


def _mlp_block(p0_ref, p1_ref, w1_ref, b1_ref, w2_ref, b2_ref):
  agg = p0_ref[0] + p1_ref[0]
  z = jnp.dot(agg, w1_ref[...], preferred_element_type=jnp.float32)
  z = jnp.maximum(z + b1_ref[...], 0.0)
  o = jnp.dot(z, w2_ref[...], preferred_element_type=jnp.float32)
  return jnp.maximum(o + b2_ref[...], 0.0)


def _mlp_body(p0_ref, p1_ref, w1_ref, b1_ref, w2_ref, b2_ref, o_ref):
  o_ref[...] = _mlp_block(p0_ref, p1_ref, w1_ref, b1_ref, w2_ref, b2_ref)


def _mlp_last_body(p0_ref, p1_ref, w1_ref, b1_ref, w2_ref, b2_ref,
                   wo_ref, bo_ref, o_ref, gmax_ref):
  i = pl.program_id(0)
  o = _mlp_block(p0_ref, p1_ref, w1_ref, b1_ref, w2_ref, b2_ref)
  bm = jnp.max(o, axis=0, keepdims=True)

  @pl.when(i == 0)
  def _():
    gmax_ref[...] = bm

  @pl.when(i > 0)
  def _():
    gmax_ref[...] = jnp.maximum(gmax_ref[...], bm)

  @pl.when(i == pl.num_programs(0) - 1)
  def _():
    g = gmax_ref[...]
    o_ref[...] = (jnp.dot(g, wo_ref[...], preferred_element_type=jnp.float32)
                  + bo_ref[...])


_p_spec0 = pl.BlockSpec((1, R, D), lambda i: (0, i, 0))
_p_spec1 = pl.BlockSpec((1, R, D), lambda i: (1, i, 0))
_h_spec = pl.BlockSpec((R, D), lambda i: (i, 0))
_w1_spec = pl.BlockSpec((D, 2 * D), lambda i: (0, 0))
_b1_spec = pl.BlockSpec((1, 2 * D), lambda i: (0, 0))
_w2_spec = pl.BlockSpec((2 * D, D), lambda i: (0, 0))
_b2_spec = pl.BlockSpec((1, D), lambda i: (0, 0))

_tc_mlp = pl.pallas_call(
    _mlp_body,
    grid=(N // R,),
    in_specs=[_p_spec0, _p_spec1, _w1_spec, _b1_spec, _w2_spec, _b2_spec],
    out_specs=_h_spec,
    out_shape=jax.ShapeDtypeStruct((N, D), jnp.float32),
)

_tc_mlp_last = pl.pallas_call(
    _mlp_last_body,
    grid=(N // R,),
    in_specs=[_p_spec0, _p_spec1, _w1_spec, _b1_spec, _w2_spec, _b2_spec,
              pl.BlockSpec((D, OUT), lambda i: (0, 0)),
              pl.BlockSpec((1, OUT), lambda i: (0, 0))],
    out_specs=pl.BlockSpec((1, OUT), lambda i: (0, 0)),
    out_shape=jax.ShapeDtypeStruct((1, OUT), jnp.float32),
    scratch_shapes=[pltpu.VMEM((1, D), jnp.float32)],
)


def kernel(x, edge_index, W1_0, b1_0, W2_0, b2_0, W1_1, b1_1, W2_1, b2_1,
           W1_2, b1_2, W2_2, b2_2, W_out, b_out):
  src = edge_index[0]
  dst = edge_index[1]
  pad = EPAD - E
  pad_iota = jnp.arange(pad, dtype=jnp.int32)
  srcp = jnp.concatenate([src, pad_iota % N])
  dstp = jnp.concatenate([dst, N + pad_iota % (NPAD - N)])
  srcp = srcp.reshape(NG, G, CSZ)
  dstp = dstp.reshape(NG, G, CSZ)
  zeros = jnp.zeros((NPAD, D), jnp.float32)

  params = [(W1_0, b1_0, W2_0, b2_0), (W1_1, b1_1, W2_1, b2_1),
            (W1_2, b1_2, W2_2, b2_2)]
  sc_message_pass = _get_sc_message_pass()
  h = x
  for l, (W1, b1, W2, b2) in enumerate(params):
    p = sc_message_pass(h, srcp, dstp, zeros)
    if l < 2:
      h = _tc_mlp(p, p, W1, b1.reshape(1, -1), W2, b2.reshape(1, -1))
    else:
      out = _tc_mlp_last(p, p, W1, b1.reshape(1, -1), W2,
                         b2.reshape(1, -1), W_out, b_out.reshape(1, -1))
  return out

# --- scband reference (transcript-rebuilt; emitter-appended) ---
"""Pipeline reference for scband-ginnet-24129126269180 (READ-ONLY COPY).

The authoritative reference and input builder live on the scoring server;
editing this copy changes nothing except your own understanding.
"""

import jax, jax.numpy as jnp
import numpy as np

N = 10000
E = 320000
D = 128
OUT = 10
EPS = 0.0


def setup_inputs(seed: int = 0) -> dict:
    key = jax.random.key(seed)
    ks = jax.random.split(key, 16)
    x = jax.random.normal(ks[0], (N, D), dtype=jnp.float32)
    edge_index = jax.random.randint(ks[1], (2, E), 0, N, dtype=jnp.int32)
    inp = {"x": x, "edge_index": edge_index}
    # GIN MLP params per layer: Linear(D, 2D) -> ReLU -> Linear(2D, D)
    for l in range(3):
        s1 = 1.0 / np.sqrt(D)
        s2 = 1.0 / np.sqrt(2 * D)
        inp[f"W1_{l}"] = jax.random.normal(ks[2 + 4 * l], (D, 2 * D), dtype=jnp.float32) * s1
        inp[f"b1_{l}"] = jnp.zeros((2 * D,), dtype=jnp.float32)
        inp[f"W2_{l}"] = jax.random.normal(ks[3 + 4 * l], (2 * D, D), dtype=jnp.float32) * s2
        inp[f"b2_{l}"] = jnp.zeros((D,), dtype=jnp.float32)
    inp["W_out"] = jax.random.normal(ks[14], (D, OUT), dtype=jnp.float32) * (1.0 / np.sqrt(D))
    inp["b_out"] = jnp.zeros((OUT,), dtype=jnp.float32)
    return inp


def _gin_layer(h, src, dst, W1, b1, W2, b2):
    # message passing: sum of neighbor features via scatter-add,
    # plus (1+eps)*self (self-loops with weight 1+eps, eps=0 untrained)
    msgs = jnp.take(h, src, axis=0)
    agg = jnp.zeros_like(h).at[dst].add(msgs)
    agg = agg + (1.0 + EPS) * h
    # GIN MLP
    z = jnp.maximum(agg @ W1 + b1, 0.0)
    z = z @ W2 + b2
    # gnn nonlinearity (relu)
    return jnp.maximum(z, 0.0)


def reference(x, edge_index, W1_0, b1_0, W2_0, b2_0, W1_1, b1_1, W2_1, b2_1, W1_2, b1_2, W2_2, b2_2, W_out, b_out):
    src = edge_index[0]
    dst = edge_index[1]
    h = x
    h = _gin_layer(h, src, dst, W1_0, b1_0, W2_0, b2_0)
    h = _gin_layer(h, src, dst, W1_1, b1_1, W2_1, b2_1)
    h = _gin_layer(h, src, dst, W1_2, b1_2, W2_2, b2_2)
    # readout: global max pool over the single graph (batch == zeros)
    g = jnp.max(h, axis=0, keepdims=True)
    out = g @ W_out + b_out
    return out

if __name__ == "__main__":
    import jax
    _d = setup_inputs()
    print(jax.jit(kernel)(*tuple(_d.values())))

</pallas_src>

<mosaic_0001>
#map = affine_map<(d0, d1) -> (0, 0)>
#map1 = affine_map<(d0, d1) -> (0, 0, 0)>
module attributes {stable_mosaic.version = 14 : i64} {
  func.func @_msg_body(%arg0: i32, %arg1: i32, %arg2: memref<10000x128xf32, #tpu.memory_space<hbm>>, %arg3: memref<256x12x112xi32, #tpu.memory_space<hbm>>, %arg4: memref<256x12x112xi32, #tpu.memory_space<hbm>>, %arg5: memref<10112x128xf32, #tpu.memory_space<hbm>>, %arg6: memref<2x10112x128xf32, #tpu.memory_space<hbm>>, %arg7: memref<24x112xi32, #tpu.memory_space<vmem>>, %arg8: memref<24x112xi32, #tpu.memory_space<vmem>>, %arg9: memref<112x128xf32, #tpu.memory_space<vmem>>, %arg10: memref<112x128xf32, #tpu.memory_space<vmem>>, %arg11: memref<112x128xf32, #tpu.memory_space<vmem>>, %arg12: memref<10112x128xf32, #tpu.memory_space<vmem_shared>>, %arg13: memref<!tpu.dma_semaphore, #tpu.memory_space<semaphore_mem>>, %arg14: memref<!tpu.dma_semaphore, #tpu.memory_space<semaphore_mem>>, %arg15: memref<!tpu.dma_semaphore, #tpu.memory_space<semaphore_mem>>, %arg16: memref<!tpu.dma_semaphore, #tpu.memory_space<semaphore_mem>>, %arg17: memref<!tpu.dma_semaphore, #tpu.memory_space<semaphore_mem>>) attributes {dimension_semantics = [#tpu.dimension_semantics<core_parallel>, #tpu.dimension_semantics<subcore_parallel>], iteration_bounds = array<i64: 2, 16>, scalar_prefetch = 0 : i64, scratch_operands = 11 : i64, tpu.core_type = #tpu.core_type<sc_vector_subcore>, window_params = [{transform_indices = #map}, {transform_indices = #map1}, {transform_indices = #map1}, {transform_indices = #map}, {transform_indices = #map1}]} {
    %mul3A = arith.constant 632 : i32
    %mul3A_0 = arith.muli %arg1, %mul3A : i32
    %mul3A_1 = arith.constant 16 : i32
    %mul3A_2 = arith.muli %arg0, %mul3A_1 : i32
    %add3A = arith.addi %mul3A_2, %arg1 : i32
    %mul3A_3 = arith.constant 8 : i32
    %mul3A_4 = arith.muli %add3A, %mul3A_3 : i32
    %eq3A = arith.constant 0 : i32
    %eq3A_5 = arith.cmpi eq, %arg0, %eq3A : i32
    %lt3A = arith.constant 15 : i32
    %lt3A_6 = arith.cmpi slt, %arg1, %lt3A : i32
    %and3A = arith.andi %eq3A_5, %lt3A_6 : i1
    %convert_element_type3A = arith.extui %and3A : i1 to i32
    %cond3A = arith.constant 0 : i32
    %cond3A_7 = arith.cmpi ne, %convert_element_type3A, %cond3A : i32
    scf.if %cond3A_7 {
      "tpu.region"() ({
        %run_scoped3A = tpu.sem_alloc : memref<!tpu.dma_semaphore, #tpu.memory_space<semaphore_mem>>
        %dma_start3A_124 = arith.constant 0 : i32
        %dma_start3A_125 = tpu.memref_slice %arg12[%mul3A_0, %dma_start3A_124] : memref<10112x128xf32, #tpu.memory_space<vmem_shared>> -> memref<632x128xf32, #tpu.memory_space<vmem_shared>>
        %dma_start3A_126 = arith.constant 0 : i32
        %dma_start3A_127 = tpu.memref_slice %arg2[%mul3A_0, %dma_start3A_126] : memref<10000x128xf32, #tpu.memory_space<hbm>> -> memref<632x128xf32, #tpu.memory_space<hbm>>
        tpu.enqueue_dma source(%dma_start3A_127 : memref<632x128xf32, #tpu.memory_space<hbm>>) target(%dma_start3A_125 : memref<632x128xf32, #tpu.memory_space<vmem_shared>>) target_semaphore(%run_scoped3A : memref<!tpu.dma_semaphore, #tpu.memory_space<semaphore_mem>>)
        %dma_wait3A_128 = arith.constant 0 : i32
        %dma_wait3A_129 = tpu.memref_slice %arg12[%mul3A_0, %dma_wait3A_128] : memref<10112x128xf32, #tpu.memory_space<vmem_shared>> -> memref<632x128xf32, #tpu.memory_space<vmem_shared>>
        %dma_wait3A_130 = arith.constant 0 : i32
        %dma_wait3A_131 = tpu.memref_slice %arg2[%mul3A_0, %dma_wait3A_130] : memref<10000x128xf32, #tpu.memory_space<hbm>> -> memref<632x128xf32, #tpu.memory_space<hbm>>
        tpu.wait_dma2 semaphore(%run_scoped3A : memref<!tpu.dma_semaphore, #tpu.memory_space<semaphore_mem>>) src(%dma_wait3A_131 : memref<632x128xf32, #tpu.memory_space<hbm>>) dst(%dma_wait3A_129 : memref<632x128xf32, #tpu.memory_space<vmem_shared>>)
        tpu.yield
      }) : () -> ()
    } else {
    }
    %eq3A_8 = arith.constant 0 : i32
    %eq3A_9 = arith.cmpi eq, %arg0, %eq3A_8 : i32
    %eq3A_10 = arith.constant 15 : i32
    %eq3A_11 = arith.cmpi eq, %arg1, %eq3A_10 : i32
    %and3A_12 = arith.andi %eq3A_9, %eq3A_11 : i1
    %convert_element_type3A_13 = arith.extui %and3A_12 : i1 to i32
    %cond3A_14 = arith.constant 0 : i32
    %cond3A_15 = arith.cmpi ne, %convert_element_type3A_13, %cond3A_14 : i32
    scf.if %cond3A_15 {
      %sub3A = arith.constant 10000 : i32
      %sub3A_124 = arith.subi %sub3A, %mul3A_0 : i32
      %sub3A_125 = arith.constant 10000 : i32
      %sub3A_126 = arith.subi %sub3A_125, %mul3A_0 : i32
      "tpu.region"() ({
        %run_scoped3A = tpu.sem_alloc : memref<!tpu.dma_semaphore, #tpu.memory_space<semaphore_mem>>
        %dma_start3A_127 = arith.constant 0 : i32
        %dma_start3A_128 = tpu.memref_slice %arg12[%mul3A_0, %dma_start3A_127] <%sub3A_126> : memref<10112x128xf32, #tpu.memory_space<vmem_shared>> -> memref<?x128xf32, #tpu.memory_space<vmem_shared>>
        %dma_start3A_129 = arith.constant 0 : i32
        %dma_start3A_130 = tpu.memref_slice %arg2[%mul3A_0, %dma_start3A_129] <%sub3A_124> : memref<10000x128xf32, #tpu.memory_space<hbm>> -> memref<?x128xf32, #tpu.memory_space<hbm>>
        tpu.enqueue_dma source(%dma_start3A_130 : memref<?x128xf32, #tpu.memory_space<hbm>>) target(%dma_start3A_128 : memref<?x128xf32, #tpu.memory_space<vmem_shared>>) target_semaphore(%run_scoped3A : memref<!tpu.dma_semaphore, #tpu.memory_space<semaphore_mem>>)
        %dma_wait3A_131 = arith.constant 0 : i32
        %dma_wait3A_132 = tpu.memref_slice %arg12[%mul3A_0, %dma_wait3A_131] <%sub3A_126> : memref<10112x128xf32, #tpu.memory_space<vmem_shared>> -> memref<?x128xf32, #tpu.memory_space<vmem_shared>>
        %dma_wait3A_133 = arith.constant 0 : i32
        %dma_wait3A_134 = tpu.memref_slice %arg2[%mul3A_0, %dma_wait3A_133] <%sub3A_124> : memref<10000x128xf32, #tpu.memory_space<hbm>> -> memref<?x128xf32, #tpu.memory_space<hbm>>
        tpu.wait_dma2 semaphore(%run_scoped3A : memref<!tpu.dma_semaphore, #tpu.memory_space<semaphore_mem>>) src(%dma_wait3A_134 : memref<?x128xf32, #tpu.memory_space<hbm>>) dst(%dma_wait3A_132 : memref<?x128xf32, #tpu.memory_space<vmem_shared>>)
        tpu.yield
      }) : () -> ()
      "tpu.region"() ({
        %run_scoped3A = tpu.sem_alloc : memref<!tpu.dma_semaphore, #tpu.memory_space<semaphore_mem>>
        %dma_start3A_127 = arith.constant 10000 : i32
        %dma_start3A_128 = arith.constant 0 : i32
        %dma_start3A_129 = tpu.memref_slice %arg12[%dma_start3A_127, %dma_start3A_128] : memref<10112x128xf32, #tpu.memory_space<vmem_shared>> -> memref<112x128xf32, #tpu.memory_space<vmem_shared>>
        %dma_start3A_130 = arith.constant 10000 : i32
        %dma_start3A_131 = arith.constant 0 : i32
        %dma_start3A_132 = tpu.memref_slice %arg5[%dma_start3A_130, %dma_start3A_131] : memref<10112x128xf32, #tpu.memory_space<hbm>> -> memref<112x128xf32, #tpu.memory_space<hbm>>
        tpu.enqueue_dma source(%dma_start3A_132 : memref<112x128xf32, #tpu.memory_space<hbm>>) target(%dma_start3A_129 : memref<112x128xf32, #tpu.memory_space<vmem_shared>>) target_semaphore(%run_scoped3A : memref<!tpu.dma_semaphore, #tpu.memory_space<semaphore_mem>>)
        %dma_wait3A_133 = arith.constant 10000 : i32
        %dma_wait3A_134 = arith.constant 0 : i32
        %dma_wait3A_135 = tpu.memref_slice %arg12[%dma_wait3A_133, %dma_wait3A_134] : memref<10112x128xf32, #tpu.memory_space<vmem_shared>> -> memref<112x128xf32, #tpu.memory_space<vmem_shared>>
        %dma_wait3A_136 = arith.constant 10000 : i32
        %dma_wait3A_137 = arith.constant 0 : i32
        %dma_wait3A_138 = tpu.memref_slice %arg5[%dma_wait3A_136, %dma_wait3A_137] : memref<10112x128xf32, #tpu.memory_space<hbm>> -> memref<112x128xf32, #tpu.memory_space<hbm>>
        tpu.wait_dma2 semaphore(%run_scoped3A : memref<!tpu.dma_semaphore, #tpu.memory_space<semaphore_mem>>) src(%dma_wait3A_138 : memref<112x128xf32, #tpu.memory_space<hbm>>) dst(%dma_wait3A_135 : memref<112x128xf32, #tpu.memory_space<vmem_shared>>)
        tpu.yield
      }) : () -> ()
    } else {
    }
    %eq3A_16 = arith.constant 1 : i32
    %eq3A_17 = arith.cmpi eq, %arg0, %eq3A_16 : i32
    %convert_element_type3A_18 = arith.extui %eq3A_17 : i1 to i32
    %cond3A_19 = arith.constant 0 : i32
    %cond3A_20 = arith.cmpi ne, %convert_element_type3A_18, %cond3A_19 : i32
    scf.if %cond3A_20 {
      "tpu.region"() ({
        %run_scoped3A = tpu.sem_alloc : memref<!tpu.dma_semaphore, #tpu.memory_space<semaphore_mem>>
        %dma_start3A_124 = arith.constant 0 : i32
        %dma_start3A_125 = tpu.memref_slice %arg12[%mul3A_0, %dma_start3A_124] : memref<10112x128xf32, #tpu.memory_space<vmem_shared>> -> memref<632x128xf32, #tpu.memory_space<vmem_shared>>
        %dma_start3A_126 = arith.constant 0 : i32
        %dma_start3A_127 = tpu.memref_slice %arg5[%mul3A_0, %dma_start3A_126] : memref<10112x128xf32, #tpu.memory_space<hbm>> -> memref<632x128xf32, #tpu.memory_space<hbm>>
        tpu.enqueue_dma source(%dma_start3A_127 : memref<632x128xf32, #tpu.memory_space<hbm>>) target(%dma_start3A_125 : memref<632x128xf32, #tpu.memory_space<vmem_shared>>) target_semaphore(%run_scoped3A : memref<!tpu.dma_semaphore, #tpu.memory_space<semaphore_mem>>)
        %dma_wait3A_128 = arith.constant 0 : i32
        %dma_wait3A_129 = tpu.memref_slice %arg12[%mul3A_0, %dma_wait3A_128] : memref<10112x128xf32, #tpu.memory_space<vmem_shared>> -> memref<632x128xf32, #tpu.memory_space<vmem_shared>>
        %dma_wait3A_130 = arith.constant 0 : i32
        %dma_wait3A_131 = tpu.memref_slice %arg5[%mul3A_0, %dma_wait3A_130] : memref<10112x128xf32, #tpu.memory_space<hbm>> -> memref<632x128xf32, #tpu.memory_space<hbm>>
        tpu.wait_dma2 semaphore(%run_scoped3A : memref<!tpu.dma_semaphore, #tpu.memory_space<semaphore_mem>>) src(%dma_wait3A_131 : memref<632x128xf32, #tpu.memory_space<hbm>>) dst(%dma_wait3A_129 : memref<632x128xf32, #tpu.memory_space<vmem_shared>>)
        tpu.yield
      }) : () -> ()
    } else {
    }
    %barrier3A = arith.constant 0 : index
    tpu.barrier barrier_id(%barrier3A)
    %dma_start3A = arith.constant 0 : i32
    %dma_start3A_21 = arith.constant 0 : i32
    %dma_start3A_22 = tpu.memref_slice %arg7[%dma_start3A, %dma_start3A_21] : memref<24x112xi32, #tpu.memory_space<vmem>> -> memref<12x112xi32, #tpu.memory_space<vmem>>
    %dma_start3A_23 = arith.constant 0 : i32
    %dma_start3A_24 = arith.constant 0 : i32
    %dma_start3A_25 = tpu.memref_slice %arg3[%mul3A_4, %dma_start3A_23, %dma_start3A_24] : memref<256x12x112xi32, #tpu.memory_space<hbm>> -> memref<1x12x112xi32, #tpu.memory_space<hbm>>
    %dma_start3A_26 = tpu.memref_squeeze %dma_start3A_25 : memref<1x12x112xi32, #tpu.memory_space<hbm>> -> memref<12x112xi32, #tpu.memory_space<hbm>>
    %dma_start3A_27 = arith.constant 0 : i32
    %dma_start3A_28 = arith.constant 0 : i32
    %dma_start3A_29 = tpu.memref_slice %arg7[%dma_start3A_27, %dma_start3A_28] : memref<24x112xi32, #tpu.memory_space<vmem>> -> memref<12x112xi32, #tpu.memory_space<vmem>>
    %dma_start3A_30 = arith.constant 0 : i32
    %dma_start3A_31 = arith.constant 0 : i32
    %dma_start3A_32 = tpu.memref_slice %arg3[%mul3A_4, %dma_start3A_30, %dma_start3A_31] : memref<256x12x112xi32, #tpu.memory_space<hbm>> -> memref<1x12x112xi32, #tpu.memory_space<hbm>>
    %dma_start3A_33 = tpu.memref_squeeze %dma_start3A_32 : memref<1x12x112xi32, #tpu.memory_space<hbm>> -> memref<12x112xi32, #tpu.memory_space<hbm>>
    tpu.enqueue_dma source(%dma_start3A_33 : memref<12x112xi32, #tpu.memory_space<hbm>>) target(%dma_start3A_29 : memref<12x112xi32, #tpu.memory_space<vmem>>) target_semaphore(%arg13 : memref<!tpu.dma_semaphore, #tpu.memory_space<semaphore_mem>>)
    %dma_start3A_34 = arith.constant 12 : i32
    %dma_start3A_35 = arith.constant 0 : i32
    %dma_start3A_36 = tpu.memref_slice %arg7[%dma_start3A_34, %dma_start3A_35] : memref<24x112xi32, #tpu.memory_space<vmem>> -> memref<12x112xi32, #tpu.memory_space<vmem>>
    %dma_start3A_37 = arith.constant 0 : i32
    %dma_start3A_38 = arith.constant 0 : i32
    %dma_start3A_39 = tpu.memref_slice %arg4[%mul3A_4, %dma_start3A_37, %dma_start3A_38] : memref<256x12x112xi32, #tpu.memory_space<hbm>> -> memref<1x12x112xi32, #tpu.memory_space<hbm>>
    %dma_start3A_40 = tpu.memref_squeeze %dma_start3A_39 : memref<1x12x112xi32, #tpu.memory_space<hbm>> -> memref<12x112xi32, #tpu.memory_space<hbm>>
    %dma_start3A_41 = arith.constant 12 : i32
    %dma_start3A_42 = arith.constant 0 : i32
    %dma_start3A_43 = tpu.memref_slice %arg7[%dma_start3A_41, %dma_start3A_42] : memref<24x112xi32, #tpu.memory_space<vmem>> -> memref<12x112xi32, #tpu.memory_space<vmem>>
    %dma_start3A_44 = arith.constant 0 : i32
    %dma_start3A_45 = arith.constant 0 : i32
    %dma_start3A_46 = tpu.memref_slice %arg4[%mul3A_4, %dma_start3A_44, %dma_start3A_45] : memref<256x12x112xi32, #tpu.memory_space<hbm>> -> memref<1x12x112xi32, #tpu.memory_space<hbm>>
    %dma_start3A_47 = tpu.memref_squeeze %dma_start3A_46 : memref<1x12x112xi32, #tpu.memory_space<hbm>> -> memref<12x112xi32, #tpu.memory_space<hbm>>
    tpu.enqueue_dma source(%dma_start3A_47 : memref<12x112xi32, #tpu.memory_space<hbm>>) target(%dma_start3A_43 : memref<12x112xi32, #tpu.memory_space<vmem>>) target_semaphore(%arg13 : memref<!tpu.dma_semaphore, #tpu.memory_space<semaphore_mem>>)
    %dma_wait3A = arith.constant 0 : i32
    %dma_wait3A_48 = arith.constant 0 : i32
    %dma_wait3A_49 = tpu.memref_slice %arg7[%dma_wait3A, %dma_wait3A_48] : memref<24x112xi32, #tpu.memory_space<vmem>> -> memref<12x112xi32, #tpu.memory_space<vmem>>
    %dma_wait3A_50 = arith.constant 0 : i32
    %dma_wait3A_51 = arith.constant 0 : i32
    %dma_wait3A_52 = tpu.memref_slice %arg3[%mul3A_4, %dma_wait3A_50, %dma_wait3A_51] : memref<256x12x112xi32, #tpu.memory_space<hbm>> -> memref<1x12x112xi32, #tpu.memory_space<hbm>>
    %dma_wait3A_53 = tpu.memref_squeeze %dma_wait3A_52 : memref<1x12x112xi32, #tpu.memory_space<hbm>> -> memref<12x112xi32, #tpu.memory_space<hbm>>
    %dma_wait3A_54 = arith.constant 0 : i32
    %dma_wait3A_55 = arith.constant 0 : i32
    %dma_wait3A_56 = tpu.memref_slice %arg7[%dma_wait3A_54, %dma_wait3A_55] : memref<24x112xi32, #tpu.memory_space<vmem>> -> memref<12x112xi32, #tpu.memory_space<vmem>>
    %dma_wait3A_57 = arith.constant 0 : i32
    %dma_wait3A_58 = arith.constant 0 : i32
    %dma_wait3A_59 = tpu.memref_slice %arg3[%mul3A_4, %dma_wait3A_57, %dma_wait3A_58] : memref<256x12x112xi32, #tpu.memory_space<hbm>> -> memref<1x12x112xi32, #tpu.memory_space<hbm>>
    %dma_wait3A_60 = tpu.memref_squeeze %dma_wait3A_59 : memref<1x12x112xi32, #tpu.memory_space<hbm>> -> memref<12x112xi32, #tpu.memory_space<hbm>>
    tpu.wait_dma2 semaphore(%arg13 : memref<!tpu.dma_semaphore, #tpu.memory_space<semaphore_mem>>) src(%dma_wait3A_60 : memref<12x112xi32, #tpu.memory_space<hbm>>) dst(%dma_wait3A_56 : memref<12x112xi32, #tpu.memory_space<vmem>>)
    %dma_wait3A_61 = arith.constant 12 : i32
    %dma_wait3A_62 = arith.constant 0 : i32
    %dma_wait3A_63 = tpu.memref_slice %arg7[%dma_wait3A_61, %dma_wait3A_62] : memref<24x112xi32, #tpu.memory_space<vmem>> -> memref<12x112xi32, #tpu.memory_space<vmem>>
    %dma_wait3A_64 = arith.constant 0 : i32
    %dma_wait3A_65 = arith.constant 0 : i32
    %dma_wait3A_66 = tpu.memref_slice %arg4[%mul3A_4, %dma_wait3A_64, %dma_wait3A_65] : memref<256x12x112xi32, #tpu.memory_space<hbm>> -> memref<1x12x112xi32, #tpu.memory_space<hbm>>
    %dma_wait3A_67 = tpu.memref_squeeze %dma_wait3A_66 : memref<1x12x112xi32, #tpu.memory_space<hbm>> -> memref<12x112xi32, #tpu.memory_space<hbm>>
    %dma_wait3A_68 = arith.constant 12 : i32
    %dma_wait3A_69 = arith.constant 0 : i32
    %dma_wait3A_70 = tpu.memref_slice %arg7[%dma_wait3A_68, %dma_wait3A_69] : memref<24x112xi32, #tpu.memory_space<vmem>> -> memref<12x112xi32, #tpu.memory_space<vmem>>
    %dma_wait3A_71 = arith.constant 0 : i32
    %dma_wait3A_72 = arith.constant 0 : i32
    %dma_wait3A_73 = tpu.memref_slice %arg4[%mul3A_4, %dma_wait3A_71, %dma_wait3A_72] : memref<256x12x112xi32, #tpu.memory_space<hbm>> -> memref<1x12x112xi32, #tpu.memory_space<hbm>>
    %dma_wait3A_74 = tpu.memref_squeeze %dma_wait3A_73 : memref<1x12x112xi32, #tpu.memory_space<hbm>> -> memref<12x112xi32, #tpu.memory_space<hbm>>
    tpu.wait_dma2 semaphore(%arg13 : memref<!tpu.dma_semaphore, #tpu.memory_space<semaphore_mem>>) src(%dma_wait3A_74 : memref<12x112xi32, #tpu.memory_space<hbm>>) dst(%dma_wait3A_70 : memref<12x112xi32, #tpu.memory_space<vmem>>)
    %add3A_75 = arith.constant 1 : i32
    %add3A_76 = arith.addi %mul3A_4, %add3A_75 : i32
    %dma_start3A_77 = arith.constant 0 : i32
    %dma_start3A_78 = arith.constant 0 : i32
    %dma_start3A_79 = tpu.memref_slice %arg8[%dma_start3A_77, %dma_start3A_78] : memref<24x112xi32, #tpu.memory_space<vmem>> -> memref<12x112xi32, #tpu.memory_space<vmem>>
    %dma_start3A_80 = arith.constant 0 : i32
    %dma_start3A_81 = arith.constant 0 : i32
    %dma_start3A_82 = tpu.memref_slice %arg3[%add3A_76, %dma_start3A_80, %dma_start3A_81] : memref<256x12x112xi32, #tpu.memory_space<hbm>> -> memref<1x12x112xi32, #tpu.memory_space<hbm>>
    %dma_start3A_83 = tpu.memref_squeeze %dma_start3A_82 : memref<1x12x112xi32, #tpu.memory_space<hbm>> -> memref<12x112xi32, #tpu.memory_space<hbm>>
    %dma_start3A_84 = arith.constant 0 : i32
    %dma_start3A_85 = arith.constant 0 : i32
    %dma_start3A_86 = tpu.memref_slice %arg8[%dma_start3A_84, %dma_start3A_85] : memref<24x112xi32, #tpu.memory_space<vmem>> -> memref<12x112xi32, #tpu.memory_space<vmem>>
    %dma_start3A_87 = arith.constant 0 : i32
    %dma_start3A_88 = arith.constant 0 : i32
    %dma_start3A_89 = tpu.memref_slice %arg3[%add3A_76, %dma_start3A_87, %dma_start3A_88] : memref<256x12x112xi32, #tpu.memory_space<hbm>> -> memref<1x12x112xi32, #tpu.memory_space<hbm>>
    %dma_start3A_90 = tpu.memref_squeeze %dma_start3A_89 : memref<1x12x112xi32, #tpu.memory_space<hbm>> -> memref<12x112xi32, #tpu.memory_space<hbm>>
    tpu.enqueue_dma source(%dma_start3A_90 : memref<12x112xi32, #tpu.memory_space<hbm>>) target(%dma_start3A_86 : memref<12x112xi32, #tpu.memory_space<vmem>>) target_semaphore(%arg14 : memref<!tpu.dma_semaphore, #tpu.memory_space<semaphore_mem>>)
    %dma_start3A_91 = arith.constant 12 : i32
    %dma_start3A_92 = arith.constant 0 : i32
    %dma_start3A_93 = tpu.memref_slice %arg8[%dma_start3A_91, %dma_start3A_92] : memref<24x112xi32, #tpu.memory_space<vmem>> -> memref<12x112xi32, #tpu.memory_space<vmem>>
    %dma_start3A_94 = arith.constant 0 : i32
    %dma_start3A_95 = arith.constant 0 : i32
    %dma_start3A_96 = tpu.memref_slice %arg4[%add3A_76, %dma_start3A_94, %dma_start3A_95] : memref<256x12x112xi32, #tpu.memory_space<hbm>> -> memref<1x12x112xi32, #tpu.memory_space<hbm>>
    %dma_start3A_97 = tpu.memref_squeeze %dma_start3A_96 : memref<1x12x112xi32, #tpu.memory_space<hbm>> -> memref<12x112xi32, #tpu.memory_space<hbm>>
    %dma_start3A_98 = arith.constant 12 : i32
    %dma_start3A_99 = arith.constant 0 : i32
    %dma_start3A_100 = tpu.memref_slice %arg8[%dma_start3A_98, %dma_start3A_99] : memref<24x112xi32, #tpu.memory_space<vmem>> -> memref<12x112xi32, #tpu.memory_space<vmem>>
    %dma_start3A_101 = arith.constant 0 : i32
    %dma_start3A_102 = arith.constant 0 : i32
    %dma_start3A_103 = tpu.memref_slice %arg4[%add3A_76, %dma_start3A_101, %dma_start3A_102] : memref<256x12x112xi32, #tpu.memory_space<hbm>> -> memref<1x12x112xi32, #tpu.memory_space<hbm>>
    %dma_start3A_104 = tpu.memref_squeeze %dma_start3A_103 : memref<1x12x112xi32, #tpu.memory_space<hbm>> -> memref<12x112xi32, #tpu.memory_space<hbm>>
    tpu.enqueue_dma source(%dma_start3A_104 : memref<12x112xi32, #tpu.memory_space<hbm>>) target(%dma_start3A_100 : memref<12x112xi32, #tpu.memory_space<vmem>>) target_semaphore(%arg14 : memref<!tpu.dma_semaphore, #tpu.memory_space<semaphore_mem>>)
    %dma_start3A_105 = arith.constant 0 : i32
    %dma_start3A_106 = arith.constant 0 : i32
    %dma_start3A_107 = tpu.memref_slice %arg7[%dma_start3A_105, %dma_start3A_106] : memref<24x112xi32, #tpu.memory_space<vmem>> -> memref<1x112xi32, #tpu.memory_space<vmem>>
    %dma_start3A_108 = tpu.memref_squeeze %dma_start3A_107 : memref<1x112xi32, #tpu.memory_space<vmem>> -> memref<112xi32, #tpu.memory_space<vmem>>
    %dma_start3A_109 = arith.constant 0 : i32
    %dma_start3A_110 = arith.constant 0 : i32
    %dma_start3A_111 = tpu.memref_slice %arg2[%dma_start3A_109, %dma_start3A_110] : memref<10000x128xf32, #tpu.memory_space<hbm>> -> memref<10000x128xf32, #tpu.memory_space<hbm>>
    tpu.enqueue_indirect_dma source(%dma_start3A_111 : memref<10000x128xf32, #tpu.memory_space<hbm>>) target(%arg9 : memref<112x128xf32, #tpu.memory_space<vmem>>) offsets(%dma_start3A_108 : memref<112xi32, #tpu.memory_space<vmem>>) semaphore(%arg15 : memref<!tpu.dma_semaphore, #tpu.memory_space<semaphore_mem>>)
    %dma_start3A_112 = arith.constant 1 : i32
    %dma_start3A_113 = arith.constant 0 : i32
    %dma_start3A_114 = tpu.memref_slice %arg7[%dma_start3A_112, %dma_start3A_113] : memref<24x112xi32, #tpu.memory_space<vmem>> -> memref<1x112xi32, #tpu.memory_space<vmem>>
    %dma_start3A_115 = tpu.memref_squeeze %dma_start3A_114 : memref<1x112xi32, #tpu.memory_space<vmem>> -> memref<112xi32, #tpu.memory_space<vmem>>
    %dma_start3A_116 = arith.constant 0 : i32
    %dma_start3A_117 = arith.constant 0 : i32
    %dma_start3A_118 = tpu.memref_slice %arg2[%dma_start3A_116, %dma_start3A_117] : memref<10000x128xf32, #tpu.memory_space<hbm>> -> memref<10000x128xf32, #tpu.memory_space<hbm>>
    tpu.enqueue_indirect_dma source(%dma_start3A_118 : memref<10000x128xf32, #tpu.memory_space<hbm>>) target(%arg10 : memref<112x128xf32, #tpu.memory_space<vmem>>) offsets(%dma_start3A_115 : memref<112xi32, #tpu.memory_space<vmem>>) semaphore(%arg16 : memref<!tpu.dma_semaphore, #tpu.memory_space<semaphore_mem>>)
    %scan3A = arith.constant 0 : i32
    %scan3A_119 = arith.constant 4 : i32
    %scan3A_120 = arith.addi %scan3A, %scan3A_119 : i32
    %scan3A_121 = arith.constant 1 : i32
    scf.for %scan3A_124 = %scan3A to %scan3A_120 step %scan3A_121  : i32 {
      %mul3A_125 = arith.constant 2 : i32
      %mul3A_126 = arith.muli %scan3A_124, %mul3A_125 : i32
      %add3A_127 = arith.constant 0 : i32
      %add3A_128 = arith.addi %add3A_127, %mul3A_126 : i32
      %add3A_129 = arith.addi %mul3A_4, %add3A_128 : i32
      %add3A_130 = arith.constant 1 : i32
      %add3A_131 = arith.addi %add3A_129, %add3A_130 : i32
      %dma_wait3A_132 = arith.constant 0 : i32
      %dma_wait3A_133 = arith.constant 0 : i32
      %dma_wait3A_134 = tpu.memref_slice %arg8[%dma_wait3A_132, %dma_wait3A_133] : memref<24x112xi32, #tpu.memory_space<vmem>> -> memref<12x112xi32, #tpu.memory_space<vmem>>
      %dma_wait3A_135 = arith.constant 0 : i32
      %dma_wait3A_136 = arith.constant 0 : i32
      %dma_wait3A_137 = tpu.memref_slice %arg3[%add3A_131, %dma_wait3A_135, %dma_wait3A_136] : memref<256x12x112xi32, #tpu.memory_space<hbm>> -> memref<1x12x112xi32, #tpu.memory_space<hbm>>
      %dma_wait3A_138 = tpu.memref_squeeze %dma_wait3A_137 : memref<1x12x112xi32, #tpu.memory_space<hbm>> -> memref<12x112xi32, #tpu.memory_space<hbm>>
      %dma_wait3A_139 = arith.constant 0 : i32
      %dma_wait3A_140 = arith.constant 0 : i32
      %dma_wait3A_141 = tpu.memref_slice %arg8[%dma_wait3A_139, %dma_wait3A_140] : memref<24x112xi32, #tpu.memory_space<vmem>> -> memref<12x112xi32, #tpu.memory_space<vmem>>
      %dma_wait3A_142 = arith.constant 0 : i32
      %dma_wait3A_143 = arith.constant 0 : i32
      %dma_wait3A_144 = tpu.memref_slice %arg3[%add3A_131, %dma_wait3A_142, %dma_wait3A_143] : memref<256x12x112xi32, #tpu.memory_space<hbm>> -> memref<1x12x112xi32, #tpu.memory_space<hbm>>
      %dma_wait3A_145 = tpu.memref_squeeze %dma_wait3A_144 : memref<1x12x112xi32, #tpu.memory_space<hbm>> -> memref<12x112xi32, #tpu.memory_space<hbm>>
      tpu.wait_dma2 semaphore(%arg14 : memref<!tpu.dma_semaphore, #tpu.memory_space<semaphore_mem>>) src(%dma_wait3A_145 : memref<12x112xi32, #tpu.memory_space<hbm>>) dst(%dma_wait3A_141 : memref<12x112xi32, #tpu.memory_space<vmem>>)
      %dma_wait3A_146 = arith.constant 12 : i32
      %dma_wait3A_147 = arith.constant 0 : i32
      %dma_wait3A_148 = tpu.memref_slice %arg8[%dma_wait3A_146, %dma_wait3A_147] : memref<24x112xi32, #tpu.memory_space<vmem>> -> memref<12x112xi32, #tpu.memory_space<vmem>>
      %dma_wait3A_149 = arith.constant 0 : i32
      %dma_wait3A_150 = arith.constant 0 : i32
      %dma_wait3A_151 = tpu.memref_slice %arg4[%add3A_131, %dma_wait3A_149, %dma_wait3A_150] : memref<256x12x112xi32, #tpu.memory_space<hbm>> -> memref<1x12x112xi32, #tpu.memory_space<hbm>>
      %dma_wait3A_152 = tpu.memref_squeeze %dma_wait3A_151 : memref<1x12x112xi32, #tpu.memory_space<hbm>> -> memref<12x112xi32, #tpu.memory_space<hbm>>
      %dma_wait3A_153 = arith.constant 12 : i32
      %dma_wait3A_154 = arith.constant 0 : i32
      %dma_wait3A_155 = tpu.memref_slice %arg8[%dma_wait3A_153, %dma_wait3A_154] : memref<24x112xi32, #tpu.memory_space<vmem>> -> memref<12x112xi32, #tpu.memory_space<vmem>>
      %dma_wait3A_156 = arith.constant 0 : i32
      %dma_wait3A_157 = arith.constant 0 : i32
      %dma_wait3A_158 = tpu.memref_slice %arg4[%add3A_131, %dma_wait3A_156, %dma_wait3A_157] : memref<256x12x112xi32, #tpu.memory_space<hbm>> -> memref<1x12x112xi32, #tpu.memory_space<hbm>>
      %dma_wait3A_159 = tpu.memref_squeeze %dma_wait3A_158 : memref<1x12x112xi32, #tpu.memory_space<hbm>> -> memref<12x112xi32, #tpu.memory_space<hbm>>
      tpu.wait_dma2 semaphore(%arg14 : memref<!tpu.dma_semaphore, #tpu.memory_space<semaphore_mem>>) src(%dma_wait3A_159 : memref<12x112xi32, #tpu.memory_space<hbm>>) dst(%dma_wait3A_155 : memref<12x112xi32, #tpu.memory_space<vmem>>)
      %scan3A_160 = arith.constant 0 : i32
      %scan3A_161 = arith.constant 4 : i32
      %scan3A_162 = arith.addi %scan3A_160, %scan3A_161 : i32
      %scan3A_163 = arith.constant 1 : i32
      scf.for %scan3A_188 = %scan3A_160 to %scan3A_162 step %scan3A_163  : i32 {
        %mul3A_189 = arith.constant 3 : i32
        %mul3A_190 = arith.muli %scan3A_188, %mul3A_189 : i32
        %add3A_191 = arith.constant 0 : i32
        %add3A_192 = arith.addi %add3A_191, %mul3A_190 : i32
        %dma_wait3A_193 = arith.constant 0 : i32
        %dma_wait3A_194 = tpu.memref_slice %arg7[%add3A_192, %dma_wait3A_193] : memref<24x112xi32, #tpu.memory_space<vmem>> -> memref<1x112xi32, #tpu.memory_space<vmem>>
        %dma_wait3A_195 = tpu.memref_squeeze %dma_wait3A_194 : memref<1x112xi32, #tpu.memory_space<vmem>> -> memref<112xi32, #tpu.memory_space<vmem>>
        %dma_wait3A_196 = arith.constant 0 : i32
        %dma_wait3A_197 = arith.constant 0 : i32
        %dma_wait3A_198 = tpu.memref_slice %arg2[%dma_wait3A_196, %dma_wait3A_197] : memref<10000x128xf32, #tpu.memory_space<hbm>> -> memref<10000x128xf32, #tpu.memory_space<hbm>>
        tpu.wait_indirect_dma semaphore(%arg15 : memref<!tpu.dma_semaphore, #tpu.memory_space<semaphore_mem>>) src(%dma_wait3A_198 : memref<10000x128xf32, #tpu.memory_space<hbm>>) dst(%arg9 : memref<112x128xf32, #tpu.memory_space<vmem>>)
        %add3A_199 = arith.constant 2 : i32
        %add3A_200 = arith.addi %add3A_192, %add3A_199 : i32
        %dma_start3A_201 = arith.constant 0 : i32
        %dma_start3A_202 = tpu.memref_slice %arg7[%add3A_200, %dma_start3A_201] : memref<24x112xi32, #tpu.memory_space<vmem>> -> memref<1x112xi32, #tpu.memory_space<vmem>>
        %dma_start3A_203 = tpu.memref_squeeze %dma_start3A_202 : memref<1x112xi32, #tpu.memory_space<vmem>> -> memref<112xi32, #tpu.memory_space<vmem>>
        %dma_start3A_204 = arith.constant 0 : i32
        %dma_start3A_205 = arith.constant 0 : i32
        %dma_start3A_206 = tpu.memref_slice %arg2[%dma_start3A_204, %dma_start3A_205] : memref<10000x128xf32, #tpu.memory_space<hbm>> -> memref<10000x128xf32, #tpu.memory_space<hbm>>
        tpu.enqueue_indirect_dma source(%dma_start3A_206 : memref<10000x128xf32, #tpu.memory_space<hbm>>) target(%arg11 : memref<112x128xf32, #tpu.memory_space<vmem>>) offsets(%dma_start3A_203 : memref<112xi32, #tpu.memory_space<vmem>>) semaphore(%arg17 : memref<!tpu.dma_semaphore, #tpu.memory_space<semaphore_mem>>)
        %add3A_207 = arith.constant 12 : i32
        %add3A_208 = arith.addi %add3A_207, %add3A_192 : i32
        "tpu.region"() ({
          %run_scoped3A = tpu.sem_alloc : memref<!tpu.dma_semaphore, #tpu.memory_space<semaphore_mem>>
          %dma_start3A_264 = arith.constant 0 : i32
          %dma_start3A_265 = tpu.memref_slice %arg7[%add3A_208, %dma_start3A_264] : memref<24x112xi32, #tpu.memory_space<vmem>> -> memref<1x112xi32, #tpu.memory_space<vmem>>
          %dma_start3A_266 = tpu.memref_squeeze %dma_start3A_265 : memref<1x112xi32, #tpu.memory_space<vmem>> -> memref<112xi32, #tpu.memory_space<vmem>>
          %dma_start3A_267 = arith.constant 0 : i32
          %dma_start3A_268 = arith.constant 0 : i32
          %dma_start3A_269 = tpu.memref_slice %arg12[%dma_start3A_267, %dma_start3A_268] : memref<10112x128xf32, #tpu.memory_space<vmem_shared>> -> memref<10112x128xf32, #tpu.memory_space<vmem_shared>>
          tpu.enqueue_indirect_dma source(%arg9 : memref<112x128xf32, #tpu.memory_space<vmem>>) target(%dma_start3A_269 : memref<10112x128xf32, #tpu.memory_space<vmem_shared>>) offsets(%dma_start3A_266 : memref<112xi32, #tpu.memory_space<vmem>>) semaphore(%run_scoped3A : memref<!tpu.dma_semaphore, #tpu.memory_space<semaphore_mem>>) {add = true}
          %dma_wait3A_270 = arith.constant 0 : i32
          %dma_wait3A_271 = tpu.memref_slice %arg7[%add3A_208, %dma_wait3A_270] : memref<24x112xi32, #tpu.memory_space<vmem>> -> memref<1x112xi32, #tpu.memory_space<vmem>>
          %dma_wait3A_272 = tpu.memref_squeeze %dma_wait3A_271 : memref<1x112xi32, #tpu.memory_space<vmem>> -> memref<112xi32, #tpu.memory_space<vmem>>
          %dma_wait3A_273 = arith.constant 0 : i32
          %dma_wait3A_274 = arith.constant 0 : i32
          %dma_wait3A_275 = tpu.memref_slice %arg12[%dma_wait3A_273, %dma_wait3A_274] : memref<10112x128xf32, #tpu.memory_space<vmem_shared>> -> memref<10112x128xf32, #tpu.memory_space<vmem_shared>>
          tpu.wait_indirect_dma semaphore(%run_scoped3A : memref<!tpu.dma_semaphore, #tpu.memory_space<semaphore_mem>>) src(%arg9 : memref<112x128xf32, #tpu.memory_space<vmem>>) dst(%dma_wait3A_275 : memref<10112x128xf32, #tpu.memory_space<vmem_shared>>)
          tpu.yield
        }) : () -> ()
        %add3A_209 = arith.constant 1 : i32
        %add3A_210 = arith.addi %add3A_192, %add3A_209 : i32
        %dma_wait3A_211 = arith.constant 0 : i32
        %dma_wait3A_212 = tpu.memref_slice %arg7[%add3A_210, %dma_wait3A_211] : memref<24x112xi32, #tpu.memory_space<vmem>> -> memref<1x112xi32, #tpu.memory_space<vmem>>
        %dma_wait3A_213 = tpu.memref_squeeze %dma_wait3A_212 : memref<1x112xi32, #tpu.memory_space<vmem>> -> memref<112xi32, #tpu.memory_space<vmem>>
        %dma_wait3A_214 = arith.constant 0 : i32
        %dma_wait3A_215 = arith.constant 0 : i32
        %dma_wait3A_216 = tpu.memref_slice %arg2[%dma_wait3A_214, %dma_wait3A_215] : memref<10000x128xf32, #tpu.memory_space<hbm>> -> memref<10000x128xf32, #tpu.memory_space<hbm>>
        tpu.wait_indirect_dma semaphore(%arg16 : memref<!tpu.dma_semaphore, #tpu.memory_space<semaphore_mem>>) src(%dma_wait3A_216 : memref<10000x128xf32, #tpu.memory_space<hbm>>) dst(%arg10 : memref<112x128xf32, #tpu.memory_space<vmem>>)
        %add3A_217 = arith.constant 3 : i32
        %add3A_218 = arith.addi %add3A_192, %add3A_217 : i32
        %lt3A_219 = arith.constant 12 : i32
        %lt3A_220 = arith.cmpi slt, %add3A_218, %lt3A_219 : i32
        %convert_element_type3A_221 = arith.extui %lt3A_220 : i1 to i32
        %cond3A_222 = arith.constant 0 : i32
        %cond3A_223 = arith.cmpi ne, %convert_element_type3A_221, %cond3A_222 : i32
        scf.if %cond3A_223 {
          %add3A_264 = arith.constant 3 : i32
          %add3A_265 = arith.addi %add3A_192, %add3A_264 : i32
          %dma_start3A_266 = arith.constant 0 : i32
          %dma_start3A_267 = tpu.memref_slice %arg7[%add3A_265, %dma_start3A_266] : memref<24x112xi32, #tpu.memory_space<vmem>> -> memref<1x112xi32, #tpu.memory_space<vmem>>
          %dma_start3A_268 = tpu.memref_squeeze %dma_start3A_267 : memref<1x112xi32, #tpu.memory_space<vmem>> -> memref<112xi32, #tpu.memory_space<vmem>>
          %dma_start3A_269 = arith.constant 0 : i32
          %dma_start3A_270 = arith.constant 0 : i32
          %dma_start3A_271 = tpu.memref_slice %arg2[%dma_start3A_269, %dma_start3A_270] : memref<10000x128xf32, #tpu.memory_space<hbm>> -> memref<10000x128xf32, #tpu.memory_space<hbm>>
          tpu.enqueue_indirect_dma source(%dma_start3A_271 : memref<10000x128xf32, #tpu.memory_space<hbm>>) target(%arg9 : memref<112x128xf32, #tpu.memory_space<vmem>>) offsets(%dma_start3A_268 : memref<112xi32, #tpu.memory_space<vmem>>) semaphore(%arg15 : memref<!tpu.dma_semaphore, #tpu.memory_space<semaphore_mem>>)
        } else {
        }
        %add3A_224 = arith.constant 3 : i32
        %add3A_225 = arith.addi %add3A_192, %add3A_224 : i32
        %ge3A = arith.constant 12 : i32
        %ge3A_226 = arith.cmpi sge, %add3A_225, %ge3A : i32
        %and3A_227 = arith.constant true
        %and3A_228 = arith.andi %ge3A_226, %and3A_227 : i1
        %convert_element_type3A_229 = arith.extui %and3A_228 : i1 to i32
        %cond3A_230 = arith.constant 0 : i32
        %cond3A_231 = arith.cmpi ne, %convert_element_type3A_229, %cond3A_230 : i32
        scf.if %cond3A_231 {
          %dma_start3A_264 = arith.constant 0 : i32
          %dma_start3A_265 = arith.constant 0 : i32
          %dma_start3A_266 = tpu.memref_slice %arg8[%dma_start3A_264, %dma_start3A_265] : memref<24x112xi32, #tpu.memory_space<vmem>> -> memref<1x112xi32, #tpu.memory_space<vmem>>
          %dma_start3A_267 = tpu.memref_squeeze %dma_start3A_266 : memref<1x112xi32, #tpu.memory_space<vmem>> -> memref<112xi32, #tpu.memory_space<vmem>>
          %dma_start3A_268 = arith.constant 0 : i32
          %dma_start3A_269 = arith.constant 0 : i32
          %dma_start3A_270 = tpu.memref_slice %arg2[%dma_start3A_268, %dma_start3A_269] : memref<10000x128xf32, #tpu.memory_space<hbm>> -> memref<10000x128xf32, #tpu.memory_space<hbm>>
          tpu.enqueue_indirect_dma source(%dma_start3A_270 : memref<10000x128xf32, #tpu.memory_space<hbm>>) target(%arg9 : memref<112x128xf32, #tpu.memory_space<vmem>>) offsets(%dma_start3A_267 : memref<112xi32, #tpu.memory_space<vmem>>) semaphore(%arg15 : memref<!tpu.dma_semaphore, #tpu.memory_space<semaphore_mem>>)
        } else {
        }
        %add3A_232 = arith.constant 12 : i32
        %add3A_233 = arith.addi %add3A_232, %add3A_192 : i32
        %add3A_234 = arith.constant 1 : i32
        %add3A_235 = arith.addi %add3A_233, %add3A_234 : i32
        "tpu.region"() ({
          %run_scoped3A = tpu.sem_alloc : memref<!tpu.dma_semaphore, #tpu.memory_space<semaphore_mem>>
          %dma_start3A_264 = arith.constant 0 : i32
          %dma_start3A_265 = tpu.memref_slice %arg7[%add3A_235, %dma_start3A_264] : memref<24x112xi32, #tpu.memory_space<vmem>> -> memref<1x112xi32, #tpu.memory_space<vmem>>
          %dma_start3A_266 = tpu.memref_squeeze %dma_start3A_265 : memref<1x112xi32, #tpu.memory_space<vmem>> -> memref<112xi32, #tpu.memory_space<vmem>>
          %dma_start3A_267 = arith.constant 0 : i32
          %dma_start3A_268 = arith.constant 0 : i32
          %dma_start3A_269 = tpu.memref_slice %arg12[%dma_start3A_267, %dma_start3A_268] : memref<10112x128xf32, #tpu.memory_space<vmem_shared>> -> memref<10112x128xf32, #tpu.memory_space<vmem_shared>>
          tpu.enqueue_indirect_dma source(%arg10 : memref<112x128xf32, #tpu.memory_space<vmem>>) target(%dma_start3A_269 : memref<10112x128xf32, #tpu.memory_space<vmem_shared>>) offsets(%dma_start3A_266 : memref<112xi32, #tpu.memory_space<vmem>>) semaphore(%run_scoped3A : memref<!tpu.dma_semaphore, #tpu.memory_space<semaphore_mem>>) {add = true}
          %dma_wait3A_270 = arith.constant 0 : i32
          %dma_wait3A_271 = tpu.memref_slice %arg7[%add3A_235, %dma_wait3A_270] : memref<24x112xi32, #tpu.memory_space<vmem>> -> memref<1x112xi32, #tpu.memory_space<vmem>>
          %dma_wait3A_272 = tpu.memref_squeeze %dma_wait3A_271 : memref<1x112xi32, #tpu.memory_space<vmem>> -> memref<112xi32, #tpu.memory_space<vmem>>
          %dma_wait3A_273 = arith.constant 0 : i32
          %dma_wait3A_274 = arith.constant 0 : i32
          %dma_wait3A_275 = tpu.memref_slice %arg12[%dma_wait3A_273, %dma_wait3A_274] : memref<10112x128xf32, #tpu.memory_space<vmem_shared>> -> memref<10112x128xf32, #tpu.memory_space<vmem_shared>>
          tpu.wait_indirect_dma semaphore(%run_scoped3A : memref<!tpu.dma_semaphore, #tpu.memory_space<semaphore_mem>>) src(%arg10 : memref<112x128xf32, #tpu.memory_space<vmem>>) dst(%dma_wait3A_275 : memref<10112x128xf32, #tpu.memory_space<vmem_shared>>)
          tpu.yield
        }) : () -> ()
        %add3A_236 = arith.constant 2 : i32
        %add3A_237 = arith.addi %add3A_192, %add3A_236 : i32
        %dma_wait3A_238 = arith.constant 0 : i32
        %dma_wait3A_239 = tpu.memref_slice %arg7[%add3A_237, %dma_wait3A_238] : memref<24x112xi32, #tpu.memory_space<vmem>> -> memref<1x112xi32, #tpu.memory_space<vmem>>
        %dma_wait3A_240 = tpu.memref_squeeze %dma_wait3A_239 : memref<1x112xi32, #tpu.memory_space<vmem>> -> memref<112xi32, #tpu.memory_space<vmem>>
        %dma_wait3A_241 = arith.constant 0 : i32
        %dma_wait3A_242 = arith.constant 0 : i32
        %dma_wait3A_243 = tpu.memref_slice %arg2[%dma_wait3A_241, %dma_wait3A_242] : memref<10000x128xf32, #tpu.memory_space<hbm>> -> memref<10000x128xf32, #tpu.memory_space<hbm>>
        tpu.wait_indirect_dma semaphore(%arg17 : memref<!tpu.dma_semaphore, #tpu.memory_space<semaphore_mem>>) src(%dma_wait3A_243 : memref<10000x128xf32, #tpu.memory_space<hbm>>) dst(%arg11 : memref<112x128xf32, #tpu.memory_space<vmem>>)
        %add3A_244 = arith.constant 4 : i32
        %add3A_245 = arith.addi %add3A_192, %add3A_244 : i32
        %lt3A_246 = arith.constant 12 : i32
        %lt3A_247 = arith.cmpi slt, %add3A_245, %lt3A_246 : i32
        %convert_element_type3A_248 = arith.extui %lt3A_247 : i1 to i32
        %cond3A_249 = arith.constant 0 : i32
        %cond3A_250 = arith.cmpi ne, %convert_element_type3A_248, %cond3A_249 : i32
        scf.if %cond3A_250 {
          %add3A_264 = arith.constant 4 : i32
          %add3A_265 = arith.addi %add3A_192, %add3A_264 : i32
          %dma_start3A_266 = arith.constant 0 : i32
          %dma_start3A_267 = tpu.memref_slice %arg7[%add3A_265, %dma_start3A_266] : memref<24x112xi32, #tpu.memory_space<vmem>> -> memref<1x112xi32, #tpu.memory_space<vmem>>
          %dma_start3A_268 = tpu.memref_squeeze %dma_start3A_267 : memref<1x112xi32, #tpu.memory_space<vmem>> -> memref<112xi32, #tpu.memory_space<vmem>>
          %dma_start3A_269 = arith.constant 0 : i32
          %dma_start3A_270 = arith.constant 0 : i32
          %dma_start3A_271 = tpu.memref_slice %arg2[%dma_start3A_269, %dma_start3A_270] : memref<10000x128xf32, #tpu.memory_space<hbm>> -> memref<10000x128xf32, #tpu.memory_space<hbm>>
          tpu.enqueue_indirect_dma source(%dma_start3A_271 : memref<10000x128xf32, #tpu.memory_space<hbm>>) target(%arg10 : memref<112x128xf32, #tpu.memory_space<vmem>>) offsets(%dma_start3A_268 : memref<112xi32, #tpu.memory_space<vmem>>) semaphore(%arg16 : memref<!tpu.dma_semaphore, #tpu.memory_space<semaphore_mem>>)
        } else {
        }
        %add3A_251 = arith.constant 4 : i32
        %add3A_252 = arith.addi %add3A_192, %add3A_251 : i32
        %ge3A_253 = arith.constant 13 : i32
        %ge3A_254 = arith.cmpi sge, %add3A_252, %ge3A_253 : i32
        %and3A_255 = arith.constant true
        %and3A_256 = arith.andi %ge3A_254, %and3A_255 : i1
        %convert_element_type3A_257 = arith.extui %and3A_256 : i1 to i32
        %cond3A_258 = arith.constant 0 : i32
        %cond3A_259 = arith.cmpi ne, %convert_element_type3A_257, %cond3A_258 : i32
        scf.if %cond3A_259 {
          %dma_start3A_264 = arith.constant 1 : i32
          %dma_start3A_265 = arith.constant 0 : i32
          %dma_start3A_266 = tpu.memref_slice %arg8[%dma_start3A_264, %dma_start3A_265] : memref<24x112xi32, #tpu.memory_space<vmem>> -> memref<1x112xi32, #tpu.memory_space<vmem>>
          %dma_start3A_267 = tpu.memref_squeeze %dma_start3A_266 : memref<1x112xi32, #tpu.memory_space<vmem>> -> memref<112xi32, #tpu.memory_space<vmem>>
          %dma_start3A_268 = arith.constant 0 : i32
          %dma_start3A_269 = arith.constant 0 : i32
          %dma_start3A_270 = tpu.memref_slice %arg2[%dma_start3A_268, %dma_start3A_269] : memref<10000x128xf32, #tpu.memory_space<hbm>> -> memref<10000x128xf32, #tpu.memory_space<hbm>>
          tpu.enqueue_indirect_dma source(%dma_start3A_270 : memref<10000x128xf32, #tpu.memory_space<hbm>>) target(%arg10 : memref<112x128xf32, #tpu.memory_space<vmem>>) offsets(%dma_start3A_267 : memref<112xi32, #tpu.memory_space<vmem>>) semaphore(%arg16 : memref<!tpu.dma_semaphore, #tpu.memory_space<semaphore_mem>>)
        } else {
        }
        %add3A_260 = arith.constant 12 : i32
        %add3A_261 = arith.addi %add3A_260, %add3A_192 : i32
        %add3A_262 = arith.constant 2 : i32
        %add3A_263 = arith.addi %add3A_261, %add3A_262 : i32
        "tpu.region"() ({
          %run_scoped3A = tpu.sem_alloc : memref<!tpu.dma_semaphore, #tpu.memory_space<semaphore_mem>>
          %dma_start3A_264 = arith.constant 0 : i32
          %dma_start3A_265 = tpu.memref_slice %arg7[%add3A_263, %dma_start3A_264] : memref<24x112xi32, #tpu.memory_space<vmem>> -> memref<1x112xi32, #tpu.memory_space<vmem>>
          %dma_start3A_266 = tpu.memref_squeeze %dma_start3A_265 : memref<1x112xi32, #tpu.memory_space<vmem>> -> memref<112xi32, #tpu.memory_space<vmem>>
          %dma_start3A_267 = arith.constant 0 : i32
          %dma_start3A_268 = arith.constant 0 : i32
          %dma_start3A_269 = tpu.memref_slice %arg12[%dma_start3A_267, %dma_start3A_268] : memref<10112x128xf32, #tpu.memory_space<vmem_shared>> -> memref<10112x128xf32, #tpu.memory_space<vmem_shared>>
          tpu.enqueue_indirect_dma source(%arg11 : memref<112x128xf32, #tpu.memory_space<vmem>>) target(%dma_start3A_269 : memref<10112x128xf32, #tpu.memory_space<vmem_shared>>) offsets(%dma_start3A_266 : memref<112xi32, #tpu.memory_space<vmem>>) semaphore(%run_scoped3A : memref<!tpu.dma_semaphore, #tpu.memory_space<semaphore_mem>>) {add = true}
          %dma_wait3A_270 = arith.constant 0 : i32
          %dma_wait3A_271 = tpu.memref_slice %arg7[%add3A_263, %dma_wait3A_270] : memref<24x112xi32, #tpu.memory_space<vmem>> -> memref<1x112xi32, #tpu.memory_space<vmem>>
          %dma_wait3A_272 = tpu.memref_squeeze %dma_wait3A_271 : memref<1x112xi32, #tpu.memory_space<vmem>> -> memref<112xi32, #tpu.memory_space<vmem>>
          %dma_wait3A_273 = arith.constant 0 : i32
          %dma_wait3A_274 = arith.constant 0 : i32
          %dma_wait3A_275 = tpu.memref_slice %arg12[%dma_wait3A_273, %dma_wait3A_274] : memref<10112x128xf32, #tpu.memory_space<vmem_shared>> -> memref<10112x128xf32, #tpu.memory_space<vmem_shared>>
          tpu.wait_indirect_dma semaphore(%run_scoped3A : memref<!tpu.dma_semaphore, #tpu.memory_space<semaphore_mem>>) src(%arg11 : memref<112x128xf32, #tpu.memory_space<vmem>>) dst(%dma_wait3A_275 : memref<10112x128xf32, #tpu.memory_space<vmem_shared>>)
          tpu.yield
        }) : () -> ()
      }
      %scan3A_164 = arith.constant 4 : i32
      %add3A_165 = arith.constant 2 : i32
      %add3A_166 = arith.addi %add3A_128, %add3A_165 : i32
      %lt3A_167 = arith.constant 8 : i32
      %lt3A_168 = arith.cmpi slt, %add3A_166, %lt3A_167 : i32
      %convert_element_type3A_169 = arith.extui %lt3A_168 : i1 to i32
      %cond3A_170 = arith.constant 0 : i32
      %cond3A_171 = arith.cmpi ne, %convert_element_type3A_169, %cond3A_170 : i32
      scf.if %cond3A_171 {
        %add3A_188 = arith.addi %mul3A_4, %add3A_128 : i32
        %add3A_189 = arith.constant 2 : i32
        %add3A_190 = arith.addi %add3A_188, %add3A_189 : i32
        %dma_start3A_191 = arith.constant 0 : i32
        %dma_start3A_192 = arith.constant 0 : i32
        %dma_start3A_193 = tpu.memref_slice %arg7[%dma_start3A_191, %dma_start3A_192] : memref<24x112xi32, #tpu.memory_space<vmem>> -> memref<12x112xi32, #tpu.memory_space<vmem>>
        %dma_start3A_194 = arith.constant 0 : i32
        %dma_start3A_195 = arith.constant 0 : i32
        %dma_start3A_196 = tpu.memref_slice %arg3[%add3A_190, %dma_start3A_194, %dma_start3A_195] : memref<256x12x112xi32, #tpu.memory_space<hbm>> -> memref<1x12x112xi32, #tpu.memory_space<hbm>>
        %dma_start3A_197 = tpu.memref_squeeze %dma_start3A_196 : memref<1x12x112xi32, #tpu.memory_space<hbm>> -> memref<12x112xi32, #tpu.memory_space<hbm>>
        %dma_start3A_198 = arith.constant 0 : i32
        %dma_start3A_199 = arith.constant 0 : i32
        %dma_start3A_200 = tpu.memref_slice %arg7[%dma_start3A_198, %dma_start3A_199] : memref<24x112xi32, #tpu.memory_space<vmem>> -> memref<12x112xi32, #tpu.memory_space<vmem>>
        %dma_start3A_201 = arith.constant 0 : i32
        %dma_start3A_202 = arith.constant 0 : i32
        %dma_start3A_203 = tpu.memref_slice %arg3[%add3A_190, %dma_start3A_201, %dma_start3A_202] : memref<256x12x112xi32, #tpu.memory_space<hbm>> -> memref<1x12x112xi32, #tpu.memory_space<hbm>>
        %dma_start3A_204 = tpu.memref_squeeze %dma_start3A_203 : memref<1x12x112xi32, #tpu.memory_space<hbm>> -> memref<12x112xi32, #tpu.memory_space<hbm>>
        tpu.enqueue_dma source(%dma_start3A_204 : memref<12x112xi32, #tpu.memory_space<hbm>>) target(%dma_start3A_200 : memref<12x112xi32, #tpu.memory_space<vmem>>) target_semaphore(%arg13 : memref<!tpu.dma_semaphore, #tpu.memory_space<semaphore_mem>>)
        %dma_start3A_205 = arith.constant 12 : i32
        %dma_start3A_206 = arith.constant 0 : i32
        %dma_start3A_207 = tpu.memref_slice %arg7[%dma_start3A_205, %dma_start3A_206] : memref<24x112xi32, #tpu.memory_space<vmem>> -> memref<12x112xi32, #tpu.memory_space<vmem>>
        %dma_start3A_208 = arith.constant 0 : i32
        %dma_start3A_209 = arith.constant 0 : i32
        %dma_start3A_210 = tpu.memref_slice %arg4[%add3A_190, %dma_start3A_208, %dma_start3A_209] : memref<256x12x112xi32, #tpu.memory_space<hbm>> -> memref<1x12x112xi32, #tpu.memory_space<hbm>>
        %dma_start3A_211 = tpu.memref_squeeze %dma_start3A_210 : memref<1x12x112xi32, #tpu.memory_space<hbm>> -> memref<12x112xi32, #tpu.memory_space<hbm>>
        %dma_start3A_212 = arith.constant 12 : i32
        %dma_start3A_213 = arith.constant 0 : i32
        %dma_start3A_214 = tpu.memref_slice %arg7[%dma_start3A_212, %dma_start3A_213] : memref<24x112xi32, #tpu.memory_space<vmem>> -> memref<12x112xi32, #tpu.memory_space<vmem>>
        %dma_start3A_215 = arith.constant 0 : i32
        %dma_start3A_216 = arith.constant 0 : i32
        %dma_start3A_217 = tpu.memref_slice %arg4[%add3A_190, %dma_start3A_215, %dma_start3A_216] : memref<256x12x112xi32, #tpu.memory_space<hbm>> -> memref<1x12x112xi32, #tpu.memory_space<hbm>>
        %dma_start3A_218 = tpu.memref_squeeze %dma_start3A_217 : memref<1x12x112xi32, #tpu.memory_space<hbm>> -> memref<12x112xi32, #tpu.memory_space<hbm>>
        tpu.enqueue_dma source(%dma_start3A_218 : memref<12x112xi32, #tpu.memory_space<hbm>>) target(%dma_start3A_214 : memref<12x112xi32, #tpu.memory_space<vmem>>) target_semaphore(%arg13 : memref<!tpu.dma_semaphore, #tpu.memory_space<semaphore_mem>>)
        %add3A_219 = arith.addi %mul3A_4, %add3A_128 : i32
        %add3A_220 = arith.constant 2 : i32
        %add3A_221 = arith.addi %add3A_219, %add3A_220 : i32
        %dma_wait3A_222 = arith.constant 0 : i32
        %dma_wait3A_223 = arith.constant 0 : i32
        %dma_wait3A_224 = tpu.memref_slice %arg7[%dma_wait3A_222, %dma_wait3A_223] : memref<24x112xi32, #tpu.memory_space<vmem>> -> memref<12x112xi32, #tpu.memory_space<vmem>>
        %dma_wait3A_225 = arith.constant 0 : i32
        %dma_wait3A_226 = arith.constant 0 : i32
        %dma_wait3A_227 = tpu.memref_slice %arg3[%add3A_221, %dma_wait3A_225, %dma_wait3A_226] : memref<256x12x112xi32, #tpu.memory_space<hbm>> -> memref<1x12x112xi32, #tpu.memory_space<hbm>>
        %dma_wait3A_228 = tpu.memref_squeeze %dma_wait3A_227 : memref<1x12x112xi32, #tpu.memory_space<hbm>> -> memref<12x112xi32, #tpu.memory_space<hbm>>
        %dma_wait3A_229 = arith.constant 0 : i32
        %dma_wait3A_230 = arith.constant 0 : i32
        %dma_wait3A_231 = tpu.memref_slice %arg7[%dma_wait3A_229, %dma_wait3A_230] : memref<24x112xi32, #tpu.memory_space<vmem>> -> memref<12x112xi32, #tpu.memory_space<vmem>>
        %dma_wait3A_232 = arith.constant 0 : i32
        %dma_wait3A_233 = arith.constant 0 : i32
        %dma_wait3A_234 = tpu.memref_slice %arg3[%add3A_221, %dma_wait3A_232, %dma_wait3A_233] : memref<256x12x112xi32, #tpu.memory_space<hbm>> -> memref<1x12x112xi32, #tpu.memory_space<hbm>>
        %dma_wait3A_235 = tpu.memref_squeeze %dma_wait3A_234 : memref<1x12x112xi32, #tpu.memory_space<hbm>> -> memref<12x112xi32, #tpu.memory_space<hbm>>
        tpu.wait_dma2 semaphore(%arg13 : memref<!tpu.dma_semaphore, #tpu.memory_space<semaphore_mem>>) src(%dma_wait3A_235 : memref<12x112xi32, #tpu.memory_space<hbm>>) dst(%dma_wait3A_231 : memref<12x112xi32, #tpu.memory_space<vmem>>)
        %dma_wait3A_236 = arith.constant 12 : i32
        %dma_wait3A_237 = arith.constant 0 : i32
        %dma_wait3A_238 = tpu.memref_slice %arg7[%dma_wait3A_236, %dma_wait3A_237] : memref<24x112xi32, #tpu.memory_space<vmem>> -> memref<12x112xi32, #tpu.memory_space<vmem>>
        %dma_wait3A_239 = arith.constant 0 : i32
        %dma_wait3A_240 = arith.constant 0 : i32
        %dma_wait3A_241 = tpu.memref_slice %arg4[%add3A_221, %dma_wait3A_239, %dma_wait3A_240] : memref<256x12x112xi32, #tpu.memory_space<hbm>> -> memref<1x12x112xi32, #tpu.memory_space<hbm>>
        %dma_wait3A_242 = tpu.memref_squeeze %dma_wait3A_241 : memref<1x12x112xi32, #tpu.memory_space<hbm>> -> memref<12x112xi32, #tpu.memory_space<hbm>>
        %dma_wait3A_243 = arith.constant 12 : i32
        %dma_wait3A_244 = arith.constant 0 : i32
        %dma_wait3A_245 = tpu.memref_slice %arg7[%dma_wait3A_243, %dma_wait3A_244] : memref<24x112xi32, #tpu.memory_space<vmem>> -> memref<12x112xi32, #tpu.memory_space<vmem>>
        %dma_wait3A_246 = arith.constant 0 : i32
        %dma_wait3A_247 = arith.constant 0 : i32
        %dma_wait3A_248 = tpu.memref_slice %arg4[%add3A_221, %dma_wait3A_246, %dma_wait3A_247] : memref<256x12x112xi32, #tpu.memory_space<hbm>> -> memref<1x12x112xi32, #tpu.memory_space<hbm>>
        %dma_wait3A_249 = tpu.memref_squeeze %dma_wait3A_248 : memref<1x12x112xi32, #tpu.memory_space<hbm>> -> memref<12x112xi32, #tpu.memory_space<hbm>>
        tpu.wait_dma2 semaphore(%arg13 : memref<!tpu.dma_semaphore, #tpu.memory_space<semaphore_mem>>) src(%dma_wait3A_249 : memref<12x112xi32, #tpu.memory_space<hbm>>) dst(%dma_wait3A_245 : memref<12x112xi32, #tpu.memory_space<vmem>>)
      } else {
      }
      %add3A_172 = arith.constant 2 : i32
      %add3A_173 = arith.addi %add3A_128, %add3A_172 : i32
      %lt3A_174 = arith.constant 8 : i32
      %lt3A_175 = arith.cmpi slt, %add3A_173, %lt3A_174 : i32
      %scan3A_176 = arith.constant 0 : i32
      %scan3A_177 = arith.constant 4 : i32
      %scan3A_178 = arith.addi %scan3A_176, %scan3A_177 : i32
      %scan3A_179 = arith.constant 1 : i32
      scf.for %scan3A_188 = %scan3A_176 to %scan3A_178 step %scan3A_179  : i32 {
        %mul3A_189 = arith.constant 3 : i32
        %mul3A_190 = arith.muli %scan3A_188, %mul3A_189 : i32
        %add3A_191 = arith.constant 0 : i32
        %add3A_192 = arith.addi %add3A_191, %mul3A_190 : i32
        %dma_wait3A_193 = arith.constant 0 : i32
        %dma_wait3A_194 = tpu.memref_slice %arg8[%add3A_192, %dma_wait3A_193] : memref<24x112xi32, #tpu.memory_space<vmem>> -> memref<1x112xi32, #tpu.memory_space<vmem>>
        %dma_wait3A_195 = tpu.memref_squeeze %dma_wait3A_194 : memref<1x112xi32, #tpu.memory_space<vmem>> -> memref<112xi32, #tpu.memory_space<vmem>>
        %dma_wait3A_196 = arith.constant 0 : i32
        %dma_wait3A_197 = arith.constant 0 : i32
        %dma_wait3A_198 = tpu.memref_slice %arg2[%dma_wait3A_196, %dma_wait3A_197] : memref<10000x128xf32, #tpu.memory_space<hbm>> -> memref<10000x128xf32, #tpu.memory_space<hbm>>
        tpu.wait_indirect_dma semaphore(%arg15 : memref<!tpu.dma_semaphore, #tpu.memory_space<semaphore_mem>>) src(%dma_wait3A_198 : memref<10000x128xf32, #tpu.memory_space<hbm>>) dst(%arg9 : memref<112x128xf32, #tpu.memory_space<vmem>>)
        %add3A_199 = arith.constant 2 : i32
        %add3A_200 = arith.addi %add3A_192, %add3A_199 : i32
        %dma_start3A_201 = arith.constant 0 : i32
        %dma_start3A_202 = tpu.memref_slice %arg8[%add3A_200, %dma_start3A_201] : memref<24x112xi32, #tpu.memory_space<vmem>> -> memref<1x112xi32, #tpu.memory_space<vmem>>
        %dma_start3A_203 = tpu.memref_squeeze %dma_start3A_202 : memref<1x112xi32, #tpu.memory_space<vmem>> -> memref<112xi32, #tpu.memory_space<vmem>>
        %dma_start3A_204 = arith.constant 0 : i32
        %dma_start3A_205 = arith.constant 0 : i32
        %dma_start3A_206 = tpu.memref_slice %arg2[%dma_start3A_204, %dma_start3A_205] : memref<10000x128xf32, #tpu.memory_space<hbm>> -> memref<10000x128xf32, #tpu.memory_space<hbm>>
        tpu.enqueue_indirect_dma source(%dma_start3A_206 : memref<10000x128xf32, #tpu.memory_space<hbm>>) target(%arg11 : memref<112x128xf32, #tpu.memory_space<vmem>>) offsets(%dma_start3A_203 : memref<112xi32, #tpu.memory_space<vmem>>) semaphore(%arg17 : memref<!tpu.dma_semaphore, #tpu.memory_space<semaphore_mem>>)
        %add3A_207 = arith.constant 12 : i32
        %add3A_208 = arith.addi %add3A_207, %add3A_192 : i32
        "tpu.region"() ({
          %run_scoped3A = tpu.sem_alloc : memref<!tpu.dma_semaphore, #tpu.memory_space<semaphore_mem>>
          %dma_start3A_262 = arith.constant 0 : i32
          %dma_start3A_263 = tpu.memref_slice %arg8[%add3A_208, %dma_start3A_262] : memref<24x112xi32, #tpu.memory_space<vmem>> -> memref<1x112xi32, #tpu.memory_space<vmem>>
          %dma_start3A_264 = tpu.memref_squeeze %dma_start3A_263 : memref<1x112xi32, #tpu.memory_space<vmem>> -> memref<112xi32, #tpu.memory_space<vmem>>
          %dma_start3A_265 = arith.constant 0 : i32
          %dma_start3A_266 = arith.constant 0 : i32
          %dma_start3A_267 = tpu.memref_slice %arg12[%dma_start3A_265, %dma_start3A_266] : memref<10112x128xf32, #tpu.memory_space<vmem_shared>> -> memref<10112x128xf32, #tpu.memory_space<vmem_shared>>
          tpu.enqueue_indirect_dma source(%arg9 : memref<112x128xf32, #tpu.memory_space<vmem>>) target(%dma_start3A_267 : memref<10112x128xf32, #tpu.memory_space<vmem_shared>>) offsets(%dma_start3A_264 : memref<112xi32, #tpu.memory_space<vmem>>) semaphore(%run_scoped3A : memref<!tpu.dma_semaphore, #tpu.memory_space<semaphore_mem>>) {add = true}
          %dma_wait3A_268 = arith.constant 0 : i32
          %dma_wait3A_269 = tpu.memref_slice %arg8[%add3A_208, %dma_wait3A_268] : memref<24x112xi32, #tpu.memory_space<vmem>> -> memref<1x112xi32, #tpu.memory_space<vmem>>
          %dma_wait3A_270 = tpu.memref_squeeze %dma_wait3A_269 : memref<1x112xi32, #tpu.memory_space<vmem>> -> memref<112xi32, #tpu.memory_space<vmem>>
          %dma_wait3A_271 = arith.constant 0 : i32
          %dma_wait3A_272 = arith.constant 0 : i32
          %dma_wait3A_273 = tpu.memref_slice %arg12[%dma_wait3A_271, %dma_wait3A_272] : memref<10112x128xf32, #tpu.memory_space<vmem_shared>> -> memref<10112x128xf32, #tpu.memory_space<vmem_shared>>
          tpu.wait_indirect_dma semaphore(%run_scoped3A : memref<!tpu.dma_semaphore, #tpu.memory_space<semaphore_mem>>) src(%arg9 : memref<112x128xf32, #tpu.memory_space<vmem>>) dst(%dma_wait3A_273 : memref<10112x128xf32, #tpu.memory_space<vmem_shared>>)
          tpu.yield
        }) : () -> ()
        %add3A_209 = arith.constant 1 : i32
        %add3A_210 = arith.addi %add3A_192, %add3A_209 : i32
        %dma_wait3A_211 = arith.constant 0 : i32
        %dma_wait3A_212 = tpu.memref_slice %arg8[%add3A_210, %dma_wait3A_211] : memref<24x112xi32, #tpu.memory_space<vmem>> -> memref<1x112xi32, #tpu.memory_space<vmem>>
        %dma_wait3A_213 = tpu.memref_squeeze %dma_wait3A_212 : memref<1x112xi32, #tpu.memory_space<vmem>> -> memref<112xi32, #tpu.memory_space<vmem>>
        %dma_wait3A_214 = arith.constant 0 : i32
        %dma_wait3A_215 = arith.constant 0 : i32
        %dma_wait3A_216 = tpu.memref_slice %arg2[%dma_wait3A_214, %dma_wait3A_215] : memref<10000x128xf32, #tpu.memory_space<hbm>> -> memref<10000x128xf32, #tpu.memory_space<hbm>>
        tpu.wait_indirect_dma semaphore(%arg16 : memref<!tpu.dma_semaphore, #tpu.memory_space<semaphore_mem>>) src(%dma_wait3A_216 : memref<10000x128xf32, #tpu.memory_space<hbm>>) dst(%arg10 : memref<112x128xf32, #tpu.memory_space<vmem>>)
        %add3A_217 = arith.constant 3 : i32
        %add3A_218 = arith.addi %add3A_192, %add3A_217 : i32
        %lt3A_219 = arith.constant 12 : i32
        %lt3A_220 = arith.cmpi slt, %add3A_218, %lt3A_219 : i32
        %convert_element_type3A_221 = arith.extui %lt3A_220 : i1 to i32
        %cond3A_222 = arith.constant 0 : i32
        %cond3A_223 = arith.cmpi ne, %convert_element_type3A_221, %cond3A_222 : i32
        scf.if %cond3A_223 {
          %add3A_262 = arith.constant 3 : i32
          %add3A_263 = arith.addi %add3A_192, %add3A_262 : i32
          %dma_start3A_264 = arith.constant 0 : i32
          %dma_start3A_265 = tpu.memref_slice %arg8[%add3A_263, %dma_start3A_264] : memref<24x112xi32, #tpu.memory_space<vmem>> -> memref<1x112xi32, #tpu.memory_space<vmem>>
          %dma_start3A_266 = tpu.memref_squeeze %dma_start3A_265 : memref<1x112xi32, #tpu.memory_space<vmem>> -> memref<112xi32, #tpu.memory_space<vmem>>
          %dma_start3A_267 = arith.constant 0 : i32
          %dma_start3A_268 = arith.constant 0 : i32
          %dma_start3A_269 = tpu.memref_slice %arg2[%dma_start3A_267, %dma_start3A_268] : memref<10000x128xf32, #tpu.memory_space<hbm>> -> memref<10000x128xf32, #tpu.memory_space<hbm>>
          tpu.enqueue_indirect_dma source(%dma_start3A_269 : memref<10000x128xf32, #tpu.memory_space<hbm>>) target(%arg9 : memref<112x128xf32, #tpu.memory_space<vmem>>) offsets(%dma_start3A_266 : memref<112xi32, #tpu.memory_space<vmem>>) semaphore(%arg15 : memref<!tpu.dma_semaphore, #tpu.memory_space<semaphore_mem>>)
        } else {
        }
        %add3A_224 = arith.constant 3 : i32
        %add3A_225 = arith.addi %add3A_192, %add3A_224 : i32
        %ge3A = arith.constant 12 : i32
        %ge3A_226 = arith.cmpi sge, %add3A_225, %ge3A : i32
        %and3A_227 = arith.andi %ge3A_226, %lt3A_175 : i1
        %convert_element_type3A_228 = arith.extui %and3A_227 : i1 to i32
        %cond3A_229 = arith.constant 0 : i32
        %cond3A_230 = arith.cmpi ne, %convert_element_type3A_228, %cond3A_229 : i32
        scf.if %cond3A_230 {
          %dma_start3A_262 = arith.constant 0 : i32
          %dma_start3A_263 = arith.constant 0 : i32
          %dma_start3A_264 = tpu.memref_slice %arg7[%dma_start3A_262, %dma_start3A_263] : memref<24x112xi32, #tpu.memory_space<vmem>> -> memref<1x112xi32, #tpu.memory_space<vmem>>
          %dma_start3A_265 = tpu.memref_squeeze %dma_start3A_264 : memref<1x112xi32, #tpu.memory_space<vmem>> -> memref<112xi32, #tpu.memory_space<vmem>>
          %dma_start3A_266 = arith.constant 0 : i32
          %dma_start3A_267 = arith.constant 0 : i32
          %dma_start3A_268 = tpu.memref_slice %arg2[%dma_start3A_266, %dma_start3A_267] : memref<10000x128xf32, #tpu.memory_space<hbm>> -> memref<10000x128xf32, #tpu.memory_space<hbm>>
          tpu.enqueue_indirect_dma source(%dma_start3A_268 : memref<10000x128xf32, #tpu.memory_space<hbm>>) target(%arg9 : memref<112x128xf32, #tpu.memory_space<vmem>>) offsets(%dma_start3A_265 : memref<112xi32, #tpu.memory_space<vmem>>) semaphore(%arg15 : memref<!tpu.dma_semaphore, #tpu.memory_space<semaphore_mem>>)
        } else {
        }
        %add3A_231 = arith.constant 12 : i32
        %add3A_232 = arith.addi %add3A_231, %add3A_192 : i32
        %add3A_233 = arith.constant 1 : i32
        %add3A_234 = arith.addi %add3A_232, %add3A_233 : i32
        "tpu.region"() ({
          %run_scoped3A = tpu.sem_alloc : memref<!tpu.dma_semaphore, #tpu.memory_space<semaphore_mem>>
          %dma_start3A_262 = arith.constant 0 : i32
          %dma_start3A_263 = tpu.memref_slice %arg8[%add3A_234, %dma_start3A_262] : memref<24x112xi32, #tpu.memory_space<vmem>> -> memref<1x112xi32, #tpu.memory_space<vmem>>
          %dma_start3A_264 = tpu.memref_squeeze %dma_start3A_263 : memref<1x112xi32, #tpu.memory_space<vmem>> -> memref<112xi32, #tpu.memory_space<vmem>>
          %dma_start3A_265 = arith.constant 0 : i32
          %dma_start3A_266 = arith.constant 0 : i32
          %dma_start3A_267 = tpu.memref_slice %arg12[%dma_start3A_265, %dma_start3A_266] : memref<10112x128xf32, #tpu.memory_space<vmem_shared>> -> memref<10112x128xf32, #tpu.memory_space<vmem_shared>>
          tpu.enqueue_indirect_dma source(%arg10 : memref<112x128xf32, #tpu.memory_space<vmem>>) target(%dma_start3A_267 : memref<10112x128xf32, #tpu.memory_space<vmem_shared>>) offsets(%dma_start3A_264 : memref<112xi32, #tpu.memory_space<vmem>>) semaphore(%run_scoped3A : memref<!tpu.dma_semaphore, #tpu.memory_space<semaphore_mem>>) {add = true}
          %dma_wait3A_268 = arith.constant 0 : i32
          %dma_wait3A_269 = tpu.memref_slice %arg8[%add3A_234, %dma_wait3A_268] : memref<24x112xi32, #tpu.memory_space<vmem>> -> memref<1x112xi32, #tpu.memory_space<vmem>>
          %dma_wait3A_270 = tpu.memref_squeeze %dma_wait3A_269 : memref<1x112xi32, #tpu.memory_space<vmem>> -> memref<112xi32, #tpu.memory_space<vmem>>
          %dma_wait3A_271 = arith.constant 0 : i32
          %dma_wait3A_272 = arith.constant 0 : i32
          %dma_wait3A_273 = tpu.memref_slice %arg12[%dma_wait3A_271, %dma_wait3A_272] : memref<10112x128xf32, #tpu.memory_space<vmem_shared>> -> memref<10112x128xf32, #tpu.memory_space<vmem_shared>>
          tpu.wait_indirect_dma semaphore(%run_scoped3A : memref<!tpu.dma_semaphore, #tpu.memory_space<semaphore_mem>>) src(%arg10 : memref<112x128xf32, #tpu.memory_space<vmem>>) dst(%dma_wait3A_273 : memref<10112x128xf32, #tpu.memory_space<vmem_shared>>)
          tpu.yield
        }) : () -> ()
        %add3A_235 = arith.constant 2 : i32
        %add3A_236 = arith.addi %add3A_192, %add3A_235 : i32
        %dma_wait3A_237 = arith.constant 0 : i32
        %dma_wait3A_238 = tpu.memref_slice %arg8[%add3A_236, %dma_wait3A_237] : memref<24x112xi32, #tpu.memory_space<vmem>> -> memref<1x112xi32, #tpu.memory_space<vmem>>
        %dma_wait3A_239 = tpu.memref_squeeze %dma_wait3A_238 : memref<1x112xi32, #tpu.memory_space<vmem>> -> memref<112xi32, #tpu.memory_space<vmem>>
        %dma_wait3A_240 = arith.constant 0 : i32
        %dma_wait3A_241 = arith.constant 0 : i32
        %dma_wait3A_242 = tpu.memref_slice %arg2[%dma_wait3A_240, %dma_wait3A_241] : memref<10000x128xf32, #tpu.memory_space<hbm>> -> memref<10000x128xf32, #tpu.memory_space<hbm>>
        tpu.wait_indirect_dma semaphore(%arg17 : memref<!tpu.dma_semaphore, #tpu.memory_space<semaphore_mem>>) src(%dma_wait3A_242 : memref<10000x128xf32, #tpu.memory_space<hbm>>) dst(%arg11 : memref<112x128xf32, #tpu.memory_space<vmem>>)
        %add3A_243 = arith.constant 4 : i32
        %add3A_244 = arith.addi %add3A_192, %add3A_243 : i32
        %lt3A_245 = arith.constant 12 : i32
        %lt3A_246 = arith.cmpi slt, %add3A_244, %lt3A_245 : i32
        %convert_element_type3A_247 = arith.extui %lt3A_246 : i1 to i32
        %cond3A_248 = arith.constant 0 : i32
        %cond3A_249 = arith.cmpi ne, %convert_element_type3A_247, %cond3A_248 : i32
        scf.if %cond3A_249 {
          %add3A_262 = arith.constant 4 : i32
          %add3A_263 = arith.addi %add3A_192, %add3A_262 : i32
          %dma_start3A_264 = arith.constant 0 : i32
          %dma_start3A_265 = tpu.memref_slice %arg8[%add3A_263, %dma_start3A_264] : memref<24x112xi32, #tpu.memory_space<vmem>> -> memref<1x112xi32, #tpu.memory_space<vmem>>
          %dma_start3A_266 = tpu.memref_squeeze %dma_start3A_265 : memref<1x112xi32, #tpu.memory_space<vmem>> -> memref<112xi32, #tpu.memory_space<vmem>>
          %dma_start3A_267 = arith.constant 0 : i32
          %dma_start3A_268 = arith.constant 0 : i32
          %dma_start3A_269 = tpu.memref_slice %arg2[%dma_start3A_267, %dma_start3A_268] : memref<10000x128xf32, #tpu.memory_space<hbm>> -> memref<10000x128xf32, #tpu.memory_space<hbm>>
          tpu.enqueue_indirect_dma source(%dma_start3A_269 : memref<10000x128xf32, #tpu.memory_space<hbm>>) target(%arg10 : memref<112x128xf32, #tpu.memory_space<vmem>>) offsets(%dma_start3A_266 : memref<112xi32, #tpu.memory_space<vmem>>) semaphore(%arg16 : memref<!tpu.dma_semaphore, #tpu.memory_space<semaphore_mem>>)
        } else {
        }
        %add3A_250 = arith.constant 4 : i32
        %add3A_251 = arith.addi %add3A_192, %add3A_250 : i32
        %ge3A_252 = arith.constant 13 : i32
        %ge3A_253 = arith.cmpi sge, %add3A_251, %ge3A_252 : i32
        %and3A_254 = arith.andi %ge3A_253, %lt3A_175 : i1
        %convert_element_type3A_255 = arith.extui %and3A_254 : i1 to i32
        %cond3A_256 = arith.constant 0 : i32
        %cond3A_257 = arith.cmpi ne, %convert_element_type3A_255, %cond3A_256 : i32
        scf.if %cond3A_257 {
          %dma_start3A_262 = arith.constant 1 : i32
          %dma_start3A_263 = arith.constant 0 : i32
          %dma_start3A_264 = tpu.memref_slice %arg7[%dma_start3A_262, %dma_start3A_263] : memref<24x112xi32, #tpu.memory_space<vmem>> -> memref<1x112xi32, #tpu.memory_space<vmem>>
          %dma_start3A_265 = tpu.memref_squeeze %dma_start3A_264 : memref<1x112xi32, #tpu.memory_space<vmem>> -> memref<112xi32, #tpu.memory_space<vmem>>
          %dma_start3A_266 = arith.constant 0 : i32
          %dma_start3A_267 = arith.constant 0 : i32
          %dma_start3A_268 = tpu.memref_slice %arg2[%dma_start3A_266, %dma_start3A_267] : memref<10000x128xf32, #tpu.memory_space<hbm>> -> memref<10000x128xf32, #tpu.memory_space<hbm>>
          tpu.enqueue_indirect_dma source(%dma_start3A_268 : memref<10000x128xf32, #tpu.memory_space<hbm>>) target(%arg10 : memref<112x128xf32, #tpu.memory_space<vmem>>) offsets(%dma_start3A_265 : memref<112xi32, #tpu.memory_space<vmem>>) semaphore(%arg16 : memref<!tpu.dma_semaphore, #tpu.memory_space<semaphore_mem>>)
        } else {
        }
        %add3A_258 = arith.constant 12 : i32
        %add3A_259 = arith.addi %add3A_258, %add3A_192 : i32
        %add3A_260 = arith.constant 2 : i32
        %add3A_261 = arith.addi %add3A_259, %add3A_260 : i32
        "tpu.region"() ({
          %run_scoped3A = tpu.sem_alloc : memref<!tpu.dma_semaphore, #tpu.memory_space<semaphore_mem>>
          %dma_start3A_262 = arith.constant 0 : i32
          %dma_start3A_263 = tpu.memref_slice %arg8[%add3A_261, %dma_start3A_262] : memref<24x112xi32, #tpu.memory_space<vmem>> -> memref<1x112xi32, #tpu.memory_space<vmem>>
          %dma_start3A_264 = tpu.memref_squeeze %dma_start3A_263 : memref<1x112xi32, #tpu.memory_space<vmem>> -> memref<112xi32, #tpu.memory_space<vmem>>
          %dma_start3A_265 = arith.constant 0 : i32
          %dma_start3A_266 = arith.constant 0 : i32
          %dma_start3A_267 = tpu.memref_slice %arg12[%dma_start3A_265, %dma_start3A_266] : memref<10112x128xf32, #tpu.memory_space<vmem_shared>> -> memref<10112x128xf32, #tpu.memory_space<vmem_shared>>
          tpu.enqueue_indirect_dma source(%arg11 : memref<112x128xf32, #tpu.memory_space<vmem>>) target(%dma_start3A_267 : memref<10112x128xf32, #tpu.memory_space<vmem_shared>>) offsets(%dma_start3A_264 : memref<112xi32, #tpu.memory_space<vmem>>) semaphore(%run_scoped3A : memref<!tpu.dma_semaphore, #tpu.memory_space<semaphore_mem>>) {add = true}
          %dma_wait3A_268 = arith.constant 0 : i32
          %dma_wait3A_269 = tpu.memref_slice %arg8[%add3A_261, %dma_wait3A_268] : memref<24x112xi32, #tpu.memory_space<vmem>> -> memref<1x112xi32, #tpu.memory_space<vmem>>
          %dma_wait3A_270 = tpu.memref_squeeze %dma_wait3A_269 : memref<1x112xi32, #tpu.memory_space<vmem>> -> memref<112xi32, #tpu.memory_space<vmem>>
          %dma_wait3A_271 = arith.constant 0 : i32
          %dma_wait3A_272 = arith.constant 0 : i32
          %dma_wait3A_273 = tpu.memref_slice %arg12[%dma_wait3A_271, %dma_wait3A_272] : memref<10112x128xf32, #tpu.memory_space<vmem_shared>> -> memref<10112x128xf32, #tpu.memory_space<vmem_shared>>
          tpu.wait_indirect_dma semaphore(%run_scoped3A : memref<!tpu.dma_semaphore, #tpu.memory_space<semaphore_mem>>) src(%arg11 : memref<112x128xf32, #tpu.memory_space<vmem>>) dst(%dma_wait3A_273 : memref<10112x128xf32, #tpu.memory_space<vmem_shared>>)
          tpu.yield
        }) : () -> ()
      }
      %scan3A_180 = arith.constant 4 : i32
      %add3A_181 = arith.constant 3 : i32
      %add3A_182 = arith.addi %add3A_128, %add3A_181 : i32
      %lt3A_183 = arith.constant 8 : i32
      %lt3A_184 = arith.cmpi slt, %add3A_182, %lt3A_183 : i32
      %convert_element_type3A_185 = arith.extui %lt3A_184 : i1 to i32
      %cond3A_186 = arith.constant 0 : i32
      %cond3A_187 = arith.cmpi ne, %convert_element_type3A_185, %cond3A_186 : i32
      scf.if %cond3A_187 {
        %add3A_188 = arith.addi %mul3A_4, %add3A_128 : i32
        %add3A_189 = arith.constant 3 : i32
        %add3A_190 = arith.addi %add3A_188, %add3A_189 : i32
        %dma_start3A_191 = arith.constant 0 : i32
        %dma_start3A_192 = arith.constant 0 : i32
        %dma_start3A_193 = tpu.memref_slice %arg8[%dma_start3A_191, %dma_start3A_192] : memref<24x112xi32, #tpu.memory_space<vmem>> -> memref<12x112xi32, #tpu.memory_space<vmem>>
        %dma_start3A_194 = arith.constant 0 : i32
        %dma_start3A_195 = arith.constant 0 : i32
        %dma_start3A_196 = tpu.memref_slice %arg3[%add3A_190, %dma_start3A_194, %dma_start3A_195] : memref<256x12x112xi32, #tpu.memory_space<hbm>> -> memref<1x12x112xi32, #tpu.memory_space<hbm>>
        %dma_start3A_197 = tpu.memref_squeeze %dma_start3A_196 : memref<1x12x112xi32, #tpu.memory_space<hbm>> -> memref<12x112xi32, #tpu.memory_space<hbm>>
        %dma_start3A_198 = arith.constant 0 : i32
        %dma_start3A_199 = arith.constant 0 : i32
        %dma_start3A_200 = tpu.memref_slice %arg8[%dma_start3A_198, %dma_start3A_199] : memref<24x112xi32, #tpu.memory_space<vmem>> -> memref<12x112xi32, #tpu.memory_space<vmem>>
        %dma_start3A_201 = arith.constant 0 : i32
        %dma_start3A_202 = arith.constant 0 : i32
        %dma_start3A_203 = tpu.memref_slice %arg3[%add3A_190, %dma_start3A_201, %dma_start3A_202] : memref<256x12x112xi32, #tpu.memory_space<hbm>> -> memref<1x12x112xi32, #tpu.memory_space<hbm>>
        %dma_start3A_204 = tpu.memref_squeeze %dma_start3A_203 : memref<1x12x112xi32, #tpu.memory_space<hbm>> -> memref<12x112xi32, #tpu.memory_space<hbm>>
        tpu.enqueue_dma source(%dma_start3A_204 : memref<12x112xi32, #tpu.memory_space<hbm>>) target(%dma_start3A_200 : memref<12x112xi32, #tpu.memory_space<vmem>>) target_semaphore(%arg14 : memref<!tpu.dma_semaphore, #tpu.memory_space<semaphore_mem>>)
        %dma_start3A_205 = arith.constant 12 : i32
        %dma_start3A_206 = arith.constant 0 : i32
        %dma_start3A_207 = tpu.memref_slice %arg8[%dma_start3A_205, %dma_start3A_206] : memref<24x112xi32, #tpu.memory_space<vmem>> -> memref<12x112xi32, #tpu.memory_space<vmem>>
        %dma_start3A_208 = arith.constant 0 : i32
        %dma_start3A_209 = arith.constant 0 : i32
        %dma_start3A_210 = tpu.memref_slice %arg4[%add3A_190, %dma_start3A_208, %dma_start3A_209] : memref<256x12x112xi32, #tpu.memory_space<hbm>> -> memref<1x12x112xi32, #tpu.memory_space<hbm>>
        %dma_start3A_211 = tpu.memref_squeeze %dma_start3A_210 : memref<1x12x112xi32, #tpu.memory_space<hbm>> -> memref<12x112xi32, #tpu.memory_space<hbm>>
        %dma_start3A_212 = arith.constant 12 : i32
        %dma_start3A_213 = arith.constant 0 : i32
        %dma_start3A_214 = tpu.memref_slice %arg8[%dma_start3A_212, %dma_start3A_213] : memref<24x112xi32, #tpu.memory_space<vmem>> -> memref<12x112xi32, #tpu.memory_space<vmem>>
        %dma_start3A_215 = arith.constant 0 : i32
        %dma_start3A_216 = arith.constant 0 : i32
        %dma_start3A_217 = tpu.memref_slice %arg4[%add3A_190, %dma_start3A_215, %dma_start3A_216] : memref<256x12x112xi32, #tpu.memory_space<hbm>> -> memref<1x12x112xi32, #tpu.memory_space<hbm>>
        %dma_start3A_218 = tpu.memref_squeeze %dma_start3A_217 : memref<1x12x112xi32, #tpu.memory_space<hbm>> -> memref<12x112xi32, #tpu.memory_space<hbm>>
        tpu.enqueue_dma source(%dma_start3A_218 : memref<12x112xi32, #tpu.memory_space<hbm>>) target(%dma_start3A_214 : memref<12x112xi32, #tpu.memory_space<vmem>>) target_semaphore(%arg14 : memref<!tpu.dma_semaphore, #tpu.memory_space<semaphore_mem>>)
      } else {
      }
    }
    %scan3A_122 = arith.constant 4 : i32
    %barrier3A_123 = arith.constant 0 : index
    tpu.barrier barrier_id(%barrier3A_123)
    "tpu.region"() ({
      %run_scoped3A = tpu.sem_alloc : memref<!tpu.dma_semaphore, #tpu.memory_space<semaphore_mem>>
      %dma_start3A_124 = arith.constant 0 : i32
      %dma_start3A_125 = tpu.memref_slice %arg6[%arg0, %mul3A_0, %dma_start3A_124] : memref<2x10112x128xf32, #tpu.memory_space<hbm>> -> memref<1x632x128xf32, #tpu.memory_space<hbm>>
      %dma_start3A_126 = tpu.memref_squeeze %dma_start3A_125 : memref<1x632x128xf32, #tpu.memory_space<hbm>> -> memref<632x128xf32, #tpu.memory_space<hbm>>
      %dma_start3A_127 = arith.constant 0 : i32
      %dma_start3A_128 = tpu.memref_slice %arg12[%mul3A_0, %dma_start3A_127] : memref<10112x128xf32, #tpu.memory_space<vmem_shared>> -> memref<632x128xf32, #tpu.memory_space<vmem_shared>>
      tpu.enqueue_dma source(%dma_start3A_128 : memref<632x128xf32, #tpu.memory_space<vmem_shared>>) target(%dma_start3A_126 : memref<632x128xf32, #tpu.memory_space<hbm>>) target_semaphore(%run_scoped3A : memref<!tpu.dma_semaphore, #tpu.memory_space<semaphore_mem>>)
      %dma_wait3A_129 = arith.constant 0 : i32
      %dma_wait3A_130 = tpu.memref_slice %arg6[%arg0, %mul3A_0, %dma_wait3A_129] : memref<2x10112x128xf32, #tpu.memory_space<hbm>> -> memref<1x632x128xf32, #tpu.memory_space<hbm>>
      %dma_wait3A_131 = tpu.memref_squeeze %dma_wait3A_130 : memref<1x632x128xf32, #tpu.memory_space<hbm>> -> memref<632x128xf32, #tpu.memory_space<hbm>>
      %dma_wait3A_132 = arith.constant 0 : i32
      %dma_wait3A_133 = tpu.memref_slice %arg12[%mul3A_0, %dma_wait3A_132] : memref<10112x128xf32, #tpu.memory_space<vmem_shared>> -> memref<632x128xf32, #tpu.memory_space<vmem_shared>>
      tpu.wait_dma2 semaphore(%run_scoped3A : memref<!tpu.dma_semaphore, #tpu.memory_space<semaphore_mem>>) src(%dma_wait3A_133 : memref<632x128xf32, #tpu.memory_space<vmem_shared>>) dst(%dma_wait3A_131 : memref<632x128xf32, #tpu.memory_space<hbm>>)
      tpu.yield
    }) : () -> ()
    return
  }
}

#map = affine_map<(d0, d1) -> (0, 0)>
#map1 = affine_map<(d0, d1) -> (0, 0, 0)>
module attributes {stable_mosaic.version = 14 : i64} {
  func.func @_msg_body(%arg0: i32, %arg1: i32, %arg2: memref<10000x128xf32, #tpu.memory_space<hbm>>, %arg3: memref<256x12x112xi32, #tpu.memory_space<hbm>>, %arg4: memref<256x12x112xi32, #tpu.memory_space<hbm>>, %arg5: memref<10112x128xf32, #tpu.memory_space<hbm>>, %arg6: memref<2x10112x128xf32, #tpu.memory_space<hbm>>, %arg7: memref<24x112xi32, #tpu.memory_space<vmem>>, %arg8: memref<24x112xi32, #tpu.memory_space<vmem>>, %arg9: memref<112x128xf32, #tpu.memory_space<vmem>>, %arg10: memref<112x128xf32, #tpu.memory_space<vmem>>, %arg11: memref<112x128xf32, #tpu.memory_space<vmem>>, %arg12: memref<10112x128xf32, #tpu.memory_space<vmem_shared>>, %arg13: memref<!tpu.dma_semaphore, #tpu.memory_space<semaphore_mem>>, %arg14: memref<!tpu.dma_semaphore, #tpu.memory_space<semaphore_mem>>, %arg15: memref<!tpu.dma_semaphore, #tpu.memory_space<semaphore_mem>>, %arg16: memref<!tpu.dma_semaphore, #tpu.memory_space<semaphore_mem>>, %arg17: memref<!tpu.dma_semaphore, #tpu.memory_space<semaphore_mem>>) attributes {dimension_semantics = [#tpu.dimension_semantics<core_parallel>, #tpu.dimension_semantics<subcore_parallel>], iteration_bounds = array<i64: 2, 16>, scalar_prefetch = 0 : i64, scratch_operands = 11 : i64, tpu.core_type = #tpu.core_type<sc_vector_subcore>, window_params = [{transform_indices = #map}, {transform_indices = #map1}, {transform_indices = #map1}, {transform_indices = #map}, {transform_indices = #map1}]} {
    %mul3A = arith.constant 632 : i32
    %mul3A_0 = arith.muli %arg1, %mul3A : i32
    %mul3A_1 = arith.constant 16 : i32
    %mul3A_2 = arith.muli %arg0, %mul3A_1 : i32
    %add3A = arith.addi %mul3A_2, %arg1 : i32
    %mul3A_3 = arith.constant 8 : i32
    %mul3A_4 = arith.muli %add3A, %mul3A_3 : i32
    %eq3A = arith.constant 0 : i32
    %eq3A_5 = arith.cmpi eq, %arg0, %eq3A : i32
    %lt3A = arith.constant 15 : i32
    %lt3A_6 = arith.cmpi slt, %arg1, %lt3A : i32
    %and3A = arith.andi %eq3A_5, %lt3A_6 : i1
    %convert_element_type3A = arith.extui %and3A : i1 to i32
    %cond3A = arith.constant 0 : i32
    %cond3A_7 = arith.cmpi ne, %convert_element_type3A, %cond3A : i32
    scf.if %cond3A_7 {
      "tpu.region"() ({
        %run_scoped3A = tpu.sem_alloc : memref<!tpu.dma_semaphore, #tpu.memory_space<semaphore_mem>>
        %dma_start3A_124 = arith.constant 0 : i32
        %dma_start3A_125 = tpu.memref_slice %arg12[%mul3A_0, %dma_start3A_124] : memref<10112x128xf32, #tpu.memory_space<vmem_shared>> -> memref<632x128xf32, #tpu.memory_space<vmem_shared>>
        %dma_start3A_126 = arith.constant 0 : i32
        %dma_start3A_127 = tpu.memref_slice %arg2[%mul3A_0, %dma_start3A_126] : memref<10000x128xf32, #tpu.memory_space<hbm>> -> memref<632x128xf32, #tpu.memory_space<hbm>>
        tpu.enqueue_dma source(%dma_start3A_127 : memref<632x128xf32, #tpu.memory_space<hbm>>) target(%dma_start3A_125 : memref<632x128xf32, #tpu.memory_space<vmem_shared>>) target_semaphore(%run_scoped3A : memref<!tpu.dma_semaphore, #tpu.memory_space<semaphore_mem>>)
        %dma_wait3A_128 = arith.constant 0 : i32
        %dma_wait3A_129 = tpu.memref_slice %arg12[%mul3A_0, %dma_wait3A_128] : memref<10112x128xf32, #tpu.memory_space<vmem_shared>> -> memref<632x128xf32, #tpu.memory_space<vmem_shared>>
        %dma_wait3A_130 = arith.constant 0 : i32
        %dma_wait3A_131 = tpu.memref_slice %arg2[%mul3A_0, %dma_wait3A_130] : memref<10000x128xf32, #tpu.memory_space<hbm>> -> memref<632x128xf32, #tpu.memory_space<hbm>>
        tpu.wait_dma2 semaphore(%run_scoped3A : memref<!tpu.dma_semaphore, #tpu.memory_space<semaphore_mem>>) src(%dma_wait3A_131 : memref<632x128xf32, #tpu.memory_space<hbm>>) dst(%dma_wait3A_129 : memref<632x128xf32, #tpu.memory_space<vmem_shared>>)
        tpu.yield
      }) : () -> ()
    } else {
    }
    %eq3A_8 = arith.constant 0 : i32
    %eq3A_9 = arith.cmpi eq, %arg0, %eq3A_8 : i32
    %eq3A_10 = arith.constant 15 : i32
    %eq3A_11 = arith.cmpi eq, %arg1, %eq3A_10 : i32
    %and3A_12 = arith.andi %eq3A_9, %eq3A_11 : i1
    %convert_element_type3A_13 = arith.extui %and3A_12 : i1 to i32
    %cond3A_14 = arith.constant 0 : i32
    %cond3A_15 = arith.cmpi ne, %convert_element_type3A_13, %cond3A_14 : i32
    scf.if %cond3A_15 {
      %sub3A = arith.constant 10000 : i32
      %sub3A_124 = arith.subi %sub3A, %mul3A_0 : i32
      %sub3A_125 = arith.constant 10000 : i32
      %sub3A_126 = arith.subi %sub3A_125, %mul3A_0 : i32
      "tpu.region"() ({
        %run_scoped3A = tpu.sem_alloc : memref<!tpu.dma_semaphore, #tpu.memory_space<semaphore_mem>>
        %dma_start3A_127 = arith.constant 0 : i32
        %dma_start3A_128 = tpu.memref_slice %arg12[%mul3A_0, %dma_start3A_127] <%sub3A_126> : memref<10112x128xf32, #tpu.memory_space<vmem_shared>> -> memref<?x128xf32, #tpu.memory_space<vmem_shared>>
        %dma_start3A_129 = arith.constant 0 : i32
        %dma_start3A_130 = tpu.memref_slice %arg2[%mul3A_0, %dma_start3A_129] <%sub3A_124> : memref<10000x128xf32, #tpu.memory_space<hbm>> -> memref<?x128xf32, #tpu.memory_space<hbm>>
        tpu.enqueue_dma source(%dma_start3A_130 : memref<?x128xf32, #tpu.memory_space<hbm>>) target(%dma_start3A_128 : memref<?x128xf32, #tpu.memory_space<vmem_shared>>) target_semaphore(%run_scoped3A : memref<!tpu.dma_semaphore, #tpu.memory_space<semaphore_mem>>)
        %dma_wait3A_131 = arith.constant 0 : i32
        %dma_wait3A_132 = tpu.memref_slice %arg12[%mul3A_0, %dma_wait3A_131] <%sub3A_126> : memref<10112x128xf32, #tpu.memory_space<vmem_shared>> -> memref<?x128xf32, #tpu.memory_space<vmem_shared>>
        %dma_wait3A_133 = arith.constant 0 : i32
        %dma_wait3A_134 = tpu.memref_slice %arg2[%mul3A_0, %dma_wait3A_133] <%sub3A_124> : memref<10000x128xf32, #tpu.memory_space<hbm>> -> memref<?x128xf32, #tpu.memory_space<hbm>>
        tpu.wait_dma2 semaphore(%run_scoped3A : memref<!tpu.dma_semaphore, #tpu.memory_space<semaphore_mem>>) src(%dma_wait3A_134 : memref<?x128xf32, #tpu.memory_space<hbm>>) dst(%dma_wait3A_132 : memref<?x128xf32, #tpu.memory_space<vmem_shared>>)
        tpu.yield
      }) : () -> ()
      "tpu.region"() ({
        %run_scoped3A = tpu.sem_alloc : memref<!tpu.dma_semaphore, #tpu.memory_space<semaphore_mem>>
        %dma_start3A_127 = arith.constant 10000 : i32
        %dma_start3A_128 = arith.constant 0 : i32
        %dma_start3A_129 = tpu.memref_slice %arg12[%dma_start3A_127, %dma_start3A_128] : memref<10112x128xf32, #tpu.memory_space<vmem_shared>> -> memref<112x128xf32, #tpu.memory_space<vmem_shared>>
        %dma_start3A_130 = arith.constant 10000 : i32
        %dma_start3A_131 = arith.constant 0 : i32
        %dma_start3A_132 = tpu.memref_slice %arg5[%dma_start3A_130, %dma_start3A_131] : memref<10112x128xf32, #tpu.memory_space<hbm>> -> memref<112x128xf32, #tpu.memory_space<hbm>>
        tpu.enqueue_dma source(%dma_start3A_132 : memref<112x128xf32, #tpu.memory_space<hbm>>) target(%dma_start3A_129 : memref<112x128xf32, #tpu.memory_space<vmem_shared>>) target_semaphore(%run_scoped3A : memref<!tpu.dma_semaphore, #tpu.memory_space<semaphore_mem>>)
        %dma_wait3A_133 = arith.constant 10000 : i32
        %dma_wait3A_134 = arith.constant 0 : i32
        %dma_wait3A_135 = tpu.memref_slice %arg12[%dma_wait3A_133, %dma_wait3A_134] : memref<10112x128xf32, #tpu.memory_space<vmem_shared>> -> memref<112x128xf32, #tpu.memory_space<vmem_shared>>
        %dma_wait3A_136 = arith.constant 10000 : i32
        %dma_wait3A_137 = arith.constant 0 : i32
        %dma_wait3A_138 = tpu.memref_slice %arg5[%dma_wait3A_136, %dma_wait3A_137] : memref<10112x128xf32, #tpu.memory_space<hbm>> -> memref<112x128xf32, #tpu.memory_space<hbm>>
        tpu.wait_dma2 semaphore(%run_scoped3A : memref<!tpu.dma_semaphore, #tpu.memory_space<semaphore_mem>>) src(%dma_wait3A_138 : memref<112x128xf32, #tpu.memory_space<hbm>>) dst(%dma_wait3A_135 : memref<112x128xf32, #tpu.memory_space<vmem_shared>>)
        tpu.yield
      }) : () -> ()
    } else {
    }
    %eq3A_16 = arith.constant 1 : i32
    %eq3A_17 = arith.cmpi eq, %arg0, %eq3A_16 : i32
    %convert_element_type3A_18 = arith.extui %eq3A_17 : i1 to i32
    %cond3A_19 = arith.constant 0 : i32
    %cond3A_20 = arith.cmpi ne, %convert_element_type3A_18, %cond3A_19 : i32
    scf.if %cond3A_20 {
      "tpu.region"() ({
        %run_scoped3A = tpu.sem_alloc : memref<!tpu.dma_semaphore, #tpu.memory_space<semaphore_mem>>
        %dma_start3A_124 = arith.constant 0 : i32
        %dma_start3A_125 = tpu.memref_slice %arg12[%mul3A_0, %dma_start3A_124] : memref<10112x128xf32, #tpu.memory_space<vmem_shared>> -> memref<632x128xf32, #tpu.memory_space<vmem_shared>>
        %dma_start3A_126 = arith.constant 0 : i32
        %dma_start3A_127 = tpu.memref_slice %arg5[%mul3A_0, %dma_start3A_126] : memref<10112x128xf32, #tpu.memory_space<hbm>> -> memref<632x128xf32, #tpu.memory_space<hbm>>
        tpu.enqueue_dma source(%dma_start3A_127 : memref<632x128xf32, #tpu.memory_space<hbm>>) target(%dma_start3A_125 : memref<632x128xf32, #tpu.memory_space<vmem_shared>>) target_semaphore(%run_scoped3A : memref<!tpu.dma_semaphore, #tpu.memory_space<semaphore_mem>>)
        %dma_wait3A_128 = arith.constant 0 : i32
        %dma_wait3A_129 = tpu.memref_slice %arg12[%mul3A_0, %dma_wait3A_128] : memref<10112x128xf32, #tpu.memory_space<vmem_shared>> -> memref<632x128xf32, #tpu.memory_space<vmem_shared>>
        %dma_wait3A_130 = arith.constant 0 : i32
        %dma_wait3A_131 = tpu.memref_slice %arg5[%mul3A_0, %dma_wait3A_130] : memref<10112x128xf32, #tpu.memory_space<hbm>> -> memref<632x128xf32, #tpu.memory_space<hbm>>
        tpu.wait_dma2 semaphore(%run_scoped3A : memref<!tpu.dma_semaphore, #tpu.memory_space<semaphore_mem>>) src(%dma_wait3A_131 : memref<632x128xf32, #tpu.memory_space<hbm>>) dst(%dma_wait3A_129 : memref<632x128xf32, #tpu.memory_space<vmem_shared>>)
        tpu.yield
      }) : () -> ()
    } else {
    }
    %barrier3A = arith.constant 0 : index
    tpu.barrier barrier_id(%barrier3A)
    %dma_start3A = arith.constant 0 : i32
    %dma_start3A_21 = arith.constant 0 : i32
    %dma_start3A_22 = tpu.memref_slice %arg7[%dma_start3A, %dma_start3A_21] : memref<24x112xi32, #tpu.memory_space<vmem>> -> memref<12x112xi32, #tpu.memory_space<vmem>>
    %dma_start3A_23 = arith.constant 0 : i32
    %dma_start3A_24 = arith.constant 0 : i32
    %dma_start3A_25 = tpu.memref_slice %arg3[%mul3A_4, %dma_start3A_23, %dma_start3A_24] : memref<256x12x112xi32, #tpu.memory_space<hbm>> -> memref<1x12x112xi32, #tpu.memory_space<hbm>>
    %dma_start3A_26 = tpu.memref_squeeze %dma_start3A_25 : memref<1x12x112xi32, #tpu.memory_space<hbm>> -> memref<12x112xi32, #tpu.memory_space<hbm>>
    %dma_start3A_27 = arith.constant 0 : i32
    %dma_start3A_28 = arith.constant 0 : i32
    %dma_start3A_29 = tpu.memref_slice %arg7[%dma_start3A_27, %dma_start3A_28] : memref<24x112xi32, #tpu.memory_space<vmem>> -> memref<12x112xi32, #tpu.memory_space<vmem>>
    %dma_start3A_30 = arith.constant 0 : i32
    %dma_start3A_31 = arith.constant 0 : i32
    %dma_start3A_32 = tpu.memref_slice %arg3[%mul3A_4, %dma_start3A_30, %dma_start3A_31] : memref<256x12x112xi32, #tpu.memory_space<hbm>> -> memref<1x12x112xi32, #tpu.memory_space<hbm>>
    %dma_start3A_33 = tpu.memref_squeeze %dma_start3A_32 : memref<1x12x112xi32, #tpu.memory_space<hbm>> -> memref<12x112xi32, #tpu.memory_space<hbm>>
    tpu.enqueue_dma source(%dma_start3A_33 : memref<12x112xi32, #tpu.memory_space<hbm>>) target(%dma_start3A_29 : memref<12x112xi32, #tpu.memory_space<vmem>>) target_semaphore(%arg13 : memref<!tpu.dma_semaphore, #tpu.memory_space<semaphore_mem>>)
    %dma_start3A_34 = arith.constant 12 : i32
    %dma_start3A_35 = arith.constant 0 : i32
    %dma_start3A_36 = tpu.memref_slice %arg7[%dma_start3A_34, %dma_start3A_35] : memref<24x112xi32, #tpu.memory_space<vmem>> -> memref<12x112xi32, #tpu.memory_space<vmem>>
    %dma_start3A_37 = arith.constant 0 : i32
    %dma_start3A_38 = arith.constant 0 : i32
    %dma_start3A_39 = tpu.memref_slice %arg4[%mul3A_4, %dma_start3A_37, %dma_start3A_38] : memref<256x12x112xi32, #tpu.memory_space<hbm>> -> memref<1x12x112xi32, #tpu.memory_space<hbm>>
    %dma_start3A_40 = tpu.memref_squeeze %dma_start3A_39 : memref<1x12x112xi32, #tpu.memory_space<hbm>> -> memref<12x112xi32, #tpu.memory_space<hbm>>
    %dma_start3A_41 = arith.constant 12 : i32
    %dma_start3A_42 = arith.constant 0 : i32
    %dma_start3A_43 = tpu.memref_slice %arg7[%dma_start3A_41, %dma_start3A_42] : memref<24x112xi32, #tpu.memory_space<vmem>> -> memref<12x112xi32, #tpu.memory_space<vmem>>
    %dma_start3A_44 = arith.constant 0 : i32
    %dma_start3A_45 = arith.constant 0 : i32
    %dma_start3A_46 = tpu.memref_slice %arg4[%mul3A_4, %dma_start3A_44, %dma_start3A_45] : memref<256x12x112xi32, #tpu.memory_space<hbm>> -> memref<1x12x112xi32, #tpu.memory_space<hbm>>
    %dma_start3A_47 = tpu.memref_squeeze %dma_start3A_46 : memref<1x12x112xi32, #tpu.memory_space<hbm>> -> memref<12x112xi32, #tpu.memory_space<hbm>>
    tpu.enqueue_dma source(%dma_start3A_47 : memref<12x112xi32, #tpu.memory_space<hbm>>) target(%dma_start3A_43 : memref<12x112xi32, #tpu.memory_space<vmem>>) target_semaphore(%arg13 : memref<!tpu.dma_semaphore, #tpu.memory_space<semaphore_mem>>)
    %dma_wait3A = arith.constant 0 : i32
    %dma_wait3A_48 = arith.constant 0 : i32
    %dma_wait3A_49 = tpu.memref_slice %arg7[%dma_wait3A, %dma_wait3A_48] : memref<24x112xi32, #tpu.memory_space<vmem>> -> memref<12x112xi32, #tpu.memory_space<vmem>>
    %dma_wait3A_50 = arith.constant 0 : i32
    %dma_wait3A_51 = arith.constant 0 : i32
    %dma_wait3A_52 = tpu.memref_slice %arg3[%mul3A_4, %dma_wait3A_50, %dma_wait3A_51] : memref<256x12x112xi32, #tpu.memory_space<hbm>> -> memref<1x12x112xi32, #tpu.memory_space<hbm>>
    %dma_wait3A_53 = tpu.memref_squeeze %dma_wait3A_52 : memref<1x12x112xi32, #tpu.memory_space<hbm>> -> memref<12x112xi32, #tpu.memory_space<hbm>>
    %dma_wait3A_54 = arith.constant 0 : i32
    %dma_wait3A_55 = arith.constant 0 : i32
    %dma_wait3A_56 = tpu.memref_slice %arg7[%dma_wait3A_54, %dma_wait3A_55] : memref<24x112xi32, #tpu.memory_space<vmem>> -> memref<12x112xi32, #tpu.memory_space<vmem>>
    %dma_wait3A_57 = arith.constant 0 : i32
    %dma_wait3A_58 = arith.constant 0 : i32
    %dma_wait3A_59 = tpu.memref_slice %arg3[%mul3A_4, %dma_wait3A_57, %dma_wait3A_58] : memref<256x12x112xi32, #tpu.memory_space<hbm>> -> memref<1x12x112xi32, #tpu.memory_space<hbm>>
    %dma_wait3A_60 = tpu.memref_squeeze %dma_wait3A_59 : memref<1x12x112xi32, #tpu.memory_space<hbm>> -> memref<12x112xi32, #tpu.memory_space<hbm>>
    tpu.wait_dma2 semaphore(%arg13 : memref<!tpu.dma_semaphore, #tpu.memory_space<semaphore_mem>>) src(%dma_wait3A_60 : memref<12x112xi32, #tpu.memory_space<hbm>>) dst(%dma_wait3A_56 : memref<12x112xi32, #tpu.memory_space<vmem>>)
    %dma_wait3A_61 = arith.constant 12 : i32
    %dma_wait3A_62 = arith.constant 0 : i32
    %dma_wait3A_63 = tpu.memref_slice %arg7[%dma_wait3A_61, %dma_wait3A_62] : memref<24x112xi32, #tpu.memory_space<vmem>> -> memref<12x112xi32, #tpu.memory_space<vmem>>
    %dma_wait3A_64 = arith.constant 0 : i32
    %dma_wait3A_65 = arith.constant 0 : i32
    %dma_wait3A_66 = tpu.memref_slice %arg4[%mul3A_4, %dma_wait3A_64, %dma_wait3A_65] : memref<256x12x112xi32, #tpu.memory_space<hbm>> -> memref<1x12x112xi32, #tpu.memory_space<hbm>>
    %dma_wait3A_67 = tpu.memref_squeeze %dma_wait3A_66 : memref<1x12x112xi32, #tpu.memory_space<hbm>> -> memref<12x112xi32, #tpu.memory_space<hbm>>
    %dma_wait3A_68 = arith.constant 12 : i32
    %dma_wait3A_69 = arith.constant 0 : i32
    %dma_wait3A_70 = tpu.memref_slice %arg7[%dma_wait3A_68, %dma_wait3A_69] : memref<24x112xi32, #tpu.memory_space<vmem>> -> memref<12x112xi32, #tpu.memory_space<vmem>>
    %dma_wait3A_71 = arith.constant 0 : i32
    %dma_wait3A_72 = arith.constant 0 : i32
    %dma_wait3A_73 = tpu.memref_slice %arg4[%mul3A_4, %dma_wait3A_71, %dma_wait3A_72] : memref<256x12x112xi32, #tpu.memory_space<hbm>> -> memref<1x12x112xi32, #tpu.memory_space<hbm>>
    %dma_wait3A_74 = tpu.memref_squeeze %dma_wait3A_73 : memref<1x12x112xi32, #tpu.memory_space<hbm>> -> memref<12x112xi32, #tpu.memory_space<hbm>>
    tpu.wait_dma2 semaphore(%arg13 : memref<!tpu.dma_semaphore, #tpu.memory_space<semaphore_mem>>) src(%dma_wait3A_74 : memref<12x112xi32, #tpu.memory_space<hbm>>) dst(%dma_wait3A_70 : memref<12x112xi32, #tpu.memory_space<vmem>>)
    %add3A_75 = arith.constant 1 : i32
    %add3A_76 = arith.addi %mul3A_4, %add3A_75 : i32
    %dma_start3A_77 = arith.constant 0 : i32
    %dma_start3A_78 = arith.constant 0 : i32
    %dma_start3A_79 = tpu.memref_slice %arg8[%dma_start3A_77, %dma_start3A_78] : memref<24x112xi32, #tpu.memory_space<vmem>> -> memref<12x112xi32, #tpu.memory_space<vmem>>
    %dma_start3A_80 = arith.constant 0 : i32
    %dma_start3A_81 = arith.constant 0 : i32
    %dma_start3A_82 = tpu.memref_slice %arg3[%add3A_76, %dma_start3A_80, %dma_start3A_81] : memref<256x12x112xi32, #tpu.memory_space<hbm>> -> memref<1x12x112xi32, #tpu.memory_space<hbm>>
    %dma_start3A_83 = tpu.memref_squeeze %dma_start3A_82 : memref<1x12x112xi32, #tpu.memory_space<hbm>> -> memref<12x112xi32, #tpu.memory_space<hbm>>
    %dma_start3A_84 = arith.constant 0 : i32
    %dma_start3A_85 = arith.constant 0 : i32
    %dma_start3A_86 = tpu.memref_slice %arg8[%dma_start3A_84, %dma_start3A_85] : memref<24x112xi32, #tpu.memory_space<vmem>> -> memref<12x112xi32, #tpu.memory_space<vmem>>
    %dma_start3A_87 = arith.constant 0 : i32
    %dma_start3A_88 = arith.constant 0 : i32
    %dma_start3A_89 = tpu.memref_slice %arg3[%add3A_76, %dma_start3A_87, %dma_start3A_88] : memref<256x12x112xi32, #tpu.memory_space<hbm>> -> memref<1x12x112xi32, #tpu.memory_space<hbm>>
    %dma_start3A_90 = tpu.memref_squeeze %dma_start3A_89 : memref<1x12x112xi32, #tpu.memory_space<hbm>> -> memref<12x112xi32, #tpu.memory_space<hbm>>
    tpu.enqueue_dma source(%dma_start3A_90 : memref<12x112xi32, #tpu.memory_space<hbm>>) target(%dma_start3A_86 : memref<12x112xi32, #tpu.memory_space<vmem>>) target_semaphore(%arg14 : memref<!tpu.dma_semaphore, #tpu.memory_space<semaphore_mem>>)
    %dma_start3A_91 = arith.constant 12 : i32
    %dma_start3A_92 = arith.constant 0 : i32
    %dma_start3A_93 = tpu.memref_slice %arg8[%dma_start3A_91, %dma_start3A_92] : memref<24x112xi32, #tpu.memory_space<vmem>> -> memref<12x112xi32, #tpu.memory_space<vmem>>
    %dma_start3A_94 = arith.constant 0 : i32
    %dma_start3A_95 = arith.constant 0 : i32
    %dma_start3A_96 = tpu.memref_slice %arg4[%add3A_76, %dma_start3A_94, %dma_start3A_95] : memref<256x12x112xi32, #tpu.memory_space<hbm>> -> memref<1x12x112xi32, #tpu.memory_space<hbm>>
    %dma_start3A_97 = tpu.memref_squeeze %dma_start3A_96 : memref<1x12x112xi32, #tpu.memory_space<hbm>> -> memref<12x112xi32, #tpu.memory_space<hbm>>
    %dma_start3A_98 = arith.constant 12 : i32
    %dma_start3A_99 = arith.constant 0 : i32
    %dma_start3A_100 = tpu.memref_slice %arg8[%dma_start3A_98, %dma_start3A_99] : memref<24x112xi32, #tpu.memory_space<vmem>> -> memref<12x112xi32, #tpu.memory_space<vmem>>
    %dma_start3A_101 = arith.constant 0 : i32
    %dma_start3A_102 = arith.constant 0 : i32
    %dma_start3A_103 = tpu.memref_slice %arg4[%add3A_76, %dma_start3A_101, %dma_start3A_102] : memref<256x12x112xi32, #tpu.memory_space<hbm>> -> memref<1x12x112xi32, #tpu.memory_space<hbm>>
    %dma_start3A_104 = tpu.memref_squeeze %dma_start3A_103 : memref<1x12x112xi32, #tpu.memory_space<hbm>> -> memref<12x112xi32, #tpu.memory_space<hbm>>
    tpu.enqueue_dma source(%dma_start3A_104 : memref<12x112xi32, #tpu.memory_space<hbm>>) target(%dma_start3A_100 : memref<12x112xi32, #tpu.memory_space<vmem>>) target_semaphore(%arg14 : memref<!tpu.dma_semaphore, #tpu.memory_space<semaphore_mem>>)
    %dma_start3A_105 = arith.constant 0 : i32
    %dma_start3A_106 = arith.constant 0 : i32
    %dma_start3A_107 = tpu.memref_slice %arg7[%dma_start3A_105, %dma_start3A_106] : memref<24x112xi32, #tpu.memory_space<vmem>> -> memref<1x112xi32, #tpu.memory_space<vmem>>
    %dma_start3A_108 = tpu.memref_squeeze %dma_start3A_107 : memref<1x112xi32, #tpu.memory_space<vmem>> -> memref<112xi32, #tpu.memory_space<vmem>>
    %dma_start3A_109 = arith.constant 0 : i32
    %dma_start3A_110 = arith.constant 0 : i32
    %dma_start3A_111 = tpu.memref_slice %arg2[%dma_start3A_109, %dma_start3A_110] : memref<10000x128xf32, #tpu.memory_space<hbm>> -> memref<10000x128xf32, #tpu.memory_space<hbm>>
    tpu.enqueue_indirect_dma source(%dma_start3A_111 : memref<10000x128xf32, #tpu.memory_space<hbm>>) target(%arg9 : memref<112x128xf32, #tpu.memory_space<vmem>>) offsets(%dma_start3A_108 : memref<112xi32, #tpu.memory_space<vmem>>) semaphore(%arg15 : memref<!tpu.dma_semaphore, #tpu.memory_space<semaphore_mem>>)
    %dma_start3A_112 = arith.constant 1 : i32
    %dma_start3A_113 = arith.constant 0 : i32
    %dma_start3A_114 = tpu.memref_slice %arg7[%dma_start3A_112, %dma_start3A_113] : memref<24x112xi32, #tpu.memory_space<vmem>> -> memref<1x112xi32, #tpu.memory_space<vmem>>
    %dma_start3A_115 = tpu.memref_squeeze %dma_start3A_114 : memref<1x112xi32, #tpu.memory_space<vmem>> -> memref<112xi32, #tpu.memory_space<vmem>>
    %dma_start3A_116 = arith.constant 0 : i32
    %dma_start3A_117 = arith.constant 0 : i32
    %dma_start3A_118 = tpu.memref_slice %arg2[%dma_start3A_116, %dma_start3A_117] : memref<10000x128xf32, #tpu.memory_space<hbm>> -> memref<10000x128xf32, #tpu.memory_space<hbm>>
    tpu.enqueue_indirect_dma source(%dma_start3A_118 : memref<10000x128xf32, #tpu.memory_space<hbm>>) target(%arg10 : memref<112x128xf32, #tpu.memory_space<vmem>>) offsets(%dma_start3A_115 : memref<112xi32, #tpu.memory_space<vmem>>) semaphore(%arg16 : memref<!tpu.dma_semaphore, #tpu.memory_space<semaphore_mem>>)
    %scan3A = arith.constant 0 : i32
    %scan3A_119 = arith.constant 4 : i32
    %scan3A_120 = arith.addi %scan3A, %scan3A_119 : i32
    %scan3A_121 = arith.constant 1 : i32
    scf.for %scan3A_124 = %scan3A to %scan3A_120 step %scan3A_121  : i32 {
      %mul3A_125 = arith.constant 2 : i32
      %mul3A_126 = arith.muli %scan3A_124, %mul3A_125 : i32
      %add3A_127 = arith.constant 0 : i32
      %add3A_128 = arith.addi %add3A_127, %mul3A_126 : i32
      %add3A_129 = arith.addi %mul3A_4, %add3A_128 : i32
      %add3A_130 = arith.constant 1 : i32
      %add3A_131 = arith.addi %add3A_129, %add3A_130 : i32
      %dma_wait3A_132 = arith.constant 0 : i32
      %dma_wait3A_133 = arith.constant 0 : i32
      %dma_wait3A_134 = tpu.memref_slice %arg8[%dma_wait3A_132, %dma_wait3A_133] : memref<24x112xi32, #tpu.memory_space<vmem>> -> memref<12x112xi32, #tpu.memory_space<vmem>>
      %dma_wait3A_135 = arith.constant 0 : i32
      %dma_wait3A_136 = arith.constant 0 : i32
      %dma_wait3A_137 = tpu.memref_slice %arg3[%add3A_131, %dma_wait3A_135, %dma_wait3A_136] : memref<256x12x112xi32, #tpu.memory_space<hbm>> -> memref<1x12x112xi32, #tpu.memory_space<hbm>>
      %dma_wait3A_138 = tpu.memref_squeeze %dma_wait3A_137 : memref<1x12x112xi32, #tpu.memory_space<hbm>> -> memref<12x112xi32, #tpu.memory_space<hbm>>
      %dma_wait3A_139 = arith.constant 0 : i32
      %dma_wait3A_140 = arith.constant 0 : i32
      %dma_wait3A_141 = tpu.memref_slice %arg8[%dma_wait3A_139, %dma_wait3A_140] : memref<24x112xi32, #tpu.memory_space<vmem>> -> memref<12x112xi32, #tpu.memory_space<vmem>>
      %dma_wait3A_142 = arith.constant 0 : i32
      %dma_wait3A_143 = arith.constant 0 : i32
      %dma_wait3A_144 = tpu.memref_slice %arg3[%add3A_131, %dma_wait3A_142, %dma_wait3A_143] : memref<256x12x112xi32, #tpu.memory_space<hbm>> -> memref<1x12x112xi32, #tpu.memory_space<hbm>>
      %dma_wait3A_145 = tpu.memref_squeeze %dma_wait3A_144 : memref<1x12x112xi32, #tpu.memory_space<hbm>> -> memref<12x112xi32, #tpu.memory_space<hbm>>
      tpu.wait_dma2 semaphore(%arg14 : memref<!tpu.dma_semaphore, #tpu.memory_space<semaphore_mem>>) src(%dma_wait3A_145 : memref<12x112xi32, #tpu.memory_space<hbm>>) dst(%dma_wait3A_141 : memref<12x112xi32, #tpu.memory_space<vmem>>)
      %dma_wait3A_146 = arith.constant 12 : i32
      %dma_wait3A_147 = arith.constant 0 : i32
      %dma_wait3A_148 = tpu.memref_slice %arg8[%dma_wait3A_146, %dma_wait3A_147] : memref<24x112xi32, #tpu.memory_space<vmem>> -> memref<12x112xi32, #tpu.memory_space<vmem>>
      %dma_wait3A_149 = arith.constant 0 : i32
      %dma_wait3A_150 = arith.constant 0 : i32
      %dma_wait3A_151 = tpu.memref_slice %arg4[%add3A_131, %dma_wait3A_149, %dma_wait3A_150] : memref<256x12x112xi32, #tpu.memory_space<hbm>> -> memref<1x12x112xi32, #tpu.memory_space<hbm>>
      %dma_wait3A_152 = tpu.memref_squeeze %dma_wait3A_151 : memref<1x12x112xi32, #tpu.memory_space<hbm>> -> memref<12x112xi32, #tpu.memory_space<hbm>>
      %dma_wait3A_153 = arith.constant 12 : i32
      %dma_wait3A_154 = arith.constant 0 : i32
      %dma_wait3A_155 = tpu.memref_slice %arg8[%dma_wait3A_153, %dma_wait3A_154] : memref<24x112xi32, #tpu.memory_space<vmem>> -> memref<12x112xi32, #tpu.memory_space<vmem>>
      %dma_wait3A_156 = arith.constant 0 : i32
      %dma_wait3A_157 = arith.constant 0 : i32
      %dma_wait3A_158 = tpu.memref_slice %arg4[%add3A_131, %dma_wait3A_156, %dma_wait3A_157] : memref<256x12x112xi32, #tpu.memory_space<hbm>> -> memref<1x12x112xi32, #tpu.memory_space<hbm>>
      %dma_wait3A_159 = tpu.memref_squeeze %dma_wait3A_158 : memref<1x12x112xi32, #tpu.memory_space<hbm>> -> memref<12x112xi32, #tpu.memory_space<hbm>>
      tpu.wait_dma2 semaphore(%arg14 : memref<!tpu.dma_semaphore, #tpu.memory_space<semaphore_mem>>) src(%dma_wait3A_159 : memref<12x112xi32, #tpu.memory_space<hbm>>) dst(%dma_wait3A_155 : memref<12x112xi32, #tpu.memory_space<vmem>>)
      %scan3A_160 = arith.constant 0 : i32
      %scan3A_161 = arith.constant 4 : i32
      %scan3A_162 = arith.addi %scan3A_160, %scan3A_161 : i32
      %scan3A_163 = arith.constant 1 : i32
      scf.for %scan3A_188 = %scan3A_160 to %scan3A_162 step %scan3A_163  : i32 {
        %mul3A_189 = arith.constant 3 : i32
        %mul3A_190 = arith.muli %scan3A_188, %mul3A_189 : i32
        %add3A_191 = arith.constant 0 : i32
        %add3A_192 = arith.addi %add3A_191, %mul3A_190 : i32
        %dma_wait3A_193 = arith.constant 0 : i32
        %dma_wait3A_194 = tpu.memref_slice %arg7[%add3A_192, %dma_wait3A_193] : memref<24x112xi32, #tpu.memory_space<vmem>> -> memref<1x112xi32, #tpu.memory_space<vmem>>
        %dma_wait3A_195 = tpu.memref_squeeze %dma_wait3A_194 : memref<1x112xi32, #tpu.memory_space<vmem>> -> memref<112xi32, #tpu.memory_space<vmem>>
        %dma_wait3A_196 = arith.constant 0 : i32
        %dma_wait3A_197 = arith.constant 0 : i32
        %dma_wait3A_198 = tpu.memref_slice %arg2[%dma_wait3A_196, %dma_wait3A_197] : memref<10000x128xf32, #tpu.memory_space<hbm>> -> memref<10000x128xf32, #tpu.memory_space<hbm>>
        tpu.wait_indirect_dma semaphore(%arg15 : memref<!tpu.dma_semaphore, #tpu.memory_space<semaphore_mem>>) src(%dma_wait3A_198 : memref<10000x128xf32, #tpu.memory_space<hbm>>) dst(%arg9 : memref<112x128xf32, #tpu.memory_space<vmem>>)
        %add3A_199 = arith.constant 2 : i32
        %add3A_200 = arith.addi %add3A_192, %add3A_199 : i32
        %dma_start3A_201 = arith.constant 0 : i32
        %dma_start3A_202 = tpu.memref_slice %arg7[%add3A_200, %dma_start3A_201] : memref<24x112xi32, #tpu.memory_space<vmem>> -> memref<1x112xi32, #tpu.memory_space<vmem>>
        %dma_start3A_203 = tpu.memref_squeeze %dma_start3A_202 : memref<1x112xi32, #tpu.memory_space<vmem>> -> memref<112xi32, #tpu.memory_space<vmem>>
        %dma_start3A_204 = arith.constant 0 : i32
        %dma_start3A_205 = arith.constant 0 : i32
        %dma_start3A_206 = tpu.memref_slice %arg2[%dma_start3A_204, %dma_start3A_205] : memref<10000x128xf32, #tpu.memory_space<hbm>> -> memref<10000x128xf32, #tpu.memory_space<hbm>>
        tpu.enqueue_indirect_dma source(%dma_start3A_206 : memref<10000x128xf32, #tpu.memory_space<hbm>>) target(%arg11 : memref<112x128xf32, #tpu.memory_space<vmem>>) offsets(%dma_start3A_203 : memref<112xi32, #tpu.memory_space<vmem>>) semaphore(%arg17 : memref<!tpu.dma_semaphore, #tpu.memory_space<semaphore_mem>>)
        %add3A_207 = arith.constant 12 : i32
        %add3A_208 = arith.addi %add3A_207, %add3A_192 : i32
        "tpu.region"() ({
          %run_scoped3A = tpu.sem_alloc : memref<!tpu.dma_semaphore, #tpu.memory_space<semaphore_mem>>
          %dma_start3A_264 = arith.constant 0 : i32
          %dma_start3A_265 = tpu.memref_slice %arg7[%add3A_208, %dma_start3A_264] : memref<24x112xi32, #tpu.memory_space<vmem>> -> memref<1x112xi32, #tpu.memory_space<vmem>>
          %dma_start3A_266 = tpu.memref_squeeze %dma_start3A_265 : memref<1x112xi32, #tpu.memory_space<vmem>> -> memref<112xi32, #tpu.memory_space<vmem>>
          %dma_start3A_267 = arith.constant 0 : i32
          %dma_start3A_268 = arith.constant 0 : i32
          %dma_start3A_269 = tpu.memref_slice %arg12[%dma_start3A_267, %dma_start3A_268] : memref<10112x128xf32, #tpu.memory_space<vmem_shared>> -> memref<10112x128xf32, #tpu.memory_space<vmem_shared>>
          tpu.enqueue_indirect_dma source(%arg9 : memref<112x128xf32, #tpu.memory_space<vmem>>) target(%dma_start3A_269 : memref<10112x128xf32, #tpu.memory_space<vmem_shared>>) offsets(%dma_start3A_266 : memref<112xi32, #tpu.memory_space<vmem>>) semaphore(%run_scoped3A : memref<!tpu.dma_semaphore, #tpu.memory_space<semaphore_mem>>) {add = true}
          %dma_wait3A_270 = arith.constant 0 : i32
          %dma_wait3A_271 = tpu.memref_slice %arg7[%add3A_208, %dma_wait3A_270] : memref<24x112xi32, #tpu.memory_space<vmem>> -> memref<1x112xi32, #tpu.memory_space<vmem>>
          %dma_wait3A_272 = tpu.memref_squeeze %dma_wait3A_271 : memref<1x112xi32, #tpu.memory_space<vmem>> -> memref<112xi32, #tpu.memory_space<vmem>>
          %dma_wait3A_273 = arith.constant 0 : i32
          %dma_wait3A_274 = arith.constant 0 : i32
          %dma_wait3A_275 = tpu.memref_slice %arg12[%dma_wait3A_273, %dma_wait3A_274] : memref<10112x128xf32, #tpu.memory_space<vmem_shared>> -> memref<10112x128xf32, #tpu.memory_space<vmem_shared>>
          tpu.wait_indirect_dma semaphore(%run_scoped3A : memref<!tpu.dma_semaphore, #tpu.memory_space<semaphore_mem>>) src(%arg9 : memref<112x128xf32, #tpu.memory_space<vmem>>) dst(%dma_wait3A_275 : memref<10112x128xf32, #tpu.memory_space<vmem_shared>>)
          tpu.yield
        }) : () -> ()
        %add3A_209 = arith.constant 1 : i32
        %add3A_210 = arith.addi %add3A_192, %add3A_209 : i32
        %dma_wait3A_211 = arith.constant 0 : i32
        %dma_wait3A_212 = tpu.memref_slice %arg7[%add3A_210, %dma_wait3A_211] : memref<24x112xi32, #tpu.memory_space<vmem>> -> memref<1x112xi32, #tpu.memory_space<vmem>>
        %dma_wait3A_213 = tpu.memref_squeeze %dma_wait3A_212 : memref<1x112xi32, #tpu.memory_space<vmem>> -> memref<112xi32, #tpu.memory_space<vmem>>
        %dma_wait3A_214 = arith.constant 0 : i32
        %dma_wait3A_215 = arith.constant 0 : i32
        %dma_wait3A_216 = tpu.memref_slice %arg2[%dma_wait3A_214, %dma_wait3A_215] : memref<10000x128xf32, #tpu.memory_space<hbm>> -> memref<10000x128xf32, #tpu.memory_space<hbm>>
        tpu.wait_indirect_dma semaphore(%arg16 : memref<!tpu.dma_semaphore, #tpu.memory_space<semaphore_mem>>) src(%dma_wait3A_216 : memref<10000x128xf32, #tpu.memory_space<hbm>>) dst(%arg10 : memref<112x128xf32, #tpu.memory_space<vmem>>)
        %add3A_217 = arith.constant 3 : i32
        %add3A_218 = arith.addi %add3A_192, %add3A_217 : i32
        %lt3A_219 = arith.constant 12 : i32
        %lt3A_220 = arith.cmpi slt, %add3A_218, %lt3A_219 : i32
        %convert_element_type3A_221 = arith.extui %lt3A_220 : i1 to i32
        %cond3A_222 = arith.constant 0 : i32
        %cond3A_223 = arith.cmpi ne, %convert_element_type3A_221, %cond3A_222 : i32
        scf.if %cond3A_223 {
          %add3A_264 = arith.constant 3 : i32
          %add3A_265 = arith.addi %add3A_192, %add3A_264 : i32
          %dma_start3A_266 = arith.constant 0 : i32
          %dma_start3A_267 = tpu.memref_slice %arg7[%add3A_265, %dma_start3A_266] : memref<24x112xi32, #tpu.memory_space<vmem>> -> memref<1x112xi32, #tpu.memory_space<vmem>>
          %dma_start3A_268 = tpu.memref_squeeze %dma_start3A_267 : memref<1x112xi32, #tpu.memory_space<vmem>> -> memref<112xi32, #tpu.memory_space<vmem>>
          %dma_start3A_269 = arith.constant 0 : i32
          %dma_start3A_270 = arith.constant 0 : i32
          %dma_start3A_271 = tpu.memref_slice %arg2[%dma_start3A_269, %dma_start3A_270] : memref<10000x128xf32, #tpu.memory_space<hbm>> -> memref<10000x128xf32, #tpu.memory_space<hbm>>
          tpu.enqueue_indirect_dma source(%dma_start3A_271 : memref<10000x128xf32, #tpu.memory_space<hbm>>) target(%arg9 : memref<112x128xf32, #tpu.memory_space<vmem>>) offsets(%dma_start3A_268 : memref<112xi32, #tpu.memory_space<vmem>>) semaphore(%arg15 : memref<!tpu.dma_semaphore, #tpu.memory_space<semaphore_mem>>)
        } else {
        }
        %add3A_224 = arith.constant 3 : i32
        %add3A_225 = arith.addi %add3A_192, %add3A_224 : i32
        %ge3A = arith.constant 12 : i32
        %ge3A_226 = arith.cmpi sge, %add3A_225, %ge3A : i32
        %and3A_227 = arith.constant true
        %and3A_228 = arith.andi %ge3A_226, %and3A_227 : i1
        %convert_element_type3A_229 = arith.extui %and3A_228 : i1 to i32
        %cond3A_230 = arith.constant 0 : i32
        %cond3A_231 = arith.cmpi ne, %convert_element_type3A_229, %cond3A_230 : i32
        scf.if %cond3A_231 {
          %dma_start3A_264 = arith.constant 0 : i32
          %dma_start3A_265 = arith.constant 0 : i32
          %dma_start3A_266 = tpu.memref_slice %arg8[%dma_start3A_264, %dma_start3A_265] : memref<24x112xi32, #tpu.memory_space<vmem>> -> memref<1x112xi32, #tpu.memory_space<vmem>>
          %dma_start3A_267 = tpu.memref_squeeze %dma_start3A_266 : memref<1x112xi32, #tpu.memory_space<vmem>> -> memref<112xi32, #tpu.memory_space<vmem>>
          %dma_start3A_268 = arith.constant 0 : i32
          %dma_start3A_269 = arith.constant 0 : i32
          %dma_start3A_270 = tpu.memref_slice %arg2[%dma_start3A_268, %dma_start3A_269] : memref<10000x128xf32, #tpu.memory_space<hbm>> -> memref<10000x128xf32, #tpu.memory_space<hbm>>
          tpu.enqueue_indirect_dma source(%dma_start3A_270 : memref<10000x128xf32, #tpu.memory_space<hbm>>) target(%arg9 : memref<112x128xf32, #tpu.memory_space<vmem>>) offsets(%dma_start3A_267 : memref<112xi32, #tpu.memory_space<vmem>>) semaphore(%arg15 : memref<!tpu.dma_semaphore, #tpu.memory_space<semaphore_mem>>)
        } else {
        }
        %add3A_232 = arith.constant 12 : i32
        %add3A_233 = arith.addi %add3A_232, %add3A_192 : i32
        %add3A_234 = arith.constant 1 : i32
        %add3A_235 = arith.addi %add3A_233, %add3A_234 : i32
        "tpu.region"() ({
          %run_scoped3A = tpu.sem_alloc : memref<!tpu.dma_semaphore, #tpu.memory_space<semaphore_mem>>
          %dma_start3A_264 = arith.constant 0 : i32
          %dma_start3A_265 = tpu.memref_slice %arg7[%add3A_235, %dma_start3A_264] : memref<24x112xi32, #tpu.memory_space<vmem>> -> memref<1x112xi32, #tpu.memory_space<vmem>>
          %dma_start3A_266 = tpu.memref_squeeze %dma_start3A_265 : memref<1x112xi32, #tpu.memory_space<vmem>> -> memref<112xi32, #tpu.memory_space<vmem>>
          %dma_start3A_267 = arith.constant 0 : i32
          %dma_start3A_268 = arith.constant 0 : i32
          %dma_start3A_269 = tpu.memref_slice %arg12[%dma_start3A_267, %dma_start3A_268] : memref<10112x128xf32, #tpu.memory_space<vmem_shared>> -> memref<10112x128xf32, #tpu.memory_space<vmem_shared>>
          tpu.enqueue_indirect_dma source(%arg10 : memref<112x128xf32, #tpu.memory_space<vmem>>) target(%dma_start3A_269 : memref<10112x128xf32, #tpu.memory_space<vmem_shared>>) offsets(%dma_start3A_266 : memref<112xi32, #tpu.memory_space<vmem>>) semaphore(%run_scoped3A : memref<!tpu.dma_semaphore, #tpu.memory_space<semaphore_mem>>) {add = true}
          %dma_wait3A_270 = arith.constant 0 : i32
          %dma_wait3A_271 = tpu.memref_slice %arg7[%add3A_235, %dma_wait3A_270] : memref<24x112xi32, #tpu.memory_space<vmem>> -> memref<1x112xi32, #tpu.memory_space<vmem>>
          %dma_wait3A_272 = tpu.memref_squeeze %dma_wait3A_271 : memref<1x112xi32, #tpu.memory_space<vmem>> -> memref<112xi32, #tpu.memory_space<vmem>>
          %dma_wait3A_273 = arith.constant 0 : i32
          %dma_wait3A_274 = arith.constant 0 : i32
          %dma_wait3A_275 = tpu.memref_slice %arg12[%dma_wait3A_273, %dma_wait3A_274] : memref<10112x128xf32, #tpu.memory_space<vmem_shared>> -> memref<10112x128xf32, #tpu.memory_space<vmem_shared>>
          tpu.wait_indirect_dma semaphore(%run_scoped3A : memref<!tpu.dma_semaphore, #tpu.memory_space<semaphore_mem>>) src(%arg10 : memref<112x128xf32, #tpu.memory_space<vmem>>) dst(%dma_wait3A_275 : memref<10112x128xf32, #tpu.memory_space<vmem_shared>>)
          tpu.yield
        }) : () -> ()
        %add3A_236 = arith.constant 2 : i32
        %add3A_237 = arith.addi %add3A_192, %add3A_236 : i32
        %dma_wait3A_238 = arith.constant 0 : i32
        %dma_wait3A_239 = tpu.memref_slice %arg7[%add3A_237, %dma_wait3A_238] : memref<24x112xi32, #tpu.memory_space<vmem>> -> memref<1x112xi32, #tpu.memory_space<vmem>>
        %dma_wait3A_240 = tpu.memref_squeeze %dma_wait3A_239 : memref<1x112xi32, #tpu.memory_space<vmem>> -> memref<112xi32, #tpu.memory_space<vmem>>
        %dma_wait3A_241 = arith.constant 0 : i32
        %dma_wait3A_242 = arith.constant 0 : i32
        %dma_wait3A_243 = tpu.memref_slice %arg2[%dma_wait3A_241, %dma_wait3A_242] : memref<10000x128xf32, #tpu.memory_space<hbm>> -> memref<10000x128xf32, #tpu.memory_space<hbm>>
        tpu.wait_indirect_dma semaphore(%arg17 : memref<!tpu.dma_semaphore, #tpu.memory_space<semaphore_mem>>) src(%dma_wait3A_243 : memref<10000x128xf32, #tpu.memory_space<hbm>>) dst(%arg11 : memref<112x128xf32, #tpu.memory_space<vmem>>)
        %add3A_244 = arith.constant 4 : i32
        %add3A_245 = arith.addi %add3A_192, %add3A_244 : i32
        %lt3A_246 = arith.constant 12 : i32
        %lt3A_247 = arith.cmpi slt, %add3A_245, %lt3A_246 : i32
        %convert_element_type3A_248 = arith.extui %lt3A_247 : i1 to i32
        %cond3A_249 = arith.constant 0 : i32
        %cond3A_250 = arith.cmpi ne, %convert_element_type3A_248, %cond3A_249 : i32
        scf.if %cond3A_250 {
          %add3A_264 = arith.constant 4 : i32
          %add3A_265 = arith.addi %add3A_192, %add3A_264 : i32
          %dma_start3A_266 = arith.constant 0 : i32
          %dma_start3A_267 = tpu.memref_slice %arg7[%add3A_265, %dma_start3A_266] : memref<24x112xi32, #tpu.memory_space<vmem>> -> memref<1x112xi32, #tpu.memory_space<vmem>>
          %dma_start3A_268 = tpu.memref_squeeze %dma_start3A_267 : memref<1x112xi32, #tpu.memory_space<vmem>> -> memref<112xi32, #tpu.memory_space<vmem>>
          %dma_start3A_269 = arith.constant 0 : i32
          %dma_start3A_270 = arith.constant 0 : i32
          %dma_start3A_271 = tpu.memref_slice %arg2[%dma_start3A_269, %dma_start3A_270] : memref<10000x128xf32, #tpu.memory_space<hbm>> -> memref<10000x128xf32, #tpu.memory_space<hbm>>
          tpu.enqueue_indirect_dma source(%dma_start3A_271 : memref<10000x128xf32, #tpu.memory_space<hbm>>) target(%arg10 : memref<112x128xf32, #tpu.memory_space<vmem>>) offsets(%dma_start3A_268 : memref<112xi32, #tpu.memory_space<vmem>>) semaphore(%arg16 : memref<!tpu.dma_semaphore, #tpu.memory_space<semaphore_mem>>)
        } else {
        }
        %add3A_251 = arith.constant 4 : i32
        %add3A_252 = arith.addi %add3A_192, %add3A_251 : i32
        %ge3A_253 = arith.constant 13 : i32
        %ge3A_254 = arith.cmpi sge, %add3A_252, %ge3A_253 : i32
        %and3A_255 = arith.constant true
        %and3A_256 = arith.andi %ge3A_254, %and3A_255 : i1
        %convert_element_type3A_257 = arith.extui %and3A_256 : i1 to i32
        %cond3A_258 = arith.constant 0 : i32
        %cond3A_259 = arith.cmpi ne, %convert_element_type3A_257, %cond3A_258 : i32
        scf.if %cond3A_259 {
          %dma_start3A_264 = arith.constant 1 : i32
          %dma_start3A_265 = arith.constant 0 : i32
          %dma_start3A_266 = tpu.memref_slice %arg8[%dma_start3A_264, %dma_start3A_265] : memref<24x112xi32, #tpu.memory_space<vmem>> -> memref<1x112xi32, #tpu.memory_space<vmem>>
          %dma_start3A_267 = tpu.memref_squeeze %dma_start3A_266 : memref<1x112xi32, #tpu.memory_space<vmem>> -> memref<112xi32, #tpu.memory_space<vmem>>
          %dma_start3A_268 = arith.constant 0 : i32
          %dma_start3A_269 = arith.constant 0 : i32
          %dma_start3A_270 = tpu.memref_slice %arg2[%dma_start3A_268, %dma_start3A_269] : memref<10000x128xf32, #tpu.memory_space<hbm>> -> memref<10000x128xf32, #tpu.memory_space<hbm>>
          tpu.enqueue_indirect_dma source(%dma_start3A_270 : memref<10000x128xf32, #tpu.memory_space<hbm>>) target(%arg10 : memref<112x128xf32, #tpu.memory_space<vmem>>) offsets(%dma_start3A_267 : memref<112xi32, #tpu.memory_space<vmem>>) semaphore(%arg16 : memref<!tpu.dma_semaphore, #tpu.memory_space<semaphore_mem>>)
        } else {
        }
        %add3A_260 = arith.constant 12 : i32
        %add3A_261 = arith.addi %add3A_260, %add3A_192 : i32
        %add3A_262 = arith.constant 2 : i32
        %add3A_263 = arith.addi %add3A_261, %add3A_262 : i32
        "tpu.region"() ({
          %run_scoped3A = tpu.sem_alloc : memref<!tpu.dma_semaphore, #tpu.memory_space<semaphore_mem>>
          %dma_start3A_264 = arith.constant 0 : i32
          %dma_start3A_265 = tpu.memref_slice %arg7[%add3A_263, %dma_start3A_264] : memref<24x112xi32, #tpu.memory_space<vmem>> -> memref<1x112xi32, #tpu.memory_space<vmem>>
          %dma_start3A_266 = tpu.memref_squeeze %dma_start3A_265 : memref<1x112xi32, #tpu.memory_space<vmem>> -> memref<112xi32, #tpu.memory_space<vmem>>
          %dma_start3A_267 = arith.constant 0 : i32
          %dma_start3A_268 = arith.constant 0 : i32
          %dma_start3A_269 = tpu.memref_slice %arg12[%dma_start3A_267, %dma_start3A_268] : memref<10112x128xf32, #tpu.memory_space<vmem_shared>> -> memref<10112x128xf32, #tpu.memory_space<vmem_shared>>
          tpu.enqueue_indirect_dma source(%arg11 : memref<112x128xf32, #tpu.memory_space<vmem>>) target(%dma_start3A_269 : memref<10112x128xf32, #tpu.memory_space<vmem_shared>>) offsets(%dma_start3A_266 : memref<112xi32, #tpu.memory_space<vmem>>) semaphore(%run_scoped3A : memref<!tpu.dma_semaphore, #tpu.memory_space<semaphore_mem>>) {add = true}
          %dma_wait3A_270 = arith.constant 0 : i32
          %dma_wait3A_271 = tpu.memref_slice %arg7[%add3A_263, %dma_wait3A_270] : memref<24x112xi32, #tpu.memory_space<vmem>> -> memref<1x112xi32, #tpu.memory_space<vmem>>
          %dma_wait3A_272 = tpu.memref_squeeze %dma_wait3A_271 : memref<1x112xi32, #tpu.memory_space<vmem>> -> memref<112xi32, #tpu.memory_space<vmem>>
          %dma_wait3A_273 = arith.constant 0 : i32
          %dma_wait3A_274 = arith.constant 0 : i32
          %dma_wait3A_275 = tpu.memref_slice %arg12[%dma_wait3A_273, %dma_wait3A_274] : memref<10112x128xf32, #tpu.memory_space<vmem_shared>> -> memref<10112x128xf32, #tpu.memory_space<vmem_shared>>
          tpu.wait_indirect_dma semaphore(%run_scoped3A : memref<!tpu.dma_semaphore, #tpu.memory_space<semaphore_mem>>) src(%arg11 : memref<112x128xf32, #tpu.memory_space<vmem>>) dst(%dma_wait3A_275 : memref<10112x128xf32, #tpu.memory_space<vmem_shared>>)
          tpu.yield
        }) : () -> ()
      }
      %scan3A_164 = arith.constant 4 : i32
      %add3A_165 = arith.constant 2 : i32
      %add3A_166 = arith.addi %add3A_128, %add3A_165 : i32
      %lt3A_167 = arith.constant 8 : i32
      %lt3A_168 = arith.cmpi slt, %add3A_166, %lt3A_167 : i32
      %convert_element_type3A_169 = arith.extui %lt3A_168 : i1 to i32
      %cond3A_170 = arith.constant 0 : i32
      %cond3A_171 = arith.cmpi ne, %convert_element_type3A_169, %cond3A_170 : i32
      scf.if %cond3A_171 {
        %add3A_188 = arith.addi %mul3A_4, %add3A_128 : i32
        %add3A_189 = arith.constant 2 : i32
        %add3A_190 = arith.addi %add3A_188, %add3A_189 : i32
        %dma_start3A_191 = arith.constant 0 : i32
        %dma_start3A_192 = arith.constant 0 : i32
        %dma_start3A_193 = tpu.memref_slice %arg7[%dma_start3A_191, %dma_start3A_192] : memref<24x112xi32, #tpu.memory_space<vmem>> -> memref<12x112xi32, #tpu.memory_space<vmem>>
        %dma_start3A_194 = arith.constant 0 : i32
        %dma_start3A_195 = arith.constant 0 : i32
        %dma_start3A_196 = tpu.memref_slice %arg3[%add3A_190, %dma_start3A_194, %dma_start3A_195] : memref<256x12x112xi32, #tpu.memory_space<hbm>> -> memref<1x12x112xi32, #tpu.memory_space<hbm>>
        %dma_start3A_197 = tpu.memref_squeeze %dma_start3A_196 : memref<1x12x112xi32, #tpu.memory_space<hbm>> -> memref<12x112xi32, #tpu.memory_space<hbm>>
        %dma_start3A_198 = arith.constant 0 : i32
        %dma_start3A_199 = arith.constant 0 : i32
        %dma_start3A_200 = tpu.memref_slice %arg7[%dma_start3A_198, %dma_start3A_199] : memref<24x112xi32, #tpu.memory_space<vmem>> -> memref<12x112xi32, #tpu.memory_space<vmem>>
        %dma_start3A_201 = arith.constant 0 : i32
        %dma_start3A_202 = arith.constant 0 : i32
        %dma_start3A_203 = tpu.memref_slice %arg3[%add3A_190, %dma_start3A_201, %dma_start3A_202] : memref<256x12x112xi32, #tpu.memory_space<hbm>> -> memref<1x12x112xi32, #tpu.memory_space<hbm>>
        %dma_start3A_204 = tpu.memref_squeeze %dma_start3A_203 : memref<1x12x112xi32, #tpu.memory_space<hbm>> -> memref<12x112xi32, #tpu.memory_space<hbm>>
        tpu.enqueue_dma source(%dma_start3A_204 : memref<12x112xi32, #tpu.memory_space<hbm>>) target(%dma_start3A_200 : memref<12x112xi32, #tpu.memory_space<vmem>>) target_semaphore(%arg13 : memref<!tpu.dma_semaphore, #tpu.memory_space<semaphore_mem>>)
        %dma_start3A_205 = arith.constant 12 : i32
        %dma_start3A_206 = arith.constant 0 : i32
        %dma_start3A_207 = tpu.memref_slice %arg7[%dma_start3A_205, %dma_start3A_206] : memref<24x112xi32, #tpu.memory_space<vmem>> -> memref<12x112xi32, #tpu.memory_space<vmem>>
        %dma_start3A_208 = arith.constant 0 : i32
        %dma_start3A_209 = arith.constant 0 : i32
        %dma_start3A_210 = tpu.memref_slice %arg4[%add3A_190, %dma_start3A_208, %dma_start3A_209] : memref<256x12x112xi32, #tpu.memory_space<hbm>> -> memref<1x12x112xi32, #tpu.memory_space<hbm>>
        %dma_start3A_211 = tpu.memref_squeeze %dma_start3A_210 : memref<1x12x112xi32, #tpu.memory_space<hbm>> -> memref<12x112xi32, #tpu.memory_space<hbm>>
        %dma_start3A_212 = arith.constant 12 : i32
        %dma_start3A_213 = arith.constant 0 : i32
        %dma_start3A_214 = tpu.memref_slice %arg7[%dma_start3A_212, %dma_start3A_213] : memref<24x112xi32, #tpu.memory_space<vmem>> -> memref<12x112xi32, #tpu.memory_space<vmem>>
        %dma_start3A_215 = arith.constant 0 : i32
        %dma_start3A_216 = arith.constant 0 : i32
        %dma_start3A_217 = tpu.memref_slice %arg4[%add3A_190, %dma_start3A_215, %dma_start3A_216] : memref<256x12x112xi32, #tpu.memory_space<hbm>> -> memref<1x12x112xi32, #tpu.memory_space<hbm>>
        %dma_start3A_218 = tpu.memref_squeeze %dma_start3A_217 : memref<1x12x112xi32, #tpu.memory_space<hbm>> -> memref<12x112xi32, #tpu.memory_space<hbm>>
        tpu.enqueue_dma source(%dma_start3A_218 : memref<12x112xi32, #tpu.memory_space<hbm>>) target(%dma_start3A_214 : memref<12x112xi32, #tpu.memory_space<vmem>>) target_semaphore(%arg13 : memref<!tpu.dma_semaphore, #tpu.memory_space<semaphore_mem>>)
        %add3A_219 = arith.addi %mul3A_4, %add3A_128 : i32
        %add3A_220 = arith.constant 2 : i32
        %add3A_221 = arith.addi %add3A_219, %add3A_220 : i32
        %dma_wait3A_222 = arith.constant 0 : i32
        %dma_wait3A_223 = arith.constant 0 : i32
        %dma_wait3A_224 = tpu.memref_slice %arg7[%dma_wait3A_222, %dma_wait3A_223] : memref<24x112xi32, #tpu.memory_space<vmem>> -> memref<12x112xi32, #tpu.memory_space<vmem>>
        %dma_wait3A_225 = arith.constant 0 : i32
        %dma_wait3A_226 = arith.constant 0 : i32
        %dma_wait3A_227 = tpu.memref_slice %arg3[%add3A_221, %dma_wait3A_225, %dma_wait3A_226] : memref<256x12x112xi32, #tpu.memory_space<hbm>> -> memref<1x12x112xi32, #tpu.memory_space<hbm>>
        %dma_wait3A_228 = tpu.memref_squeeze %dma_wait3A_227 : memref<1x12x112xi32, #tpu.memory_space<hbm>> -> memref<12x112xi32, #tpu.memory_space<hbm>>
        %dma_wait3A_229 = arith.constant 0 : i32
        %dma_wait3A_230 = arith.constant 0 : i32
        %dma_wait3A_231 = tpu.memref_slice %arg7[%dma_wait3A_229, %dma_wait3A_230] : memref<24x112xi32, #tpu.memory_space<vmem>> -> memref<12x112xi32, #tpu.memory_space<vmem>>
        %dma_wait3A_232 = arith.constant 0 : i32
        %dma_wait3A_233 = arith.constant 0 : i32
        %dma_wait3A_234 = tpu.memref_slice %arg3[%add3A_221, %dma_wait3A_232, %dma_wait3A_233] : memref<256x12x112xi32, #tpu.memory_space<hbm>> -> memref<1x12x112xi32, #tpu.memory_space<hbm>>
        %dma_wait3A_235 = tpu.memref_squeeze %dma_wait3A_234 : memref<1x12x112xi32, #tpu.memory_space<hbm>> -> memref<12x112xi32, #tpu.memory_space<hbm>>
        tpu.wait_dma2 semaphore(%arg13 : memref<!tpu.dma_semaphore, #tpu.memory_space<semaphore_mem>>) src(%dma_wait3A_235 : memref<12x112xi32, #tpu.memory_space<hbm>>) dst(%dma_wait3A_231 : memref<12x112xi32, #tpu.memory_space<vmem>>)
        %dma_wait3A_236 = arith.constant 12 : i32
        %dma_wait3A_237 = arith.constant 0 : i32
        %dma_wait3A_238 = tpu.memref_slice %arg7[%dma_wait3A_236, %dma_wait3A_237] : memref<24x112xi32, #tpu.memory_space<vmem>> -> memref<12x112xi32, #tpu.memory_space<vmem>>
        %dma_wait3A_239 = arith.constant 0 : i32
        %dma_wait3A_240 = arith.constant 0 : i32
        %dma_wait3A_241 = tpu.memref_slice %arg4[%add3A_221, %dma_wait3A_239, %dma_wait3A_240] : memref<256x12x112xi32, #tpu.memory_space<hbm>> -> memref<1x12x112xi32, #tpu.memory_space<hbm>>
        %dma_wait3A_242 = tpu.memref_squeeze %dma_wait3A_241 : memref<1x12x112xi32, #tpu.memory_space<hbm>> -> memref<12x112xi32, #tpu.memory_space<hbm>>
        %dma_wait3A_243 = arith.constant 12 : i32
        %dma_wait3A_244 = arith.constant 0 : i32
        %dma_wait3A_245 = tpu.memref_slice %arg7[%dma_wait3A_243, %dma_wait3A_244] : memref<24x112xi32, #tpu.memory_space<vmem>> -> memref<12x112xi32, #tpu.memory_space<vmem>>
        %dma_wait3A_246 = arith.constant 0 : i32
        %dma_wait3A_247 = arith.constant 0 : i32
        %dma_wait3A_248 = tpu.memref_slice %arg4[%add3A_221, %dma_wait3A_246, %dma_wait3A_247] : memref<256x12x112xi32, #tpu.memory_space<hbm>> -> memref<1x12x112xi32, #tpu.memory_space<hbm>>
        %dma_wait3A_249 = tpu.memref_squeeze %dma_wait3A_248 : memref<1x12x112xi32, #tpu.memory_space<hbm>> -> memref<12x112xi32, #tpu.memory_space<hbm>>
        tpu.wait_dma2 semaphore(%arg13 : memref<!tpu.dma_semaphore, #tpu.memory_space<semaphore_mem>>) src(%dma_wait3A_249 : memref<12x112xi32, #tpu.memory_space<hbm>>) dst(%dma_wait3A_245 : memref<12x112xi32, #tpu.memory_space<vmem>>)
      } else {
      }
      %add3A_172 = arith.constant 2 : i32
      %add3A_173 = arith.addi %add3A_128, %add3A_172 : i32
      %lt3A_174 = arith.constant 8 : i32
      %lt3A_175 = arith.cmpi slt, %add3A_173, %lt3A_174 : i32
      %scan3A_176 = arith.constant 0 : i32
      %scan3A_177 = arith.constant 4 : i32
      %scan3A_178 = arith.addi %scan3A_176, %scan3A_177 : i32
      %scan3A_179 = arith.constant 1 : i32
      scf.for %scan3A_188 = %scan3A_176 to %scan3A_178 step %scan3A_179  : i32 {
        %mul3A_189 = arith.constant 3 : i32
        %mul3A_190 = arith.muli %scan3A_188, %mul3A_189 : i32
        %add3A_191 = arith.constant 0 : i32
        %add3A_192 = arith.addi %add3A_191, %mul3A_190 : i32
        %dma_wait3A_193 = arith.constant 0 : i32
        %dma_wait3A_194 = tpu.memref_slice %arg8[%add3A_192, %dma_wait3A_193] : memref<24x112xi32, #tpu.memory_space<vmem>> -> memref<1x112xi32, #tpu.memory_space<vmem>>
        %dma_wait3A_195 = tpu.memref_squeeze %dma_wait3A_194 : memref<1x112xi32, #tpu.memory_space<vmem>> -> memref<112xi32, #tpu.memory_space<vmem>>
        %dma_wait3A_196 = arith.constant 0 : i32
        %dma_wait3A_197 = arith.constant 0 : i32
        %dma_wait3A_198 = tpu.memref_slice %arg2[%dma_wait3A_196, %dma_wait3A_197] : memref<10000x128xf32, #tpu.memory_space<hbm>> -> memref<10000x128xf32, #tpu.memory_space<hbm>>
        tpu.wait_indirect_dma semaphore(%arg15 : memref<!tpu.dma_semaphore, #tpu.memory_space<semaphore_mem>>) src(%dma_wait3A_198 : memref<10000x128xf32, #tpu.memory_space<hbm>>) dst(%arg9 : memref<112x128xf32, #tpu.memory_space<vmem>>)
        %add3A_199 = arith.constant 2 : i32
        %add3A_200 = arith.addi %add3A_192, %add3A_199 : i32
        %dma_start3A_201 = arith.constant 0 : i32
        %dma_start3A_202 = tpu.memref_slice %arg8[%add3A_200, %dma_start3A_201] : memref<24x112xi32, #tpu.memory_space<vmem>> -> memref<1x112xi32, #tpu.memory_space<vmem>>
        %dma_start3A_203 = tpu.memref_squeeze %dma_start3A_202 : memref<1x112xi32, #tpu.memory_space<vmem>> -> memref<112xi32, #tpu.memory_space<vmem>>
        %dma_start3A_204 = arith.constant 0 : i32
        %dma_start3A_205 = arith.constant 0 : i32
        %dma_start3A_206 = tpu.memref_slice %arg2[%dma_start3A_204, %dma_start3A_205] : memref<10000x128xf32, #tpu.memory_space<hbm>> -> memref<10000x128xf32, #tpu.memory_space<hbm>>
        tpu.enqueue_indirect_dma source(%dma_start3A_206 : memref<10000x128xf32, #tpu.memory_space<hbm>>) target(%arg11 : memref<112x128xf32, #tpu.memory_space<vmem>>) offsets(%dma_start3A_203 : memref<112xi32, #tpu.memory_space<vmem>>) semaphore(%arg17 : memref<!tpu.dma_semaphore, #tpu.memory_space<semaphore_mem>>)
        %add3A_207 = arith.constant 12 : i32
        %add3A_208 = arith.addi %add3A_207, %add3A_192 : i32
        "tpu.region"() ({
          %run_scoped3A = tpu.sem_alloc : memref<!tpu.dma_semaphore, #tpu.memory_space<semaphore_mem>>
          %dma_start3A_262 = arith.constant 0 : i32
          %dma_start3A_263 = tpu.memref_slice %arg8[%add3A_208, %dma_start3A_262] : memref<24x112xi32, #tpu.memory_space<vmem>> -> memref<1x112xi32, #tpu.memory_space<vmem>>
          %dma_start3A_264 = tpu.memref_squeeze %dma_start3A_263 : memref<1x112xi32, #tpu.memory_space<vmem>> -> memref<112xi32, #tpu.memory_space<vmem>>
          %dma_start3A_265 = arith.constant 0 : i32
          %dma_start3A_266 = arith.constant 0 : i32
          %dma_start3A_267 = tpu.memref_slice %arg12[%dma_start3A_265, %dma_start3A_266] : memref<10112x128xf32, #tpu.memory_space<vmem_shared>> -> memref<10112x128xf32, #tpu.memory_space<vmem_shared>>
          tpu.enqueue_indirect_dma source(%arg9 : memref<112x128xf32, #tpu.memory_space<vmem>>) target(%dma_start3A_267 : memref<10112x128xf32, #tpu.memory_space<vmem_shared>>) offsets(%dma_start3A_264 : memref<112xi32, #tpu.memory_space<vmem>>) semaphore(%run_scoped3A : memref<!tpu.dma_semaphore, #tpu.memory_space<semaphore_mem>>) {add = true}
          %dma_wait3A_268 = arith.constant 0 : i32
          %dma_wait3A_269 = tpu.memref_slice %arg8[%add3A_208, %dma_wait3A_268] : memref<24x112xi32, #tpu.memory_space<vmem>> -> memref<1x112xi32, #tpu.memory_space<vmem>>
          %dma_wait3A_270 = tpu.memref_squeeze %dma_wait3A_269 : memref<1x112xi32, #tpu.memory_space<vmem>> -> memref<112xi32, #tpu.memory_space<vmem>>
          %dma_wait3A_271 = arith.constant 0 : i32
          %dma_wait3A_272 = arith.constant 0 : i32
          %dma_wait3A_273 = tpu.memref_slice %arg12[%dma_wait3A_271, %dma_wait3A_272] : memref<10112x128xf32, #tpu.memory_space<vmem_shared>> -> memref<10112x128xf32, #tpu.memory_space<vmem_shared>>
          tpu.wait_indirect_dma semaphore(%run_scoped3A : memref<!tpu.dma_semaphore, #tpu.memory_space<semaphore_mem>>) src(%arg9 : memref<112x128xf32, #tpu.memory_space<vmem>>) dst(%dma_wait3A_273 : memref<10112x128xf32, #tpu.memory_space<vmem_shared>>)
          tpu.yield
        }) : () -> ()
        %add3A_209 = arith.constant 1 : i32
        %add3A_210 = arith.addi %add3A_192, %add3A_209 : i32
        %dma_wait3A_211 = arith.constant 0 : i32
        %dma_wait3A_212 = tpu.memref_slice %arg8[%add3A_210, %dma_wait3A_211] : memref<24x112xi32, #tpu.memory_space<vmem>> -> memref<1x112xi32, #tpu.memory_space<vmem>>
        %dma_wait3A_213 = tpu.memref_squeeze %dma_wait3A_212 : memref<1x112xi32, #tpu.memory_space<vmem>> -> memref<112xi32, #tpu.memory_space<vmem>>
        %dma_wait3A_214 = arith.constant 0 : i32
        %dma_wait3A_215 = arith.constant 0 : i32
        %dma_wait3A_216 = tpu.memref_slice %arg2[%dma_wait3A_214, %dma_wait3A_215] : memref<10000x128xf32, #tpu.memory_space<hbm>> -> memref<10000x128xf32, #tpu.memory_space<hbm>>
        tpu.wait_indirect_dma semaphore(%arg16 : memref<!tpu.dma_semaphore, #tpu.memory_space<semaphore_mem>>) src(%dma_wait3A_216 : memref<10000x128xf32, #tpu.memory_space<hbm>>) dst(%arg10 : memref<112x128xf32, #tpu.memory_space<vmem>>)
        %add3A_217 = arith.constant 3 : i32
        %add3A_218 = arith.addi %add3A_192, %add3A_217 : i32
        %lt3A_219 = arith.constant 12 : i32
        %lt3A_220 = arith.cmpi slt, %add3A_218, %lt3A_219 : i32
        %convert_element_type3A_221 = arith.extui %lt3A_220 : i1 to i32
        %cond3A_222 = arith.constant 0 : i32
        %cond3A_223 = arith.cmpi ne, %convert_element_type3A_221, %cond3A_222 : i32
        scf.if %cond3A_223 {
          %add3A_262 = arith.constant 3 : i32
          %add3A_263 = arith.addi %add3A_192, %add3A_262 : i32
          %dma_start3A_264 = arith.constant 0 : i32
          %dma_start3A_265 = tpu.memref_slice %arg8[%add3A_263, %dma_start3A_264] : memref<24x112xi32, #tpu.memory_space<vmem>> -> memref<1x112xi32, #tpu.memory_space<vmem>>
          %dma_start3A_266 = tpu.memref_squeeze %dma_start3A_265 : memref<1x112xi32, #tpu.memory_space<vmem>> -> memref<112xi32, #tpu.memory_space<vmem>>
          %dma_start3A_267 = arith.constant 0 : i32
          %dma_start3A_268 = arith.constant 0 : i32
          %dma_start3A_269 = tpu.memref_slice %arg2[%dma_start3A_267, %dma_start3A_268] : memref<10000x128xf32, #tpu.memory_space<hbm>> -> memref<10000x128xf32, #tpu.memory_space<hbm>>
          tpu.enqueue_indirect_dma source(%dma_start3A_269 : memref<10000x128xf32, #tpu.memory_space<hbm>>) target(%arg9 : memref<112x128xf32, #tpu.memory_space<vmem>>) offsets(%dma_start3A_266 : memref<112xi32, #tpu.memory_space<vmem>>) semaphore(%arg15 : memref<!tpu.dma_semaphore, #tpu.memory_space<semaphore_mem>>)
        } else {
        }
        %add3A_224 = arith.constant 3 : i32
        %add3A_225 = arith.addi %add3A_192, %add3A_224 : i32
        %ge3A = arith.constant 12 : i32
        %ge3A_226 = arith.cmpi sge, %add3A_225, %ge3A : i32
        %and3A_227 = arith.andi %ge3A_226, %lt3A_175 : i1
        %convert_element_type3A_228 = arith.extui %and3A_227 : i1 to i32
        %cond3A_229 = arith.constant 0 : i32
        %cond3A_230 = arith.cmpi ne, %convert_element_type3A_228, %cond3A_229 : i32
        scf.if %cond3A_230 {
          %dma_start3A_262 = arith.constant 0 : i32
          %dma_start3A_263 = arith.constant 0 : i32
          %dma_start3A_264 = tpu.memref_slice %arg7[%dma_start3A_262, %dma_start3A_263] : memref<24x112xi32, #tpu.memory_space<vmem>> -> memref<1x112xi32, #tpu.memory_space<vmem>>
          %dma_start3A_265 = tpu.memref_squeeze %dma_start3A_264 : memref<1x112xi32, #tpu.memory_space<vmem>> -> memref<112xi32, #tpu.memory_space<vmem>>
          %dma_start3A_266 = arith.constant 0 : i32
          %dma_start3A_267 = arith.constant 0 : i32
          %dma_start3A_268 = tpu.memref_slice %arg2[%dma_start3A_266, %dma_start3A_267] : memref<10000x128xf32, #tpu.memory_space<hbm>> -> memref<10000x128xf32, #tpu.memory_space<hbm>>
          tpu.enqueue_indirect_dma source(%dma_start3A_268 : memref<10000x128xf32, #tpu.memory_space<hbm>>) target(%arg9 : memref<112x128xf32, #tpu.memory_space<vmem>>) offsets(%dma_start3A_265 : memref<112xi32, #tpu.memory_space<vmem>>) semaphore(%arg15 : memref<!tpu.dma_semaphore, #tpu.memory_space<semaphore_mem>>)
        } else {
        }
        %add3A_231 = arith.constant 12 : i32
        %add3A_232 = arith.addi %add3A_231, %add3A_192 : i32
        %add3A_233 = arith.constant 1 : i32
        %add3A_234 = arith.addi %add3A_232, %add3A_233 : i32
        "tpu.region"() ({
          %run_scoped3A = tpu.sem_alloc : memref<!tpu.dma_semaphore, #tpu.memory_space<semaphore_mem>>
          %dma_start3A_262 = arith.constant 0 : i32
          %dma_start3A_263 = tpu.memref_slice %arg8[%add3A_234, %dma_start3A_262] : memref<24x112xi32, #tpu.memory_space<vmem>> -> memref<1x112xi32, #tpu.memory_space<vmem>>
          %dma_start3A_264 = tpu.memref_squeeze %dma_start3A_263 : memref<1x112xi32, #tpu.memory_space<vmem>> -> memref<112xi32, #tpu.memory_space<vmem>>
          %dma_start3A_265 = arith.constant 0 : i32
          %dma_start3A_266 = arith.constant 0 : i32
          %dma_start3A_267 = tpu.memref_slice %arg12[%dma_start3A_265, %dma_start3A_266] : memref<10112x128xf32, #tpu.memory_space<vmem_shared>> -> memref<10112x128xf32, #tpu.memory_space<vmem_shared>>
          tpu.enqueue_indirect_dma source(%arg10 : memref<112x128xf32, #tpu.memory_space<vmem>>) target(%dma_start3A_267 : memref<10112x128xf32, #tpu.memory_space<vmem_shared>>) offsets(%dma_start3A_264 : memref<112xi32, #tpu.memory_space<vmem>>) semaphore(%run_scoped3A : memref<!tpu.dma_semaphore, #tpu.memory_space<semaphore_mem>>) {add = true}
          %dma_wait3A_268 = arith.constant 0 : i32
          %dma_wait3A_269 = tpu.memref_slice %arg8[%add3A_234, %dma_wait3A_268] : memref<24x112xi32, #tpu.memory_space<vmem>> -> memref<1x112xi32, #tpu.memory_space<vmem>>
          %dma_wait3A_270 = tpu.memref_squeeze %dma_wait3A_269 : memref<1x112xi32, #tpu.memory_space<vmem>> -> memref<112xi32, #tpu.memory_space<vmem>>
          %dma_wait3A_271 = arith.constant 0 : i32
          %dma_wait3A_272 = arith.constant 0 : i32
          %dma_wait3A_273 = tpu.memref_slice %arg12[%dma_wait3A_271, %dma_wait3A_272] : memref<10112x128xf32, #tpu.memory_space<vmem_shared>> -> memref<10112x128xf32, #tpu.memory_space<vmem_shared>>
          tpu.wait_indirect_dma semaphore(%run_scoped3A : memref<!tpu.dma_semaphore, #tpu.memory_space<semaphore_mem>>) src(%arg10 : memref<112x128xf32, #tpu.memory_space<vmem>>) dst(%dma_wait3A_273 : memref<10112x128xf32, #tpu.memory_space<vmem_shared>>)
          tpu.yield
        }) : () -> ()
        %add3A_235 = arith.constant 2 : i32
        %add3A_236 = arith.addi %add3A_192, %add3A_235 : i32
        %dma_wait3A_237 = arith.constant 0 : i32
        %dma_wait3A_238 = tpu.memref_slice %arg8[%add3A_236, %dma_wait3A_237] : memref<24x112xi32, #tpu.memory_space<vmem>> -> memref<1x112xi32, #tpu.memory_space<vmem>>
        %dma_wait3A_239 = tpu.memref_squeeze %dma_wait3A_238 : memref<1x112xi32, #tpu.memory_space<vmem>> -> memref<112xi32, #tpu.memory_space<vmem>>
        %dma_wait3A_240 = arith.constant 0 : i32
        %dma_wait3A_241 = arith.constant 0 : i32
        %dma_wait3A_242 = tpu.memref_slice %arg2[%dma_wait3A_240, %dma_wait3A_241] : memref<10000x128xf32, #tpu.memory_space<hbm>> -> memref<10000x128xf32, #tpu.memory_space<hbm>>
        tpu.wait_indirect_dma semaphore(%arg17 : memref<!tpu.dma_semaphore, #tpu.memory_space<semaphore_mem>>) src(%dma_wait3A_242 : memref<10000x128xf32, #tpu.memory_space<hbm>>) dst(%arg11 : memref<112x128xf32, #tpu.memory_space<vmem>>)
        %add3A_243 = arith.constant 4 : i32
        %add3A_244 = arith.addi %add3A_192, %add3A_243 : i32
        %lt3A_245 = arith.constant 12 : i32
        %lt3A_246 = arith.cmpi slt, %add3A_244, %lt3A_245 : i32
        %convert_element_type3A_247 = arith.extui %lt3A_246 : i1 to i32
        %cond3A_248 = arith.constant 0 : i32
        %cond3A_249 = arith.cmpi ne, %convert_element_type3A_247, %cond3A_248 : i32
        scf.if %cond3A_249 {
          %add3A_262 = arith.constant 4 : i32
          %add3A_263 = arith.addi %add3A_192, %add3A_262 : i32
          %dma_start3A_264 = arith.constant 0 : i32
          %dma_start3A_265 = tpu.memref_slice %arg8[%add3A_263, %dma_start3A_264] : memref<24x112xi32, #tpu.memory_space<vmem>> -> memref<1x112xi32, #tpu.memory_space<vmem>>
          %dma_start3A_266 = tpu.memref_squeeze %dma_start3A_265 : memref<1x112xi32, #tpu.memory_space<vmem>> -> memref<112xi32, #tpu.memory_space<vmem>>
          %dma_start3A_267 = arith.constant 0 : i32
          %dma_start3A_268 = arith.constant 0 : i32
          %dma_start3A_269 = tpu.memref_slice %arg2[%dma_start3A_267, %dma_start3A_268] : memref<10000x128xf32, #tpu.memory_space<hbm>> -> memref<10000x128xf32, #tpu.memory_space<hbm>>
          tpu.enqueue_indirect_dma source(%dma_start3A_269 : memref<10000x128xf32, #tpu.memory_space<hbm>>) target(%arg10 : memref<112x128xf32, #tpu.memory_space<vmem>>) offsets(%dma_start3A_266 : memref<112xi32, #tpu.memory_space<vmem>>) semaphore(%arg16 : memref<!tpu.dma_semaphore, #tpu.memory_space<semaphore_mem>>)
        } else {
        }
        %add3A_250 = arith.constant 4 : i32
        %add3A_251 = arith.addi %add3A_192, %add3A_250 : i32
        %ge3A_252 = arith.constant 13 : i32
        %ge3A_253 = arith.cmpi sge, %add3A_251, %ge3A_252 : i32
        %and3A_254 = arith.andi %ge3A_253, %lt3A_175 : i1
        %convert_element_type3A_255 = arith.extui %and3A_254 : i1 to i32
        %cond3A_256 = arith.constant 0 : i32
        %cond3A_257 = arith.cmpi ne, %convert_element_type3A_255, %cond3A_256 : i32
        scf.if %cond3A_257 {
          %dma_start3A_262 = arith.constant 1 : i32
          %dma_start3A_263 = arith.constant 0 : i32
          %dma_start3A_264 = tpu.memref_slice %arg7[%dma_start3A_262, %dma_start3A_263] : memref<24x112xi32, #tpu.memory_space<vmem>> -> memref<1x112xi32, #tpu.memory_space<vmem>>
          %dma_start3A_265 = tpu.memref_squeeze %dma_start3A_264 : memref<1x112xi32, #tpu.memory_space<vmem>> -> memref<112xi32, #tpu.memory_space<vmem>>
          %dma_start3A_266 = arith.constant 0 : i32
          %dma_start3A_267 = arith.constant 0 : i32
          %dma_start3A_268 = tpu.memref_slice %arg2[%dma_start3A_266, %dma_start3A_267] : memref<10000x128xf32, #tpu.memory_space<hbm>> -> memref<10000x128xf32, #tpu.memory_space<hbm>>
          tpu.enqueue_indirect_dma source(%dma_start3A_268 : memref<10000x128xf32, #tpu.memory_space<hbm>>) target(%arg10 : memref<112x128xf32, #tpu.memory_space<vmem>>) offsets(%dma_start3A_265 : memref<112xi32, #tpu.memory_space<vmem>>) semaphore(%arg16 : memref<!tpu.dma_semaphore, #tpu.memory_space<semaphore_mem>>)
        } else {
        }
        %add3A_258 = arith.constant 12 : i32
        %add3A_259 = arith.addi %add3A_258, %add3A_192 : i32
        %add3A_260 = arith.constant 2 : i32
        %add3A_261 = arith.addi %add3A_259, %add3A_260 : i32
        "tpu.region"() ({
          %run_scoped3A = tpu.sem_alloc : memref<!tpu.dma_semaphore, #tpu.memory_space<semaphore_mem>>
          %dma_start3A_262 = arith.constant 0 : i32
          %dma_start3A_263 = tpu.memref_slice %arg8[%add3A_261, %dma_start3A_262] : memref<24x112xi32, #tpu.memory_space<vmem>> -> memref<1x112xi32, #tpu.memory_space<vmem>>
          %dma_start3A_264 = tpu.memref_squeeze %dma_start3A_263 : memref<1x112xi32, #tpu.memory_space<vmem>> -> memref<112xi32, #tpu.memory_space<vmem>>
          %dma_start3A_265 = arith.constant 0 : i32
          %dma_start3A_266 = arith.constant 0 : i32
          %dma_start3A_267 = tpu.memref_slice %arg12[%dma_start3A_265, %dma_start3A_266] : memref<10112x128xf32, #tpu.memory_space<vmem_shared>> -> memref<10112x128xf32, #tpu.memory_space<vmem_shared>>
          tpu.enqueue_indirect_dma source(%arg11 : memref<112x128xf32, #tpu.memory_space<vmem>>) target(%dma_start3A_267 : memref<10112x128xf32, #tpu.memory_space<vmem_shared>>) offsets(%dma_start3A_264 : memref<112xi32, #tpu.memory_space<vmem>>) semaphore(%run_scoped3A : memref<!tpu.dma_semaphore, #tpu.memory_space<semaphore_mem>>) {add = true}
          %dma_wait3A_268 = arith.constant 0 : i32
          %dma_wait3A_269 = tpu.memref_slice %arg8[%add3A_261, %dma_wait3A_268] : memref<24x112xi32, #tpu.memory_space<vmem>> -> memref<1x112xi32, #tpu.memory_space<vmem>>
          %dma_wait3A_270 = tpu.memref_squeeze %dma_wait3A_269 : memref<1x112xi32, #tpu.memory_space<vmem>> -> memref<112xi32, #tpu.memory_space<vmem>>
          %dma_wait3A_271 = arith.constant 0 : i32
          %dma_wait3A_272 = arith.constant 0 : i32
          %dma_wait3A_273 = tpu.memref_slice %arg12[%dma_wait3A_271, %dma_wait3A_272] : memref<10112x128xf32, #tpu.memory_space<vmem_shared>> -> memref<10112x128xf32, #tpu.memory_space<vmem_shared>>
          tpu.wait_indirect_dma semaphore(%run_scoped3A : memref<!tpu.dma_semaphore, #tpu.memory_space<semaphore_mem>>) src(%arg11 : memref<112x128xf32, #tpu.memory_space<vmem>>) dst(%dma_wait3A_273 : memref<10112x128xf32, #tpu.memory_space<vmem_shared>>)
          tpu.yield
        }) : () -> ()
      }
      %scan3A_180 = arith.constant 4 : i32
      %add3A_181 = arith.constant 3 : i32
      %add3A_182 = arith.addi %add3A_128, %add3A_181 : i32
      %lt3A_183 = arith.constant 8 : i32
      %lt3A_184 = arith.cmpi slt, %add3A_182, %lt3A_183 : i32
      %convert_element_type3A_185 = arith.extui %lt3A_184 : i1 to i32
      %cond3A_186 = arith.constant 0 : i32
      %cond3A_187 = arith.cmpi ne, %convert_element_type3A_185, %cond3A_186 : i32
      scf.if %cond3A_187 {
        %add3A_188 = arith.addi %mul3A_4, %add3A_128 : i32
        %add3A_189 = arith.constant 3 : i32
        %add3A_190 = arith.addi %add3A_188, %add3A_189 : i32
        %dma_start3A_191 = arith.constant 0 : i32
        %dma_start3A_192 = arith.constant 0 : i32
        %dma_start3A_193 = tpu.memref_slice %arg8[%dma_start3A_191, %dma_start3A_192] : memref<24x112xi32, #tpu.memory_space<vmem>> -> memref<12x112xi32, #tpu.memory_space<vmem>>
        %dma_start3A_194 = arith.constant 0 : i32
        %dma_start3A_195 = arith.constant 0 : i32
        %dma_start3A_196 = tpu.memref_slice %arg3[%add3A_190, %dma_start3A_194, %dma_start3A_195] : memref<256x12x112xi32, #tpu.memory_space<hbm>> -> memref<1x12x112xi32, #tpu.memory_space<hbm>>
        %dma_start3A_197 = tpu.memref_squeeze %dma_start3A_196 : memref<1x12x112xi32, #tpu.memory_space<hbm>> -> memref<12x112xi32, #tpu.memory_space<hbm>>
        %dma_start3A_198 = arith.constant 0 : i32
        %dma_start3A_199 = arith.constant 0 : i32
        %dma_start3A_200 = tpu.memref_slice %arg8[%dma_start3A_198, %dma_start3A_199] : memref<24x112xi32, #tpu.memory_space<vmem>> -> memref<12x112xi32, #tpu.memory_space<vmem>>
        %dma_start3A_201 = arith.constant 0 : i32
        %dma_start3A_202 = arith.constant 0 : i32
        %dma_start3A_203 = tpu.memref_slice %arg3[%add3A_190, %dma_start3A_201, %dma_start3A_202] : memref<256x12x112xi32, #tpu.memory_space<hbm>> -> memref<1x12x112xi32, #tpu.memory_space<hbm>>
        %dma_start3A_204 = tpu.memref_squeeze %dma_start3A_203 : memref<1x12x112xi32, #tpu.memory_space<hbm>> -> memref<12x112xi32, #tpu.memory_space<hbm>>
        tpu.enqueue_dma source(%dma_start3A_204 : memref<12x112xi32, #tpu.memory_space<hbm>>) target(%dma_start3A_200 : memref<12x112xi32, #tpu.memory_space<vmem>>) target_semaphore(%arg14 : memref<!tpu.dma_semaphore, #tpu.memory_space<semaphore_mem>>)
        %dma_start3A_205 = arith.constant 12 : i32
        %dma_start3A_206 = arith.constant 0 : i32
        %dma_start3A_207 = tpu.memref_slice %arg8[%dma_start3A_205, %dma_start3A_206] : memref<24x112xi32, #tpu.memory_space<vmem>> -> memref<12x112xi32, #tpu.memory_space<vmem>>
        %dma_start3A_208 = arith.constant 0 : i32
        %dma_start3A_209 = arith.constant 0 : i32
        %dma_start3A_210 = tpu.memref_slice %arg4[%add3A_190, %dma_start3A_208, %dma_start3A_209] : memref<256x12x112xi32, #tpu.memory_space<hbm>> -> memref<1x12x112xi32, #tpu.memory_space<hbm>>
        %dma_start3A_211 = tpu.memref_squeeze %dma_start3A_210 : memref<1x12x112xi32, #tpu.memory_space<hbm>> -> memref<12x112xi32, #tpu.memory_space<hbm>>
        %dma_start3A_212 = arith.constant 12 : i32
        %dma_start3A_213 = arith.constant 0 : i32
        %dma_start3A_214 = tpu.memref_slice %arg8[%dma_start3A_212, %dma_start3A_213] : memref<24x112xi32, #tpu.memory_space<vmem>> -> memref<12x112xi32, #tpu.memory_space<vmem>>
        %dma_start3A_215 = arith.constant 0 : i32
        %dma_start3A_216 = arith.constant 0 : i32
        %dma_start3A_217 = tpu.memref_slice %arg4[%add3A_190, %dma_start3A_215, %dma_start3A_216] : memref<256x12x112xi32, #tpu.memory_space<hbm>> -> memref<1x12x112xi32, #tpu.memory_space<hbm>>
        %dma_start3A_218 = tpu.memref_squeeze %dma_start3A_217 : memref<1x12x112xi32, #tpu.memory_space<hbm>> -> memref<12x112xi32, #tpu.memory_space<hbm>>
        tpu.enqueue_dma source(%dma_start3A_218 : memref<12x112xi32, #tpu.memory_space<hbm>>) target(%dma_start3A_214 : memref<12x112xi32, #tpu.memory_space<vmem>>) target_semaphore(%arg14 : memref<!tpu.dma_semaphore, #tpu.memory_space<semaphore_mem>>)
      } else {
      }
    }
    %scan3A_122 = arith.constant 4 : i32
    %barrier3A_123 = arith.constant 0 : index
    tpu.barrier barrier_id(%barrier3A_123)
    "tpu.region"() ({
      %run_scoped3A = tpu.sem_alloc : memref<!tpu.dma_semaphore, #tpu.memory_space<semaphore_mem>>
      %dma_start3A_124 = arith.constant 0 : i32
      %dma_start3A_125 = tpu.memref_slice %arg6[%arg0, %mul3A_0, %dma_start3A_124] : memref<2x10112x128xf32, #tpu.memory_space<hbm>> -> memref<1x632x128xf32, #tpu.memory_space<hbm>>
      %dma_start3A_126 = tpu.memref_squeeze %dma_start3A_125 : memref<1x632x128xf32, #tpu.memory_space<hbm>> -> memref<632x128xf32, #tpu.memory_space<hbm>>
      %dma_start3A_127 = arith.constant 0 : i32
      %dma_start3A_128 = tpu.memref_slice %arg12[%mul3A_0, %dma_start3A_127] : memref<10112x128xf32, #tpu.memory_space<vmem_shared>> -> memref<632x128xf32, #tpu.memory_space<vmem_shared>>
      tpu.enqueue_dma source(%dma_start3A_128 : memref<632x128xf32, #tpu.memory_space<vmem_shared>>) target(%dma_start3A_126 : memref<632x128xf32, #tpu.memory_space<hbm>>) target_semaphore(%run_scoped3A : memref<!tpu.dma_semaphore, #tpu.memory_space<semaphore_mem>>)
      %dma_wait3A_129 = arith.constant 0 : i32
      %dma_wait3A_130 = tpu.memref_slice %arg6[%arg0, %mul3A_0, %dma_wait3A_129] : memref<2x10112x128xf32, #tpu.memory_space<hbm>> -> memref<1x632x128xf32, #tpu.memory_space<hbm>>
      %dma_wait3A_131 = tpu.memref_squeeze %dma_wait3A_130 : memref<1x632x128xf32, #tpu.memory_space<hbm>> -> memref<632x128xf32, #tpu.memory_space<hbm>>
      %dma_wait3A_132 = arith.constant 0 : i32
      %dma_wait3A_133 = tpu.memref_slice %arg12[%mul3A_0, %dma_wait3A_132] : memref<10112x128xf32, #tpu.memory_space<vmem_shared>> -> memref<632x128xf32, #tpu.memory_space<vmem_shared>>
      tpu.wait_dma2 semaphore(%run_scoped3A : memref<!tpu.dma_semaphore, #tpu.memory_space<semaphore_mem>>) src(%dma_wait3A_133 : memref<632x128xf32, #tpu.memory_space<vmem_shared>>) dst(%dma_wait3A_131 : memref<632x128xf32, #tpu.memory_space<hbm>>)
      tpu.yield
    }) : () -> ()
    return
  }
}

#map = affine_map<(d0, d1) -> (0, 0)>
#map1 = affine_map<(d0, d1) -> (0, 0, 0)>
module attributes {stable_mosaic.version = 14 : i64} {
  func.func @_msg_body(%arg0: i32, %arg1: i32, %arg2: memref<10000x128xf32, #tpu.memory_space<hbm>>, %arg3: memref<256x12x112xi32, #tpu.memory_space<hbm>>, %arg4: memref<256x12x112xi32, #tpu.memory_space<hbm>>, %arg5: memref<10112x128xf32, #tpu.memory_space<hbm>>, %arg6: memref<2x10112x128xf32, #tpu.memory_space<hbm>>, %arg7: memref<24x112xi32, #tpu.memory_space<vmem>>, %arg8: memref<24x112xi32, #tpu.memory_space<vmem>>, %arg9: memref<112x128xf32, #tpu.memory_space<vmem>>, %arg10: memref<112x128xf32, #tpu.memory_space<vmem>>, %arg11: memref<112x128xf32, #tpu.memory_space<vmem>>, %arg12: memref<10112x128xf32, #tpu.memory_space<vmem_shared>>, %arg13: memref<!tpu.dma_semaphore, #tpu.memory_space<semaphore_mem>>, %arg14: memref<!tpu.dma_semaphore, #tpu.memory_space<semaphore_mem>>, %arg15: memref<!tpu.dma_semaphore, #tpu.memory_space<semaphore_mem>>, %arg16: memref<!tpu.dma_semaphore, #tpu.memory_space<semaphore_mem>>, %arg17: memref<!tpu.dma_semaphore, #tpu.memory_space<semaphore_mem>>) attributes {dimension_semantics = [#tpu.dimension_semantics<core_parallel>, #tpu.dimension_semantics<subcore_parallel>], iteration_bounds = array<i64: 2, 16>, scalar_prefetch = 0 : i64, scratch_operands = 11 : i64, tpu.core_type = #tpu.core_type<sc_vector_subcore>, window_params = [{transform_indices = #map}, {transform_indices = #map1}, {transform_indices = #map1}, {transform_indices = #map}, {transform_indices = #map1}]} {
    %mul3A = arith.constant 632 : i32
    %mul3A_0 = arith.muli %arg1, %mul3A : i32
    %mul3A_1 = arith.constant 16 : i32
    %mul3A_2 = arith.muli %arg0, %mul3A_1 : i32
    %add3A = arith.addi %mul3A_2, %arg1 : i32
    %mul3A_3 = arith.constant 8 : i32
    %mul3A_4 = arith.muli %add3A, %mul3A_3 : i32
    %eq3A = arith.constant 0 : i32
    %eq3A_5 = arith.cmpi eq, %arg0, %eq3A : i32
    %lt3A = arith.constant 15 : i32
    %lt3A_6 = arith.cmpi slt, %arg1, %lt3A : i32
    %and3A = arith.andi %eq3A_5, %lt3A_6 : i1
    %convert_element_type3A = arith.extui %and3A : i1 to i32
    %cond3A = arith.constant 0 : i32
    %cond3A_7 = arith.cmpi ne, %convert_element_type3A, %cond3A : i32
    scf.if %cond3A_7 {
      "tpu.region"() ({
        %run_scoped3A = tpu.sem_alloc : memref<!tpu.dma_semaphore, #tpu.memory_space<semaphore_mem>>
        %dma_start3A_124 = arith.constant 0 : i32
        %dma_start3A_125 = tpu.memref_slice %arg12[%mul3A_0, %dma_start3A_124] : memref<10112x128xf32, #tpu.memory_space<vmem_shared>> -> memref<632x128xf32, #tpu.memory_space<vmem_shared>>
        %dma_start3A_126 = arith.constant 0 : i32
        %dma_start3A_127 = tpu.memref_slice %arg2[%mul3A_0, %dma_start3A_126] : memref<10000x128xf32, #tpu.memory_space<hbm>> -> memref<632x128xf32, #tpu.memory_space<hbm>>
        tpu.enqueue_dma source(%dma_start3A_127 : memref<632x128xf32, #tpu.memory_space<hbm>>) target(%dma_start3A_125 : memref<632x128xf32, #tpu.memory_space<vmem_shared>>) target_semaphore(%run_scoped3A : memref<!tpu.dma_semaphore, #tpu.memory_space<semaphore_mem>>)
        %dma_wait3A_128 = arith.constant 0 : i32
        %dma_wait3A_129 = tpu.memref_slice %arg12[%mul3A_0, %dma_wait3A_128] : memref<10112x128xf32, #tpu.memory_space<vmem_shared>> -> memref<632x128xf32, #tpu.memory_space<vmem_shared>>
        %dma_wait3A_130 = arith.constant 0 : i32
        %dma_wait3A_131 = tpu.memref_slice %arg2[%mul3A_0, %dma_wait3A_130] : memref<10000x128xf32, #tpu.memory_space<hbm>> -> memref<632x128xf32, #tpu.memory_space<hbm>>
        tpu.wait_dma2 semaphore(%run_scoped3A : memref<!tpu.dma_semaphore, #tpu.memory_space<semaphore_mem>>) src(%dma_wait3A_131 : memref<632x128xf32, #tpu.memory_space<hbm>>) dst(%dma_wait3A_129 : memref<632x128xf32, #tpu.memory_space<vmem_shared>>)
        tpu.yield
      }) : () -> ()
    } else {
    }
    %eq3A_8 = arith.constant 0 : i32
    %eq3A_9 = arith.cmpi eq, %arg0, %eq3A_8 : i32
    %eq3A_10 = arith.constant 15 : i32
    %eq3A_11 = arith.cmpi eq, %arg1, %eq3A_10 : i32
    %and3A_12 = arith.andi %eq3A_9, %eq3A_11 : i1
    %convert_element_type3A_13 = arith.extui %and3A_12 : i1 to i32
    %cond3A_14 = arith.constant 0 : i32
    %cond3A_15 = arith.cmpi ne, %convert_element_type3A_13, %cond3A_14 : i32
    scf.if %cond3A_15 {
      %sub3A = arith.constant 10000 : i32
      %sub3A_124 = arith.subi %sub3A, %mul3A_0 : i32
      %sub3A_125 = arith.constant 10000 : i32
      %sub3A_126 = arith.subi %sub3A_125, %mul3A_0 : i32
      "tpu.region"() ({
        %run_scoped3A = tpu.sem_alloc : memref<!tpu.dma_semaphore, #tpu.memory_space<semaphore_mem>>
        %dma_start3A_127 = arith.constant 0 : i32
        %dma_start3A_128 = tpu.memref_slice %arg12[%mul3A_0, %dma_start3A_127] <%sub3A_126> : memref<10112x128xf32, #tpu.memory_space<vmem_shared>> -> memref<?x128xf32, #tpu.memory_space<vmem_shared>>
        %dma_start3A_129 = arith.constant 0 : i32
        %dma_start3A_130 = tpu.memref_slice %arg2[%mul3A_0, %dma_start3A_129] <%sub3A_124> : memref<10000x128xf32, #tpu.memory_space<hbm>> -> memref<?x128xf32, #tpu.memory_space<hbm>>
        tpu.enqueue_dma source(%dma_start3A_130 : memref<?x128xf32, #tpu.memory_space<hbm>>) target(%dma_start3A_128 : memref<?x128xf32, #tpu.memory_space<vmem_shared>>) target_semaphore(%run_scoped3A : memref<!tpu.dma_semaphore, #tpu.memory_space<semaphore_mem>>)
        %dma_wait3A_131 = arith.constant 0 : i32
        %dma_wait3A_132 = tpu.memref_slice %arg12[%mul3A_0, %dma_wait3A_131] <%sub3A_126> : memref<10112x128xf32, #tpu.memory_space<vmem_shared>> -> memref<?x128xf32, #tpu.memory_space<vmem_shared>>
        %dma_wait3A_133 = arith.constant 0 : i32
        %dma_wait3A_134 = tpu.memref_slice %arg2[%mul3A_0, %dma_wait3A_133] <%sub3A_124> : memref<10000x128xf32, #tpu.memory_space<hbm>> -> memref<?x128xf32, #tpu.memory_space<hbm>>
        tpu.wait_dma2 semaphore(%run_scoped3A : memref<!tpu.dma_semaphore, #tpu.memory_space<semaphore_mem>>) src(%dma_wait3A_134 : memref<?x128xf32, #tpu.memory_space<hbm>>) dst(%dma_wait3A_132 : memref<?x128xf32, #tpu.memory_space<vmem_shared>>)
        tpu.yield
      }) : () -> ()
      "tpu.region"() ({
        %run_scoped3A = tpu.sem_alloc : memref<!tpu.dma_semaphore, #tpu.memory_space<semaphore_mem>>
        %dma_start3A_127 = arith.constant 10000 : i32
        %dma_start3A_128 = arith.constant 0 : i32
        %dma_start3A_129 = tpu.memref_slice %arg12[%dma_start3A_127, %dma_start3A_128] : memref<10112x128xf32, #tpu.memory_space<vmem_shared>> -> memref<112x128xf32, #tpu.memory_space<vmem_shared>>
        %dma_start3A_130 = arith.constant 10000 : i32
        %dma_start3A_131 = arith.constant 0 : i32
        %dma_start3A_132 = tpu.memref_slice %arg5[%dma_start3A_130, %dma_start3A_131] : memref<10112x128xf32, #tpu.memory_space<hbm>> -> memref<112x128xf32, #tpu.memory_space<hbm>>
        tpu.enqueue_dma source(%dma_start3A_132 : memref<112x128xf32, #tpu.memory_space<hbm>>) target(%dma_start3A_129 : memref<112x128xf32, #tpu.memory_space<vmem_shared>>) target_semaphore(%run_scoped3A : memref<!tpu.dma_semaphore, #tpu.memory_space<semaphore_mem>>)
        %dma_wait3A_133 = arith.constant 10000 : i32
        %dma_wait3A_134 = arith.constant 0 : i32
        %dma_wait3A_135 = tpu.memref_slice %arg12[%dma_wait3A_133, %dma_wait3A_134] : memref<10112x128xf32, #tpu.memory_space<vmem_shared>> -> memref<112x128xf32, #tpu.memory_space<vmem_shared>>
        %dma_wait3A_136 = arith.constant 10000 : i32
        %dma_wait3A_137 = arith.constant 0 : i32
        %dma_wait3A_138 = tpu.memref_slice %arg5[%dma_wait3A_136, %dma_wait3A_137] : memref<10112x128xf32, #tpu.memory_space<hbm>> -> memref<112x128xf32, #tpu.memory_space<hbm>>
        tpu.wait_dma2 semaphore(%run_scoped3A : memref<!tpu.dma_semaphore, #tpu.memory_space<semaphore_mem>>) src(%dma_wait3A_138 : memref<112x128xf32, #tpu.memory_space<hbm>>) dst(%dma_wait3A_135 : memref<112x128xf32, #tpu.memory_space<vmem_shared>>)
        tpu.yield
      }) : () -> ()
    } else {
    }
    %eq3A_16 = arith.constant 1 : i32
    %eq3A_17 = arith.cmpi eq, %arg0, %eq3A_16 : i32
    %convert_element_type3A_18 = arith.extui %eq3A_17 : i1 to i32
    %cond3A_19 = arith.constant 0 : i32
    %cond3A_20 = arith.cmpi ne, %convert_element_type3A_18, %cond3A_19 : i32
    scf.if %cond3A_20 {
      "tpu.region"() ({
        %run_scoped3A = tpu.sem_alloc : memref<!tpu.dma_semaphore, #tpu.memory_space<semaphore_mem>>
        %dma_start3A_124 = arith.constant 0 : i32
        %dma_start3A_125 = tpu.memref_slice %arg12[%mul3A_0, %dma_start3A_124] : memref<10112x128xf32, #tpu.memory_space<vmem_shared>> -> memref<632x128xf32, #tpu.memory_space<vmem_shared>>
        %dma_start3A_126 = arith.constant 0 : i32
        %dma_start3A_127 = tpu.memref_slice %arg5[%mul3A_0, %dma_start3A_126] : memref<10112x128xf32, #tpu.memory_space<hbm>> -> memref<632x128xf32, #tpu.memory_space<hbm>>
        tpu.enqueue_dma source(%dma_start3A_127 : memref<632x128xf32, #tpu.memory_space<hbm>>) target(%dma_start3A_125 : memref<632x128xf32, #tpu.memory_space<vmem_shared>>) target_semaphore(%run_scoped3A : memref<!tpu.dma_semaphore, #tpu.memory_space<semaphore_mem>>)
        %dma_wait3A_128 = arith.constant 0 : i32
        %dma_wait3A_129 = tpu.memref_slice %arg12[%mul3A_0, %dma_wait3A_128] : memref<10112x128xf32, #tpu.memory_space<vmem_shared>> -> memref<632x128xf32, #tpu.memory_space<vmem_shared>>
        %dma_wait3A_130 = arith.constant 0 : i32
        %dma_wait3A_131 = tpu.memref_slice %arg5[%mul3A_0, %dma_wait3A_130] : memref<10112x128xf32, #tpu.memory_space<hbm>> -> memref<632x128xf32, #tpu.memory_space<hbm>>
        tpu.wait_dma2 semaphore(%run_scoped3A : memref<!tpu.dma_semaphore, #tpu.memory_space<semaphore_mem>>) src(%dma_wait3A_131 : memref<632x128xf32, #tpu.memory_space<hbm>>) dst(%dma_wait3A_129 : memref<632x128xf32, #tpu.memory_space<vmem_shared>>)
        tpu.yield
      }) : () -> ()
    } else {
    }
    %barrier3A = arith.constant 0 : index
    tpu.barrier barrier_id(%barrier3A)
    %dma_start3A = arith.constant 0 : i32
    %dma_start3A_21 = arith.constant 0 : i32
    %dma_start3A_22 = tpu.memref_slice %arg7[%dma_start3A, %dma_start3A_21] : memref<24x112xi32, #tpu.memory_space<vmem>> -> memref<12x112xi32, #tpu.memory_space<vmem>>
    %dma_start3A_23 = arith.constant 0 : i32
    %dma_start3A_24 = arith.constant 0 : i32
    %dma_start3A_25 = tpu.memref_slice %arg3[%mul3A_4, %dma_start3A_23, %dma_start3A_24] : memref<256x12x112xi32, #tpu.memory_space<hbm>> -> memref<1x12x112xi32, #tpu.memory_space<hbm>>
    %dma_start3A_26 = tpu.memref_squeeze %dma_start3A_25 : memref<1x12x112xi32, #tpu.memory_space<hbm>> -> memref<12x112xi32, #tpu.memory_space<hbm>>
    %dma_start3A_27 = arith.constant 0 : i32
    %dma_start3A_28 = arith.constant 0 : i32
    %dma_start3A_29 = tpu.memref_slice %arg7[%dma_start3A_27, %dma_start3A_28] : memref<24x112xi32, #tpu.memory_space<vmem>> -> memref<12x112xi32, #tpu.memory_space<vmem>>
    %dma_start3A_30 = arith.constant 0 : i32
    %dma_start3A_31 = arith.constant 0 : i32
    %dma_start3A_32 = tpu.memref_slice %arg3[%mul3A_4, %dma_start3A_30, %dma_start3A_31] : memref<256x12x112xi32, #tpu.memory_space<hbm>> -> memref<1x12x112xi32, #tpu.memory_space<hbm>>
    %dma_start3A_33 = tpu.memref_squeeze %dma_start3A_32 : memref<1x12x112xi32, #tpu.memory_space<hbm>> -> memref<12x112xi32, #tpu.memory_space<hbm>>
    tpu.enqueue_dma source(%dma_start3A_33 : memref<12x112xi32, #tpu.memory_space<hbm>>) target(%dma_start3A_29 : memref<12x112xi32, #tpu.memory_space<vmem>>) target_semaphore(%arg13 : memref<!tpu.dma_semaphore, #tpu.memory_space<semaphore_mem>>)
    %dma_start3A_34 = arith.constant 12 : i32
    %dma_start3A_35 = arith.constant 0 : i32
    %dma_start3A_36 = tpu.memref_slice %arg7[%dma_start3A_34, %dma_start3A_35] : memref<24x112xi32, #tpu.memory_space<vmem>> -> memref<12x112xi32, #tpu.memory_space<vmem>>
    %dma_start3A_37 = arith.constant 0 : i32
    %dma_start3A_38 = arith.constant 0 : i32
    %dma_start3A_39 = tpu.memref_slice %arg4[%mul3A_4, %dma_start3A_37, %dma_start3A_38] : memref<256x12x112xi32, #tpu.memory_space<hbm>> -> memref<1x12x112xi32, #tpu.memory_space<hbm>>
    %dma_start3A_40 = tpu.memref_squeeze %dma_start3A_39 : memref<1x12x112xi32, #tpu.memory_space<hbm>> -> memref<12x112xi32, #tpu.memory_space<hbm>>
    %dma_start3A_41 = arith.constant 12 : i32
    %dma_start3A_42 = arith.constant 0 : i32
    %dma_start3A_43 = tpu.memref_slice %arg7[%dma_start3A_41, %dma_start3A_42] : memref<24x112xi32, #tpu.memory_space<vmem>> -> memref<12x112xi32, #tpu.memory_space<vmem>>
    %dma_start3A_44 = arith.constant 0 : i32
    %dma_start3A_45 = arith.constant 0 : i32
    %dma_start3A_46 = tpu.memref_slice %arg4[%mul3A_4, %dma_start3A_44, %dma_start3A_45] : memref<256x12x112xi32, #tpu.memory_space<hbm>> -> memref<1x12x112xi32, #tpu.memory_space<hbm>>
    %dma_start3A_47 = tpu.memref_squeeze %dma_start3A_46 : memref<1x12x112xi32, #tpu.memory_space<hbm>> -> memref<12x112xi32, #tpu.memory_space<hbm>>
    tpu.enqueue_dma source(%dma_start3A_47 : memref<12x112xi32, #tpu.memory_space<hbm>>) target(%dma_start3A_43 : memref<12x112xi32, #tpu.memory_space<vmem>>) target_semaphore(%arg13 : memref<!tpu.dma_semaphore, #tpu.memory_space<semaphore_mem>>)
    %dma_wait3A = arith.constant 0 : i32
    %dma_wait3A_48 = arith.constant 0 : i32
    %dma_wait3A_49 = tpu.memref_slice %arg7[%dma_wait3A, %dma_wait3A_48] : memref<24x112xi32, #tpu.memory_space<vmem>> -> memref<12x112xi32, #tpu.memory_space<vmem>>
    %dma_wait3A_50 = arith.constant 0 : i32
    %dma_wait3A_51 = arith.constant 0 : i32
    %dma_wait3A_52 = tpu.memref_slice %arg3[%mul3A_4, %dma_wait3A_50, %dma_wait3A_51] : memref<256x12x112xi32, #tpu.memory_space<hbm>> -> memref<1x12x112xi32, #tpu.memory_space<hbm>>
    %dma_wait3A_53 = tpu.memref_squeeze %dma_wait3A_52 : memref<1x12x112xi32, #tpu.memory_space<hbm>> -> memref<12x112xi32, #tpu.memory_space<hbm>>
    %dma_wait3A_54 = arith.constant 0 : i32
    %dma_wait3A_55 = arith.constant 0 : i32
    %dma_wait3A_56 = tpu.memref_slice %arg7[%dma_wait3A_54, %dma_wait3A_55] : memref<24x112xi32, #tpu.memory_space<vmem>> -> memref<12x112xi32, #tpu.memory_space<vmem>>
    %dma_wait3A_57 = arith.constant 0 : i32
    %dma_wait3A_58 = arith.constant 0 : i32
    %dma_wait3A_59 = tpu.memref_slice %arg3[%mul3A_4, %dma_wait3A_57, %dma_wait3A_58] : memref<256x12x112xi32, #tpu.memory_space<hbm>> -> memref<1x12x112xi32, #tpu.memory_space<hbm>>
    %dma_wait3A_60 = tpu.memref_squeeze %dma_wait3A_59 : memref<1x12x112xi32, #tpu.memory_space<hbm>> -> memref<12x112xi32, #tpu.memory_space<hbm>>
    tpu.wait_dma2 semaphore(%arg13 : memref<!tpu.dma_semaphore, #tpu.memory_space<semaphore_mem>>) src(%dma_wait3A_60 : memref<12x112xi32, #tpu.memory_space<hbm>>) dst(%dma_wait3A_56 : memref<12x112xi32, #tpu.memory_space<vmem>>)
    %dma_wait3A_61 = arith.constant 12 : i32
    %dma_wait3A_62 = arith.constant 0 : i32
    %dma_wait3A_63 = tpu.memref_slice %arg7[%dma_wait3A_61, %dma_wait3A_62] : memref<24x112xi32, #tpu.memory_space<vmem>> -> memref<12x112xi32, #tpu.memory_space<vmem>>
    %dma_wait3A_64 = arith.constant 0 : i32
    %dma_wait3A_65 = arith.constant 0 : i32
    %dma_wait3A_66 = tpu.memref_slice %arg4[%mul3A_4, %dma_wait3A_64, %dma_wait3A_65] : memref<256x12x112xi32, #tpu.memory_space<hbm>> -> memref<1x12x112xi32, #tpu.memory_space<hbm>>
    %dma_wait3A_67 = tpu.memref_squeeze %dma_wait3A_66 : memref<1x12x112xi32, #tpu.memory_space<hbm>> -> memref<12x112xi32, #tpu.memory_space<hbm>>
    %dma_wait3A_68 = arith.constant 12 : i32
    %dma_wait3A_69 = arith.constant 0 : i32
    %dma_wait3A_70 = tpu.memref_slice %arg7[%dma_wait3A_68, %dma_wait3A_69] : memref<24x112xi32, #tpu.memory_space<vmem>> -> memref<12x112xi32, #tpu.memory_space<vmem>>
    %dma_wait3A_71 = arith.constant 0 : i32
    %dma_wait3A_72 = arith.constant 0 : i32
    %dma_wait3A_73 = tpu.memref_slice %arg4[%mul3A_4, %dma_wait3A_71, %dma_wait3A_72] : memref<256x12x112xi32, #tpu.memory_space<hbm>> -> memref<1x12x112xi32, #tpu.memory_space<hbm>>
    %dma_wait3A_74 = tpu.memref_squeeze %dma_wait3A_73 : memref<1x12x112xi32, #tpu.memory_space<hbm>> -> memref<12x112xi32, #tpu.memory_space<hbm>>
    tpu.wait_dma2 semaphore(%arg13 : memref<!tpu.dma_semaphore, #tpu.memory_space<semaphore_mem>>) src(%dma_wait3A_74 : memref<12x112xi32, #tpu.memory_space<hbm>>) dst(%dma_wait3A_70 : memref<12x112xi32, #tpu.memory_space<vmem>>)
    %add3A_75 = arith.constant 1 : i32
    %add3A_76 = arith.addi %mul3A_4, %add3A_75 : i32
    %dma_start3A_77 = arith.constant 0 : i32
    %dma_start3A_78 = arith.constant 0 : i32
    %dma_start3A_79 = tpu.memref_slice %arg8[%dma_start3A_77, %dma_start3A_78] : memref<24x112xi32, #tpu.memory_space<vmem>> -> memref<12x112xi32, #tpu.memory_space<vmem>>
    %dma_start3A_80 = arith.constant 0 : i32
    %dma_start3A_81 = arith.constant 0 : i32
    %dma_start3A_82 = tpu.memref_slice %arg3[%add3A_76, %dma_start3A_80, %dma_start3A_81] : memref<256x12x112xi32, #tpu.memory_space<hbm>> -> memref<1x12x112xi32, #tpu.memory_space<hbm>>
    %dma_start3A_83 = tpu.memref_squeeze %dma_start3A_82 : memref<1x12x112xi32, #tpu.memory_space<hbm>> -> memref<12x112xi32, #tpu.memory_space<hbm>>
    %dma_start3A_84 = arith.constant 0 : i32
    %dma_start3A_85 = arith.constant 0 : i32
    %dma_start3A_86 = tpu.memref_slice %arg8[%dma_start3A_84, %dma_start3A_85] : memref<24x112xi32, #tpu.memory_space<vmem>> -> memref<12x112xi32, #tpu.memory_space<vmem>>
    %dma_start3A_87 = arith.constant 0 : i32
    %dma_start3A_88 = arith.constant 0 : i32
    %dma_start3A_89 = tpu.memref_slice %arg3[%add3A_76, %dma_start3A_87, %dma_start3A_88] : memref<256x12x112xi32, #tpu.memory_space<hbm>> -> memref<1x12x112xi32, #tpu.memory_space<hbm>>
    %dma_start3A_90 = tpu.memref_squeeze %dma_start3A_89 : memref<1x12x112xi32, #tpu.memory_space<hbm>> -> memref<12x112xi32, #tpu.memory_space<hbm>>
    tpu.enqueue_dma source(%dma_start3A_90 : memref<12x112xi32, #tpu.memory_space<hbm>>) target(%dma_start3A_86 : memref<12x112xi32, #tpu.memory_space<vmem>>) target_semaphore(%arg14 : memref<!tpu.dma_semaphore, #tpu.memory_space<semaphore_mem>>)
    %dma_start3A_91 = arith.constant 12 : i32
    %dma_start3A_92 = arith.constant 0 : i32
    %dma_start3A_93 = tpu.memref_slice %arg8[%dma_start3A_91, %dma_start3A_92] : memref<24x112xi32, #tpu.memory_space<vmem>> -> memref<12x112xi32, #tpu.memory_space<vmem>>
    %dma_start3A_94 = arith.constant 0 : i32
    %dma_start3A_95 = arith.constant 0 : i32
    %dma_start3A_96 = tpu.memref_slice %arg4[%add3A_76, %dma_start3A_94, %dma_start3A_95] : memref<256x12x112xi32, #tpu.memory_space<hbm>> -> memref<1x12x112xi32, #tpu.memory_space<hbm>>
    %dma_start3A_97 = tpu.memref_squeeze %dma_start3A_96 : memref<1x12x112xi32, #tpu.memory_space<hbm>> -> memref<12x112xi32, #tpu.memory_space<hbm>>
    %dma_start3A_98 = arith.constant 12 : i32
    %dma_start3A_99 = arith.constant 0 : i32
    %dma_start3A_100 = tpu.memref_slice %arg8[%dma_start3A_98, %dma_start3A_99] : memref<24x112xi32, #tpu.memory_space<vmem>> -> memref<12x112xi32, #tpu.memory_space<vmem>>
    %dma_start3A_101 = arith.constant 0 : i32
    %dma_start3A_102 = arith.constant 0 : i32
    %dma_start3A_103 = tpu.memref_slice %arg4[%add3A_76, %dma_start3A_101, %dma_start3A_102] : memref<256x12x112xi32, #tpu.memory_space<hbm>> -> memref<1x12x112xi32, #tpu.memory_space<hbm>>
    %dma_start3A_104 = tpu.memref_squeeze %dma_start3A_103 : memref<1x12x112xi32, #tpu.memory_space<hbm>> -> memref<12x112xi32, #tpu.memory_space<hbm>>
    tpu.enqueue_dma source(%dma_start3A_104 : memref<12x112xi32, #tpu.memory_space<hbm>>) target(%dma_start3A_100 : memref<12x112xi32, #tpu.memory_space<vmem>>) target_semaphore(%arg14 : memref<!tpu.dma_semaphore, #tpu.memory_space<semaphore_mem>>)
    %dma_start3A_105 = arith.constant 0 : i32
    %dma_start3A_106 = arith.constant 0 : i32
    %dma_start3A_107 = tpu.memref_slice %arg7[%dma_start3A_105, %dma_start3A_106] : memref<24x112xi32, #tpu.memory_space<vmem>> -> memref<1x112xi32, #tpu.memory_space<vmem>>
    %dma_start3A_108 = tpu.memref_squeeze %dma_start3A_107 : memref<1x112xi32, #tpu.memory_space<vmem>> -> memref<112xi32, #tpu.memory_space<vmem>>
    %dma_start3A_109 = arith.constant 0 : i32
    %dma_start3A_110 = arith.constant 0 : i32
    %dma_start3A_111 = tpu.memref_slice %arg2[%dma_start3A_109, %dma_start3A_110] : memref<10000x128xf32, #tpu.memory_space<hbm>> -> memref<10000x128xf32, #tpu.memory_space<hbm>>
    tpu.enqueue_indirect_dma source(%dma_start3A_111 : memref<10000x128xf32, #tpu.memory_space<hbm>>) target(%arg9 : memref<112x128xf32, #tpu.memory_space<vmem>>) offsets(%dma_start3A_108 : memref<112xi32, #tpu.memory_space<vmem>>) semaphore(%arg15 : memref<!tpu.dma_semaphore, #tpu.memory_space<semaphore_mem>>)
    %dma_start3A_112 = arith.constant 1 : i32
    %dma_start3A_113 = arith.constant 0 : i32
    %dma_start3A_114 = tpu.memref_slice %arg7[%dma_start3A_112, %dma_start3A_113] : memref<24x112xi32, #tpu.memory_space<vmem>> -> memref<1x112xi32, #tpu.memory_space<vmem>>
    %dma_start3A_115 = tpu.memref_squeeze %dma_start3A_114 : memref<1x112xi32, #tpu.memory_space<vmem>> -> memref<112xi32, #tpu.memory_space<vmem>>
    %dma_start3A_116 = arith.constant 0 : i32
    %dma_start3A_117 = arith.constant 0 : i32
    %dma_start3A_118 = tpu.memref_slice %arg2[%dma_start3A_116, %dma_start3A_117] : memref<10000x128xf32, #tpu.memory_space<hbm>> -> memref<10000x128xf32, #tpu.memory_space<hbm>>
    tpu.enqueue_indirect_dma source(%dma_start3A_118 : memref<10000x128xf32, #tpu.memory_space<hbm>>) target(%arg10 : memref<112x128xf32, #tpu.memory_space<vmem>>) offsets(%dma_start3A_115 : memref<112xi32, #tpu.memory_space<vmem>>) semaphore(%arg16 : memref<!tpu.dma_semaphore, #tpu.memory_space<semaphore_mem>>)
    %scan3A = arith.constant 0 : i32
    %scan3A_119 = arith.constant 4 : i32
    %scan3A_120 = arith.addi %scan3A, %scan3A_119 : i32
    %scan3A_121 = arith.constant 1 : i32
    scf.for %scan3A_124 = %scan3A to %scan3A_120 step %scan3A_121  : i32 {
      %mul3A_125 = arith.constant 2 : i32
      %mul3A_126 = arith.muli %scan3A_124, %mul3A_125 : i32
      %add3A_127 = arith.constant 0 : i32
      %add3A_128 = arith.addi %add3A_127, %mul3A_126 : i32
      %add3A_129 = arith.addi %mul3A_4, %add3A_128 : i32
      %add3A_130 = arith.constant 1 : i32
      %add3A_131 = arith.addi %add3A_129, %add3A_130 : i32
      %dma_wait3A_132 = arith.constant 0 : i32
      %dma_wait3A_133 = arith.constant 0 : i32
      %dma_wait3A_134 = tpu.memref_slice %arg8[%dma_wait3A_132, %dma_wait3A_133] : memref<24x112xi32, #tpu.memory_space<vmem>> -> memref<12x112xi32, #tpu.memory_space<vmem>>
      %dma_wait3A_135 = arith.constant 0 : i32
      %dma_wait3A_136 = arith.constant 0 : i32
      %dma_wait3A_137 = tpu.memref_slice %arg3[%add3A_131, %dma_wait3A_135, %dma_wait3A_136] : memref<256x12x112xi32, #tpu.memory_space<hbm>> -> memref<1x12x112xi32, #tpu.memory_space<hbm>>
      %dma_wait3A_138 = tpu.memref_squeeze %dma_wait3A_137 : memref<1x12x112xi32, #tpu.memory_space<hbm>> -> memref<12x112xi32, #tpu.memory_space<hbm>>
      %dma_wait3A_139 = arith.constant 0 : i32
      %dma_wait3A_140 = arith.constant 0 : i32
      %dma_wait3A_141 = tpu.memref_slice %arg8[%dma_wait3A_139, %dma_wait3A_140] : memref<24x112xi32, #tpu.memory_space<vmem>> -> memref<12x112xi32, #tpu.memory_space<vmem>>
      %dma_wait3A_142 = arith.constant 0 : i32
      %dma_wait3A_143 = arith.constant 0 : i32
      %dma_wait3A_144 = tpu.memref_slice %arg3[%add3A_131, %dma_wait3A_142, %dma_wait3A_143] : memref<256x12x112xi32, #tpu.memory_space<hbm>> -> memref<1x12x112xi32, #tpu.memory_space<hbm>>
      %dma_wait3A_145 = tpu.memref_squeeze %dma_wait3A_144 : memref<1x12x112xi32, #tpu.memory_space<hbm>> -> memref<12x112xi32, #tpu.memory_space<hbm>>
      tpu.wait_dma2 semaphore(%arg14 : memref<!tpu.dma_semaphore, #tpu.memory_space<semaphore_mem>>) src(%dma_wait3A_145 : memref<12x112xi32, #tpu.memory_space<hbm>>) dst(%dma_wait3A_141 : memref<12x112xi32, #tpu.memory_space<vmem>>)
      %dma_wait3A_146 = arith.constant 12 : i32
      %dma_wait3A_147 = arith.constant 0 : i32
      %dma_wait3A_148 = tpu.memref_slice %arg8[%dma_wait3A_146, %dma_wait3A_147] : memref<24x112xi32, #tpu.memory_space<vmem>> -> memref<12x112xi32, #tpu.memory_space<vmem>>
      %dma_wait3A_149 = arith.constant 0 : i32
      %dma_wait3A_150 = arith.constant 0 : i32
      %dma_wait3A_151 = tpu.memref_slice %arg4[%add3A_131, %dma_wait3A_149, %dma_wait3A_150] : memref<256x12x112xi32, #tpu.memory_space<hbm>> -> memref<1x12x112xi32, #tpu.memory_space<hbm>>
      %dma_wait3A_152 = tpu.memref_squeeze %dma_wait3A_151 : memref<1x12x112xi32, #tpu.memory_space<hbm>> -> memref<12x112xi32, #tpu.memory_space<hbm>>
      %dma_wait3A_153 = arith.constant 12 : i32
      %dma_wait3A_154 = arith.constant 0 : i32
      %dma_wait3A_155 = tpu.memref_slice %arg8[%dma_wait3A_153, %dma_wait3A_154] : memref<24x112xi32, #tpu.memory_space<vmem>> -> memref<12x112xi32, #tpu.memory_space<vmem>>
      %dma_wait3A_156 = arith.constant 0 : i32
      %dma_wait3A_157 = arith.constant 0 : i32
      %dma_wait3A_158 = tpu.memref_slice %arg4[%add3A_131, %dma_wait3A_156, %dma_wait3A_157] : memref<256x12x112xi32, #tpu.memory_space<hbm>> -> memref<1x12x112xi32, #tpu.memory_space<hbm>>
      %dma_wait3A_159 = tpu.memref_squeeze %dma_wait3A_158 : memref<1x12x112xi32, #tpu.memory_space<hbm>> -> memref<12x112xi32, #tpu.memory_space<hbm>>
      tpu.wait_dma2 semaphore(%arg14 : memref<!tpu.dma_semaphore, #tpu.memory_space<semaphore_mem>>) src(%dma_wait3A_159 : memref<12x112xi32, #tpu.memory_space<hbm>>) dst(%dma_wait3A_155 : memref<12x112xi32, #tpu.memory_space<vmem>>)
      %scan3A_160 = arith.constant 0 : i32
      %scan3A_161 = arith.constant 4 : i32
      %scan3A_162 = arith.addi %scan3A_160, %scan3A_161 : i32
      %scan3A_163 = arith.constant 1 : i32
      scf.for %scan3A_188 = %scan3A_160 to %scan3A_162 step %scan3A_163  : i32 {
        %mul3A_189 = arith.constant 3 : i32
        %mul3A_190 = arith.muli %scan3A_188, %mul3A_189 : i32
        %add3A_191 = arith.constant 0 : i32
        %add3A_192 = arith.addi %add3A_191, %mul3A_190 : i32
        %dma_wait3A_193 = arith.constant 0 : i32
        %dma_wait3A_194 = tpu.memref_slice %arg7[%add3A_192, %dma_wait3A_193] : memref<24x112xi32, #tpu.memory_space<vmem>> -> memref<1x112xi32, #tpu.memory_space<vmem>>
        %dma_wait3A_195 = tpu.memref_squeeze %dma_wait3A_194 : memref<1x112xi32, #tpu.memory_space<vmem>> -> memref<112xi32, #tpu.memory_space<vmem>>
        %dma_wait3A_196 = arith.constant 0 : i32
        %dma_wait3A_197 = arith.constant 0 : i32
        %dma_wait3A_198 = tpu.memref_slice %arg2[%dma_wait3A_196, %dma_wait3A_197] : memref<10000x128xf32, #tpu.memory_space<hbm>> -> memref<10000x128xf32, #tpu.memory_space<hbm>>
        tpu.wait_indirect_dma semaphore(%arg15 : memref<!tpu.dma_semaphore, #tpu.memory_space<semaphore_mem>>) src(%dma_wait3A_198 : memref<10000x128xf32, #tpu.memory_space<hbm>>) dst(%arg9 : memref<112x128xf32, #tpu.memory_space<vmem>>)
        %add3A_199 = arith.constant 2 : i32
        %add3A_200 = arith.addi %add3A_192, %add3A_199 : i32
        %dma_start3A_201 = arith.constant 0 : i32
        %dma_start3A_202 = tpu.memref_slice %arg7[%add3A_200, %dma_start3A_201] : memref<24x112xi32, #tpu.memory_space<vmem>> -> memref<1x112xi32, #tpu.memory_space<vmem>>
        %dma_start3A_203 = tpu.memref_squeeze %dma_start3A_202 : memref<1x112xi32, #tpu.memory_space<vmem>> -> memref<112xi32, #tpu.memory_space<vmem>>
        %dma_start3A_204 = arith.constant 0 : i32
        %dma_start3A_205 = arith.constant 0 : i32
        %dma_start3A_206 = tpu.memref_slice %arg2[%dma_start3A_204, %dma_start3A_205] : memref<10000x128xf32, #tpu.memory_space<hbm>> -> memref<10000x128xf32, #tpu.memory_space<hbm>>
        tpu.enqueue_indirect_dma source(%dma_start3A_206 : memref<10000x128xf32, #tpu.memory_space<hbm>>) target(%arg11 : memref<112x128xf32, #tpu.memory_space<vmem>>) offsets(%dma_start3A_203 : memref<112xi32, #tpu.memory_space<vmem>>) semaphore(%arg17 : memref<!tpu.dma_semaphore, #tpu.memory_space<semaphore_mem>>)
        %add3A_207 = arith.constant 12 : i32
        %add3A_208 = arith.addi %add3A_207, %add3A_192 : i32
        "tpu.region"() ({
          %run_scoped3A = tpu.sem_alloc : memref<!tpu.dma_semaphore, #tpu.memory_space<semaphore_mem>>
          %dma_start3A_264 = arith.constant 0 : i32
          %dma_start3A_265 = tpu.memref_slice %arg7[%add3A_208, %dma_start3A_264] : memref<24x112xi32, #tpu.memory_space<vmem>> -> memref<1x112xi32, #tpu.memory_space<vmem>>
          %dma_start3A_266 = tpu.memref_squeeze %dma_start3A_265 : memref<1x112xi32, #tpu.memory_space<vmem>> -> memref<112xi32, #tpu.memory_space<vmem>>
          %dma_start3A_267 = arith.constant 0 : i32
          %dma_start3A_268 = arith.constant 0 : i32
          %dma_start3A_269 = tpu.memref_slice %arg12[%dma_start3A_267, %dma_start3A_268] : memref<10112x128xf32, #tpu.memory_space<vmem_shared>> -> memref<10112x128xf32, #tpu.memory_space<vmem_shared>>
          tpu.enqueue_indirect_dma source(%arg9 : memref<112x128xf32, #tpu.memory_space<vmem>>) target(%dma_start3A_269 : memref<10112x128xf32, #tpu.memory_space<vmem_shared>>) offsets(%dma_start3A_266 : memref<112xi32, #tpu.memory_space<vmem>>) semaphore(%run_scoped3A : memref<!tpu.dma_semaphore, #tpu.memory_space<semaphore_mem>>) {add = true}
          %dma_wait3A_270 = arith.constant 0 : i32
          %dma_wait3A_271 = tpu.memref_slice %arg7[%add3A_208, %dma_wait3A_270] : memref<24x112xi32, #tpu.memory_space<vmem>> -> memref<1x112xi32, #tpu.memory_space<vmem>>
          %dma_wait3A_272 = tpu.memref_squeeze %dma_wait3A_271 : memref<1x112xi32, #tpu.memory_space<vmem>> -> memref<112xi32, #tpu.memory_space<vmem>>
          %dma_wait3A_273 = arith.constant 0 : i32
          %dma_wait3A_274 = arith.constant 0 : i32
          %dma_wait3A_275 = tpu.memref_slice %arg12[%dma_wait3A_273, %dma_wait3A_274] : memref<10112x128xf32, #tpu.memory_space<vmem_shared>> -> memref<10112x128xf32, #tpu.memory_space<vmem_shared>>
          tpu.wait_indirect_dma semaphore(%run_scoped3A : memref<!tpu.dma_semaphore, #tpu.memory_space<semaphore_mem>>) src(%arg9 : memref<112x128xf32, #tpu.memory_space<vmem>>) dst(%dma_wait3A_275 : memref<10112x128xf32, #tpu.memory_space<vmem_shared>>)
          tpu.yield
        }) : () -> ()
        %add3A_209 = arith.constant 1 : i32
        %add3A_210 = arith.addi %add3A_192, %add3A_209 : i32
        %dma_wait3A_211 = arith.constant 0 : i32
        %dma_wait3A_212 = tpu.memref_slice %arg7[%add3A_210, %dma_wait3A_211] : memref<24x112xi32, #tpu.memory_space<vmem>> -> memref<1x112xi32, #tpu.memory_space<vmem>>
        %dma_wait3A_213 = tpu.memref_squeeze %dma_wait3A_212 : memref<1x112xi32, #tpu.memory_space<vmem>> -> memref<112xi32, #tpu.memory_space<vmem>>
        %dma_wait3A_214 = arith.constant 0 : i32
        %dma_wait3A_215 = arith.constant 0 : i32
        %dma_wait3A_216 = tpu.memref_slice %arg2[%dma_wait3A_214, %dma_wait3A_215] : memref<10000x128xf32, #tpu.memory_space<hbm>> -> memref<10000x128xf32, #tpu.memory_space<hbm>>
        tpu.wait_indirect_dma semaphore(%arg16 : memref<!tpu.dma_semaphore, #tpu.memory_space<semaphore_mem>>) src(%dma_wait3A_216 : memref<10000x128xf32, #tpu.memory_space<hbm>>) dst(%arg10 : memref<112x128xf32, #tpu.memory_space<vmem>>)
        %add3A_217 = arith.constant 3 : i32
        %add3A_218 = arith.addi %add3A_192, %add3A_217 : i32
        %lt3A_219 = arith.constant 12 : i32
        %lt3A_220 = arith.cmpi slt, %add3A_218, %lt3A_219 : i32
        %convert_element_type3A_221 = arith.extui %lt3A_220 : i1 to i32
        %cond3A_222 = arith.constant 0 : i32
        %cond3A_223 = arith.cmpi ne, %convert_element_type3A_221, %cond3A_222 : i32
        scf.if %cond3A_223 {
          %add3A_264 = arith.constant 3 : i32
          %add3A_265 = arith.addi %add3A_192, %add3A_264 : i32
          %dma_start3A_266 = arith.constant 0 : i32
          %dma_start3A_267 = tpu.memref_slice %arg7[%add3A_265, %dma_start3A_266] : memref<24x112xi32, #tpu.memory_space<vmem>> -> memref<1x112xi32, #tpu.memory_space<vmem>>
          %dma_start3A_268 = tpu.memref_squeeze %dma_start3A_267 : memref<1x112xi32, #tpu.memory_space<vmem>> -> memref<112xi32, #tpu.memory_space<vmem>>
          %dma_start3A_269 = arith.constant 0 : i32
          %dma_start3A_270 = arith.constant 0 : i32
          %dma_start3A_271 = tpu.memref_slice %arg2[%dma_start3A_269, %dma_start3A_270] : memref<10000x128xf32, #tpu.memory_space<hbm>> -> memref<10000x128xf32, #tpu.memory_space<hbm>>
          tpu.enqueue_indirect_dma source(%dma_start3A_271 : memref<10000x128xf32, #tpu.memory_space<hbm>>) target(%arg9 : memref<112x128xf32, #tpu.memory_space<vmem>>) offsets(%dma_start3A_268 : memref<112xi32, #tpu.memory_space<vmem>>) semaphore(%arg15 : memref<!tpu.dma_semaphore, #tpu.memory_space<semaphore_mem>>)
        } else {
        }
        %add3A_224 = arith.constant 3 : i32
        %add3A_225 = arith.addi %add3A_192, %add3A_224 : i32
        %ge3A = arith.constant 12 : i32
        %ge3A_226 = arith.cmpi sge, %add3A_225, %ge3A : i32
        %and3A_227 = arith.constant true
        %and3A_228 = arith.andi %ge3A_226, %and3A_227 : i1
        %convert_element_type3A_229 = arith.extui %and3A_228 : i1 to i32
        %cond3A_230 = arith.constant 0 : i32
        %cond3A_231 = arith.cmpi ne, %convert_element_type3A_229, %cond3A_230 : i32
        scf.if %cond3A_231 {
          %dma_start3A_264 = arith.constant 0 : i32
          %dma_start3A_265 = arith.constant 0 : i32
          %dma_start3A_266 = tpu.memref_slice %arg8[%dma_start3A_264, %dma_start3A_265] : memref<24x112xi32, #tpu.memory_space<vmem>> -> memref<1x112xi32, #tpu.memory_space<vmem>>
          %dma_start3A_267 = tpu.memref_squeeze %dma_start3A_266 : memref<1x112xi32, #tpu.memory_space<vmem>> -> memref<112xi32, #tpu.memory_space<vmem>>
          %dma_start3A_268 = arith.constant 0 : i32
          %dma_start3A_269 = arith.constant 0 : i32
          %dma_start3A_270 = tpu.memref_slice %arg2[%dma_start3A_268, %dma_start3A_269] : memref<10000x128xf32, #tpu.memory_space<hbm>> -> memref<10000x128xf32, #tpu.memory_space<hbm>>
          tpu.enqueue_indirect_dma source(%dma_start3A_270 : memref<10000x128xf32, #tpu.memory_space<hbm>>) target(%arg9 : memref<112x128xf32, #tpu.memory_space<vmem>>) offsets(%dma_start3A_267 : memref<112xi32, #tpu.memory_space<vmem>>) semaphore(%arg15 : memref<!tpu.dma_semaphore, #tpu.memory_space<semaphore_mem>>)
        } else {
        }
        %add3A_232 = arith.constant 12 : i32
        %add3A_233 = arith.addi %add3A_232, %add3A_192 : i32
        %add3A_234 = arith.constant 1 : i32
        %add3A_235 = arith.addi %add3A_233, %add3A_234 : i32
        "tpu.region"() ({
          %run_scoped3A = tpu.sem_alloc : memref<!tpu.dma_semaphore, #tpu.memory_space<semaphore_mem>>
          %dma_start3A_264 = arith.constant 0 : i32
          %dma_start3A_265 = tpu.memref_slice %arg7[%add3A_235, %dma_start3A_264] : memref<24x112xi32, #tpu.memory_space<vmem>> -> memref<1x112xi32, #tpu.memory_space<vmem>>
          %dma_start3A_266 = tpu.memref_squeeze %dma_start3A_265 : memref<1x112xi32, #tpu.memory_space<vmem>> -> memref<112xi32, #tpu.memory_space<vmem>>
          %dma_start3A_267 = arith.constant 0 : i32
          %dma_start3A_268 = arith.constant 0 : i32
          %dma_start3A_269 = tpu.memref_slice %arg12[%dma_start3A_267, %dma_start3A_268] : memref<10112x128xf32, #tpu.memory_space<vmem_shared>> -> memref<10112x128xf32, #tpu.memory_space<vmem_shared>>
          tpu.enqueue_indirect_dma source(%arg10 : memref<112x128xf32, #tpu.memory_space<vmem>>) target(%dma_start3A_269 : memref<10112x128xf32, #tpu.memory_space<vmem_shared>>) offsets(%dma_start3A_266 : memref<112xi32, #tpu.memory_space<vmem>>) semaphore(%run_scoped3A : memref<!tpu.dma_semaphore, #tpu.memory_space<semaphore_mem>>) {add = true}
          %dma_wait3A_270 = arith.constant 0 : i32
          %dma_wait3A_271 = tpu.memref_slice %arg7[%add3A_235, %dma_wait3A_270] : memref<24x112xi32, #tpu.memory_space<vmem>> -> memref<1x112xi32, #tpu.memory_space<vmem>>
          %dma_wait3A_272 = tpu.memref_squeeze %dma_wait3A_271 : memref<1x112xi32, #tpu.memory_space<vmem>> -> memref<112xi32, #tpu.memory_space<vmem>>
          %dma_wait3A_273 = arith.constant 0 : i32
          %dma_wait3A_274 = arith.constant 0 : i32
          %dma_wait3A_275 = tpu.memref_slice %arg12[%dma_wait3A_273, %dma_wait3A_274] : memref<10112x128xf32, #tpu.memory_space<vmem_shared>> -> memref<10112x128xf32, #tpu.memory_space<vmem_shared>>
          tpu.wait_indirect_dma semaphore(%run_scoped3A : memref<!tpu.dma_semaphore, #tpu.memory_space<semaphore_mem>>) src(%arg10 : memref<112x128xf32, #tpu.memory_space<vmem>>) dst(%dma_wait3A_275 : memref<10112x128xf32, #tpu.memory_space<vmem_shared>>)
          tpu.yield
        }) : () -> ()
        %add3A_236 = arith.constant 2 : i32
        %add3A_237 = arith.addi %add3A_192, %add3A_236 : i32
        %dma_wait3A_238 = arith.constant 0 : i32
        %dma_wait3A_239 = tpu.memref_slice %arg7[%add3A_237, %dma_wait3A_238] : memref<24x112xi32, #tpu.memory_space<vmem>> -> memref<1x112xi32, #tpu.memory_space<vmem>>
        %dma_wait3A_240 = tpu.memref_squeeze %dma_wait3A_239 : memref<1x112xi32, #tpu.memory_space<vmem>> -> memref<112xi32, #tpu.memory_space<vmem>>
        %dma_wait3A_241 = arith.constant 0 : i32
        %dma_wait3A_242 = arith.constant 0 : i32
        %dma_wait3A_243 = tpu.memref_slice %arg2[%dma_wait3A_241, %dma_wait3A_242] : memref<10000x128xf32, #tpu.memory_space<hbm>> -> memref<10000x128xf32, #tpu.memory_space<hbm>>
        tpu.wait_indirect_dma semaphore(%arg17 : memref<!tpu.dma_semaphore, #tpu.memory_space<semaphore_mem>>) src(%dma_wait3A_243 : memref<10000x128xf32, #tpu.memory_space<hbm>>) dst(%arg11 : memref<112x128xf32, #tpu.memory_space<vmem>>)
        %add3A_244 = arith.constant 4 : i32
        %add3A_245 = arith.addi %add3A_192, %add3A_244 : i32
        %lt3A_246 = arith.constant 12 : i32
        %lt3A_247 = arith.cmpi slt, %add3A_245, %lt3A_246 : i32
        %convert_element_type3A_248 = arith.extui %lt3A_247 : i1 to i32
        %cond3A_249 = arith.constant 0 : i32
        %cond3A_250 = arith.cmpi ne, %convert_element_type3A_248, %cond3A_249 : i32
        scf.if %cond3A_250 {
          %add3A_264 = arith.constant 4 : i32
          %add3A_265 = arith.addi %add3A_192, %add3A_264 : i32
          %dma_start3A_266 = arith.constant 0 : i32
          %dma_start3A_267 = tpu.memref_slice %arg7[%add3A_265, %dma_start3A_266] : memref<24x112xi32, #tpu.memory_space<vmem>> -> memref<1x112xi32, #tpu.memory_space<vmem>>
          %dma_start3A_268 = tpu.memref_squeeze %dma_start3A_267 : memref<1x112xi32, #tpu.memory_space<vmem>> -> memref<112xi32, #tpu.memory_space<vmem>>
          %dma_start3A_269 = arith.constant 0 : i32
          %dma_start3A_270 = arith.constant 0 : i32
          %dma_start3A_271 = tpu.memref_slice %arg2[%dma_start3A_269, %dma_start3A_270] : memref<10000x128xf32, #tpu.memory_space<hbm>> -> memref<10000x128xf32, #tpu.memory_space<hbm>>
          tpu.enqueue_indirect_dma source(%dma_start3A_271 : memref<10000x128xf32, #tpu.memory_space<hbm>>) target(%arg10 : memref<112x128xf32, #tpu.memory_space<vmem>>) offsets(%dma_start3A_268 : memref<112xi32, #tpu.memory_space<vmem>>) semaphore(%arg16 : memref<!tpu.dma_semaphore, #tpu.memory_space<semaphore_mem>>)
        } else {
        }
        %add3A_251 = arith.constant 4 : i32
        %add3A_252 = arith.addi %add3A_192, %add3A_251 : i32
        %ge3A_253 = arith.constant 13 : i32
        %ge3A_254 = arith.cmpi sge, %add3A_252, %ge3A_253 : i32
        %and3A_255 = arith.constant true
        %and3A_256 = arith.andi %ge3A_254, %and3A_255 : i1
        %convert_element_type3A_257 = arith.extui %and3A_256 : i1 to i32
        %cond3A_258 = arith.constant 0 : i32
        %cond3A_259 = arith.cmpi ne, %convert_element_type3A_257, %cond3A_258 : i32
        scf.if %cond3A_259 {
          %dma_start3A_264 = arith.constant 1 : i32
          %dma_start3A_265 = arith.constant 0 : i32
          %dma_start3A_266 = tpu.memref_slice %arg8[%dma_start3A_264, %dma_start3A_265] : memref<24x112xi32, #tpu.memory_space<vmem>> -> memref<1x112xi32, #tpu.memory_space<vmem>>
          %dma_start3A_267 = tpu.memref_squeeze %dma_start3A_266 : memref<1x112xi32, #tpu.memory_space<vmem>> -> memref<112xi32, #tpu.memory_space<vmem>>
          %dma_start3A_268 = arith.constant 0 : i32
          %dma_start3A_269 = arith.constant 0 : i32
          %dma_start3A_270 = tpu.memref_slice %arg2[%dma_start3A_268, %dma_start3A_269] : memref<10000x128xf32, #tpu.memory_space<hbm>> -> memref<10000x128xf32, #tpu.memory_space<hbm>>
          tpu.enqueue_indirect_dma source(%dma_start3A_270 : memref<10000x128xf32, #tpu.memory_space<hbm>>) target(%arg10 : memref<112x128xf32, #tpu.memory_space<vmem>>) offsets(%dma_start3A_267 : memref<112xi32, #tpu.memory_space<vmem>>) semaphore(%arg16 : memref<!tpu.dma_semaphore, #tpu.memory_space<semaphore_mem>>)
        } else {
        }
        %add3A_260 = arith.constant 12 : i32
        %add3A_261 = arith.addi %add3A_260, %add3A_192 : i32
        %add3A_262 = arith.constant 2 : i32
        %add3A_263 = arith.addi %add3A_261, %add3A_262 : i32
        "tpu.region"() ({
          %run_scoped3A = tpu.sem_alloc : memref<!tpu.dma_semaphore, #tpu.memory_space<semaphore_mem>>
          %dma_start3A_264 = arith.constant 0 : i32
          %dma_start3A_265 = tpu.memref_slice %arg7[%add3A_263, %dma_start3A_264] : memref<24x112xi32, #tpu.memory_space<vmem>> -> memref<1x112xi32, #tpu.memory_space<vmem>>
          %dma_start3A_266 = tpu.memref_squeeze %dma_start3A_265 : memref<1x112xi32, #tpu.memory_space<vmem>> -> memref<112xi32, #tpu.memory_space<vmem>>
          %dma_start3A_267 = arith.constant 0 : i32
          %dma_start3A_268 = arith.constant 0 : i32
          %dma_start3A_269 = tpu.memref_slice %arg12[%dma_start3A_267, %dma_start3A_268] : memref<10112x128xf32, #tpu.memory_space<vmem_shared>> -> memref<10112x128xf32, #tpu.memory_space<vmem_shared>>
          tpu.enqueue_indirect_dma source(%arg11 : memref<112x128xf32, #tpu.memory_space<vmem>>) target(%dma_start3A_269 : memref<10112x128xf32, #tpu.memory_space<vmem_shared>>) offsets(%dma_start3A_266 : memref<112xi32, #tpu.memory_space<vmem>>) semaphore(%run_scoped3A : memref<!tpu.dma_semaphore, #tpu.memory_space<semaphore_mem>>) {add = true}
          %dma_wait3A_270 = arith.constant 0 : i32
          %dma_wait3A_271 = tpu.memref_slice %arg7[%add3A_263, %dma_wait3A_270] : memref<24x112xi32, #tpu.memory_space<vmem>> -> memref<1x112xi32, #tpu.memory_space<vmem>>
          %dma_wait3A_272 = tpu.memref_squeeze %dma_wait3A_271 : memref<1x112xi32, #tpu.memory_space<vmem>> -> memref<112xi32, #tpu.memory_space<vmem>>
          %dma_wait3A_273 = arith.constant 0 : i32
          %dma_wait3A_274 = arith.constant 0 : i32
          %dma_wait3A_275 = tpu.memref_slice %arg12[%dma_wait3A_273, %dma_wait3A_274] : memref<10112x128xf32, #tpu.memory_space<vmem_shared>> -> memref<10112x128xf32, #tpu.memory_space<vmem_shared>>
          tpu.wait_indirect_dma semaphore(%run_scoped3A : memref<!tpu.dma_semaphore, #tpu.memory_space<semaphore_mem>>) src(%arg11 : memref<112x128xf32, #tpu.memory_space<vmem>>) dst(%dma_wait3A_275 : memref<10112x128xf32, #tpu.memory_space<vmem_shared>>)
          tpu.yield
        }) : () -> ()
      }
      %scan3A_164 = arith.constant 4 : i32
      %add3A_165 = arith.constant 2 : i32
      %add3A_166 = arith.addi %add3A_128, %add3A_165 : i32
      %lt3A_167 = arith.constant 8 : i32
      %lt3A_168 = arith.cmpi slt, %add3A_166, %lt3A_167 : i32
      %convert_element_type3A_169 = arith.extui %lt3A_168 : i1 to i32
      %cond3A_170 = arith.constant 0 : i32
      %cond3A_171 = arith.cmpi ne, %convert_element_type3A_169, %cond3A_170 : i32
      scf.if %cond3A_171 {
        %add3A_188 = arith.addi %mul3A_4, %add3A_128 : i32
        %add3A_189 = arith.constant 2 : i32
        %add3A_190 = arith.addi %add3A_188, %add3A_189 : i32
        %dma_start3A_191 = arith.constant 0 : i32
        %dma_start3A_192 = arith.constant 0 : i32
        %dma_start3A_193 = tpu.memref_slice %arg7[%dma_start3A_191, %dma_start3A_192] : memref<24x112xi32, #tpu.memory_space<vmem>> -> memref<12x112xi32, #tpu.memory_space<vmem>>
        %dma_start3A_194 = arith.constant 0 : i32
        %dma_start3A_195 = arith.constant 0 : i32
        %dma_start3A_196 = tpu.memref_slice %arg3[%add3A_190, %dma_start3A_194, %dma_start3A_195] : memref<256x12x112xi32, #tpu.memory_space<hbm>> -> memref<1x12x112xi32, #tpu.memory_space<hbm>>
        %dma_start3A_197 = tpu.memref_squeeze %dma_start3A_196 : memref<1x12x112xi32, #tpu.memory_space<hbm>> -> memref<12x112xi32, #tpu.memory_space<hbm>>
        %dma_start3A_198 = arith.constant 0 : i32
        %dma_start3A_199 = arith.constant 0 : i32
        %dma_start3A_200 = tpu.memref_slice %arg7[%dma_start3A_198, %dma_start3A_199] : memref<24x112xi32, #tpu.memory_space<vmem>> -> memref<12x112xi32, #tpu.memory_space<vmem>>
        %dma_start3A_201 = arith.constant 0 : i32
        %dma_start3A_202 = arith.constant 0 : i32
        %dma_start3A_203 = tpu.memref_slice %arg3[%add3A_190, %dma_start3A_201, %dma_start3A_202] : memref<256x12x112xi32, #tpu.memory_space<hbm>> -> memref<1x12x112xi32, #tpu.memory_space<hbm>>
        %dma_start3A_204 = tpu.memref_squeeze %dma_start3A_203 : memref<1x12x112xi32, #tpu.memory_space<hbm>> -> memref<12x112xi32, #tpu.memory_space<hbm>>
        tpu.enqueue_dma source(%dma_start3A_204 : memref<12x112xi32, #tpu.memory_space<hbm>>) target(%dma_start3A_200 : memref<12x112xi32, #tpu.memory_space<vmem>>) target_semaphore(%arg13 : memref<!tpu.dma_semaphore, #tpu.memory_space<semaphore_mem>>)
        %dma_start3A_205 = arith.constant 12 : i32
        %dma_start3A_206 = arith.constant 0 : i32
        %dma_start3A_207 = tpu.memref_slice %arg7[%dma_start3A_205, %dma_start3A_206] : memref<24x112xi32, #tpu.memory_space<vmem>> -> memref<12x112xi32, #tpu.memory_space<vmem>>
        %dma_start3A_208 = arith.constant 0 : i32
        %dma_start3A_209 = arith.constant 0 : i32
        %dma_start3A_210 = tpu.memref_slice %arg4[%add3A_190, %dma_start3A_208, %dma_start3A_209] : memref<256x12x112xi32, #tpu.memory_space<hbm>> -> memref<1x12x112xi32, #tpu.memory_space<hbm>>
        %dma_start3A_211 = tpu.memref_squeeze %dma_start3A_210 : memref<1x12x112xi32, #tpu.memory_space<hbm>> -> memref<12x112xi32, #tpu.memory_space<hbm>>
        %dma_start3A_212 = arith.constant 12 : i32
        %dma_start3A_213 = arith.constant 0 : i32
        %dma_start3A_214 = tpu.memref_slice %arg7[%dma_start3A_212, %dma_start3A_213] : memref<24x112xi32, #tpu.memory_space<vmem>> -> memref<12x112xi32, #tpu.memory_space<vmem>>
        %dma_start3A_215 = arith.constant 0 : i32
        %dma_start3A_216 = arith.constant 0 : i32
        %dma_start3A_217 = tpu.memref_slice %arg4[%add3A_190, %dma_start3A_215, %dma_start3A_216] : memref<256x12x112xi32, #tpu.memory_space<hbm>> -> memref<1x12x112xi32, #tpu.memory_space<hbm>>
        %dma_start3A_218 = tpu.memref_squeeze %dma_start3A_217 : memref<1x12x112xi32, #tpu.memory_space<hbm>> -> memref<12x112xi32, #tpu.memory_space<hbm>>
        tpu.enqueue_dma source(%dma_start3A_218 : memref<12x112xi32, #tpu.memory_space<hbm>>) target(%dma_start3A_214 : memref<12x112xi32, #tpu.memory_space<vmem>>) target_semaphore(%arg13 : memref<!tpu.dma_semaphore, #tpu.memory_space<semaphore_mem>>)
        %add3A_219 = arith.addi %mul3A_4, %add3A_128 : i32
        %add3A_220 = arith.constant 2 : i32
        %add3A_221 = arith.addi %add3A_219, %add3A_220 : i32
        %dma_wait3A_222 = arith.constant 0 : i32
        %dma_wait3A_223 = arith.constant 0 : i32
        %dma_wait3A_224 = tpu.memref_slice %arg7[%dma_wait3A_222, %dma_wait3A_223] : memref<24x112xi32, #tpu.memory_space<vmem>> -> memref<12x112xi32, #tpu.memory_space<vmem>>
        %dma_wait3A_225 = arith.constant 0 : i32
        %dma_wait3A_226 = arith.constant 0 : i32
        %dma_wait3A_227 = tpu.memref_slice %arg3[%add3A_221, %dma_wait3A_225, %dma_wait3A_226] : memref<256x12x112xi32, #tpu.memory_space<hbm>> -> memref<1x12x112xi32, #tpu.memory_space<hbm>>
        %dma_wait3A_228 = tpu.memref_squeeze %dma_wait3A_227 : memref<1x12x112xi32, #tpu.memory_space<hbm>> -> memref<12x112xi32, #tpu.memory_space<hbm>>
        %dma_wait3A_229 = arith.constant 0 : i32
        %dma_wait3A_230 = arith.constant 0 : i32
        %dma_wait3A_231 = tpu.memref_slice %arg7[%dma_wait3A_229, %dma_wait3A_230] : memref<24x112xi32, #tpu.memory_space<vmem>> -> memref<12x112xi32, #tpu.memory_space<vmem>>
        %dma_wait3A_232 = arith.constant 0 : i32
        %dma_wait3A_233 = arith.constant 0 : i32
        %dma_wait3A_234 = tpu.memref_slice %arg3[%add3A_221, %dma_wait3A_232, %dma_wait3A_233] : memref<256x12x112xi32, #tpu.memory_space<hbm>> -> memref<1x12x112xi32, #tpu.memory_space<hbm>>
        %dma_wait3A_235 = tpu.memref_squeeze %dma_wait3A_234 : memref<1x12x112xi32, #tpu.memory_space<hbm>> -> memref<12x112xi32, #tpu.memory_space<hbm>>
        tpu.wait_dma2 semaphore(%arg13 : memref<!tpu.dma_semaphore, #tpu.memory_space<semaphore_mem>>) src(%dma_wait3A_235 : memref<12x112xi32, #tpu.memory_space<hbm>>) dst(%dma_wait3A_231 : memref<12x112xi32, #tpu.memory_space<vmem>>)
        %dma_wait3A_236 = arith.constant 12 : i32
        %dma_wait3A_237 = arith.constant 0 : i32
        %dma_wait3A_238 = tpu.memref_slice %arg7[%dma_wait3A_236, %dma_wait3A_237] : memref<24x112xi32, #tpu.memory_space<vmem>> -> memref<12x112xi32, #tpu.memory_space<vmem>>
        %dma_wait3A_239 = arith.constant 0 : i32
        %dma_wait3A_240 = arith.constant 0 : i32
        %dma_wait3A_241 = tpu.memref_slice %arg4[%add3A_221, %dma_wait3A_239, %dma_wait3A_240] : memref<256x12x112xi32, #tpu.memory_space<hbm>> -> memref<1x12x112xi32, #tpu.memory_space<hbm>>
        %dma_wait3A_242 = tpu.memref_squeeze %dma_wait3A_241 : memref<1x12x112xi32, #tpu.memory_space<hbm>> -> memref<12x112xi32, #tpu.memory_space<hbm>>
        %dma_wait3A_243 = arith.constant 12 : i32
        %dma_wait3A_244 = arith.constant 0 : i32
        %dma_wait3A_245 = tpu.memref_slice %arg7[%dma_wait3A_243, %dma_wait3A_244] : memref<24x112xi32, #tpu.memory_space<vmem>> -> memref<12x112xi32, #tpu.memory_space<vmem>>
        %dma_wait3A_246 = arith.constant 0 : i32
        %dma_wait3A_247 = arith.constant 0 : i32
        %dma_wait3A_248 = tpu.memref_slice %arg4[%add3A_221, %dma_wait3A_246, %dma_wait3A_247] : memref<256x12x112xi32, #tpu.memory_space<hbm>> -> memref<1x12x112xi32, #tpu.memory_space<hbm>>
        %dma_wait3A_249 = tpu.memref_squeeze %dma_wait3A_248 : memref<1x12x112xi32, #tpu.memory_space<hbm>> -> memref<12x112xi32, #tpu.memory_space<hbm>>
        tpu.wait_dma2 semaphore(%arg13 : memref<!tpu.dma_semaphore, #tpu.memory_space<semaphore_mem>>) src(%dma_wait3A_249 : memref<12x112xi32, #tpu.memory_space<hbm>>) dst(%dma_wait3A_245 : memref<12x112xi32, #tpu.memory_space<vmem>>)
      } else {
      }
      %add3A_172 = arith.constant 2 : i32
      %add3A_173 = arith.addi %add3A_128, %add3A_172 : i32
      %lt3A_174 = arith.constant 8 : i32
      %lt3A_175 = arith.cmpi slt, %add3A_173, %lt3A_174 : i32
      %scan3A_176 = arith.constant 0 : i32
      %scan3A_177 = arith.constant 4 : i32
      %scan3A_178 = arith.addi %scan3A_176, %scan3A_177 : i32
      %scan3A_179 = arith.constant 1 : i32
      scf.for %scan3A_188 = %scan3A_176 to %scan3A_178 step %scan3A_179  : i32 {
        %mul3A_189 = arith.constant 3 : i32
        %mul3A_190 = arith.muli %scan3A_188, %mul3A_189 : i32
        %add3A_191 = arith.constant 0 : i32
        %add3A_192 = arith.addi %add3A_191, %mul3A_190 : i32
        %dma_wait3A_193 = arith.constant 0 : i32
        %dma_wait3A_194 = tpu.memref_slice %arg8[%add3A_192, %dma_wait3A_193] : memref<24x112xi32, #tpu.memory_space<vmem>> -> memref<1x112xi32, #tpu.memory_space<vmem>>
        %dma_wait3A_195 = tpu.memref_squeeze %dma_wait3A_194 : memref<1x112xi32, #tpu.memory_space<vmem>> -> memref<112xi32, #tpu.memory_space<vmem>>
        %dma_wait3A_196 = arith.constant 0 : i32
        %dma_wait3A_197 = arith.constant 0 : i32
        %dma_wait3A_198 = tpu.memref_slice %arg2[%dma_wait3A_196, %dma_wait3A_197] : memref<10000x128xf32, #tpu.memory_space<hbm>> -> memref<10000x128xf32, #tpu.memory_space<hbm>>
        tpu.wait_indirect_dma semaphore(%arg15 : memref<!tpu.dma_semaphore, #tpu.memory_space<semaphore_mem>>) src(%dma_wait3A_198 : memref<10000x128xf32, #tpu.memory_space<hbm>>) dst(%arg9 : memref<112x128xf32, #tpu.memory_space<vmem>>)
        %add3A_199 = arith.constant 2 : i32
        %add3A_200 = arith.addi %add3A_192, %add3A_199 : i32
        %dma_start3A_201 = arith.constant 0 : i32
        %dma_start3A_202 = tpu.memref_slice %arg8[%add3A_200, %dma_start3A_201] : memref<24x112xi32, #tpu.memory_space<vmem>> -> memref<1x112xi32, #tpu.memory_space<vmem>>
        %dma_start3A_203 = tpu.memref_squeeze %dma_start3A_202 : memref<1x112xi32, #tpu.memory_space<vmem>> -> memref<112xi32, #tpu.memory_space<vmem>>
        %dma_start3A_204 = arith.constant 0 : i32
        %dma_start3A_205 = arith.constant 0 : i32
        %dma_start3A_206 = tpu.memref_slice %arg2[%dma_start3A_204, %dma_start3A_205] : memref<10000x128xf32, #tpu.memory_space<hbm>> -> memref<10000x128xf32, #tpu.memory_space<hbm>>
        tpu.enqueue_indirect_dma source(%dma_start3A_206 : memref<10000x128xf32, #tpu.memory_space<hbm>>) target(%arg11 : memref<112x128xf32, #tpu.memory_space<vmem>>) offsets(%dma_start3A_203 : memref<112xi32, #tpu.memory_space<vmem>>) semaphore(%arg17 : memref<!tpu.dma_semaphore, #tpu.memory_space<semaphore_mem>>)
        %add3A_207 = arith.constant 12 : i32
        %add3A_208 = arith.addi %add3A_207, %add3A_192 : i32
        "tpu.region"() ({
          %run_scoped3A = tpu.sem_alloc : memref<!tpu.dma_semaphore, #tpu.memory_space<semaphore_mem>>
          %dma_start3A_262 = arith.constant 0 : i32
          %dma_start3A_263 = tpu.memref_slice %arg8[%add3A_208, %dma_start3A_262] : memref<24x112xi32, #tpu.memory_space<vmem>> -> memref<1x112xi32, #tpu.memory_space<vmem>>
          %dma_start3A_264 = tpu.memref_squeeze %dma_start3A_263 : memref<1x112xi32, #tpu.memory_space<vmem>> -> memref<112xi32, #tpu.memory_space<vmem>>
          %dma_start3A_265 = arith.constant 0 : i32
          %dma_start3A_266 = arith.constant 0 : i32
          %dma_start3A_267 = tpu.memref_slice %arg12[%dma_start3A_265, %dma_start3A_266] : memref<10112x128xf32, #tpu.memory_space<vmem_shared>> -> memref<10112x128xf32, #tpu.memory_space<vmem_shared>>
          tpu.enqueue_indirect_dma source(%arg9 : memref<112x128xf32, #tpu.memory_space<vmem>>) target(%dma_start3A_267 : memref<10112x128xf32, #tpu.memory_space<vmem_shared>>) offsets(%dma_start3A_264 : memref<112xi32, #tpu.memory_space<vmem>>) semaphore(%run_scoped3A : memref<!tpu.dma_semaphore, #tpu.memory_space<semaphore_mem>>) {add = true}
          %dma_wait3A_268 = arith.constant 0 : i32
          %dma_wait3A_269 = tpu.memref_slice %arg8[%add3A_208, %dma_wait3A_268] : memref<24x112xi32, #tpu.memory_space<vmem>> -> memref<1x112xi32, #tpu.memory_space<vmem>>
          %dma_wait3A_270 = tpu.memref_squeeze %dma_wait3A_269 : memref<1x112xi32, #tpu.memory_space<vmem>> -> memref<112xi32, #tpu.memory_space<vmem>>
          %dma_wait3A_271 = arith.constant 0 : i32
          %dma_wait3A_272 = arith.constant 0 : i32
          %dma_wait3A_273 = tpu.memref_slice %arg12[%dma_wait3A_271, %dma_wait3A_272] : memref<10112x128xf32, #tpu.memory_space<vmem_shared>> -> memref<10112x128xf32, #tpu.memory_space<vmem_shared>>
          tpu.wait_indirect_dma semaphore(%run_scoped3A : memref<!tpu.dma_semaphore, #tpu.memory_space<semaphore_mem>>) src(%arg9 : memref<112x128xf32, #tpu.memory_space<vmem>>) dst(%dma_wait3A_273 : memref<10112x128xf32, #tpu.memory_space<vmem_shared>>)
          tpu.yield
        }) : () -> ()
        %add3A_209 = arith.constant 1 : i32
        %add3A_210 = arith.addi %add3A_192, %add3A_209 : i32
        %dma_wait3A_211 = arith.constant 0 : i32
        %dma_wait3A_212 = tpu.memref_slice %arg8[%add3A_210, %dma_wait3A_211] : memref<24x112xi32, #tpu.memory_space<vmem>> -> memref<1x112xi32, #tpu.memory_space<vmem>>
        %dma_wait3A_213 = tpu.memref_squeeze %dma_wait3A_212 : memref<1x112xi32, #tpu.memory_space<vmem>> -> memref<112xi32, #tpu.memory_space<vmem>>
        %dma_wait3A_214 = arith.constant 0 : i32
        %dma_wait3A_215 = arith.constant 0 : i32
        %dma_wait3A_216 = tpu.memref_slice %arg2[%dma_wait3A_214, %dma_wait3A_215] : memref<10000x128xf32, #tpu.memory_space<hbm>> -> memref<10000x128xf32, #tpu.memory_space<hbm>>
        tpu.wait_indirect_dma semaphore(%arg16 : memref<!tpu.dma_semaphore, #tpu.memory_space<semaphore_mem>>) src(%dma_wait3A_216 : memref<10000x128xf32, #tpu.memory_space<hbm>>) dst(%arg10 : memref<112x128xf32, #tpu.memory_space<vmem>>)
        %add3A_217 = arith.constant 3 : i32
        %add3A_218 = arith.addi %add3A_192, %add3A_217 : i32
        %lt3A_219 = arith.constant 12 : i32
        %lt3A_220 = arith.cmpi slt, %add3A_218, %lt3A_219 : i32
        %convert_element_type3A_221 = arith.extui %lt3A_220 : i1 to i32
        %cond3A_222 = arith.constant 0 : i32
        %cond3A_223 = arith.cmpi ne, %convert_element_type3A_221, %cond3A_222 : i32
        scf.if %cond3A_223 {
          %add3A_262 = arith.constant 3 : i32
          %add3A_263 = arith.addi %add3A_192, %add3A_262 : i32
          %dma_start3A_264 = arith.constant 0 : i32
          %dma_start3A_265 = tpu.memref_slice %arg8[%add3A_263, %dma_start3A_264] : memref<24x112xi32, #tpu.memory_space<vmem>> -> memref<1x112xi32, #tpu.memory_space<vmem>>
          %dma_start3A_266 = tpu.memref_squeeze %dma_start3A_265 : memref<1x112xi32, #tpu.memory_space<vmem>> -> memref<112xi32, #tpu.memory_space<vmem>>
          %dma_start3A_267 = arith.constant 0 : i32
          %dma_start3A_268 = arith.constant 0 : i32
          %dma_start3A_269 = tpu.memref_slice %arg2[%dma_start3A_267, %dma_start3A_268] : memref<10000x128xf32, #tpu.memory_space<hbm>> -> memref<10000x128xf32, #tpu.memory_space<hbm>>
          tpu.enqueue_indirect_dma source(%dma_start3A_269 : memref<10000x128xf32, #tpu.memory_space<hbm>>) target(%arg9 : memref<112x128xf32, #tpu.memory_space<vmem>>) offsets(%dma_start3A_266 : memref<112xi32, #tpu.memory_space<vmem>>) semaphore(%arg15 : memref<!tpu.dma_semaphore, #tpu.memory_space<semaphore_mem>>)
        } else {
        }
        %add3A_224 = arith.constant 3 : i32
        %add3A_225 = arith.addi %add3A_192, %add3A_224 : i32
        %ge3A = arith.constant 12 : i32
        %ge3A_226 = arith.cmpi sge, %add3A_225, %ge3A : i32
        %and3A_227 = arith.andi %ge3A_226, %lt3A_175 : i1
        %convert_element_type3A_228 = arith.extui %and3A_227 : i1 to i32
        %cond3A_229 = arith.constant 0 : i32
        %cond3A_230 = arith.cmpi ne, %convert_element_type3A_228, %cond3A_229 : i32
        scf.if %cond3A_230 {
          %dma_start3A_262 = arith.constant 0 : i32
          %dma_start3A_263 = arith.constant 0 : i32
          %dma_start3A_264 = tpu.memref_slice %arg7[%dma_start3A_262, %dma_start3A_263] : memref<24x112xi32, #tpu.memory_space<vmem>> -> memref<1x112xi32, #tpu.memory_space<vmem>>
          %dma_start3A_265 = tpu.memref_squeeze %dma_start3A_264 : memref<1x112xi32, #tpu.memory_space<vmem>> -> memref<112xi32, #tpu.memory_space<vmem>>
          %dma_start3A_266 = arith.constant 0 : i32
          %dma_start3A_267 = arith.constant 0 : i32
          %dma_start3A_268 = tpu.memref_slice %arg2[%dma_start3A_266, %dma_start3A_267] : memref<10000x128xf32, #tpu.memory_space<hbm>> -> memref<10000x128xf32, #tpu.memory_space<hbm>>
          tpu.enqueue_indirect_dma source(%dma_start3A_268 : memref<10000x128xf32, #tpu.memory_space<hbm>>) target(%arg9 : memref<112x128xf32, #tpu.memory_space<vmem>>) offsets(%dma_start3A_265 : memref<112xi32, #tpu.memory_space<vmem>>) semaphore(%arg15 : memref<!tpu.dma_semaphore, #tpu.memory_space<semaphore_mem>>)
        } else {
        }
        %add3A_231 = arith.constant 12 : i32
        %add3A_232 = arith.addi %add3A_231, %add3A_192 : i32
        %add3A_233 = arith.constant 1 : i32
        %add3A_234 = arith.addi %add3A_232, %add3A_233 : i32
        "tpu.region"() ({
          %run_scoped3A = tpu.sem_alloc : memref<!tpu.dma_semaphore, #tpu.memory_space<semaphore_mem>>
          %dma_start3A_262 = arith.constant 0 : i32
          %dma_start3A_263 = tpu.memref_slice %arg8[%add3A_234, %dma_start3A_262] : memref<24x112xi32, #tpu.memory_space<vmem>> -> memref<1x112xi32, #tpu.memory_space<vmem>>
          %dma_start3A_264 = tpu.memref_squeeze %dma_start3A_263 : memref<1x112xi32, #tpu.memory_space<vmem>> -> memref<112xi32, #tpu.memory_space<vmem>>
          %dma_start3A_265 = arith.constant 0 : i32
          %dma_start3A_266 = arith.constant 0 : i32
          %dma_start3A_267 = tpu.memref_slice %arg12[%dma_start3A_265, %dma_start3A_266] : memref<10112x128xf32, #tpu.memory_space<vmem_shared>> -> memref<10112x128xf32, #tpu.memory_space<vmem_shared>>
          tpu.enqueue_indirect_dma source(%arg10 : memref<112x128xf32, #tpu.memory_space<vmem>>) target(%dma_start3A_267 : memref<10112x128xf32, #tpu.memory_space<vmem_shared>>) offsets(%dma_start3A_264 : memref<112xi32, #tpu.memory_space<vmem>>) semaphore(%run_scoped3A : memref<!tpu.dma_semaphore, #tpu.memory_space<semaphore_mem>>) {add = true}
          %dma_wait3A_268 = arith.constant 0 : i32
          %dma_wait3A_269 = tpu.memref_slice %arg8[%add3A_234, %dma_wait3A_268] : memref<24x112xi32, #tpu.memory_space<vmem>> -> memref<1x112xi32, #tpu.memory_space<vmem>>
          %dma_wait3A_270 = tpu.memref_squeeze %dma_wait3A_269 : memref<1x112xi32, #tpu.memory_space<vmem>> -> memref<112xi32, #tpu.memory_space<vmem>>
          %dma_wait3A_271 = arith.constant 0 : i32
          %dma_wait3A_272 = arith.constant 0 : i32
          %dma_wait3A_273 = tpu.memref_slice %arg12[%dma_wait3A_271, %dma_wait3A_272] : memref<10112x128xf32, #tpu.memory_space<vmem_shared>> -> memref<10112x128xf32, #tpu.memory_space<vmem_shared>>
          tpu.wait_indirect_dma semaphore(%run_scoped3A : memref<!tpu.dma_semaphore, #tpu.memory_space<semaphore_mem>>) src(%arg10 : memref<112x128xf32, #tpu.memory_space<vmem>>) dst(%dma_wait3A_273 : memref<10112x128xf32, #tpu.memory_space<vmem_shared>>)
          tpu.yield
        }) : () -> ()
        %add3A_235 = arith.constant 2 : i32
        %add3A_236 = arith.addi %add3A_192, %add3A_235 : i32
        %dma_wait3A_237 = arith.constant 0 : i32
        %dma_wait3A_238 = tpu.memref_slice %arg8[%add3A_236, %dma_wait3A_237] : memref<24x112xi32, #tpu.memory_space<vmem>> -> memref<1x112xi32, #tpu.memory_space<vmem>>
        %dma_wait3A_239 = tpu.memref_squeeze %dma_wait3A_238 : memref<1x112xi32, #tpu.memory_space<vmem>> -> memref<112xi32, #tpu.memory_space<vmem>>
        %dma_wait3A_240 = arith.constant 0 : i32
        %dma_wait3A_241 = arith.constant 0 : i32
        %dma_wait3A_242 = tpu.memref_slice %arg2[%dma_wait3A_240, %dma_wait3A_241] : memref<10000x128xf32, #tpu.memory_space<hbm>> -> memref<10000x128xf32, #tpu.memory_space<hbm>>
        tpu.wait_indirect_dma semaphore(%arg17 : memref<!tpu.dma_semaphore, #tpu.memory_space<semaphore_mem>>) src(%dma_wait3A_242 : memref<10000x128xf32, #tpu.memory_space<hbm>>) dst(%arg11 : memref<112x128xf32, #tpu.memory_space<vmem>>)
        %add3A_243 = arith.constant 4 : i32
        %add3A_244 = arith.addi %add3A_192, %add3A_243 : i32
        %lt3A_245 = arith.constant 12 : i32
        %lt3A_246 = arith.cmpi slt, %add3A_244, %lt3A_245 : i32
        %convert_element_type3A_247 = arith.extui %lt3A_246 : i1 to i32
        %cond3A_248 = arith.constant 0 : i32
        %cond3A_249 = arith.cmpi ne, %convert_element_type3A_247, %cond3A_248 : i32
        scf.if %cond3A_249 {
          %add3A_262 = arith.constant 4 : i32
          %add3A_263 = arith.addi %add3A_192, %add3A_262 : i32
          %dma_start3A_264 = arith.constant 0 : i32
          %dma_start3A_265 = tpu.memref_slice %arg8[%add3A_263, %dma_start3A_264] : memref<24x112xi32, #tpu.memory_space<vmem>> -> memref<1x112xi32, #tpu.memory_space<vmem>>
          %dma_start3A_266 = tpu.memref_squeeze %dma_start3A_265 : memref<1x112xi32, #tpu.memory_space<vmem>> -> memref<112xi32, #tpu.memory_space<vmem>>
          %dma_start3A_267 = arith.constant 0 : i32
          %dma_start3A_268 = arith.constant 0 : i32
          %dma_start3A_269 = tpu.memref_slice %arg2[%dma_start3A_267, %dma_start3A_268] : memref<10000x128xf32, #tpu.memory_space<hbm>> -> memref<10000x128xf32, #tpu.memory_space<hbm>>
          tpu.enqueue_indirect_dma source(%dma_start3A_269 : memref<10000x128xf32, #tpu.memory_space<hbm>>) target(%arg10 : memref<112x128xf32, #tpu.memory_space<vmem>>) offsets(%dma_start3A_266 : memref<112xi32, #tpu.memory_space<vmem>>) semaphore(%arg16 : memref<!tpu.dma_semaphore, #tpu.memory_space<semaphore_mem>>)
        } else {
        }
        %add3A_250 = arith.constant 4 : i32
        %add3A_251 = arith.addi %add3A_192, %add3A_250 : i32
        %ge3A_252 = arith.constant 13 : i32
        %ge3A_253 = arith.cmpi sge, %add3A_251, %ge3A_252 : i32
        %and3A_254 = arith.andi %ge3A_253, %lt3A_175 : i1
        %convert_element_type3A_255 = arith.extui %and3A_254 : i1 to i32
        %cond3A_256 = arith.constant 0 : i32
        %cond3A_257 = arith.cmpi ne, %convert_element_type3A_255, %cond3A_256 : i32
        scf.if %cond3A_257 {
          %dma_start3A_262 = arith.constant 1 : i32
          %dma_start3A_263 = arith.constant 0 : i32
          %dma_start3A_264 = tpu.memref_slice %arg7[%dma_start3A_262, %dma_start3A_263] : memref<24x112xi32, #tpu.memory_space<vmem>> -> memref<1x112xi32, #tpu.memory_space<vmem>>
          %dma_start3A_265 = tpu.memref_squeeze %dma_start3A_264 : memref<1x112xi32, #tpu.memory_space<vmem>> -> memref<112xi32, #tpu.memory_space<vmem>>
          %dma_start3A_266 = arith.constant 0 : i32
          %dma_start3A_267 = arith.constant 0 : i32
          %dma_start3A_268 = tpu.memref_slice %arg2[%dma_start3A_266, %dma_start3A_267] : memref<10000x128xf32, #tpu.memory_space<hbm>> -> memref<10000x128xf32, #tpu.memory_space<hbm>>
          tpu.enqueue_indirect_dma source(%dma_start3A_268 : memref<10000x128xf32, #tpu.memory_space<hbm>>) target(%arg10 : memref<112x128xf32, #tpu.memory_space<vmem>>) offsets(%dma_start3A_265 : memref<112xi32, #tpu.memory_space<vmem>>) semaphore(%arg16 : memref<!tpu.dma_semaphore, #tpu.memory_space<semaphore_mem>>)
        } else {
        }
        %add3A_258 = arith.constant 12 : i32
        %add3A_259 = arith.addi %add3A_258, %add3A_192 : i32
        %add3A_260 = arith.constant 2 : i32
        %add3A_261 = arith.addi %add3A_259, %add3A_260 : i32
        "tpu.region"() ({
          %run_scoped3A = tpu.sem_alloc : memref<!tpu.dma_semaphore, #tpu.memory_space<semaphore_mem>>
          %dma_start3A_262 = arith.constant 0 : i32
          %dma_start3A_263 = tpu.memref_slice %arg8[%add3A_261, %dma_start3A_262] : memref<24x112xi32, #tpu.memory_space<vmem>> -> memref<1x112xi32, #tpu.memory_space<vmem>>
          %dma_start3A_264 = tpu.memref_squeeze %dma_start3A_263 : memref<1x112xi32, #tpu.memory_space<vmem>> -> memref<112xi32, #tpu.memory_space<vmem>>
          %dma_start3A_265 = arith.constant 0 : i32
          %dma_start3A_266 = arith.constant 0 : i32
          %dma_start3A_267 = tpu.memref_slice %arg12[%dma_start3A_265, %dma_start3A_266] : memref<10112x128xf32, #tpu.memory_space<vmem_shared>> -> memref<10112x128xf32, #tpu.memory_space<vmem_shared>>
          tpu.enqueue_indirect_dma source(%arg11 : memref<112x128xf32, #tpu.memory_space<vmem>>) target(%dma_start3A_267 : memref<10112x128xf32, #tpu.memory_space<vmem_shared>>) offsets(%dma_start3A_264 : memref<112xi32, #tpu.memory_space<vmem>>) semaphore(%run_scoped3A : memref<!tpu.dma_semaphore, #tpu.memory_space<semaphore_mem>>) {add = true}
          %dma_wait3A_268 = arith.constant 0 : i32
          %dma_wait3A_269 = tpu.memref_slice %arg8[%add3A_261, %dma_wait3A_268] : memref<24x112xi32, #tpu.memory_space<vmem>> -> memref<1x112xi32, #tpu.memory_space<vmem>>
          %dma_wait3A_270 = tpu.memref_squeeze %dma_wait3A_269 : memref<1x112xi32, #tpu.memory_space<vmem>> -> memref<112xi32, #tpu.memory_space<vmem>>
          %dma_wait3A_271 = arith.constant 0 : i32
          %dma_wait3A_272 = arith.constant 0 : i32
          %dma_wait3A_273 = tpu.memref_slice %arg12[%dma_wait3A_271, %dma_wait3A_272] : memref<10112x128xf32, #tpu.memory_space<vmem_shared>> -> memref<10112x128xf32, #tpu.memory_space<vmem_shared>>
          tpu.wait_indirect_dma semaphore(%run_scoped3A : memref<!tpu.dma_semaphore, #tpu.memory_space<semaphore_mem>>) src(%arg11 : memref<112x128xf32, #tpu.memory_space<vmem>>) dst(%dma_wait3A_273 : memref<10112x128xf32, #tpu.memory_space<vmem_shared>>)
          tpu.yield
        }) : () -> ()
      }
      %scan3A_180 = arith.constant 4 : i32
      %add3A_181 = arith.constant 3 : i32
      %add3A_182 = arith.addi %add3A_128, %add3A_181 : i32
      %lt3A_183 = arith.constant 8 : i32
      %lt3A_184 = arith.cmpi slt, %add3A_182, %lt3A_183 : i32
      %convert_element_type3A_185 = arith.extui %lt3A_184 : i1 to i32
      %cond3A_186 = arith.constant 0 : i32
      %cond3A_187 = arith.cmpi ne, %convert_element_type3A_185, %cond3A_186 : i32
      scf.if %cond3A_187 {
        %add3A_188 = arith.addi %mul3A_4, %add3A_128 : i32
        %add3A_189 = arith.constant 3 : i32
        %add3A_190 = arith.addi %add3A_188, %add3A_189 : i32
        %dma_start3A_191 = arith.constant 0 : i32
        %dma_start3A_192 = arith.constant 0 : i32
        %dma_start3A_193 = tpu.memref_slice %arg8[%dma_start3A_191, %dma_start3A_192] : memref<24x112xi32, #tpu.memory_space<vmem>> -> memref<12x112xi32, #tpu.memory_space<vmem>>
        %dma_start3A_194 = arith.constant 0 : i32
        %dma_start3A_195 = arith.constant 0 : i32
        %dma_start3A_196 = tpu.memref_slice %arg3[%add3A_190, %dma_start3A_194, %dma_start3A_195] : memref<256x12x112xi32, #tpu.memory_space<hbm>> -> memref<1x12x112xi32, #tpu.memory_space<hbm>>
        %dma_start3A_197 = tpu.memref_squeeze %dma_start3A_196 : memref<1x12x112xi32, #tpu.memory_space<hbm>> -> memref<12x112xi32, #tpu.memory_space<hbm>>
        %dma_start3A_198 = arith.constant 0 : i32
        %dma_start3A_199 = arith.constant 0 : i32
        %dma_start3A_200 = tpu.memref_slice %arg8[%dma_start3A_198, %dma_start3A_199] : memref<24x112xi32, #tpu.memory_space<vmem>> -> memref<12x112xi32, #tpu.memory_space<vmem>>
        %dma_start3A_201 = arith.constant 0 : i32
        %dma_start3A_202 = arith.constant 0 : i32
        %dma_start3A_203 = tpu.memref_slice %arg3[%add3A_190, %dma_start3A_201, %dma_start3A_202] : memref<256x12x112xi32, #tpu.memory_space<hbm>> -> memref<1x12x112xi32, #tpu.memory_space<hbm>>
        %dma_start3A_204 = tpu.memref_squeeze %dma_start3A_203 : memref<1x12x112xi32, #tpu.memory_space<hbm>> -> memref<12x112xi32, #tpu.memory_space<hbm>>
        tpu.enqueue_dma source(%dma_start3A_204 : memref<12x112xi32, #tpu.memory_space<hbm>>) target(%dma_start3A_200 : memref<12x112xi32, #tpu.memory_space<vmem>>) target_semaphore(%arg14 : memref<!tpu.dma_semaphore, #tpu.memory_space<semaphore_mem>>)
        %dma_start3A_205 = arith.constant 12 : i32
        %dma_start3A_206 = arith.constant 0 : i32
        %dma_start3A_207 = tpu.memref_slice %arg8[%dma_start3A_205, %dma_start3A_206] : memref<24x112xi32, #tpu.memory_space<vmem>> -> memref<12x112xi32, #tpu.memory_space<vmem>>
        %dma_start3A_208 = arith.constant 0 : i32
        %dma_start3A_209 = arith.constant 0 : i32
        %dma_start3A_210 = tpu.memref_slice %arg4[%add3A_190, %dma_start3A_208, %dma_start3A_209] : memref<256x12x112xi32, #tpu.memory_space<hbm>> -> memref<1x12x112xi32, #tpu.memory_space<hbm>>
        %dma_start3A_211 = tpu.memref_squeeze %dma_start3A_210 : memref<1x12x112xi32, #tpu.memory_space<hbm>> -> memref<12x112xi32, #tpu.memory_space<hbm>>
        %dma_start3A_212 = arith.constant 12 : i32
        %dma_start3A_213 = arith.constant 0 : i32
        %dma_start3A_214 = tpu.memref_slice %arg8[%dma_start3A_212, %dma_start3A_213] : memref<24x112xi32, #tpu.memory_space<vmem>> -> memref<12x112xi32, #tpu.memory_space<vmem>>
        %dma_start3A_215 = arith.constant 0 : i32
        %dma_start3A_216 = arith.constant 0 : i32
        %dma_start3A_217 = tpu.memref_slice %arg4[%add3A_190, %dma_start3A_215, %dma_start3A_216] : memref<256x12x112xi32, #tpu.memory_space<hbm>> -> memref<1x12x112xi32, #tpu.memory_space<hbm>>
        %dma_start3A_218 = tpu.memref_squeeze %dma_start3A_217 : memref<1x12x112xi32, #tpu.memory_space<hbm>> -> memref<12x112xi32, #tpu.memory_space<hbm>>
        tpu.enqueue_dma source(%dma_start3A_218 : memref<12x112xi32, #tpu.memory_space<hbm>>) target(%dma_start3A_214 : memref<12x112xi32, #tpu.memory_space<vmem>>) target_semaphore(%arg14 : memref<!tpu.dma_semaphore, #tpu.memory_space<semaphore_mem>>)
      } else {
      }
    }
    %scan3A_122 = arith.constant 4 : i32
    %barrier3A_123 = arith.constant 0 : index
    tpu.barrier barrier_id(%barrier3A_123)
    "tpu.region"() ({
      %run_scoped3A = tpu.sem_alloc : memref<!tpu.dma_semaphore, #tpu.memory_space<semaphore_mem>>
      %dma_start3A_124 = arith.constant 0 : i32
      %dma_start3A_125 = tpu.memref_slice %arg6[%arg0, %mul3A_0, %dma_start3A_124] : memref<2x10112x128xf32, #tpu.memory_space<hbm>> -> memref<1x632x128xf32, #tpu.memory_space<hbm>>
      %dma_start3A_126 = tpu.memref_squeeze %dma_start3A_125 : memref<1x632x128xf32, #tpu.memory_space<hbm>> -> memref<632x128xf32, #tpu.memory_space<hbm>>
      %dma_start3A_127 = arith.constant 0 : i32
      %dma_start3A_128 = tpu.memref_slice %arg12[%mul3A_0, %dma_start3A_127] : memref<10112x128xf32, #tpu.memory_space<vmem_shared>> -> memref<632x128xf32, #tpu.memory_space<vmem_shared>>
      tpu.enqueue_dma source(%dma_start3A_128 : memref<632x128xf32, #tpu.memory_space<vmem_shared>>) target(%dma_start3A_126 : memref<632x128xf32, #tpu.memory_space<hbm>>) target_semaphore(%run_scoped3A : memref<!tpu.dma_semaphore, #tpu.memory_space<semaphore_mem>>)
      %dma_wait3A_129 = arith.constant 0 : i32
      %dma_wait3A_130 = tpu.memref_slice %arg6[%arg0, %mul3A_0, %dma_wait3A_129] : memref<2x10112x128xf32, #tpu.memory_space<hbm>> -> memref<1x632x128xf32, #tpu.memory_space<hbm>>
      %dma_wait3A_131 = tpu.memref_squeeze %dma_wait3A_130 : memref<1x632x128xf32, #tpu.memory_space<hbm>> -> memref<632x128xf32, #tpu.memory_space<hbm>>
      %dma_wait3A_132 = arith.constant 0 : i32
      %dma_wait3A_133 = tpu.memref_slice %arg12[%mul3A_0, %dma_wait3A_132] : memref<10112x128xf32, #tpu.memory_space<vmem_shared>> -> memref<632x128xf32, #tpu.memory_space<vmem_shared>>
      tpu.wait_dma2 semaphore(%run_scoped3A : memref<!tpu.dma_semaphore, #tpu.memory_space<semaphore_mem>>) src(%dma_wait3A_133 : memref<632x128xf32, #tpu.memory_space<vmem_shared>>) dst(%dma_wait3A_131 : memref<632x128xf32, #tpu.memory_space<hbm>>)
      tpu.yield
    }) : () -> ()
    return
  }
}

module attributes {stable_mosaic.version = 14 : i64} {
  func.func @_mlp_body(%arg0: i32, %arg1: memref<1x2000x128xf32, #tpu.memory_space<vmem>>, %arg2: memref<1x2000x128xf32, #tpu.memory_space<vmem>>, %arg3: memref<128x256xf32, #tpu.memory_space<vmem>>, %arg4: memref<1x256xf32, #tpu.memory_space<vmem>>, %arg5: memref<256x128xf32, #tpu.memory_space<vmem>>, %arg6: memref<1x128xf32, #tpu.memory_space<vmem>>, %arg7: memref<2000x128xf32, #tpu.memory_space<vmem>>) attributes {dimension_semantics = [#tpu.dimension_semantics<arbitrary>], iteration_bounds = array<i64: 5>, scalar_prefetch = 0 : i64, scratch_operands = 0 : i64, tpu.core_type = #tpu.core_type<tc>, window_params = [{transform_indices = @transform_0, window_bounds = array<i64: 1, 2000, 128>}, {transform_indices = @transform_1, window_bounds = array<i64: 1, 2000, 128>}, {pipeline_mode = #tpu.pipeline_mode<synchronous>, transform_indices = @transform_2, window_bounds = array<i64: 128, 256>}, {pipeline_mode = #tpu.pipeline_mode<synchronous>, transform_indices = @transform_3, window_bounds = array<i64: 1, 256>}, {pipeline_mode = #tpu.pipeline_mode<synchronous>, transform_indices = @transform_4, window_bounds = array<i64: 256, 128>}, {pipeline_mode = #tpu.pipeline_mode<synchronous>, transform_indices = @transform_5, window_bounds = array<i64: 1, 128>}, {transform_indices = @transform_6, window_bounds = array<i64: 2000, 128>}]} {
    %get3A = arith.constant 0 : index
    %get3A_0 = arith.constant 0 : index
    %get3A_1 = arith.constant 0 : index
    %get3A_2 = vector.load %arg1[%get3A, %get3A_0, %get3A_1] : memref<1x2000x128xf32, #tpu.memory_space<vmem>>, vector<1x2000x128xf32>
    %get3A_3 = vector.shape_cast %get3A_2 : vector<1x2000x128xf32> to vector<2000x128xf32>
    %get3A_4 = arith.constant 0 : index
    %get3A_5 = arith.constant 0 : index
    %get3A_6 = arith.constant 0 : index
    %get3A_7 = vector.load %arg2[%get3A_4, %get3A_5, %get3A_6] : memref<1x2000x128xf32, #tpu.memory_space<vmem>>, vector<1x2000x128xf32>
    %get3A_8 = vector.shape_cast %get3A_7 : vector<1x2000x128xf32> to vector<2000x128xf32>
    %add3A = arith.addf %get3A_3, %get3A_8 : vector<2000x128xf32>
    %get3A_9 = arith.constant 0 : index
    %get3A_10 = arith.constant 0 : index
    %get3A_11 = vector.load %arg3[%get3A_9, %get3A_10] : memref<128x256xf32, #tpu.memory_space<vmem>>, vector<128x256xf32>
    %dot_general3A = arith.constant dense<0.000000e+00> : vector<2000x256xf32>
    %dot_general3A_12 = tpu.matmul %add3A, %get3A_11, %dot_general3A {dimension_numbers = #tpu.dot_dimension_numbers<[1], [0], [0], [1], [0, 0, 1, 1], [], []>, transpose_lhs_hint = false} : vector<2000x128xf32>, vector<128x256xf32>, vector<2000x256xf32> -> vector<2000x256xf32>
    %get3A_13 = arith.constant 0 : index
    %get3A_14 = arith.constant 0 : index
    %get3A_15 = vector.load %arg4[%get3A_13, %get3A_14] : memref<1x256xf32, #tpu.memory_space<vmem>>, vector<1x256xf32>
    %add3A_16 = vector.broadcast %get3A_15 : vector<1x256xf32> to vector<2000x256xf32>
    %add3A_17 = arith.addf %dot_general3A_12, %add3A_16 : vector<2000x256xf32>
    %max3A = arith.constant 0.000000e+00 : f32
    %max3A_18 = vector.broadcast %max3A : f32 to vector<2000x256xf32>
    %max3A_19 = arith.maximumf %add3A_17, %max3A_18 : vector<2000x256xf32>
    %get3A_20 = arith.constant 0 : index
    %get3A_21 = arith.constant 0 : index
    %get3A_22 = vector.load %arg5[%get3A_20, %get3A_21] : memref<256x128xf32, #tpu.memory_space<vmem>>, vector<256x128xf32>
    %dot_general3A_23 = arith.constant dense<0.000000e+00> : vector<2000x128xf32>
    %dot_general3A_24 = tpu.matmul %max3A_19, %get3A_22, %dot_general3A_23 {dimension_numbers = #tpu.dot_dimension_numbers<[1], [0], [0], [1], [0, 0, 1, 1], [], []>, transpose_lhs_hint = false} : vector<2000x256xf32>, vector<256x128xf32>, vector<2000x128xf32> -> vector<2000x128xf32>
    %get3A_25 = arith.constant 0 : index
    %get3A_26 = arith.constant 0 : index
    %get3A_27 = vector.load %arg6[%get3A_25, %get3A_26] : memref<1x128xf32, #tpu.memory_space<vmem>>, vector<1x128xf32>
    %add3A_28 = vector.broadcast %get3A_27 : vector<1x128xf32> to vector<2000x128xf32>
    %add3A_29 = arith.addf %dot_general3A_24, %add3A_28 : vector<2000x128xf32>
    %max3A_30 = arith.constant 0.000000e+00 : f32
    %max3A_31 = vector.broadcast %max3A_30 : f32 to vector<2000x128xf32>
    %max3A_32 = arith.maximumf %add3A_29, %max3A_31 : vector<2000x128xf32>
    %swap3A = arith.constant 0 : index
    %swap3A_33 = arith.constant 0 : index
    %swap3A_34 = vector.load %arg7[%swap3A, %swap3A_33] : memref<2000x128xf32, #tpu.memory_space<vmem>>, vector<2000x128xf32>
    tpu.vector_store %arg7[%swap3A, %swap3A_33], %max3A_32 {strides = array<i32>} : memref<2000x128xf32, #tpu.memory_space<vmem>>, vector<2000x128xf32>,
    return
  }
  func.func @transform_0(%arg0: i32) -> (i32, i32, i32) {
    %c0_i32 = arith.constant 0 : i32
    %c0_i32_0 = arith.constant 0 : i32
    %c0_i32_1 = arith.constant 0 : i32
    return %c0_i32, %arg0, %c0_i32_0 : i32, i32, i32
  }
  func.func @transform_1(%arg0: i32) -> (i32, i32, i32) {
    %c1_i32 = arith.constant 1 : i32
    %c0_i32 = arith.constant 0 : i32
    %c0_i32_0 = arith.constant 0 : i32
    return %c1_i32, %arg0, %c0_i32 : i32, i32, i32
  }
  func.func @transform_2(%arg0: i32) -> (i32, i32) {
    %c0_i32 = arith.constant 0 : i32
    %c0_i32_0 = arith.constant 0 : i32
    %c0_i32_1 = arith.constant 0 : i32
    return %c0_i32, %c0_i32_0 : i32, i32
  }
  func.func @transform_3(%arg0: i32) -> (i32, i32) {
    %c0_i32 = arith.constant 0 : i32
    %c0_i32_0 = arith.constant 0 : i32
    %c0_i32_1 = arith.constant 0 : i32
    return %c0_i32, %c0_i32_0 : i32, i32
  }
  func.func @transform_4(%arg0: i32) -> (i32, i32) {
    %c0_i32 = arith.constant 0 : i32
    %c0_i32_0 = arith.constant 0 : i32
    %c0_i32_1 = arith.constant 0 : i32
    return %c0_i32, %c0_i32_0 : i32, i32
  }
  func.func @transform_5(%arg0: i32) -> (i32, i32) {
    %c0_i32 = arith.constant 0 : i32
    %c0_i32_0 = arith.constant 0 : i32
    %c0_i32_1 = arith.constant 0 : i32
    return %c0_i32, %c0_i32_0 : i32, i32
  }
  func.func @transform_6(%arg0: i32) -> (i32, i32) {
    %c0_i32 = arith.constant 0 : i32
    %c0_i32_0 = arith.constant 0 : i32
    return %arg0, %c0_i32 : i32, i32
  }
}

module attributes {stable_mosaic.version = 14 : i64} {
  func.func @_mlp_last_body(%arg0: i32, %arg1: memref<1x2000x128xf32, #tpu.memory_space<vmem>>, %arg2: memref<1x2000x128xf32, #tpu.memory_space<vmem>>, %arg3: memref<128x256xf32, #tpu.memory_space<vmem>>, %arg4: memref<1x256xf32, #tpu.memory_space<vmem>>, %arg5: memref<256x128xf32, #tpu.memory_space<vmem>>, %arg6: memref<1x128xf32, #tpu.memory_space<vmem>>, %arg7: memref<128x10xf32, #tpu.memory_space<vmem>>, %arg8: memref<1x10xf32, #tpu.memory_space<vmem>>, %arg9: memref<1x10xf32, #tpu.memory_space<vmem>>, %arg10: memref<1x128xf32, #tpu.memory_space<vmem>>) attributes {dimension_semantics = [#tpu.dimension_semantics<arbitrary>], iteration_bounds = array<i64: 5>, scalar_prefetch = 0 : i64, scratch_operands = 1 : i64, tpu.core_type = #tpu.core_type<tc>, window_params = [{transform_indices = @transform_0, window_bounds = array<i64: 1, 2000, 128>}, {transform_indices = @transform_1, window_bounds = array<i64: 1, 2000, 128>}, {pipeline_mode = #tpu.pipeline_mode<synchronous>, transform_indices = @transform_2, window_bounds = array<i64: 128, 256>}, {pipeline_mode = #tpu.pipeline_mode<synchronous>, transform_indices = @transform_3, window_bounds = array<i64: 1, 256>}, {pipeline_mode = #tpu.pipeline_mode<synchronous>, transform_indices = @transform_4, window_bounds = array<i64: 256, 128>}, {pipeline_mode = #tpu.pipeline_mode<synchronous>, transform_indices = @transform_5, window_bounds = array<i64: 1, 128>}, {pipeline_mode = #tpu.pipeline_mode<synchronous>, transform_indices = @transform_6, window_bounds = array<i64: 128, 10>}, {pipeline_mode = #tpu.pipeline_mode<synchronous>, transform_indices = @transform_7, window_bounds = array<i64: 1, 10>}, {pipeline_mode = #tpu.pipeline_mode<synchronous>, transform_indices = @transform_8, window_bounds = array<i64: 1, 10>}]} {
    %get3A = arith.constant 0 : index
    %get3A_0 = arith.constant 0 : index
    %get3A_1 = arith.constant 0 : index
    %get3A_2 = vector.load %arg1[%get3A, %get3A_0, %get3A_1] : memref<1x2000x128xf32, #tpu.memory_space<vmem>>, vector<1x2000x128xf32>
    %get3A_3 = vector.shape_cast %get3A_2 : vector<1x2000x128xf32> to vector<2000x128xf32>
    %get3A_4 = arith.constant 0 : index
    %get3A_5 = arith.constant 0 : index
    %get3A_6 = arith.constant 0 : index
    %get3A_7 = vector.load %arg2[%get3A_4, %get3A_5, %get3A_6] : memref<1x2000x128xf32, #tpu.memory_space<vmem>>, vector<1x2000x128xf32>
    %get3A_8 = vector.shape_cast %get3A_7 : vector<1x2000x128xf32> to vector<2000x128xf32>
    %add3A = arith.addf %get3A_3, %get3A_8 : vector<2000x128xf32>
    %get3A_9 = arith.constant 0 : index
    %get3A_10 = arith.constant 0 : index
    %get3A_11 = vector.load %arg3[%get3A_9, %get3A_10] : memref<128x256xf32, #tpu.memory_space<vmem>>, vector<128x256xf32>
    %dot_general3A = arith.constant dense<0.000000e+00> : vector<2000x256xf32>
    %dot_general3A_12 = tpu.matmul %add3A, %get3A_11, %dot_general3A {dimension_numbers = #tpu.dot_dimension_numbers<[1], [0], [0], [1], [0, 0, 1, 1], [], []>, transpose_lhs_hint = false} : vector<2000x128xf32>, vector<128x256xf32>, vector<2000x256xf32> -> vector<2000x256xf32>
    %get3A_13 = arith.constant 0 : index
    %get3A_14 = arith.constant 0 : index
    %get3A_15 = vector.load %arg4[%get3A_13, %get3A_14] : memref<1x256xf32, #tpu.memory_space<vmem>>, vector<1x256xf32>
    %add3A_16 = vector.broadcast %get3A_15 : vector<1x256xf32> to vector<2000x256xf32>
    %add3A_17 = arith.addf %dot_general3A_12, %add3A_16 : vector<2000x256xf32>
    %max3A = arith.constant 0.000000e+00 : f32
    %max3A_18 = vector.broadcast %max3A : f32 to vector<2000x256xf32>
    %max3A_19 = arith.maximumf %add3A_17, %max3A_18 : vector<2000x256xf32>
    %get3A_20 = arith.constant 0 : index
    %get3A_21 = arith.constant 0 : index
    %get3A_22 = vector.load %arg5[%get3A_20, %get3A_21] : memref<256x128xf32, #tpu.memory_space<vmem>>, vector<256x128xf32>
    %dot_general3A_23 = arith.constant dense<0.000000e+00> : vector<2000x128xf32>
    %dot_general3A_24 = tpu.matmul %max3A_19, %get3A_22, %dot_general3A_23 {dimension_numbers = #tpu.dot_dimension_numbers<[1], [0], [0], [1], [0, 0, 1, 1], [], []>, transpose_lhs_hint = false} : vector<2000x256xf32>, vector<256x128xf32>, vector<2000x128xf32> -> vector<2000x128xf32>
    %get3A_25 = arith.constant 0 : index
    %get3A_26 = arith.constant 0 : index
    %get3A_27 = vector.load %arg6[%get3A_25, %get3A_26] : memref<1x128xf32, #tpu.memory_space<vmem>>, vector<1x128xf32>
    %add3A_28 = vector.broadcast %get3A_27 : vector<1x128xf32> to vector<2000x128xf32>
    %add3A_29 = arith.addf %dot_general3A_24, %add3A_28 : vector<2000x128xf32>
    %max3A_30 = arith.constant 0.000000e+00 : f32
    %max3A_31 = vector.broadcast %max3A_30 : f32 to vector<2000x128xf32>
    %max3A_32 = arith.maximumf %add3A_29, %max3A_31 : vector<2000x128xf32>
    %reduce_max3A = arith.constant dense<0xFF800000> : vector<128xf32>
    %reduce_max3A_33 = vector.multi_reduction <maximumf>, %max3A_32, %reduce_max3A [0] : vector<2000x128xf32> to vector<128xf32>
    %broadcast_in_dim3A = vector.shape_cast %reduce_max3A_33 : vector<128xf32> to vector<1x128xf32>
    %eq3A = arith.constant 0 : i32
    %eq3A_34 = arith.cmpi eq, %arg0, %eq3A : i32
    %convert_element_type3A = arith.extui %eq3A_34 : i1 to i32
    %cond3A = arith.constant 0 : i32
    %cond3A_35 = arith.cmpi ne, %convert_element_type3A, %cond3A : i32
    scf.if %cond3A_35 {
      %swap3A = arith.constant 0 : index
      %swap3A_45 = arith.constant 0 : index
      %swap3A_46 = vector.load %arg10[%swap3A, %swap3A_45] : memref<1x128xf32, #tpu.memory_space<vmem>>, vector<1x128xf32>
      tpu.vector_store %arg10[%swap3A, %swap3A_45], %broadcast_in_dim3A {strides = array<i32>} : memref<1x128xf32, #tpu.memory_space<vmem>>, vector<1x128xf32>,
    } else {
    }
    %gt3A = arith.constant 0 : i32
    %gt3A_36 = arith.cmpi sgt, %arg0, %gt3A : i32
    %convert_element_type3A_37 = arith.extui %gt3A_36 : i1 to i32
    %cond3A_38 = arith.constant 0 : i32
    %cond3A_39 = arith.cmpi ne, %convert_element_type3A_37, %cond3A_38 : i32
    scf.if %cond3A_39 {
      %get3A_45 = arith.constant 0 : index
      %get3A_46 = arith.constant 0 : index
      %get3A_47 = vector.load %arg10[%get3A_45, %get3A_46] : memref<1x128xf32, #tpu.memory_space<vmem>>, vector<1x128xf32>
      %max3A_48 = arith.maximumf %get3A_47, %broadcast_in_dim3A : vector<1x128xf32>
      %swap3A = arith.constant 0 : index
      %swap3A_49 = arith.constant 0 : index
      %swap3A_50 = vector.load %arg10[%swap3A, %swap3A_49] : memref<1x128xf32, #tpu.memory_space<vmem>>, vector<1x128xf32>
      tpu.vector_store %arg10[%swap3A, %swap3A_49], %max3A_48 {strides = array<i32>} : memref<1x128xf32, #tpu.memory_space<vmem>>, vector<1x128xf32>,
    } else {
    }
    %eq3A_40 = arith.constant 4 : i32
    %eq3A_41 = arith.cmpi eq, %arg0, %eq3A_40 : i32
    %convert_element_type3A_42 = arith.extui %eq3A_41 : i1 to i32
    %cond3A_43 = arith.constant 0 : i32
    %cond3A_44 = arith.cmpi ne, %convert_element_type3A_42, %cond3A_43 : i32
    scf.if %cond3A_44 {
      %get3A_45 = arith.constant 0 : index
      %get3A_46 = arith.constant 0 : index
      %get3A_47 = vector.load %arg10[%get3A_45, %get3A_46] : memref<1x128xf32, #tpu.memory_space<vmem>>, vector<1x128xf32>
      %get3A_48 = arith.constant 0 : index
      %get3A_49 = arith.constant 0 : index
      %get3A_50 = vector.load %arg7[%get3A_48, %get3A_49] : memref<128x10xf32, #tpu.memory_space<vmem>>, vector<128x10xf32>
      %dot_general3A_51 = arith.constant dense<0.000000e+00> : vector<1x10xf32>
      %dot_general3A_52 = tpu.matmul %get3A_47, %get3A_50, %dot_general3A_51 {dimension_numbers = #tpu.dot_dimension_numbers<[1], [0], [0], [1], [0, 0, 1, 1], [], []>, transpose_lhs_hint = false} : vector<1x128xf32>, vector<128x10xf32>, vector<1x10xf32> -> vector<1x10xf32>
      %get3A_53 = arith.constant 0 : index
      %get3A_54 = arith.constant 0 : index
      %get3A_55 = vector.load %arg8[%get3A_53, %get3A_54] : memref<1x10xf32, #tpu.memory_space<vmem>>, vector<1x10xf32>
      %add3A_56 = arith.addf %dot_general3A_52, %get3A_55 : vector<1x10xf32>
      %swap3A = arith.constant 0 : index
      %swap3A_57 = arith.constant 0 : index
      %swap3A_58 = vector.load %arg9[%swap3A, %swap3A_57] : memref<1x10xf32, #tpu.memory_space<vmem>>, vector<1x10xf32>
      tpu.vector_store %arg9[%swap3A, %swap3A_57], %add3A_56 {strides = array<i32>} : memref<1x10xf32, #tpu.memory_space<vmem>>, vector<1x10xf32>,
    } else {
    }
    return
  }
  func.func @transform_0(%arg0: i32) -> (i32, i32, i32) {
    %c0_i32 = arith.constant 0 : i32
    %c0_i32_0 = arith.constant 0 : i32
    %c0_i32_1 = arith.constant 0 : i32
    return %c0_i32, %arg0, %c0_i32_0 : i32, i32, i32
  }
  func.func @transform_1(%arg0: i32) -> (i32, i32, i32) {
    %c1_i32 = arith.constant 1 : i32
    %c0_i32 = arith.constant 0 : i32
    %c0_i32_0 = arith.constant 0 : i32
    return %c1_i32, %arg0, %c0_i32 : i32, i32, i32
  }
  func.func @transform_2(%arg0: i32) -> (i32, i32) {
    %c0_i32 = arith.constant 0 : i32
    %c0_i32_0 = arith.constant 0 : i32
    %c0_i32_1 = arith.constant 0 : i32
    return %c0_i32, %c0_i32_0 : i32, i32
  }
  func.func @transform_3(%arg0: i32) -> (i32, i32) {
    %c0_i32 = arith.constant 0 : i32
    %c0_i32_0 = arith.constant 0 : i32
    %c0_i32_1 = arith.constant 0 : i32
    return %c0_i32, %c0_i32_0 : i32, i32
  }
  func.func @transform_4(%arg0: i32) -> (i32, i32) {
    %c0_i32 = arith.constant 0 : i32
    %c0_i32_0 = arith.constant 0 : i32
    %c0_i32_1 = arith.constant 0 : i32
    return %c0_i32, %c0_i32_0 : i32, i32
  }
  func.func @transform_5(%arg0: i32) -> (i32, i32) {
    %c0_i32 = arith.constant 0 : i32
    %c0_i32_0 = arith.constant 0 : i32
    %c0_i32_1 = arith.constant 0 : i32
    return %c0_i32, %c0_i32_0 : i32, i32
  }
  func.func @transform_6(%arg0: i32) -> (i32, i32) {
    %c0_i32 = arith.constant 0 : i32
    %c0_i32_0 = arith.constant 0 : i32
    %c0_i32_1 = arith.constant 0 : i32
    return %c0_i32, %c0_i32_0 : i32, i32
  }
  func.func @transform_7(%arg0: i32) -> (i32, i32) {
    %c0_i32 = arith.constant 0 : i32
    %c0_i32_0 = arith.constant 0 : i32
    %c0_i32_1 = arith.constant 0 : i32
    return %c0_i32, %c0_i32_0 : i32, i32
  }
  func.func @transform_8(%arg0: i32) -> (i32, i32) {
    %c0_i32 = arith.constant 0 : i32
    %c0_i32_0 = arith.constant 0 : i32
    %c0_i32_1 = arith.constant 0 : i32
    return %c0_i32, %c0_i32_0 : i32, i32
  }
}

</mosaic_0001>

<sc_bundles>
// kernel: kernel.11.cloned.1.call-start
scs
__scs_entry_jumppad:
0x0: {  	(pc) =	sbr.rel $0x88, $3  }
0x1: {  	(tag) =	ssettag $0x0;
	lr =	simm.s32 $0x1  }
0x2: {  	[smem:$0x3F91] =	sst lr;
	_ =	strace $0xD0000000  }
0x3: {  	_ = 	snop  }
0x4: {  	_ = 	snop  }
0x5: {  	_ = 	snop  }
0x6: {  	_ = 	snop  }
0x7: {  	_ = 	snop  }
__scs_overlays_trampoline_lowered:
0x8: {  	[smem:$0x3FA0] =	sst s0  }
0x9: {  	[smem:$0x3FA1] =	sst s1  }
0xa: {  	[smem:$0x3FA2] =	sst s2  }
0xb: {  	[smem:$0x3FA3] =	sst s3  }
0xc: {  	[smem:$0x3FA4] =	sst s4  }
0xd: {  	[smem:$0x3FA5] =	sst s5  }
0xe: {  	[smem:$0x3FA6] =	sst s6  }
0xf: {  	[smem:$0x3FA7] =	sst s7  }
0x10: {  	[smem:$0x3FA8] =	sst s8  }
0x11: {  	[smem:$0x3FA9] =	sst s9;
	s0 =	simm.s32 @!p0 $0x0  }
0x12: {  	s1 =	sld [smem:$0x3F8F];
	s0 =	simm.s32 @p0 $0x1  }
0x13: {  	[smem:$0x3FAA] =	sst s0;
	s0 =	simm.s32 @!p1 $0x0  }
0x14: {  	s2 =	sld [smem:$0x3F8E];
	s0 =	simm.s32 @p1 $0x1  }
0x15: {  	[smem:$0x3FAB] =	sst s0;
	s0 =	simm.s32 @!p2 $0x0  }
0x16: {  	s3 =	sld [smem:$0x3FDB];
	s0 =	simm.s32 @p2 $0x1  }
0x17: {  	s4 =	simm.s32 $0x1BF5;
	[smem:$0x3FAD] =	sst s0  }
0x18: {  	s0 =	sld [smem:$0x3F90];
	_ =	swait.ge [sflag:s4], $0x0  }
0x19: {  	s7 =	sld [smem:$0x3F91]  }
0x1a: {  	s8 =	sadd.s32 $0xFFFFE003, lr  }
0x1b: {  	s9 =	sadd.s32 $0xFFFFFEF7, lr;
	s5 =	simm.s32 $0xFFFFFFFF;
	p2 =	slt.u32 s8, $0xFFFFF086  }
0x1c: {  	p1 =	slt.u32 s9, $0xF7A;
	s5 =	simm.s32 @!p2 $0x0  }
0x1d: {  	s5 =	simm.s32 @p1 $0x1;
	p0 =	seq.s32 s7, s2  }
0x1e: {  	s7 =	smul.u32 @!p0 $0xF7A, s2;
	p2 =	seq.s32 @!p0 s5, $0x0  }
0x1f: {  	s9 =	smul.u32 $0xF7A, s1;
	s8 =	simm.s32 @!p0 $0x1BF5;
	p2 =	por !p2, p0  }
0x20: {  	[sflag:s8] =	ssyncset.s32 @!p0 $0xFFFFF086;
	s6 =	sadd.s32 @!p0 s3, s7;
	s7 =	simm.s32 @!p0 $0x108  }
0x21: {  	s3 =	sadd.s32 s3, s9;
	s6 =	sadd.s32 @!p0 $0x88, s6;
	s7 =	simm.s32 @p2 $0x1082  }
0x22: {  	[simem:s7], [sflag:s8] =	dma.local @!p0 [hbm:s6], $0xF7A  }
0x23: {  	s9 =	sor.u32 $0xD0000000, s2;
	s6 =	simm.s32 $0x108;
	_ =	swait.ge @!p0 [sflag:s8], $0x0  }
0x24: {  	s3 =	sadd.s32 $0x88, s3;
	s6 =	simm.s32 @!p1 $0x1082;
	[sflag:s4] =	ssyncset.s32 $0xFFFFF086  }
0x25: {  	[simem:s6], [sflag:s4] =	dma.local [hbm:s3], $0xF7A  }
0x26: {  	[smem:$0x3F91] =	sst s1;
	(tag) =	ssettag s2;
	_ =	strace s9  }
0x27: {  	s1 =	sld [smem:$0x3FA1]  }
0x28: {  	s2 =	sld [smem:$0x3FA2]  }
0x29: {  	s4 =	sld [smem:$0x3FA4]  }
0x2a: {  	p0 =	seq.s32 s5, $0x0;
	s5 =	sld [smem:$0x3FA5]  }
0x2b: {  	s6 =	sld [smem:$0x3FA6]  }
0x2c: {  	s7 =	sld [smem:$0x3FA7]  }
0x2d: {  	s3 =	simm.s32 $0x108;
	s8 =	sld [smem:$0x3FA8]  }
0x2e: {  	s3 =	simm.s32 @!p0 $0x1082;
	s9 =	sld [smem:$0x3FA9]  }
0x2f: {  	lr =	sadd.s32 s0, s3;
	s0 =	sld [smem:$0x3FA0]  }
0x30: {  	s3 =	sld [smem:$0x3FA3]  }
0x31: {  	[smem:$0x3FAC] =	sst s10  }
0x32: {  	s10 =	sld [smem:$0x3FAA];
	_ =	sdelay $0x3  }
0x33: {  	p0 =	seq.s32 s10, $0x1;
	s10 =	sld [smem:$0x3FAC];
	_ =	sdelay $0x3  }
0x34: {  	[smem:$0x3FAC] =	sst s10  }
0x35: {  	s10 =	sld [smem:$0x3FAB];
	_ =	sdelay $0x3  }
0x36: {  	p1 =	seq.s32 s10, $0x1;
	s10 =	sld [smem:$0x3FAC];
	_ =	sdelay $0x3  }
0x37: {  	[smem:$0x3FAC] =	sst s10  }
0x38: {  	s10 =	sld [smem:$0x3FAD]  }
0x39: {  	_ = 	snop;
	(pc) =	sbr.ind lr, $3  }
0x3a: {  	_ = 	snop  }
0x3b: {  	_ = 	snop  }
0x3c: {  	p2 =	seq.s32 s10, $0x1;
	s10 =	sld [smem:$0x3FAC]  }
0x3d: {  	_ =	shalt  }
0x3e: {  	_ =	shalt  }
0x3f: {  	_ =	shalt  }
0x40: {  	_ =	shalt  }
0x41: {  	_ =	shalt  }
0x42: {  	_ =	shalt  }
0x43: {  	_ =	shalt  }
0x44: {  	_ =	shalt  }
0x45: {  	_ =	shalt  }
0x46: {  	_ =	shalt  }
0x47: {  	_ =	shalt  }
0x48: {  	_ =	shalt  }
0x49: {  	_ =	shalt  }
0x4a: {  	_ =	shalt  }
0x4b: {  	_ =	shalt  }
0x4c: {  	_ =	shalt  }
0x4d: {  	_ =	shalt  }
0x4e: {  	_ =	shalt  }
0x4f: {  	_ =	shalt  }
0x50: {  	_ =	shalt  }
0x51: {  	_ =	shalt  }
0x52: {  	_ =	shalt  }
0x53: {  	_ =	shalt  }
0x54: {  	_ =	shalt  }
0x55: {  	_ =	shalt  }
0x56: {  	_ =	shalt  }
0x57: {  	_ =	shalt  }
0x58: {  	_ =	shalt  }
0x59: {  	_ =	shalt  }
0x5a: {  	_ =	shalt  }
0x5b: {  	_ =	shalt  }
0x5c: {  	_ =	shalt  }
0x5d: {  	_ =	shalt  }
0x5e: {  	_ =	shalt  }
0x5f: {  	_ =	shalt  }
0x60: {  	_ =	shalt  }
0x61: {  	_ =	shalt  }
0x62: {  	_ =	shalt  }
0x63: {  	_ =	shalt  }
0x64: {  	_ =	shalt  }
0x65: {  	_ =	shalt  }
0x66: {  	_ =	shalt  }
0x67: {  	_ =	shalt  }
0x68: {  	_ =	shalt  }
0x69: {  	_ =	shalt  }
0x6a: {  	_ =	shalt  }
0x6b: {  	_ =	shalt  }
0x6c: {  	_ =	shalt  }
0x6d: {  	_ =	shalt  }
0x6e: {  	_ =	shalt  }
0x6f: {  	_ =	shalt  }
0x70: {  	_ =	shalt  }
0x71: {  	_ =	shalt  }
0x72: {  	_ =	shalt  }
0x73: {  	_ =	shalt  }
0x74: {  	_ =	shalt  }
0x75: {  	_ =	shalt  }
0x76: {  	_ =	shalt  }
0x77: {  	_ =	shalt  }
0x78: {  	_ =	shalt  }
0x79: {  	_ =	shalt  }
0x7a: {  	_ =	shalt  }
0x7b: {  	_ =	shalt  }
0x7c: {  	_ =	shalt  }
0x7d: {  	_ =	shalt  }
0x7e: {  	_ =	shalt  }
0x7f: {  	_ =	shalt  }
0x80: {  	_ =	shalt  }
0x81: {  	_ =	shalt  }
0x82: {  	_ =	shalt  }
0x83: {  	_ =	shalt  }
0x84: {  	_ =	shalt  }
0x85: {  	_ =	shalt  }
0x86: {  	_ =	shalt  }
0x87: {  	_ =	shalt  }
.Lfunc_end0:
.L_simem_size_0:
called_computation.1_lowered:
.L_overlay_start_0:
0x88: {  	s2 =	sld [smem:$0x3FD9]  }
0x89: {  	s3 =	sld [smem:$0x3FFE];
	_ =	sdelay $0x1  }
0x8a: {  	s1 =	srdreg.scid  }
0x8b: {  	s0 =	sand.u32 $0x1, s1  }
0x8c: {  	s16 =	sshll.u32 s0, $0xA;
	s2 =	sadd.s32 s3, s2  }
0x8d: {  	s2 =	sadd.s32 s2, s16  }
0x8e: {  	[smem:$0x3FB8] =	sst s2  }
0x8f: {  	_ = 	snop  }
0x90: {  	(tm) =	ssettm $0x1  }
0x91: {  	s17 =	sld [smem:$0x3FFB];
	_ =	sdelay $0x3  }
0x92: {  	_ =	strace s17  }
0x93: {  	s2 =	sld [smem:$0x3FFC];
	_ =	sdelay $0x3  }
0x94: {  	_ =	strace s2  }
0x95: {  	s2 =	sld [smem:$0x3FFD];
	_ =	sdelay $0x3  }
0x96: {  	_ =	strace s2  }
0x97: {  	_ =	strace $0x8FFFFFFF  }
0x98: {  	s18 =	sld [smem:$0x3FDB];
	_ =	sdelay $0x1  }
0x99: {  	s19 =	simm.s32 $_scs_section_size  }
0x9a: {  	s4 =	simm.s32 $_size__tile_overlayer_lowered;
	s5 =	simm.s32 $_tile_overlayer_lowered  }
0x9b: {  	s22 =	simm.s32 $0x1BFF;
	s21 =	sshll.u32 s5, $0x1;
	s2 =	sadd.s32 s19, s18  }
0x9c: {  	s6 =	simm.s32 $0x0;
	s20 =	sshll.u32 s4, $0x1;
	s4 =	sadd.s32 s21, s2  }
0x9d: {  	[timem:s6], [sflag:s22] =	dma.local [hbm:s4], s20  }
0x9e: {  	_ =	swait.ge [sflag:s22], s20  }
0x9f: {  	s3 =	ssub.s32 $0x0, s20;
	[sflag:s22] =	ssyncset.done $0x0  }
0xa0: {  	[sflag:s22] =	ssyncadd.s32 s3;
	_ =	sdelay $0x1  }
0xa1: {  	s23 =	simm.s32 $0x1B8B  }
0xa2: {  	_ =	swait.ge [sflag:s23], $0x1  }
0xa3: {  	[sflag:s23] =	ssyncset.done $0x0  }
0xa4: {  	s25 =	simm.s32 $0x1B8E;
	s24 =	sld [smem:$0x3FFE];
	[sflag:s23] =	ssyncadd.s32 $0xFFFFFFFF  }
0xa5: {  	s26 =	simm.s32 $execute0_lowered;
	[smem:$0x3FD2] =	sst s25  }
0xa6: {  	s4 =	sshll.u32 s26, $0x1;
	_ =	strace $0x80000049;
	[dreg:$0x1] =	wrdreg $0xFFFFFFFF  }
0xa7: {  	s28 =	simm.s32 $_size_execute0_lowered;
	s2 =	sadd.s32 s2, s4;
	[dreg:$0x0] =	wrdreg $0x0  }
0xa8: {  	s4 =	sshll.u32 s28, $0x1;
	[dreg:$0x2] =	wrdreg s2  }
0xa9: {  	[dreg:$0x3] =	wrdreg s4  }
0xaa: {  	[dreg:$0x4] =	wrdreg $0xC0  }
0xab: {  	_ =	task [dreg:s6], $0x5FFFF  }
0xac: {  	[dreg:$0x1] =	wrdreg $0xFFFFFFFF  }
0xad: {  	[dreg:$0x0] =	wrdreg $0x60  }
0xae: {  	[dreg:$0x2] =	wrdreg s24  }
0xaf: {  	[dreg:$0x3] =	wrdreg $0xC0000  }
0xb0: {  	[dreg:$0x4] =	wrdreg $0x9  }
0xb1: {  	_ =	task.clear_ibuf [dreg:s6], $0x5FFFF;
	_ =	strace $0x90000049  }
0xb2: {  	s29 =	simm.s32 $0x9;
	_ =	strace $0x8000004B  }
0xb3: {  	_ =	swait.ge [sflag:s29], $0x1  }
0xb4: {  	[sflag:s29] =	ssyncadd.s32 $0xFFFFFFFF  }
0xb5: {  	_ =	strace $0x9000004B  }
0xb6: {  	_ =	sfence  }
0xb7: {  	s30 =	sld [smem:$0x0];
	_ =	sdelay $0x2  }
0xb8: {  	s31 =	sshll.u32 s1, $0xD;
	s1 =	sshrl.u32 s1, $0x2  }
0xb9: {  	s3 =	sand.u32 $0x4000, s31;
	s1 =	sadd.s32 s1, s30  }
0xba: {  	s0 =	sor.u32 s3, s0;
	s1 =	sshll.u32 s1, $0x11  }
0xbb: {  	s0 =	sor.u32 s1, s0  }
0xbc: {  	s0 =	sadd.s32 $0x8F2B, s0  }
0xbd: {  	[sflag:s0] =	ssyncadd.remote.s32 $0x1  }
0xbe: {  	_ =	sfence.sel $0xFFFF  }
0xbf: {  	[dreg:$0x0] =	wrdreg $0xFFFFFFFF;
	(pc) =	sbr.abs _section_cstart, $3  }
0xc0: {  	[dreg:$0x1] =	wrdreg $0xFFFFFFFF  }
0xc1: {  	_ =	task.clear_ibuf [dreg:s6], $0x2FFFF;
	_ =	strace $0x9FFFFFFF  }
0xc2: {  	(tm) =	ssettm $0x7FFFFFFF  }
0xc3: {  	_ =	shalt  }
tec
execute0_lowered:
.L_overlay_start_1:
0x0: {  	(tag) =	ssettag $0x1  }
0x1: {  	s0 =	rddreg [dreg:$0x0]  }
0x2: {  	s1 =	rddreg [dreg:$0x1]  }
0x3: {  	s2 =	srdreg.scid;
	s3 =	simm.s32 $0x0;
	s15 =	stileid.u32  }
0x4: {  	s29 =	simm.s32 $0x5000;
	s30 =	simm.s32 $0x2;
	s31 =	simm.s32 $0x3  }
0x5: {  	s28 =	simm.s32 $0x8800;
	s2 =	sand.u32 $0x1, s2;
	s6 =	smul.u32 $0x13C00, s15  }
0x6: {  	[smem:$0x7FF] =	sst s3;
	s4 =	sadd.s32 $0x4A400, s0;
	s7 =	smul.u32 $0x2780, s15  }
0x7: {  	s8 =	sadd.s32 $0x12C00, s0;
	s9 =	sadd.s32 $0x2C00, s0;
	p1 =	sne.s32 s15, $0xF  }
0x8: {  	p2 =	seq.s32 s15, $0xF;
	s12 =	smul.u32 $0x4F000, s15;
	s26 =	sadd.s32 $0x6F480, s0  }
0x9: {  	s17 =	sshll.u32 s15, $0xB;
	s13 =	sadd.s32 $0x138800, s1;
	s5 =	smul.u32 $0x13C000, s2  }
0xa: {  	_ =	strace $0x8000004A;
	s10 =	ssub.s32 $0x2, s2;
	p0 =	seq.s32 s2, $0x0  }
0xb: {  	[dreg:$0x5] =	wrdreg s26;
	s24 =	sadd.s32 s7, s0;
	s11 =	sshrl.u32 s10, $0x1  }
0xc: {  	p1 =	por !p0, !p1;
	p2 =	por !p0, !p2;
	s25 =	sshrl.u32 s12, $0x2  }
0xd: {  	s12 =	sshll.u32 s2, $0xF;
	s7 =	sadd.s32 s4, s7;
	s5 =	sadd.s32 s6, s5  }
0xe: {  	s10 =	ssub.s32 s10, s11;
	p0 =	por !p1, !p1;
	p2 =	por !p2, !p2  }
0xf: {  	s14 =	sadd.s32 s25, s1;
	s6 =	sadd.s32 $0x22C00, s24;
	s18 =	sor.u32 s17, s12  }
0x10: {  	[dreg:$0x7] =	wrdreg s7;
	s25 =	sadd.s32 s12, s8;
	s26 =	sadd.s32 s12, s9  }
0x11: {  	s7 =	simm.s32 $0x4;
	s11 =	simm.s32 $0x1000;
	s12 =	simm.s32 $0x1080  }
0x12: {  	s5 =	sshrl.u32 s5, $0x3;
	[dreg:$0x4] =	wrdreg s6;
	s6 =	sadd.s32 $0x128400, s1  }
0x13: {  	s19 =	sadd.s32 s8, s18;
	s20 =	sor.u32 $0x100, s18;
	p1 =	por p2, p0  }
0x14: {  	s24 =	smax.u32 s10, $0x1;
	s16 =	sadd.s32 s17, s25;
	s17 =	sadd.s32 s17, s26  }
0x15: {  	s25 =	simm.s32 $0x70;
	s26 =	simm.s32 $0x1800;
	s10 =	simm.s32 $0x5  }
0x16: {  	s5 =	sadd.s32 s5, s0;
	s0 =	sadd.s32 $0x49D00, s0;
	[dreg:$0x8] =	wrdreg s19  }
0x17: {  	s21 =	sadd.s32 s8, s20;
	s22 =	sadd.s32 s9, s20;
	p1 =	seq.s32 @!p1 s2, $0x0  }
0x18: {  	[dreg:$0xd] =	wrdreg s24;
	s8 =	smov.u32 s14;
	s24 =	simm.s32 $0x1200  }
0x19: {  	s2 =	simm.s32 $0x1500;
	s14 =	simm.s32 $0x1100;
	[dreg:$0x6] =	wrdreg s0  }
0x1a: {  	s19 =	simm.s32 $0x1680;
	s20 =	simm.s32 $0x1780;
	[dreg:$0xa] =	wrdreg s21  }
0x1b: {  	s0 =	sadd.s32 s9, s18;
	[dreg:$0xb] =	wrdreg s22;
	s23 =	sadd.s32 $0x71600, s5  }
0x1c: {  	p1 =	por @!p0 p1, p2;
	p2 =	por !p2, p0;
	s9 =	simm.s32 $0x1480  }
0x1d: {  	s18 =	simm.s32 $0x1180;
	[dreg:$0x3] =	wrdreg s8;
	p1 =	por p1, p0  }
.Ltmp0:
0x1e: {  	[dreg:$0x9] =	wrdreg s0;
	s0 =	sshll.u32 @!p1 s15, $0x6;
	(pc) =	sbr.rel .LBB2_1-.Ltmp0, $4  }
0x1f: {  	s5 =	simm.s32 $0x0;
	[dreg:$0xc] =	wrdreg s23;
	s0 =	sor.u32 @!p1 $0x1C06, s0  }
0x20: {  	s23 =	simm.s32 $0xC00;
	[dreg:$0xe] =	wrdreg s0;
	s0 =	sshrl.u32 @!p2 s6, $0x3  }
0x21: {  	s15 =	simm.s32 $0x1600;
	[dreg:$0xf] =	wrdreg s0;
	s0 =	sshrl.u32 @!p2 s13, $0x3  }
0x22: {  	s6 =	simm.s32 $0x6;
	s13 =	simm.s32 $0x1580;
	[dreg:$0x10] =	wrdreg s0  }
.LBB2_4:
0x23: {  	s21 =	stileid.u32;
	[bflag:$0x0] =	sbarrier.arrive $0xFFFF  }
0x24: {  	s0 =	sshll.u32 s21, $0x6;
	s8 =	rddreg [dreg:$0x3]  }
0x25: {  	s22 =	rddreg [dreg:$0xc];
	s0 =	sor.u32 $0x1C06, s0;
	s5 =	sshrl.u32 s8, $0x3  }
0x26: {  	[hbm:s22], [sflag:s0] =	dma.local [spmem:s5], $0x2780  }
0x27: {  	_ =	swait.ge [sflag:s6], $0x2780  }
0x28: {  	s0 =	rddreg [dreg:$0x11]  }
0x29: {  	s22 =	rddreg [dreg:$0xd];
	s5 =	sadd.s32 $0x1, s0  }
0x2a: {  	p3 =	sne.s32 s5, s22  }
.Ltmp1:
0x2b: {  	_ = 	snop;
	(pc) =	sbr.rel @!p3 .LBB2_5-.Ltmp1, $3  }
0x2c: {  	_ =	sdelay $0x1  }
0x2d: {  	[sflag:s6] =	ssyncset.done $0x0  }
0x2e: {  	[sflag:s6] =	ssyncadd.s32 $0xFFFFD880  }
.LBB2_1:
0x2f: {  	[dreg:$0x11] =	wrdreg s5  }
0x30: {  	s0 =	rddreg [dreg:$0x4]  }
0x31: {  	s5 =	sshrl.u32 @!p1 s8, $0x3;
	s22 =	rddreg [dreg:$0xe]  }
0x32: {  	[spmem:s5], [sflag:s22] =	dma.local @!p1 [hbm:s0], $0x2780  }
0x33: {  	s5 =	simm.s32 @!p1 $0x6  }
0x34: {  	_ =	swait.ge @!p1 [sflag:s5], $0x2780  }
0x35: {  	[sflag:s5] =	ssyncset.done @!p1 $0x0;
	s0 =	rddreg [dreg:$0x5]  }
0x36: {  	s22 =	rddreg [dreg:$0xf];
	[sflag:s5] =	ssyncadd.s32 @!p1 $0xFFFFD880;
	s5 =	simm.s32 @!p2 $0x1FC6  }
0x37: {  	[spmem:s22], [sflag:s5] =	dma.local @!p2 [hbm:s0], $0x2080  }
0x38: {  	s22 =	simm.s32 @!p2 $0x6  }
0x39: {  	_ =	swait.ge @!p2 [sflag:s22], $0x2080  }
0x3a: {  	[sflag:s22] =	ssyncset.done @!p2 $0x0;
	s0 =	rddreg [dreg:$0x6]  }
0x3b: {  	s21 =	rddreg [dreg:$0x10];
	[sflag:s22] =	ssyncadd.s32 @!p2 $0xFFFFDF80  }
0x3c: {  	[spmem:s21], [sflag:s5] =	dma.local @!p2 [hbm:s0], $0x700  }
0x3d: {  	s0 =	stileid.u32  }
0x3e: {  	_ =	swait.ge @!p2 [sflag:s22], $0x700;
	s5 =	sshll.u32 @p0 s0, $0x6  }
0x3f: {  	[sflag:s22] =	ssyncset.done @!p2 $0x0;
	s5 =	sor.u32 @p0 $0x1C06, s5  }
0x40: {  	s0 =	rddreg [dreg:$0x7];
	[sflag:s22] =	ssyncadd.s32 @!p2 $0xFFFFF900;
	s22 =	sshrl.u32 @p0 s8, $0x3  }
0x41: {  	[spmem:s22], [sflag:s5] =	dma.local @p0 [hbm:s0], $0x2780  }
0x42: {  	s5 =	simm.s32 @p0 $0x6  }
0x43: {  	_ =	swait.ge @p0 [sflag:s5], $0x2780  }
0x44: {  	[sflag:s5] =	ssyncset.done @p0 $0x0  }
0x45: {  	[sflag:s5] =	ssyncadd.s32 @p0 $0xFFFFD880  }
0x46: {  	[bflag:$0x0] =	sbarrier.arrive $0xFFFF  }
0x47: {  	s8 =	rddreg [dreg:$0x8]  }
0x48: {  	[tilespmem:s3], [sflag:$0x1] =	stream.linear.gather [hbm4b:s8+s3], $0x600, $0x38;
	[tilespmem:$0x1FC00] =	vst v63  }
0x49: {  	s22 =	simm.s32 $0x600;
	s5 =	simm.s32 $0x1;
	s21 =	rddreg [dreg:$0x9]  }
0x4a: {  	[tilespmem:s22], [sflag:$0x1] =	stream.linear.gather [hbm4b:s21+s3], $0x600, $0x38;
	[tilespmem:$0x1FC00] =	vst v63  }
0x4b: {  	_ =	swait.ge [sflag:s5], $0x600  }
0x4c: {  	[sflag:s5] =	ssyncset.done $0x0  }
0x4d: {  	[sflag:s5] =	ssyncadd.s32 $0xFFFFFA00  }
0x4e: {  	_ =	swait.ge [sflag:s5], $0x600  }
0x4f: {  	[sflag:s5] =	ssyncset.done $0x0  }
0x50: {  	s8 =	rddreg [dreg:$0xa];
	[sflag:s5] =	ssyncadd.s32 $0xFFFFFA00  }
0x51: {  	[tilespmem:s23], [sflag:$0x2] =	stream.linear.gather [hbm4b:s8+s3], $0x600, $0x38;
	[tilespmem:$0x1FC00] =	vst v63  }
0x52: {  	s21 =	rddreg [dreg:$0xb]  }
0x53: {  	[tilespmem:s24], [sflag:$0x2] =	stream.linear.gather [hbm4b:s21+s3], $0x600, $0x38;
	[tilespmem:$0x1FC00] =	vst v63  }
0x54: {  	_ = 	snop  }
0x55: {  	[tilespmem:s26], [sflag:$0x3] =	stream.indirect.gather [hbm4b:s4+s25], $0x80, s3, s25, $0xb8;
	[tilespmem:$0x1FC00] =	vst v63  }
0x56: {  	s22 =	simm.s32 $0x80;
	s5 =	simm.s32 $0x0  }
0x57: {  	[tilespmem:s29], [sflag:$0x4] =	stream.indirect.gather [hbm4b:s4+s25], $0x80, s22, s25, $0xb8;
	[tilespmem:$0x1FC00] =	vst v63  }
.LBB2_2:
0x58: {  	_ =	swait.ge [sflag:s30], $0x600  }
0x59: {  	[sflag:s30] =	ssyncset.done $0x0  }
0x5a: {  	[sflag:s30] =	ssyncadd.s32 $0xFFFFFA00  }
0x5b: {  	_ =	swait.ge [sflag:s30], $0x600  }
0x5c: {  	[sflag:s30] =	ssyncset.done $0x0  }
0x5d: {  	[sflag:s30] =	ssyncadd.s32 $0xFFFFFA00  }
0x5e: {  	_ =	swait.ge [sflag:s31], $0x3800  }
0x5f: {  	[sflag:s31] =	ssyncset.done $0x0  }
0x60: {  	s0 =	simm.s32 $0x100;
	[sflag:s31] =	ssyncadd.s32 $0xFFFFC800  }
0x61: {  	[tilespmem:s28], [sflag:$0x5] =	stream.indirect.gather [hbm4b:s4+s25], $0x80, s0, s25, $0xb8;
	[tilespmem:$0x1FC00] =	vst v63  }
0x62: {  	s22 =	simm.s32 $0x600  }
0x63: {  	[spmem:s1] =	stream.indirect.scatter.add.f32 [tilespmem:s26], [sflag:$0x6], $0x80, s22, s25, $0xb8;
	[tilespmem:$0x1FC00] =	vst v63  }
0x64: {  	_ =	swait.ge [sflag:s6], $0x3800  }
0x65: {  	[sflag:s6] =	ssyncset.done $0x0  }
0x66: {  	[sflag:s6] =	ssyncadd.s32 $0xFFFFC800  }
0x67: {  	_ =	swait.ge [sflag:s7], $0x3800  }
0x68: {  	[sflag:s7] =	ssyncset.done $0x0  }
0x69: {  	s8 =	simm.s32 $0x180;
	[sflag:s7] =	ssyncadd.s32 $0xFFFFC800  }
0x6a: {  	[tilespmem:s26], [sflag:$0x3] =	stream.indirect.gather [hbm4b:s4+s25], $0x80, s8, s25, $0xb8;
	[tilespmem:$0x1FC00] =	vst v63  }
0x6b: {  	s21 =	simm.s32 $0x680  }
0x6c: {  	[spmem:s1] =	stream.indirect.scatter.add.f32 [tilespmem:s29], [sflag:$0x6], $0x80, s21, s25, $0xb8;
	[tilespmem:$0x1FC00] =	vst v63  }
0x6d: {  	_ =	swait.ge [sflag:s6], $0x3800  }
0x6e: {  	[sflag:s6] =	ssyncset.done $0x0  }
0x6f: {  	[sflag:s6] =	ssyncadd.s32 $0xFFFFC800  }
0x70: {  	_ =	swait.ge [sflag:s10], $0x3800  }
0x71: {  	[sflag:s10] =	ssyncset.done $0x0  }
0x72: {  	s22 =	simm.s32 $0x200;
	[sflag:s10] =	ssyncadd.s32 $0xFFFFC800  }
0x73: {  	[tilespmem:s29], [sflag:$0x4] =	stream.indirect.gather [hbm4b:s4+s25], $0x80, s22, s25, $0xb8;
	[tilespmem:$0x1FC00] =	vst v63  }
0x74: {  	s8 =	simm.s32 $0x700  }
0x75: {  	[spmem:s1] =	stream.indirect.scatter.add.f32 [tilespmem:s28], [sflag:$0x6], $0x80, s8, s25, $0xb8;
	[tilespmem:$0x1FC00] =	vst v63  }
0x76: {  	_ =	swait.ge [sflag:s6], $0x3800  }
0x77: {  	[sflag:s6] =	ssyncset.done $0x0  }
0x78: {  	[sflag:s6] =	ssyncadd.s32 $0xFFFFC800  }
0x79: {  	_ =	swait.ge [sflag:s31], $0x3800  }
0x7a: {  	[sflag:s31] =	ssyncset.done $0x0  }
0x7b: {  	s21 =	simm.s32 $0x280;
	[sflag:s31] =	ssyncadd.s32 $0xFFFFC800  }
0x7c: {  	[tilespmem:s28], [sflag:$0x5] =	stream.indirect.gather [hbm4b:s4+s25], $0x80, s21, s25, $0xb8;
	[tilespmem:$0x1FC00] =	vst v63  }
0x7d: {  	s22 =	simm.s32 $0x780  }
0x7e: {  	[spmem:s1] =	stream.indirect.scatter.add.f32 [tilespmem:s26], [sflag:$0x6], $0x80, s22, s25, $0xb8;
	[tilespmem:$0x1FC00] =	vst v63  }
0x7f: {  	_ =	swait.ge [sflag:s6], $0x3800  }
0x80: {  	[sflag:s6] =	ssyncset.done $0x0  }
0x81: {  	[sflag:s6] =	ssyncadd.s32 $0xFFFFC800  }
0x82: {  	_ =	swait.ge [sflag:s7], $0x3800  }
0x83: {  	[sflag:s7] =	ssyncset.done $0x0  }
0x84: {  	s8 =	simm.s32 $0x300;
	[sflag:s7] =	ssyncadd.s32 $0xFFFFC800  }
0x85: {  	[tilespmem:s26], [sflag:$0x3] =	stream.indirect.gather [hbm4b:s4+s25], $0x80, s8, s25, $0xb8;
	[tilespmem:$0x1FC00] =	vst v63  }
0x86: {  	s21 =	simm.s32 $0x800  }
0x87: {  	[spmem:s1] =	stream.indirect.scatter.add.f32 [tilespmem:s29], [sflag:$0x6], $0x80, s21, s25, $0xb8;
	[tilespmem:$0x1FC00] =	vst v63  }
0x88: {  	_ =	swait.ge [sflag:s6], $0x3800  }
0x89: {  	[sflag:s6] =	ssyncset.done $0x0  }
0x8a: {  	[sflag:s6] =	ssyncadd.s32 $0xFFFFC800  }
0x8b: {  	_ =	swait.ge [sflag:s10], $0x3800  }
0x8c: {  	[sflag:s10] =	ssyncset.done $0x0  }
0x8d: {  	s22 =	simm.s32 $0x380;
	[sflag:s10] =	ssyncadd.s32 $0xFFFFC800  }
0x8e: {  	[tilespmem:s29], [sflag:$0x4] =	stream.indirect.gather [hbm4b:s4+s25], $0x80, s22, s25, $0xb8;
	[tilespmem:$0x1FC00] =	vst v63  }
0x8f: {  	s8 =	simm.s32 $0x880  }
0x90: {  	[spmem:s1] =	stream.indirect.scatter.add.f32 [tilespmem:s28], [sflag:$0x6], $0x80, s8, s25, $0xb8;
	[tilespmem:$0x1FC00] =	vst v63  }
0x91: {  	_ =	swait.ge [sflag:s6], $0x3800  }
0x92: {  	[sflag:s6] =	ssyncset.done $0x0  }
0x93: {  	[sflag:s6] =	ssyncadd.s32 $0xFFFFC800  }
0x94: {  	_ =	swait.ge [sflag:s31], $0x3800  }
0x95: {  	[sflag:s31] =	ssyncset.done $0x0  }
0x96: {  	s21 =	simm.s32 $0x400;
	[sflag:s31] =	ssyncadd.s32 $0xFFFFC800  }
0x97: {  	[tilespmem:s28], [sflag:$0x5] =	stream.indirect.gather [hbm4b:s4+s25], $0x80, s21, s25, $0xb8;
	[tilespmem:$0x1FC00] =	vst v63  }
0x98: {  	s22 =	simm.s32 $0x900  }
0x99: {  	[spmem:s1] =	stream.indirect.scatter.add.f32 [tilespmem:s26], [sflag:$0x6], $0x80, s22, s25, $0xb8;
	[tilespmem:$0x1FC00] =	vst v63  }
0x9a: {  	_ =	swait.ge [sflag:s6], $0x3800  }
0x9b: {  	[sflag:s6] =	ssyncset.done $0x0  }
0x9c: {  	[sflag:s6] =	ssyncadd.s32 $0xFFFFC800  }
0x9d: {  	_ =	swait.ge [sflag:s7], $0x3800  }
0x9e: {  	[sflag:s7] =	ssyncset.done $0x0  }
0x9f: {  	s8 =	simm.s32 $0x480;
	[sflag:s7] =	ssyncadd.s32 $0xFFFFC800  }
0xa0: {  	[tilespmem:s26], [sflag:$0x3] =	stream.indirect.gather [hbm4b:s4+s25], $0x80, s8, s25, $0xb8;
	[tilespmem:$0x1FC00] =	vst v63  }
0xa1: {  	s21 =	simm.s32 $0x980  }
0xa2: {  	[spmem:s1] =	stream.indirect.scatter.add.f32 [tilespmem:s29], [sflag:$0x6], $0x80, s21, s25, $0xb8;
	[tilespmem:$0x1FC00] =	vst v63  }
0xa3: {  	_ =	swait.ge [sflag:s6], $0x3800  }
0xa4: {  	[sflag:s6] =	ssyncset.done $0x0  }
0xa5: {  	[sflag:s6] =	ssyncadd.s32 $0xFFFFC800  }
0xa6: {  	_ =	swait.ge [sflag:s10], $0x3800  }
0xa7: {  	[sflag:s10] =	ssyncset.done $0x0  }
0xa8: {  	s22 =	simm.s32 $0x500;
	[sflag:s10] =	ssyncadd.s32 $0xFFFFC800  }
0xa9: {  	[tilespmem:s29], [sflag:$0x4] =	stream.indirect.gather [hbm4b:s4+s25], $0x80, s22, s25, $0xb8;
	[tilespmem:$0x1FC00] =	vst v63  }
0xaa: {  	s8 =	simm.s32 $0xA00  }
0xab: {  	[spmem:s1] =	stream.indirect.scatter.add.f32 [tilespmem:s28], [sflag:$0x6], $0x80, s8, s25, $0xb8;
	[tilespmem:$0x1FC00] =	vst v63  }
0xac: {  	_ =	swait.ge [sflag:s6], $0x3800  }
0xad: {  	[sflag:s6] =	ssyncset.done $0x0  }
0xae: {  	[sflag:s6] =	ssyncadd.s32 $0xFFFFC800  }
0xaf: {  	_ =	swait.ge [sflag:s31], $0x3800  }
0xb0: {  	[sflag:s31] =	ssyncset.done $0x0  }
0xb1: {  	s21 =	simm.s32 $0x580;
	[sflag:s31] =	ssyncadd.s32 $0xFFFFC800  }
0xb2: {  	[tilespmem:s28], [sflag:$0x5] =	stream.indirect.gather [hbm4b:s4+s25], $0x80, s21, s25, $0xb8;
	[tilespmem:$0x1FC00] =	vst v63  }
0xb3: {  	s22 =	simm.s32 $0xA80  }
0xb4: {  	[spmem:s1] =	stream.indirect.scatter.add.f32 [tilespmem:s26], [sflag:$0x6], $0x80, s22, s25, $0xb8;
	[tilespmem:$0x1FC00] =	vst v63  }
0xb5: {  	_ =	swait.ge [sflag:s6], $0x3800  }
0xb6: {  	[sflag:s6] =	ssyncset.done $0x0  }
0xb7: {  	[sflag:s6] =	ssyncadd.s32 $0xFFFFC800  }
0xb8: {  	_ =	swait.ge [sflag:s7], $0x3800  }
0xb9: {  	[sflag:s7] =	ssyncset.done $0x0  }
0xba: {  	[sflag:s7] =	ssyncadd.s32 $0xFFFFC800  }
0xbb: {  	[tilespmem:s26], [sflag:$0x3] =	stream.indirect.gather [hbm4b:s4+s25], $0x80, s23, s25, $0xb8;
	[tilespmem:$0x1FC00] =	vst v63  }
0xbc: {  	s8 =	simm.s32 $0xB00  }
0xbd: {  	[spmem:s1] =	stream.indirect.scatter.add.f32 [tilespmem:s29], [sflag:$0x6], $0x80, s8, s25, $0xb8;
	[tilespmem:$0x1FC00] =	vst v63  }
0xbe: {  	_ =	swait.ge [sflag:s6], $0x3800  }
0xbf: {  	[sflag:s6] =	ssyncset.done $0x0  }
0xc0: {  	[sflag:s6] =	ssyncadd.s32 $0xFFFFC800  }
0xc1: {  	_ =	swait.ge [sflag:s10], $0x3800  }
0xc2: {  	[sflag:s10] =	ssyncset.done $0x0  }
0xc3: {  	s21 =	simm.s32 $0xC80;
	[sflag:s10] =	ssyncadd.s32 $0xFFFFC800  }
0xc4: {  	[tilespmem:s29], [sflag:$0x4] =	stream.indirect.gather [hbm4b:s4+s25], $0x80, s21, s25, $0xb8;
	[tilespmem:$0x1FC00] =	vst v63  }
0xc5: {  	s22 =	simm.s32 $0xB80  }
0xc6: {  	[spmem:s1] =	stream.indirect.scatter.add.f32 [tilespmem:s28], [sflag:$0x6], $0x80, s22, s25, $0xb8;
	[tilespmem:$0x1FC00] =	vst v63  }
0xc7: {  	p3 =	seq.s32 s5, $0x600;
	_ =	swait.ge [sflag:s6], $0x3800  }
0xc8: {  	s22 =	sadd.s32 @!p3 s5, s16;
	[sflag:s6] =	ssyncset.done $0x0  }
0xc9: {  	s0 =	sadd.s32 @!p3 $0x200, s22;
	s22 =	simm.s32 @!p3 $0x0;
	[sflag:s6] =	ssyncadd.s32 $0xFFFFC800  }
0xca: {  	[tilespmem:s22], [sflag:$0x1] =	stream.linear.gather @!p3 [hbm4b:s0+s22], $0x600, $0x38;
	[tilespmem:$0x1FC00] =	vst v63  }
0xcb: {  	s0 =	sadd.s32 @!p3 s5, s17  }
0xcc: {  	s21 =	simm.s32 @!p3 $0x600;
	s0 =	sadd.s32 @!p3 $0x200, s0  }
0xcd: {  	[tilespmem:s21], [sflag:$0x1] =	stream.linear.gather @!p3 [hbm4b:s0+s22], $0x600, $0x38;
	[tilespmem:$0x1FC00] =	vst v63  }
0xce: {  	s0 =	simm.s32 @!p3 $0x1  }
0xcf: {  	_ =	swait.ge @!p3 [sflag:s0], $0x600  }
0xd0: {  	[sflag:s0] =	ssyncset.done @!p3 $0x0  }
0xd1: {  	[sflag:s0] =	ssyncadd.s32 @!p3 $0xFFFFFA00  }
0xd2: {  	_ =	swait.ge @!p3 [sflag:s0], $0x600  }
0xd3: {  	[sflag:s0] =	ssyncset.done @!p3 $0x0  }
0xd4: {  	[sflag:s0] =	ssyncadd.s32 @!p3 $0xFFFFFA00  }
0xd5: {  	_ =	swait.ge [sflag:s31], $0x3800  }
0xd6: {  	[sflag:s31] =	ssyncset.done $0x0  }
0xd7: {  	s8 =	simm.s32 $0xD00;
	[sflag:s31] =	ssyncadd.s32 $0xFFFFC800  }
0xd8: {  	[tilespmem:s28], [sflag:$0x5] =	stream.indirect.gather [hbm4b:s4+s25], $0x80, s8, s25, $0xb8;
	[tilespmem:$0x1FC00] =	vst v63  }
0xd9: {  	_ = 	snop  }
0xda: {  	[spmem:s1] =	stream.indirect.scatter.add.f32 [tilespmem:s26], [sflag:$0x6], $0x80, s24, s25, $0xb8;
	[tilespmem:$0x1FC00] =	vst v63  }
0xdb: {  	_ =	swait.ge [sflag:s6], $0x3800  }
0xdc: {  	[sflag:s6] =	ssyncset.done $0x0  }
0xdd: {  	[sflag:s6] =	ssyncadd.s32 $0xFFFFC800  }
0xde: {  	_ =	swait.ge [sflag:s7], $0x3800  }
0xdf: {  	[sflag:s7] =	ssyncset.done $0x0  }
0xe0: {  	s21 =	simm.s32 $0xD80;
	[sflag:s7] =	ssyncadd.s32 $0xFFFFC800  }
0xe1: {  	[tilespmem:s26], [sflag:$0x3] =	stream.indirect.gather [hbm4b:s4+s25], $0x80, s21, s25, $0xb8;
	[tilespmem:$0x1FC00] =	vst v63  }
0xe2: {  	s8 =	simm.s32 $0x1280  }
0xe3: {  	[spmem:s1] =	stream.indirect.scatter.add.f32 [tilespmem:s29], [sflag:$0x6], $0x80, s8, s25, $0xb8;
	[tilespmem:$0x1FC00] =	vst v63  }
0xe4: {  	_ =	swait.ge [sflag:s6], $0x3800  }
0xe5: {  	[sflag:s6] =	ssyncset.done $0x0  }
0xe6: {  	[sflag:s6] =	ssyncadd.s32 $0xFFFFC800  }
0xe7: {  	_ =	swait.ge [sflag:s10], $0x3800  }
0xe8: {  	[sflag:s10] =	ssyncset.done $0x0  }
0xe9: {  	s21 =	simm.s32 $0xE00;
	[sflag:s10] =	ssyncadd.s32 $0xFFFFC800  }
0xea: {  	[tilespmem:s29], [sflag:$0x4] =	stream.indirect.gather [hbm4b:s4+s25], $0x80, s21, s25, $0xb8;
	[tilespmem:$0x1FC00] =	vst v63  }
0xeb: {  	s8 =	simm.s32 $0x1300  }
0xec: {  	[spmem:s1] =	stream.indirect.scatter.add.f32 [tilespmem:s28], [sflag:$0x6], $0x80, s8, s25, $0xb8;
	[tilespmem:$0x1FC00] =	vst v63  }
0xed: {  	_ =	swait.ge [sflag:s6], $0x3800  }
0xee: {  	[sflag:s6] =	ssyncset.done $0x0  }
0xef: {  	[sflag:s6] =	ssyncadd.s32 $0xFFFFC800  }
0xf0: {  	_ =	swait.ge [sflag:s31], $0x3800  }
0xf1: {  	[sflag:s31] =	ssyncset.done $0x0  }
0xf2: {  	s21 =	simm.s32 $0xE80;
	[sflag:s31] =	ssyncadd.s32 $0xFFFFC800  }
0xf3: {  	[tilespmem:s28], [sflag:$0x5] =	stream.indirect.gather [hbm4b:s4+s25], $0x80, s21, s25, $0xb8;
	[tilespmem:$0x1FC00] =	vst v63  }
0xf4: {  	s8 =	simm.s32 $0x1380  }
0xf5: {  	[spmem:s1] =	stream.indirect.scatter.add.f32 [tilespmem:s26], [sflag:$0x6], $0x80, s8, s25, $0xb8;
	[tilespmem:$0x1FC00] =	vst v63  }
0xf6: {  	_ =	swait.ge [sflag:s6], $0x3800  }
0xf7: {  	[sflag:s6] =	ssyncset.done $0x0  }
0xf8: {  	[sflag:s6] =	ssyncadd.s32 $0xFFFFC800  }
0xf9: {  	_ =	swait.ge [sflag:s7], $0x3800  }
0xfa: {  	[sflag:s7] =	ssyncset.done $0x0  }
0xfb: {  	s21 =	simm.s32 $0xF00;
	[sflag:s7] =	ssyncadd.s32 $0xFFFFC800  }
0xfc: {  	[tilespmem:s26], [sflag:$0x3] =	stream.indirect.gather [hbm4b:s4+s25], $0x80, s21, s25, $0xb8;
	[tilespmem:$0x1FC00] =	vst v63  }
0xfd: {  	s8 =	simm.s32 $0x1400  }
0xfe: {  	[spmem:s1] =	stream.indirect.scatter.add.f32 [tilespmem:s29], [sflag:$0x6], $0x80, s8, s25, $0xb8;
	[tilespmem:$0x1FC00] =	vst v63  }
0xff: {  	_ =	swait.ge [sflag:s6], $0x3800  }
0x100: {  	[sflag:s6] =	ssyncset.done $0x0  }
0x101: {  	[sflag:s6] =	ssyncadd.s32 $0xFFFFC800  }
0x102: {  	_ =	swait.ge [sflag:s10], $0x3800  }
0x103: {  	[sflag:s10] =	ssyncset.done $0x0  }
0x104: {  	s21 =	simm.s32 $0xF80;
	[sflag:s10] =	ssyncadd.s32 $0xFFFFC800  }
0x105: {  	[tilespmem:s29], [sflag:$0x4] =	stream.indirect.gather [hbm4b:s4+s25], $0x80, s21, s25, $0xb8;
	[tilespmem:$0x1FC00] =	vst v63  }
0x106: {  	_ = 	snop  }
0x107: {  	[spmem:s1] =	stream.indirect.scatter.add.f32 [tilespmem:s28], [sflag:$0x6], $0x80, s9, s25, $0xb8;
	[tilespmem:$0x1FC00] =	vst v63  }
0x108: {  	_ =	swait.ge [sflag:s6], $0x3800  }
0x109: {  	[sflag:s6] =	ssyncset.done $0x0  }
0x10a: {  	[sflag:s6] =	ssyncadd.s32 $0xFFFFC800  }
0x10b: {  	_ =	swait.ge [sflag:s31], $0x3800  }
0x10c: {  	[sflag:s31] =	ssyncset.done $0x0  }
0x10d: {  	[sflag:s31] =	ssyncadd.s32 $0xFFFFC800  }
0x10e: {  	[tilespmem:s28], [sflag:$0x5] =	stream.indirect.gather [hbm4b:s4+s25], $0x80, s11, s25, $0xb8;
	[tilespmem:$0x1FC00] =	vst v63  }
0x10f: {  	_ = 	snop  }
0x110: {  	[spmem:s1] =	stream.indirect.scatter.add.f32 [tilespmem:s26], [sflag:$0x6], $0x80, s2, s25, $0xb8;
	[tilespmem:$0x1FC00] =	vst v63  }
0x111: {  	_ =	swait.ge [sflag:s6], $0x3800  }
0x112: {  	[sflag:s6] =	ssyncset.done $0x0  }
0x113: {  	[sflag:s6] =	ssyncadd.s32 $0xFFFFC800  }
0x114: {  	_ =	swait.ge [sflag:s7], $0x3800  }
0x115: {  	[sflag:s7] =	ssyncset.done $0x0  }
0x116: {  	[sflag:s7] =	ssyncadd.s32 $0xFFFFC800  }
0x117: {  	[tilespmem:s26], [sflag:$0x3] =	stream.indirect.gather [hbm4b:s4+s25], $0x80, s12, s25, $0xb8;
	[tilespmem:$0x1FC00] =	vst v63  }
0x118: {  	_ = 	snop  }
0x119: {  	[spmem:s1] =	stream.indirect.scatter.add.f32 [tilespmem:s29], [sflag:$0x6], $0x80, s13, s25, $0xb8;
	[tilespmem:$0x1FC00] =	vst v63  }
0x11a: {  	_ =	swait.ge [sflag:s6], $0x3800  }
0x11b: {  	[sflag:s6] =	ssyncset.done $0x0  }
0x11c: {  	[sflag:s6] =	ssyncadd.s32 $0xFFFFC800  }
0x11d: {  	_ =	swait.ge [sflag:s10], $0x3800  }
0x11e: {  	[sflag:s10] =	ssyncset.done $0x0  }
0x11f: {  	[sflag:s10] =	ssyncadd.s32 $0xFFFFC800  }
0x120: {  	[tilespmem:s29], [sflag:$0x4] =	stream.indirect.gather [hbm4b:s4+s25], $0x80, s14, s25, $0xb8;
	[tilespmem:$0x1FC00] =	vst v63  }
0x121: {  	_ = 	snop  }
0x122: {  	[spmem:s1] =	stream.indirect.scatter.add.f32 [tilespmem:s28], [sflag:$0x6], $0x80, s15, s25, $0xb8;
	[tilespmem:$0x1FC00] =	vst v63  }
0x123: {  	_ =	swait.ge [sflag:s6], $0x3800  }
0x124: {  	[sflag:s6] =	ssyncset.done $0x0  }
0x125: {  	[sflag:s6] =	ssyncadd.s32 $0xFFFFC800  }
0x126: {  	_ =	swait.ge [sflag:s31], $0x3800  }
0x127: {  	[sflag:s31] =	ssyncset.done $0x0  }
0x128: {  	[sflag:s31] =	ssyncadd.s32 $0xFFFFC800  }
0x129: {  	[tilespmem:s28], [sflag:$0x5] =	stream.indirect.gather [hbm4b:s4+s25], $0x80, s18, s25, $0xb8;
	[tilespmem:$0x1FC00] =	vst v63  }
0x12a: {  	_ = 	snop  }
0x12b: {  	[spmem:s1] =	stream.indirect.scatter.add.f32 [tilespmem:s26], [sflag:$0x6], $0x80, s19, s25, $0xb8;
	[tilespmem:$0x1FC00] =	vst v63  }
0x12c: {  	_ =	swait.ge [sflag:s6], $0x3800  }
0x12d: {  	[sflag:s6] =	ssyncset.done $0x0  }
0x12e: {  	[sflag:s6] =	ssyncadd.s32 $0xFFFFC800  }
0x12f: {  	_ =	swait.ge [sflag:s7], $0x3800  }
0x130: {  	s0 =	simm.s32 @p3 $0x70;
	[sflag:s7] =	ssyncset.done $0x0  }
0x131: {  	s8 =	simm.s32 @p3 $0x5000;
	s21 =	simm.s32 @p3 $0x1700;
	[sflag:s7] =	ssyncadd.s32 $0xFFFFC800  }
0x132: {  	[spmem:s1] =	stream.indirect.scatter.add.f32 @p3 [tilespmem:s8], [sflag:$0x6], $0x80, s21, s0, $0xb8;
	[tilespmem:$0x1FC00] =	vst v63  }
0x133: {  	s0 =	simm.s32 @p3 $0x6  }
0x134: {  	_ =	swait.ge @p3 [sflag:s0], $0x3800  }
0x135: {  	[sflag:s0] =	ssyncset.done @p3 $0x0  }
0x136: {  	[sflag:s0] =	ssyncadd.s32 @p3 $0xFFFFC800;
	s0 =	simm.s32 @p3 $0x5  }
0x137: {  	_ =	swait.ge @p3 [sflag:s0], $0x3800  }
0x138: {  	[sflag:s0] =	ssyncset.done @p3 $0x0  }
0x139: {  	s8 =	simm.s32 @!p3 $0x1800;
	[sflag:s0] =	ssyncadd.s32 @p3 $0xFFFFC800;
	s0 =	simm.s32 @!p3 $0x70  }
0x13a: {  	[tilespmem:s8], [sflag:$0x3] =	stream.indirect.gather @!p3 [hbm4b:s4+s0], $0x80, s22, s0, $0xb8;
	[tilespmem:$0x1FC00] =	vst v63  }
0x13b: {  	s21 =	simm.s32 @!p3 $0x5000;
	s8 =	simm.s32 @!p3 $0x1700  }
0x13c: {  	[spmem:s1] =	stream.indirect.scatter.add.f32 @!p3 [tilespmem:s21], [sflag:$0x6], $0x80, s8, s0, $0xb8;
	[tilespmem:$0x1FC00] =	vst v63  }
0x13d: {  	s8 =	simm.s32 @!p3 $0x6  }
0x13e: {  	_ =	swait.ge @!p3 [sflag:s8], $0x3800  }
0x13f: {  	[sflag:s8] =	ssyncset.done @!p3 $0x0  }
0x140: {  	[sflag:s8] =	ssyncadd.s32 @!p3 $0xFFFFC800;
	s8 =	simm.s32 @!p3 $0x5  }
0x141: {  	_ =	swait.ge @!p3 [sflag:s8], $0x3800  }
0x142: {  	[sflag:s8] =	ssyncset.done @!p3 $0x0  }
0x143: {  	[sflag:s8] =	ssyncadd.s32 @!p3 $0xFFFFC800;
	s8 =	simm.s32 @!p3 $0x80  }
0x144: {  	[tilespmem:s21], [sflag:$0x4] =	stream.indirect.gather @!p3 [hbm4b:s4+s0], $0x80, s8, s0, $0xb8;
	[tilespmem:$0x1FC00] =	vst v63  }
.Ltmp2:
0x145: {  	_ = 	snop;
	(pc) =	sbr.rel @p3 .LBB2_4-.Ltmp2, $4  }
0x146: {  	[spmem:s1] =	stream.indirect.scatter.add.f32 [tilespmem:s28], [sflag:$0x6], $0x80, s20, s25, $0xb8;
	[tilespmem:$0x1FC00] =	vst v63  }
0x147: {  	_ =	swait.ge [sflag:s6], $0x3800  }
0x148: {  	[sflag:s6] =	ssyncset.done $0x0  }
0x149: {  	[sflag:s6] =	ssyncadd.s32 $0xFFFFC800  }
.Ltmp3:
0x14a: {  	s0 =	sadd.s32 s5, s16;
	(pc) =	sbr.rel .LBB2_2-.Ltmp3, $4  }
0x14b: {  	s22 =	sadd.s32 s5, s17;
	s0 =	sadd.s32 $0x300, s0  }
0x14c: {  	[tilespmem:s23], [sflag:$0x2] =	stream.linear.gather [hbm4b:s0+s3], $0x600, $0x38;
	[tilespmem:$0x1FC00] =	vst v63  }
0x14d: {  	s5 =	sadd.s32 $0x200, s5;
	s0 =	sadd.s32 $0x300, s22  }
0x14e: {  	[tilespmem:s24], [sflag:$0x2] =	stream.linear.gather [hbm4b:s0+s3], $0x600, $0x38;
	[tilespmem:$0x1FC00] =	vst v63  }
.LBB2_5:
0x14f: {  	_ =	sfence.sel $0x180000  }
0x150: {  	[bflag:$0x0] =	sbarrier.arrive $0xFFFF  }
0x151: {  	_ =	strace $0x9000004A  }
0x152: {  	[bflag:$0x2] =	sbarrier.arrive $0xFFFF  }
0x153: {  	p0 =	sne.s32 s21, $0x0;
	s0 =	rddreg [dreg:$0x2]  }
0x154: {  	s0 =	sadd.s32 @!p0 $0x100000, s0  }
0x155: {  	[sflag:s0] =	ssyncadd.tile.s32 @!p0 $0x1;
	_ =	shalt  }
.Lfunc_end2:
_tile_overlayer_lowered:
.L_overlay_start_2:
0x156: {  	(tag) =	ssettag $0x2  }
0x157: {  	s0 =	rddreg [dreg:$0x0];
	s2 =	stileid.u32  }
0x158: {  	s1 =	rddreg [dreg:$0x1];
	p0 =	sne.s32 s2, $0x0  }
0x159: {  	s3 =	rddreg [dreg:$0x2];
	[bflag:$0x3] =	sbarrier.arrive $0xFFFF;
	s2 =	simm.s32 @!p0 $0x1C06  }
0x15a: {  	[timem:s3], [sflag:s2] =	dma.local @!p0 [hbm:s0], s1  }
0x15b: {  	s0 =	simm.s32 @!p0 $0x6  }
0x15c: {  	_ =	swait.ge @!p0 [sflag:s0], s1  }
0x15d: {  	s1 =	ssub.s32 @!p0 $0x0, s1;
	[sflag:s0] =	ssyncset.done @!p0 $0x0  }
0x15e: {  	[sflag:s0] =	ssyncadd.s32 @!p0 s1  }
0x15f: {  	[bflag:$0x3] =	sbarrier.arrive $0xFFFF  }
0x160: {  	_ =	shalt  }

// kernel: kernel.14.cloned.1.call-start
scs
__scs_entry_jumppad:
0x0: {  	(pc) =	sbr.rel $0x88, $3  }
0x1: {  	(tag) =	ssettag $0x0;
	lr =	simm.s32 $0x1  }
0x2: {  	[smem:$0x3F91] =	sst lr;
	_ =	strace $0xD0000000  }
0x3: {  	_ = 	snop  }
0x4: {  	_ = 	snop  }
0x5: {  	_ = 	snop  }
0x6: {  	_ = 	snop  }
0x7: {  	_ = 	snop  }
__scs_overlays_trampoline_lowered:
0x8: {  	[smem:$0x3FA0] =	sst s0  }
0x9: {  	[smem:$0x3FA1] =	sst s1  }
0xa: {  	[smem:$0x3FA2] =	sst s2  }
0xb: {  	[smem:$0x3FA3] =	sst s3  }
0xc: {  	[smem:$0x3FA4] =	sst s4  }
0xd: {  	[smem:$0x3FA5] =	sst s5  }
0xe: {  	[smem:$0x3FA6] =	sst s6  }
0xf: {  	[smem:$0x3FA7] =	sst s7  }
0x10: {  	[smem:$0x3FA8] =	sst s8  }
0x11: {  	[smem:$0x3FA9] =	sst s9;
	s0 =	simm.s32 @!p0 $0x0  }
0x12: {  	s1 =	sld [smem:$0x3F8F];
	s0 =	simm.s32 @p0 $0x1  }
0x13: {  	[smem:$0x3FAA] =	sst s0;
	s0 =	simm.s32 @!p1 $0x0  }
0x14: {  	s2 =	sld [smem:$0x3F8E];
	s0 =	simm.s32 @p1 $0x1  }
0x15: {  	[smem:$0x3FAB] =	sst s0;
	s0 =	simm.s32 @!p2 $0x0  }
0x16: {  	s3 =	sld [smem:$0x3FDB];
	s0 =	simm.s32 @p2 $0x1  }
0x17: {  	s4 =	simm.s32 $0x1BF5;
	[smem:$0x3FAD] =	sst s0  }
0x18: {  	s0 =	sld [smem:$0x3F90];
	_ =	swait.ge [sflag:s4], $0x0  }
0x19: {  	s7 =	sld [smem:$0x3F91]  }
0x1a: {  	s8 =	sadd.s32 $0xFFFFE003, lr  }
0x1b: {  	s9 =	sadd.s32 $0xFFFFFEF7, lr;
	s5 =	simm.s32 $0xFFFFFFFF;
	p2 =	slt.u32 s8, $0xFFFFF086  }
0x1c: {  	p1 =	slt.u32 s9, $0xF7A;
	s5 =	simm.s32 @!p2 $0x0  }
0x1d: {  	s5 =	simm.s32 @p1 $0x1;
	p0 =	seq.s32 s7, s2  }
0x1e: {  	s7 =	smul.u32 @!p0 $0xF7A, s2;
	p2 =	seq.s32 @!p0 s5, $0x0  }
0x1f: {  	s9 =	smul.u32 $0xF7A, s1;
	s8 =	simm.s32 @!p0 $0x1BF5;
	p2 =	por !p2, p0  }
0x20: {  	[sflag:s8] =	ssyncset.s32 @!p0 $0xFFFFF086;
	s6 =	sadd.s32 @!p0 s3, s7;
	s7 =	simm.s32 @!p0 $0x108  }
0x21: {  	s3 =	sadd.s32 s3, s9;
	s6 =	sadd.s32 @!p0 $0x88, s6;
	s7 =	simm.s32 @p2 $0x1082  }
0x22: {  	[simem:s7], [sflag:s8] =	dma.local @!p0 [hbm:s6], $0xF7A  }
0x23: {  	s9 =	sor.u32 $0xD0000000, s2;
	s6 =	simm.s32 $0x108;
	_ =	swait.ge @!p0 [sflag:s8], $0x0  }
0x24: {  	s3 =	sadd.s32 $0x88, s3;
	s6 =	simm.s32 @!p1 $0x1082;
	[sflag:s4] =	ssyncset.s32 $0xFFFFF086  }
0x25: {  	[simem:s6], [sflag:s4] =	dma.local [hbm:s3], $0xF7A  }
0x26: {  	[smem:$0x3F91] =	sst s1;
	(tag) =	ssettag s2;
	_ =	strace s9  }
0x27: {  	s1 =	sld [smem:$0x3FA1]  }
0x28: {  	s2 =	sld [smem:$0x3FA2]  }
0x29: {  	s4 =	sld [smem:$0x3FA4]  }
0x2a: {  	p0 =	seq.s32 s5, $0x0;
	s5 =	sld [smem:$0x3FA5]  }
0x2b: {  	s6 =	sld [smem:$0x3FA6]  }
0x2c: {  	s7 =	sld [smem:$0x3FA7]  }
0x2d: {  	s3 =	simm.s32 $0x108;
	s8 =	sld [smem:$0x3FA8]  }
0x2e: {  	s3 =	simm.s32 @!p0 $0x1082;
	s9 =	sld [smem:$0x3FA9]  }
0x2f: {  	lr =	sadd.s32 s0, s3;
	s0 =	sld [smem:$0x3FA0]  }
0x30: {  	s3 =	sld [smem:$0x3FA3]  }
0x31: {  	[smem:$0x3FAC] =	sst s10  }
0x32: {  	s10 =	sld [smem:$0x3FAA];
	_ =	sdelay $0x3  }
0x33: {  	p0 =	seq.s32 s10, $0x1;
	s10 =	sld [smem:$0x3FAC];
	_ =	sdelay $0x3  }
0x34: {  	[smem:$0x3FAC] =	sst s10  }
0x35: {  	s10 =	sld [smem:$0x3FAB];
	_ =	sdelay $0x3  }
0x36: {  	p1 =	seq.s32 s10, $0x1;
	s10 =	sld [smem:$0x3FAC];
	_ =	sdelay $0x3  }
0x37: {  	[smem:$0x3FAC] =	sst s10  }
0x38: {  	s10 =	sld [smem:$0x3FAD]  }
0x39: {  	_ = 	snop;
	(pc) =	sbr.ind lr, $3  }
0x3a: {  	_ = 	snop  }
0x3b: {  	_ = 	snop  }
0x3c: {  	p2 =	seq.s32 s10, $0x1;
	s10 =	sld [smem:$0x3FAC]  }
0x3d: {  	_ =	shalt  }
0x3e: {  	_ =	shalt  }
0x3f: {  	_ =	shalt  }
0x40: {  	_ =	shalt  }
0x41: {  	_ =	shalt  }
0x42: {  	_ =	shalt  }
0x43: {  	_ =	shalt  }
0x44: {  	_ =	shalt  }
0x45: {  	_ =	shalt  }
0x46: {  	_ =	shalt  }
0x47: {  	_ =	shalt  }
0x48: {  	_ =	shalt  }
0x49: {  	_ =	shalt  }
0x4a: {  	_ =	shalt  }
0x4b: {  	_ =	shalt  }
0x4c: {  	_ =	shalt  }
0x4d: {  	_ =	shalt  }
0x4e: {  	_ =	shalt  }
0x4f: {  	_ =	shalt  }
0x50: {  	_ =	shalt  }
0x51: {  	_ =	shalt  }
0x52: {  	_ =	shalt  }
0x53: {  	_ =	shalt  }
0x54: {  	_ =	shalt  }
0x55: {  	_ =	shalt  }
0x56: {  	_ =	shalt  }
0x57: {  	_ =	shalt  }
0x58: {  	_ =	shalt  }
0x59: {  	_ =	shalt  }
0x5a: {  	_ =	shalt  }
0x5b: {  	_ =	shalt  }
0x5c: {  	_ =	shalt  }
0x5d: {  	_ =	shalt  }
0x5e: {  	_ =	shalt  }
0x5f: {  	_ =	shalt  }
0x60: {  	_ =	shalt  }
0x61: {  	_ =	shalt  }
0x62: {  	_ =	shalt  }
0x63: {  	_ =	shalt  }
0x64: {  	_ =	shalt  }
0x65: {  	_ =	shalt  }
0x66: {  	_ =	shalt  }
0x67: {  	_ =	shalt  }
0x68: {  	_ =	shalt  }
0x69: {  	_ =	shalt  }
0x6a: {  	_ =	shalt  }
0x6b: {  	_ =	shalt  }
0x6c: {  	_ =	shalt  }
0x6d: {  	_ =	shalt  }
0x6e: {  	_ =	shalt  }
0x6f: {  	_ =	shalt  }
0x70: {  	_ =	shalt  }
0x71: {  	_ =	shalt  }
0x72: {  	_ =	shalt  }
0x73: {  	_ =	shalt  }
0x74: {  	_ =	shalt  }
0x75: {  	_ =	shalt  }
0x76: {  	_ =	shalt  }
0x77: {  	_ =	shalt  }
0x78: {  	_ =	shalt  }
0x79: {  	_ =	shalt  }
0x7a: {  	_ =	shalt  }
0x7b: {  	_ =	shalt  }
0x7c: {  	_ =	shalt  }
0x7d: {  	_ =	shalt  }
0x7e: {  	_ =	shalt  }
0x7f: {  	_ =	shalt  }
0x80: {  	_ =	shalt  }
0x81: {  	_ =	shalt  }
0x82: {  	_ =	shalt  }
0x83: {  	_ =	shalt  }
0x84: {  	_ =	shalt  }
0x85: {  	_ =	shalt  }
0x86: {  	_ =	shalt  }
0x87: {  	_ =	shalt  }
.Lfunc_end0:
.L_simem_size_0:
called_computation.2_lowered:
.L_overlay_start_0:
0x88: {  	s2 =	sld [smem:$0x3FD9]  }
0x89: {  	s3 =	sld [smem:$0x3FFE];
	_ =	sdelay $0x1  }
0x8a: {  	s1 =	srdreg.scid  }
0x8b: {  	s0 =	sand.u32 $0x1, s1  }
0x8c: {  	s16 =	sshll.u32 s0, $0xA;
	s2 =	sadd.s32 s3, s2  }
0x8d: {  	s2 =	sadd.s32 s2, s16  }
0x8e: {  	[smem:$0x3FB8] =	sst s2  }
0x8f: {  	_ = 	snop  }
0x90: {  	(tm) =	ssettm $0x1  }
0x91: {  	s17 =	sld [smem:$0x3FFB];
	_ =	sdelay $0x3  }
0x92: {  	_ =	strace s17  }
0x93: {  	s2 =	sld [smem:$0x3FFC];
	_ =	sdelay $0x3  }
0x94: {  	_ =	strace s2  }
0x95: {  	s2 =	sld [smem:$0x3FFD];
	_ =	sdelay $0x3  }
0x96: {  	_ =	strace s2  }
0x97: {  	_ =	strace $0x8FFFFFFF  }
0x98: {  	s18 =	sld [smem:$0x3FDB];
	_ =	sdelay $0x1  }
0x99: {  	s19 =	simm.s32 $_scs_section_size  }
0x9a: {  	s4 =	simm.s32 $_size__tile_overlayer_lowered;
	s5 =	simm.s32 $_tile_overlayer_lowered  }
0x9b: {  	s22 =	simm.s32 $0x1BFF;
	s21 =	sshll.u32 s5, $0x1;
	s2 =	sadd.s32 s19, s18  }
0x9c: {  	s6 =	simm.s32 $0x0;
	s20 =	sshll.u32 s4, $0x1;
	s4 =	sadd.s32 s21, s2  }
0x9d: {  	[timem:s6], [sflag:s22] =	dma.local [hbm:s4], s20  }
0x9e: {  	_ =	swait.ge [sflag:s22], s20  }
0x9f: {  	s3 =	ssub.s32 $0x0, s20;
	[sflag:s22] =	ssyncset.done $0x0  }
0xa0: {  	[sflag:s22] =	ssyncadd.s32 s3;
	_ =	sdelay $0x1  }
0xa1: {  	s23 =	simm.s32 $0x1B8B  }
0xa2: {  	_ =	swait.ge [sflag:s23], $0x1  }
0xa3: {  	[sflag:s23] =	ssyncset.done $0x0  }
0xa4: {  	s25 =	simm.s32 $0x1B8E;
	s24 =	sld [smem:$0x3FFE];
	[sflag:s23] =	ssyncadd.s32 $0xFFFFFFFF  }
0xa5: {  	s26 =	simm.s32 $execute0_lowered;
	[smem:$0x3FD2] =	sst s25  }
0xa6: {  	s4 =	sshll.u32 s26, $0x1;
	_ =	strace $0x8000004C;
	[dreg:$0x1] =	wrdreg $0xFFFFFFFF  }
0xa7: {  	s28 =	simm.s32 $_size_execute0_lowered;
	s2 =	sadd.s32 s2, s4;
	[dreg:$0x0] =	wrdreg $0x0  }
0xa8: {  	s4 =	sshll.u32 s28, $0x1;
	[dreg:$0x2] =	wrdreg s2  }
0xa9: {  	[dreg:$0x3] =	wrdreg s4  }
0xaa: {  	[dreg:$0x4] =	wrdreg $0xC0  }
0xab: {  	_ =	task [dreg:s6], $0x5FFFF  }
0xac: {  	[dreg:$0x1] =	wrdreg $0xFFFFFFFF  }
0xad: {  	[dreg:$0x0] =	wrdreg $0x60  }
0xae: {  	[dreg:$0x2] =	wrdreg s24  }
0xaf: {  	[dreg:$0x3] =	wrdreg $0xC0000  }
0xb0: {  	[dreg:$0x4] =	wrdreg $0x9  }
0xb1: {  	_ =	task.clear_ibuf [dreg:s6], $0x5FFFF;
	_ =	strace $0x9000004C  }
0xb2: {  	s29 =	simm.s32 $0x9;
	_ =	strace $0x8000004E  }
0xb3: {  	_ =	swait.ge [sflag:s29], $0x1  }
0xb4: {  	[sflag:s29] =	ssyncadd.s32 $0xFFFFFFFF  }
0xb5: {  	_ =	strace $0x9000004E  }
0xb6: {  	_ =	sfence  }
0xb7: {  	s30 =	sld [smem:$0x0];
	_ =	sdelay $0x2  }
0xb8: {  	s31 =	sshll.u32 s1, $0xD;
	s1 =	sshrl.u32 s1, $0x2  }
0xb9: {  	s3 =	sand.u32 $0x4000, s31;
	s1 =	sadd.s32 s1, s30  }
0xba: {  	s0 =	sor.u32 s3, s0;
	s1 =	sshll.u32 s1, $0x11  }
0xbb: {  	s0 =	sor.u32 s1, s0  }
0xbc: {  	s0 =	sadd.s32 $0x8F2B, s0  }
0xbd: {  	[sflag:s0] =	ssyncadd.remote.s32 $0x1  }
0xbe: {  	_ =	sfence.sel $0xFFFF  }
0xbf: {  	[dreg:$0x0] =	wrdreg $0xFFFFFFFF;
	(pc) =	sbr.abs _section_cstart, $3  }
0xc0: {  	[dreg:$0x1] =	wrdreg $0xFFFFFFFF  }
0xc1: {  	_ =	task.clear_ibuf [dreg:s6], $0x2FFFF;
	_ =	strace $0x9FFFFFFF  }
0xc2: {  	(tm) =	ssettm $0x7FFFFFFF  }
0xc3: {  	_ =	shalt  }
tec
execute0_lowered:
.L_overlay_start_1:
0x0: {  	(tag) =	ssettag $0x1  }
0x1: {  	s0 =	rddreg [dreg:$0x0]  }
0x2: {  	s1 =	rddreg [dreg:$0x1]  }
0x3: {  	s2 =	srdreg.scid;
	s3 =	simm.s32 $0x0;
	s15 =	stileid.u32  }
0x4: {  	s29 =	simm.s32 $0x5000;
	s30 =	simm.s32 $0x2;
	s31 =	simm.s32 $0x3  }
0x5: {  	s28 =	simm.s32 $0x8800;
	s2 =	sand.u32 $0x1, s2;
	s6 =	smul.u32 $0x13C00, s15  }
0x6: {  	[smem:$0x7FF] =	sst s3;
	s4 =	sadd.s32 $0x4A400, s0;
	s7 =	smul.u32 $0x2780, s15  }
0x7: {  	s8 =	sadd.s32 $0x12C00, s0;
	s9 =	sadd.s32 $0x2C00, s0;
	p1 =	sne.s32 s15, $0xF  }
0x8: {  	p2 =	seq.s32 s15, $0xF;
	s12 =	smul.u32 $0x4F000, s15;
	s26 =	sadd.s32 $0x6F480, s0  }
0x9: {  	s17 =	sshll.u32 s15, $0xB;
	s13 =	sadd.s32 $0x138800, s1;
	s5 =	smul.u32 $0x13C000, s2  }
0xa: {  	_ =	strace $0x8000004D;
	s10 =	ssub.s32 $0x2, s2;
	p0 =	seq.s32 s2, $0x0  }
0xb: {  	[dreg:$0x5] =	wrdreg s26;
	s24 =	sadd.s32 s7, s0;
	s11 =	sshrl.u32 s10, $0x1  }
0xc: {  	p1 =	por !p0, !p1;
	p2 =	por !p0, !p2;
	s25 =	sshrl.u32 s12, $0x2  }
0xd: {  	s12 =	sshll.u32 s2, $0xF;
	s7 =	sadd.s32 s4, s7;
	s5 =	sadd.s32 s6, s5  }
0xe: {  	s10 =	ssub.s32 s10, s11;
	p0 =	por !p1, !p1;
	p2 =	por !p2, !p2  }
0xf: {  	s14 =	sadd.s32 s25, s1;
	s6 =	sadd.s32 $0x22C00, s24;
	s18 =	sor.u32 s17, s12  }
0x10: {  	[dreg:$0x7] =	wrdreg s7;
	s25 =	sadd.s32 s12, s8;
	s26 =	sadd.s32 s12, s9  }
0x11: {  	s7 =	simm.s32 $0x4;
	s11 =	simm.s32 $0x1000;
	s12 =	simm.s32 $0x1080  }
0x12: {  	s5 =	sshrl.u32 s5, $0x3;
	[dreg:$0x4] =	wrdreg s6;
	s6 =	sadd.s32 $0x128400, s1  }
0x13: {  	s19 =	sadd.s32 s8, s18;
	s20 =	sor.u32 $0x100, s18;
	p1 =	por p2, p0  }
0x14: {  	s24 =	smax.u32 s10, $0x1;
	s16 =	sadd.s32 s17, s25;
	s17 =	sadd.s32 s17, s26  }
0x15: {  	s25 =	simm.s32 $0x70;
	s26 =	simm.s32 $0x1800;
	s10 =	simm.s32 $0x5  }
0x16: {  	s5 =	sadd.s32 s5, s0;
	s0 =	sadd.s32 $0x49D00, s0;
	[dreg:$0x8] =	wrdreg s19  }
0x17: {  	s21 =	sadd.s32 s8, s20;
	s22 =	sadd.s32 s9, s20;
	p1 =	seq.s32 @!p1 s2, $0x0  }
0x18: {  	[dreg:$0xd] =	wrdreg s24;
	s8 =	smov.u32 s14;
	s24 =	simm.s32 $0x1200  }
0x19: {  	s2 =	simm.s32 $0x1500;
	s14 =	simm.s32 $0x1100;
	[dreg:$0x6] =	wrdreg s0  }
0x1a: {  	s19 =	simm.s32 $0x1680;
	s20 =	simm.s32 $0x1780;
	[dreg:$0xa] =	wrdreg s21  }
0x1b: {  	s0 =	sadd.s32 s9, s18;
	[dreg:$0xb] =	wrdreg s22;
	s23 =	sadd.s32 $0x71600, s5  }
0x1c: {  	p1 =	por @!p0 p1, p2;
	p2 =	por !p2, p0;
	s9 =	simm.s32 $0x1480  }
0x1d: {  	s18 =	simm.s32 $0x1180;
	[dreg:$0x3] =	wrdreg s8;
	p1 =	por p1, p0  }
.Ltmp0:
0x1e: {  	[dreg:$0x9] =	wrdreg s0;
	s0 =	sshll.u32 @!p1 s15, $0x6;
	(pc) =	sbr.rel .LBB2_1-.Ltmp0, $4  }
0x1f: {  	s5 =	simm.s32 $0x0;
	[dreg:$0xc] =	wrdreg s23;
	s0 =	sor.u32 @!p1 $0x1C06, s0  }
0x20: {  	s23 =	simm.s32 $0xC00;
	[dreg:$0xe] =	wrdreg s0;
	s0 =	sshrl.u32 @!p2 s6, $0x3  }
0x21: {  	s15 =	simm.s32 $0x1600;
	[dreg:$0xf] =	wrdreg s0;
	s0 =	sshrl.u32 @!p2 s13, $0x3  }
0x22: {  	s6 =	simm.s32 $0x6;
	s13 =	simm.s32 $0x1580;
	[dreg:$0x10] =	wrdreg s0  }
.LBB2_4:
0x23: {  	s21 =	stileid.u32;
	[bflag:$0x0] =	sbarrier.arrive $0xFFFF  }
0x24: {  	s0 =	sshll.u32 s21, $0x6;
	s8 =	rddreg [dreg:$0x3]  }
0x25: {  	s22 =	rddreg [dreg:$0xc];
	s0 =	sor.u32 $0x1C06, s0;
	s5 =	sshrl.u32 s8, $0x3  }
0x26: {  	[hbm:s22], [sflag:s0] =	dma.local [spmem:s5], $0x2780  }
0x27: {  	_ =	swait.ge [sflag:s6], $0x2780  }
0x28: {  	s0 =	rddreg [dreg:$0x11]  }
0x29: {  	s22 =	rddreg [dreg:$0xd];
	s5 =	sadd.s32 $0x1, s0  }
0x2a: {  	p3 =	sne.s32 s5, s22  }
.Ltmp1:
0x2b: {  	_ = 	snop;
	(pc) =	sbr.rel @!p3 .LBB2_5-.Ltmp1, $3  }
0x2c: {  	_ =	sdelay $0x1  }
0x2d: {  	[sflag:s6] =	ssyncset.done $0x0  }
0x2e: {  	[sflag:s6] =	ssyncadd.s32 $0xFFFFD880  }
.LBB2_1:
0x2f: {  	[dreg:$0x11] =	wrdreg s5  }
0x30: {  	s0 =	rddreg [dreg:$0x4]  }
0x31: {  	s5 =	sshrl.u32 @!p1 s8, $0x3;
	s22 =	rddreg [dreg:$0xe]  }
0x32: {  	[spmem:s5], [sflag:s22] =	dma.local @!p1 [hbm:s0], $0x2780  }
0x33: {  	s5 =	simm.s32 @!p1 $0x6  }
0x34: {  	_ =	swait.ge @!p1 [sflag:s5], $0x2780  }
0x35: {  	[sflag:s5] =	ssyncset.done @!p1 $0x0;
	s0 =	rddreg [dreg:$0x5]  }
0x36: {  	s22 =	rddreg [dreg:$0xf];
	[sflag:s5] =	ssyncadd.s32 @!p1 $0xFFFFD880;
	s5 =	simm.s32 @!p2 $0x1FC6  }
0x37: {  	[spmem:s22], [sflag:s5] =	dma.local @!p2 [hbm:s0], $0x2080  }
0x38: {  	s22 =	simm.s32 @!p2 $0x6  }
0x39: {  	_ =	swait.ge @!p2 [sflag:s22], $0x2080  }
0x3a: {  	[sflag:s22] =	ssyncset.done @!p2 $0x0;
	s0 =	rddreg [dreg:$0x6]  }
0x3b: {  	s21 =	rddreg [dreg:$0x10];
	[sflag:s22] =	ssyncadd.s32 @!p2 $0xFFFFDF80  }
0x3c: {  	[spmem:s21], [sflag:s5] =	dma.local @!p2 [hbm:s0], $0x700  }
0x3d: {  	s0 =	stileid.u32  }
0x3e: {  	_ =	swait.ge @!p2 [sflag:s22], $0x700;
	s5 =	sshll.u32 @p0 s0, $0x6  }
0x3f: {  	[sflag:s22] =	ssyncset.done @!p2 $0x0;
	s5 =	sor.u32 @p0 $0x1C06, s5  }
0x40: {  	s0 =	rddreg [dreg:$0x7];
	[sflag:s22] =	ssyncadd.s32 @!p2 $0xFFFFF900;
	s22 =	sshrl.u32 @p0 s8, $0x3  }
0x41: {  	[spmem:s22], [sflag:s5] =	dma.local @p0 [hbm:s0], $0x2780  }
0x42: {  	s5 =	simm.s32 @p0 $0x6  }
0x43: {  	_ =	swait.ge @p0 [sflag:s5], $0x2780  }
0x44: {  	[sflag:s5] =	ssyncset.done @p0 $0x0  }
0x45: {  	[sflag:s5] =	ssyncadd.s32 @p0 $0xFFFFD880  }
0x46: {  	[bflag:$0x0] =	sbarrier.arrive $0xFFFF  }
0x47: {  	s8 =	rddreg [dreg:$0x8]  }
0x48: {  	[tilespmem:s3], [sflag:$0x1] =	stream.linear.gather [hbm4b:s8+s3], $0x600, $0x38;
	[tilespmem:$0x1FC00] =	vst v63  }
0x49: {  	s22 =	simm.s32 $0x600;
	s5 =	simm.s32 $0x1;
	s21 =	rddreg [dreg:$0x9]  }
0x4a: {  	[tilespmem:s22], [sflag:$0x1] =	stream.linear.gather [hbm4b:s21+s3], $0x600, $0x38;
	[tilespmem:$0x1FC00] =	vst v63  }
0x4b: {  	_ =	swait.ge [sflag:s5], $0x600  }
0x4c: {  	[sflag:s5] =	ssyncset.done $0x0  }
0x4d: {  	[sflag:s5] =	ssyncadd.s32 $0xFFFFFA00  }
0x4e: {  	_ =	swait.ge [sflag:s5], $0x600  }
0x4f: {  	[sflag:s5] =	ssyncset.done $0x0  }
0x50: {  	s8 =	rddreg [dreg:$0xa];
	[sflag:s5] =	ssyncadd.s32 $0xFFFFFA00  }
0x51: {  	[tilespmem:s23], [sflag:$0x2] =	stream.linear.gather [hbm4b:s8+s3], $0x600, $0x38;
	[tilespmem:$0x1FC00] =	vst v63  }
0x52: {  	s21 =	rddreg [dreg:$0xb]  }
0x53: {  	[tilespmem:s24], [sflag:$0x2] =	stream.linear.gather [hbm4b:s21+s3], $0x600, $0x38;
	[tilespmem:$0x1FC00] =	vst v63  }
0x54: {  	_ = 	snop  }
0x55: {  	[tilespmem:s26], [sflag:$0x3] =	stream.indirect.gather [hbm4b:s4+s25], $0x80, s3, s25, $0xb8;
	[tilespmem:$0x1FC00] =	vst v63  }
0x56: {  	s22 =	simm.s32 $0x80;
	s5 =	simm.s32 $0x0  }
0x57: {  	[tilespmem:s29], [sflag:$0x4] =	stream.indirect.gather [hbm4b:s4+s25], $0x80, s22, s25, $0xb8;
	[tilespmem:$0x1FC00] =	vst v63  }
.LBB2_2:
0x58: {  	_ =	swait.ge [sflag:s30], $0x600  }
0x59: {  	[sflag:s30] =	ssyncset.done $0x0  }
0x5a: {  	[sflag:s30] =	ssyncadd.s32 $0xFFFFFA00  }
0x5b: {  	_ =	swait.ge [sflag:s30], $0x600  }
0x5c: {  	[sflag:s30] =	ssyncset.done $0x0  }
0x5d: {  	[sflag:s30] =	ssyncadd.s32 $0xFFFFFA00  }
0x5e: {  	_ =	swait.ge [sflag:s31], $0x3800  }
0x5f: {  	[sflag:s31] =	ssyncset.done $0x0  }
0x60: {  	s0 =	simm.s32 $0x100;
	[sflag:s31] =	ssyncadd.s32 $0xFFFFC800  }
0x61: {  	[tilespmem:s28], [sflag:$0x5] =	stream.indirect.gather [hbm4b:s4+s25], $0x80, s0, s25, $0xb8;
	[tilespmem:$0x1FC00] =	vst v63  }
0x62: {  	s22 =	simm.s32 $0x600  }
0x63: {  	[spmem:s1] =	stream.indirect.scatter.add.f32 [tilespmem:s26], [sflag:$0x6], $0x80, s22, s25, $0xb8;
	[tilespmem:$0x1FC00] =	vst v63  }
0x64: {  	_ =	swait.ge [sflag:s6], $0x3800  }
0x65: {  	[sflag:s6] =	ssyncset.done $0x0  }
0x66: {  	[sflag:s6] =	ssyncadd.s32 $0xFFFFC800  }
0x67: {  	_ =	swait.ge [sflag:s7], $0x3800  }
0x68: {  	[sflag:s7] =	ssyncset.done $0x0  }
0x69: {  	s8 =	simm.s32 $0x180;
	[sflag:s7] =	ssyncadd.s32 $0xFFFFC800  }
0x6a: {  	[tilespmem:s26], [sflag:$0x3] =	stream.indirect.gather [hbm4b:s4+s25], $0x80, s8, s25, $0xb8;
	[tilespmem:$0x1FC00] =	vst v63  }
0x6b: {  	s21 =	simm.s32 $0x680  }
0x6c: {  	[spmem:s1] =	stream.indirect.scatter.add.f32 [tilespmem:s29], [sflag:$0x6], $0x80, s21, s25, $0xb8;
	[tilespmem:$0x1FC00] =	vst v63  }
0x6d: {  	_ =	swait.ge [sflag:s6], $0x3800  }
0x6e: {  	[sflag:s6] =	ssyncset.done $0x0  }
0x6f: {  	[sflag:s6] =	ssyncadd.s32 $0xFFFFC800  }
0x70: {  	_ =	swait.ge [sflag:s10], $0x3800  }
0x71: {  	[sflag:s10] =	ssyncset.done $0x0  }
0x72: {  	s22 =	simm.s32 $0x200;
	[sflag:s10] =	ssyncadd.s32 $0xFFFFC800  }
0x73: {  	[tilespmem:s29], [sflag:$0x4] =	stream.indirect.gather [hbm4b:s4+s25], $0x80, s22, s25, $0xb8;
	[tilespmem:$0x1FC00] =	vst v63  }
0x74: {  	s8 =	simm.s32 $0x700  }
0x75: {  	[spmem:s1] =	stream.indirect.scatter.add.f32 [tilespmem:s28], [sflag:$0x6], $0x80, s8, s25, $0xb8;
	[tilespmem:$0x1FC00] =	vst v63  }
0x76: {  	_ =	swait.ge [sflag:s6], $0x3800  }
0x77: {  	[sflag:s6] =	ssyncset.done $0x0  }
0x78: {  	[sflag:s6] =	ssyncadd.s32 $0xFFFFC800  }
0x79: {  	_ =	swait.ge [sflag:s31], $0x3800  }
0x7a: {  	[sflag:s31] =	ssyncset.done $0x0  }
0x7b: {  	s21 =	simm.s32 $0x280;
	[sflag:s31] =	ssyncadd.s32 $0xFFFFC800  }
0x7c: {  	[tilespmem:s28], [sflag:$0x5] =	stream.indirect.gather [hbm4b:s4+s25], $0x80, s21, s25, $0xb8;
	[tilespmem:$0x1FC00] =	vst v63  }
0x7d: {  	s22 =	simm.s32 $0x780  }
0x7e: {  	[spmem:s1] =	stream.indirect.scatter.add.f32 [tilespmem:s26], [sflag:$0x6], $0x80, s22, s25, $0xb8;
	[tilespmem:$0x1FC00] =	vst v63  }
0x7f: {  	_ =	swait.ge [sflag:s6], $0x3800  }
0x80: {  	[sflag:s6] =	ssyncset.done $0x0  }
0x81: {  	[sflag:s6] =	ssyncadd.s32 $0xFFFFC800  }
0x82: {  	_ =	swait.ge [sflag:s7], $0x3800  }
0x83: {  	[sflag:s7] =	ssyncset.done $0x0  }
0x84: {  	s8 =	simm.s32 $0x300;
	[sflag:s7] =	ssyncadd.s32 $0xFFFFC800  }
0x85: {  	[tilespmem:s26], [sflag:$0x3] =	stream.indirect.gather [hbm4b:s4+s25], $0x80, s8, s25, $0xb8;
	[tilespmem:$0x1FC00] =	vst v63  }
0x86: {  	s21 =	simm.s32 $0x800  }
0x87: {  	[spmem:s1] =	stream.indirect.scatter.add.f32 [tilespmem:s29], [sflag:$0x6], $0x80, s21, s25, $0xb8;
	[tilespmem:$0x1FC00] =	vst v63  }
0x88: {  	_ =	swait.ge [sflag:s6], $0x3800  }
0x89: {  	[sflag:s6] =	ssyncset.done $0x0  }
0x8a: {  	[sflag:s6] =	ssyncadd.s32 $0xFFFFC800  }
0x8b: {  	_ =	swait.ge [sflag:s10], $0x3800  }
0x8c: {  	[sflag:s10] =	ssyncset.done $0x0  }
0x8d: {  	s22 =	simm.s32 $0x380;
	[sflag:s10] =	ssyncadd.s32 $0xFFFFC800  }
0x8e: {  	[tilespmem:s29], [sflag:$0x4] =	stream.indirect.gather [hbm4b:s4+s25], $0x80, s22, s25, $0xb8;
	[tilespmem:$0x1FC00] =	vst v63  }
0x8f: {  	s8 =	simm.s32 $0x880  }
0x90: {  	[spmem:s1] =	stream.indirect.scatter.add.f32 [tilespmem:s28], [sflag:$0x6], $0x80, s8, s25, $0xb8;
	[tilespmem:$0x1FC00] =	vst v63  }
0x91: {  	_ =	swait.ge [sflag:s6], $0x3800  }
0x92: {  	[sflag:s6] =	ssyncset.done $0x0  }
0x93: {  	[sflag:s6] =	ssyncadd.s32 $0xFFFFC800  }
0x94: {  	_ =	swait.ge [sflag:s31], $0x3800  }
0x95: {  	[sflag:s31] =	ssyncset.done $0x0  }
0x96: {  	s21 =	simm.s32 $0x400;
	[sflag:s31] =	ssyncadd.s32 $0xFFFFC800  }
0x97: {  	[tilespmem:s28], [sflag:$0x5] =	stream.indirect.gather [hbm4b:s4+s25], $0x80, s21, s25, $0xb8;
	[tilespmem:$0x1FC00] =	vst v63  }
0x98: {  	s22 =	simm.s32 $0x900  }
0x99: {  	[spmem:s1] =	stream.indirect.scatter.add.f32 [tilespmem:s26], [sflag:$0x6], $0x80, s22, s25, $0xb8;
	[tilespmem:$0x1FC00] =	vst v63  }
0x9a: {  	_ =	swait.ge [sflag:s6], $0x3800  }
0x9b: {  	[sflag:s6] =	ssyncset.done $0x0  }
0x9c: {  	[sflag:s6] =	ssyncadd.s32 $0xFFFFC800  }
0x9d: {  	_ =	swait.ge [sflag:s7], $0x3800  }
0x9e: {  	[sflag:s7] =	ssyncset.done $0x0  }
0x9f: {  	s8 =	simm.s32 $0x480;
	[sflag:s7] =	ssyncadd.s32 $0xFFFFC800  }
0xa0: {  	[tilespmem:s26], [sflag:$0x3] =	stream.indirect.gather [hbm4b:s4+s25], $0x80, s8, s25, $0xb8;
	[tilespmem:$0x1FC00] =	vst v63  }
0xa1: {  	s21 =	simm.s32 $0x980  }
0xa2: {  	[spmem:s1] =	stream.indirect.scatter.add.f32 [tilespmem:s29], [sflag:$0x6], $0x80, s21, s25, $0xb8;
	[tilespmem:$0x1FC00] =	vst v63  }
0xa3: {  	_ =	swait.ge [sflag:s6], $0x3800  }
0xa4: {  	[sflag:s6] =	ssyncset.done $0x0  }
0xa5: {  	[sflag:s6] =	ssyncadd.s32 $0xFFFFC800  }
0xa6: {  	_ =	swait.ge [sflag:s10], $0x3800  }
0xa7: {  	[sflag:s10] =	ssyncset.done $0x0  }
0xa8: {  	s22 =	simm.s32 $0x500;
	[sflag:s10] =	ssyncadd.s32 $0xFFFFC800  }
0xa9: {  	[tilespmem:s29], [sflag:$0x4] =	stream.indirect.gather [hbm4b:s4+s25], $0x80, s22, s25, $0xb8;
	[tilespmem:$0x1FC00] =	vst v63  }
0xaa: {  	s8 =	simm.s32 $0xA00  }
0xab: {  	[spmem:s1] =	stream.indirect.scatter.add.f32 [tilespmem:s28], [sflag:$0x6], $0x80, s8, s25, $0xb8;
	[tilespmem:$0x1FC00] =	vst v63  }
0xac: {  	_ =	swait.ge [sflag:s6], $0x3800  }
0xad: {  	[sflag:s6] =	ssyncset.done $0x0  }
0xae: {  	[sflag:s6] =	ssyncadd.s32 $0xFFFFC800  }
0xaf: {  	_ =	swait.ge [sflag:s31], $0x3800  }
0xb0: {  	[sflag:s31] =	ssyncset.done $0x0  }
0xb1: {  	s21 =	simm.s32 $0x580;
	[sflag:s31] =	ssyncadd.s32 $0xFFFFC800  }
0xb2: {  	[tilespmem:s28], [sflag:$0x5] =	stream.indirect.gather [hbm4b:s4+s25], $0x80, s21, s25, $0xb8;
	[tilespmem:$0x1FC00] =	vst v63  }
0xb3: {  	s22 =	simm.s32 $0xA80  }
0xb4: {  	[spmem:s1] =	stream.indirect.scatter.add.f32 [tilespmem:s26], [sflag:$0x6], $0x80, s22, s25, $0xb8;
	[tilespmem:$0x1FC00] =	vst v63  }
0xb5: {  	_ =	swait.ge [sflag:s6], $0x3800  }
0xb6: {  	[sflag:s6] =	ssyncset.done $0x0  }
0xb7: {  	[sflag:s6] =	ssyncadd.s32 $0xFFFFC800  }
0xb8: {  	_ =	swait.ge [sflag:s7], $0x3800  }
0xb9: {  	[sflag:s7] =	ssyncset.done $0x0  }
0xba: {  	[sflag:s7] =	ssyncadd.s32 $0xFFFFC800  }
0xbb: {  	[tilespmem:s26], [sflag:$0x3] =	stream.indirect.gather [hbm4b:s4+s25], $0x80, s23, s25, $0xb8;
	[tilespmem:$0x1FC00] =	vst v63  }
0xbc: {  	s8 =	simm.s32 $0xB00  }
0xbd: {  	[spmem:s1] =	stream.indirect.scatter.add.f32 [tilespmem:s29], [sflag:$0x6], $0x80, s8, s25, $0xb8;
	[tilespmem:$0x1FC00] =	vst v63  }
0xbe: {  	_ =	swait.ge [sflag:s6], $0x3800  }
0xbf: {  	[sflag:s6] =	ssyncset.done $0x0  }
0xc0: {  	[sflag:s6] =	ssyncadd.s32 $0xFFFFC800  }
0xc1: {  	_ =	swait.ge [sflag:s10], $0x3800  }
0xc2: {  	[sflag:s10] =	ssyncset.done $0x0  }
0xc3: {  	s21 =	simm.s32 $0xC80;
	[sflag:s10] =	ssyncadd.s32 $0xFFFFC800  }
0xc4: {  	[tilespmem:s29], [sflag:$0x4] =	stream.indirect.gather [hbm4b:s4+s25], $0x80, s21, s25, $0xb8;
	[tilespmem:$0x1FC00] =	vst v63  }
0xc5: {  	s22 =	simm.s32 $0xB80  }
0xc6: {  	[spmem:s1] =	stream.indirect.scatter.add.f32 [tilespmem:s28], [sflag:$0x6], $0x80, s22, s25, $0xb8;
	[tilespmem:$0x1FC00] =	vst v63  }
0xc7: {  	p3 =	seq.s32 s5, $0x600;
	_ =	swait.ge [sflag:s6], $0x3800  }
0xc8: {  	s22 =	sadd.s32 @!p3 s5, s16;
	[sflag:s6] =	ssyncset.done $0x0  }
0xc9: {  	s0 =	sadd.s32 @!p3 $0x200, s22;
	s22 =	simm.s32 @!p3 $0x0;
	[sflag:s6] =	ssyncadd.s32 $0xFFFFC800  }
0xca: {  	[tilespmem:s22], [sflag:$0x1] =	stream.linear.gather @!p3 [hbm4b:s0+s22], $0x600, $0x38;
	[tilespmem:$0x1FC00] =	vst v63  }
0xcb: {  	s0 =	sadd.s32 @!p3 s5, s17  }
0xcc: {  	s21 =	simm.s32 @!p3 $0x600;
	s0 =	sadd.s32 @!p3 $0x200, s0  }
0xcd: {  	[tilespmem:s21], [sflag:$0x1] =	stream.linear.gather @!p3 [hbm4b:s0+s22], $0x600, $0x38;
	[tilespmem:$0x1FC00] =	vst v63  }
0xce: {  	s0 =	simm.s32 @!p3 $0x1  }
0xcf: {  	_ =	swait.ge @!p3 [sflag:s0], $0x600  }
0xd0: {  	[sflag:s0] =	ssyncset.done @!p3 $0x0  }
0xd1: {  	[sflag:s0] =	ssyncadd.s32 @!p3 $0xFFFFFA00  }
0xd2: {  	_ =	swait.ge @!p3 [sflag:s0], $0x600  }
0xd3: {  	[sflag:s0] =	ssyncset.done @!p3 $0x0  }
0xd4: {  	[sflag:s0] =	ssyncadd.s32 @!p3 $0xFFFFFA00  }
0xd5: {  	_ =	swait.ge [sflag:s31], $0x3800  }
0xd6: {  	[sflag:s31] =	ssyncset.done $0x0  }
0xd7: {  	s8 =	simm.s32 $0xD00;
	[sflag:s31] =	ssyncadd.s32 $0xFFFFC800  }
0xd8: {  	[tilespmem:s28], [sflag:$0x5] =	stream.indirect.gather [hbm4b:s4+s25], $0x80, s8, s25, $0xb8;
	[tilespmem:$0x1FC00] =	vst v63  }
0xd9: {  	_ = 	snop  }
0xda: {  	[spmem:s1] =	stream.indirect.scatter.add.f32 [tilespmem:s26], [sflag:$0x6], $0x80, s24, s25, $0xb8;
	[tilespmem:$0x1FC00] =	vst v63  }
0xdb: {  	_ =	swait.ge [sflag:s6], $0x3800  }
0xdc: {  	[sflag:s6] =	ssyncset.done $0x0  }
0xdd: {  	[sflag:s6] =	ssyncadd.s32 $0xFFFFC800  }
0xde: {  	_ =	swait.ge [sflag:s7], $0x3800  }
0xdf: {  	[sflag:s7] =	ssyncset.done $0x0  }
0xe0: {  	s21 =	simm.s32 $0xD80;
	[sflag:s7] =	ssyncadd.s32 $0xFFFFC800  }
0xe1: {  	[tilespmem:s26], [sflag:$0x3] =	stream.indirect.gather [hbm4b:s4+s25], $0x80, s21, s25, $0xb8;
	[tilespmem:$0x1FC00] =	vst v63  }
0xe2: {  	s8 =	simm.s32 $0x1280  }
0xe3: {  	[spmem:s1] =	stream.indirect.scatter.add.f32 [tilespmem:s29], [sflag:$0x6], $0x80, s8, s25, $0xb8;
	[tilespmem:$0x1FC00] =	vst v63  }
0xe4: {  	_ =	swait.ge [sflag:s6], $0x3800  }
0xe5: {  	[sflag:s6] =	ssyncset.done $0x0  }
0xe6: {  	[sflag:s6] =	ssyncadd.s32 $0xFFFFC800  }
0xe7: {  	_ =	swait.ge [sflag:s10], $0x3800  }
0xe8: {  	[sflag:s10] =	ssyncset.done $0x0  }
0xe9: {  	s21 =	simm.s32 $0xE00;
	[sflag:s10] =	ssyncadd.s32 $0xFFFFC800  }
0xea: {  	[tilespmem:s29], [sflag:$0x4] =	stream.indirect.gather [hbm4b:s4+s25], $0x80, s21, s25, $0xb8;
	[tilespmem:$0x1FC00] =	vst v63  }
0xeb: {  	s8 =	simm.s32 $0x1300  }
0xec: {  	[spmem:s1] =	stream.indirect.scatter.add.f32 [tilespmem:s28], [sflag:$0x6], $0x80, s8, s25, $0xb8;
	[tilespmem:$0x1FC00] =	vst v63  }
0xed: {  	_ =	swait.ge [sflag:s6], $0x3800  }
0xee: {  	[sflag:s6] =	ssyncset.done $0x0  }
0xef: {  	[sflag:s6] =	ssyncadd.s32 $0xFFFFC800  }
0xf0: {  	_ =	swait.ge [sflag:s31], $0x3800  }
0xf1: {  	[sflag:s31] =	ssyncset.done $0x0  }
0xf2: {  	s21 =	simm.s32 $0xE80;
	[sflag:s31] =	ssyncadd.s32 $0xFFFFC800  }
0xf3: {  	[tilespmem:s28], [sflag:$0x5] =	stream.indirect.gather [hbm4b:s4+s25], $0x80, s21, s25, $0xb8;
	[tilespmem:$0x1FC00] =	vst v63  }
0xf4: {  	s8 =	simm.s32 $0x1380  }
0xf5: {  	[spmem:s1] =	stream.indirect.scatter.add.f32 [tilespmem:s26], [sflag:$0x6], $0x80, s8, s25, $0xb8;
	[tilespmem:$0x1FC00] =	vst v63  }
0xf6: {  	_ =	swait.ge [sflag:s6], $0x3800  }
0xf7: {  	[sflag:s6] =	ssyncset.done $0x0  }
0xf8: {  	[sflag:s6] =	ssyncadd.s32 $0xFFFFC800  }
0xf9: {  	_ =	swait.ge [sflag:s7], $0x3800  }
0xfa: {  	[sflag:s7] =	ssyncset.done $0x0  }
0xfb: {  	s21 =	simm.s32 $0xF00;
	[sflag:s7] =	ssyncadd.s32 $0xFFFFC800  }
0xfc: {  	[tilespmem:s26], [sflag:$0x3] =	stream.indirect.gather [hbm4b:s4+s25], $0x80, s21, s25, $0xb8;
	[tilespmem:$0x1FC00] =	vst v63  }
0xfd: {  	s8 =	simm.s32 $0x1400  }
0xfe: {  	[spmem:s1] =	stream.indirect.scatter.add.f32 [tilespmem:s29], [sflag:$0x6], $0x80, s8, s25, $0xb8;
	[tilespmem:$0x1FC00] =	vst v63  }
0xff: {  	_ =	swait.ge [sflag:s6], $0x3800  }
0x100: {  	[sflag:s6] =	ssyncset.done $0x0  }
0x101: {  	[sflag:s6] =	ssyncadd.s32 $0xFFFFC800  }
0x102: {  	_ =	swait.ge [sflag:s10], $0x3800  }
0x103: {  	[sflag:s10] =	ssyncset.done $0x0  }
0x104: {  	s21 =	simm.s32 $0xF80;
	[sflag:s10] =	ssyncadd.s32 $0xFFFFC800  }
0x105: {  	[tilespmem:s29], [sflag:$0x4] =	stream.indirect.gather [hbm4b:s4+s25], $0x80, s21, s25, $0xb8;
	[tilespmem:$0x1FC00] =	vst v63  }
0x106: {  	_ = 	snop  }
0x107: {  	[spmem:s1] =	stream.indirect.scatter.add.f32 [tilespmem:s28], [sflag:$0x6], $0x80, s9, s25, $0xb8;
	[tilespmem:$0x1FC00] =	vst v63  }
0x108: {  	_ =	swait.ge [sflag:s6], $0x3800  }
0x109: {  	[sflag:s6] =	ssyncset.done $0x0  }
0x10a: {  	[sflag:s6] =	ssyncadd.s32 $0xFFFFC800  }
0x10b: {  	_ =	swait.ge [sflag:s31], $0x3800  }
0x10c: {  	[sflag:s31] =	ssyncset.done $0x0  }
0x10d: {  	[sflag:s31] =	ssyncadd.s32 $0xFFFFC800  }
0x10e: {  	[tilespmem:s28], [sflag:$0x5] =	stream.indirect.gather [hbm4b:s4+s25], $0x80, s11, s25, $0xb8;
	[tilespmem:$0x1FC00] =	vst v63  }
0x10f: {  	_ = 	snop  }
0x110: {  	[spmem:s1] =	stream.indirect.scatter.add.f32 [tilespmem:s26], [sflag:$0x6], $0x80, s2, s25, $0xb8;
	[tilespmem:$0x1FC00] =	vst v63  }
0x111: {  	_ =	swait.ge [sflag:s6], $0x3800  }
0x112: {  	[sflag:s6] =	ssyncset.done $0x0  }
0x113: {  	[sflag:s6] =	ssyncadd.s32 $0xFFFFC800  }
0x114: {  	_ =	swait.ge [sflag:s7], $0x3800  }
0x115: {  	[sflag:s7] =	ssyncset.done $0x0  }
0x116: {  	[sflag:s7] =	ssyncadd.s32 $0xFFFFC800  }
0x117: {  	[tilespmem:s26], [sflag:$0x3] =	stream.indirect.gather [hbm4b:s4+s25], $0x80, s12, s25, $0xb8;
	[tilespmem:$0x1FC00] =	vst v63  }
0x118: {  	_ = 	snop  }
0x119: {  	[spmem:s1] =	stream.indirect.scatter.add.f32 [tilespmem:s29], [sflag:$0x6], $0x80, s13, s25, $0xb8;
	[tilespmem:$0x1FC00] =	vst v63  }
0x11a: {  	_ =	swait.ge [sflag:s6], $0x3800  }
0x11b: {  	[sflag:s6] =	ssyncset.done $0x0  }
0x11c: {  	[sflag:s6] =	ssyncadd.s32 $0xFFFFC800  }
0x11d: {  	_ =	swait.ge [sflag:s10], $0x3800  }
0x11e: {  	[sflag:s10] =	ssyncset.done $0x0  }
0x11f: {  	[sflag:s10] =	ssyncadd.s32 $0xFFFFC800  }
0x120: {  	[tilespmem:s29], [sflag:$0x4] =	stream.indirect.gather [hbm4b:s4+s25], $0x80, s14, s25, $0xb8;
	[tilespmem:$0x1FC00] =	vst v63  }
0x121: {  	_ = 	snop  }
0x122: {  	[spmem:s1] =	stream.indirect.scatter.add.f32 [tilespmem:s28], [sflag:$0x6], $0x80, s15, s25, $0xb8;
	[tilespmem:$0x1FC00] =	vst v63  }
0x123: {  	_ =	swait.ge [sflag:s6], $0x3800  }
0x124: {  	[sflag:s6] =	ssyncset.done $0x0  }
0x125: {  	[sflag:s6] =	ssyncadd.s32 $0xFFFFC800  }
0x126: {  	_ =	swait.ge [sflag:s31], $0x3800  }
0x127: {  	[sflag:s31] =	ssyncset.done $0x0  }
0x128: {  	[sflag:s31] =	ssyncadd.s32 $0xFFFFC800  }
0x129: {  	[tilespmem:s28], [sflag:$0x5] =	stream.indirect.gather [hbm4b:s4+s25], $0x80, s18, s25, $0xb8;
	[tilespmem:$0x1FC00] =	vst v63  }
0x12a: {  	_ = 	snop  }
0x12b: {  	[spmem:s1] =	stream.indirect.scatter.add.f32 [tilespmem:s26], [sflag:$0x6], $0x80, s19, s25, $0xb8;
	[tilespmem:$0x1FC00] =	vst v63  }
0x12c: {  	_ =	swait.ge [sflag:s6], $0x3800  }
0x12d: {  	[sflag:s6] =	ssyncset.done $0x0  }
0x12e: {  	[sflag:s6] =	ssyncadd.s32 $0xFFFFC800  }
0x12f: {  	_ =	swait.ge [sflag:s7], $0x3800  }
0x130: {  	s0 =	simm.s32 @p3 $0x70;
	[sflag:s7] =	ssyncset.done $0x0  }
0x131: {  	s8 =	simm.s32 @p3 $0x5000;
	s21 =	simm.s32 @p3 $0x1700;
	[sflag:s7] =	ssyncadd.s32 $0xFFFFC800  }
0x132: {  	[spmem:s1] =	stream.indirect.scatter.add.f32 @p3 [tilespmem:s8], [sflag:$0x6], $0x80, s21, s0, $0xb8;
	[tilespmem:$0x1FC00] =	vst v63  }
0x133: {  	s0 =	simm.s32 @p3 $0x6  }
0x134: {  	_ =	swait.ge @p3 [sflag:s0], $0x3800  }
0x135: {  	[sflag:s0] =	ssyncset.done @p3 $0x0  }
0x136: {  	[sflag:s0] =	ssyncadd.s32 @p3 $0xFFFFC800;
	s0 =	simm.s32 @p3 $0x5  }
0x137: {  	_ =	swait.ge @p3 [sflag:s0], $0x3800  }
0x138: {  	[sflag:s0] =	ssyncset.done @p3 $0x0  }
0x139: {  	s8 =	simm.s32 @!p3 $0x1800;
	[sflag:s0] =	ssyncadd.s32 @p3 $0xFFFFC800;
	s0 =	simm.s32 @!p3 $0x70  }
0x13a: {  	[tilespmem:s8], [sflag:$0x3] =	stream.indirect.gather @!p3 [hbm4b:s4+s0], $0x80, s22, s0, $0xb8;
	[tilespmem:$0x1FC00] =	vst v63  }
0x13b: {  	s21 =	simm.s32 @!p3 $0x5000;
	s8 =	simm.s32 @!p3 $0x1700  }
0x13c: {  	[spmem:s1] =	stream.indirect.scatter.add.f32 @!p3 [tilespmem:s21], [sflag:$0x6], $0x80, s8, s0, $0xb8;
	[tilespmem:$0x1FC00] =	vst v63  }
0x13d: {  	s8 =	simm.s32 @!p3 $0x6  }
0x13e: {  	_ =	swait.ge @!p3 [sflag:s8], $0x3800  }
0x13f: {  	[sflag:s8] =	ssyncset.done @!p3 $0x0  }
0x140: {  	[sflag:s8] =	ssyncadd.s32 @!p3 $0xFFFFC800;
	s8 =	simm.s32 @!p3 $0x5  }
0x141: {  	_ =	swait.ge @!p3 [sflag:s8], $0x3800  }
0x142: {  	[sflag:s8] =	ssyncset.done @!p3 $0x0  }
0x143: {  	[sflag:s8] =	ssyncadd.s32 @!p3 $0xFFFFC800;
	s8 =	simm.s32 @!p3 $0x80  }
0x144: {  	[tilespmem:s21], [sflag:$0x4] =	stream.indirect.gather @!p3 [hbm4b:s4+s0], $0x80, s8, s0, $0xb8;
	[tilespmem:$0x1FC00] =	vst v63  }
.Ltmp2:
0x145: {  	_ = 	snop;
	(pc) =	sbr.rel @p3 .LBB2_4-.Ltmp2, $4  }
0x146: {  	[spmem:s1] =	stream.indirect.scatter.add.f32 [tilespmem:s28], [sflag:$0x6], $0x80, s20, s25, $0xb8;
	[tilespmem:$0x1FC00] =	vst v63  }
0x147: {  	_ =	swait.ge [sflag:s6], $0x3800  }
0x148: {  	[sflag:s6] =	ssyncset.done $0x0  }
0x149: {  	[sflag:s6] =	ssyncadd.s32 $0xFFFFC800  }
.Ltmp3:
0x14a: {  	s0 =	sadd.s32 s5, s16;
	(pc) =	sbr.rel .LBB2_2-.Ltmp3, $4  }
0x14b: {  	s22 =	sadd.s32 s5, s17;
	s0 =	sadd.s32 $0x300, s0  }
0x14c: {  	[tilespmem:s23], [sflag:$0x2] =	stream.linear.gather [hbm4b:s0+s3], $0x600, $0x38;
	[tilespmem:$0x1FC00] =	vst v63  }
0x14d: {  	s5 =	sadd.s32 $0x200, s5;
	s0 =	sadd.s32 $0x300, s22  }
0x14e: {  	[tilespmem:s24], [sflag:$0x2] =	stream.linear.gather [hbm4b:s0+s3], $0x600, $0x38;
	[tilespmem:$0x1FC00] =	vst v63  }
.LBB2_5:
0x14f: {  	_ =	sfence.sel $0x180000  }
0x150: {  	[bflag:$0x0] =	sbarrier.arrive $0xFFFF  }
0x151: {  	_ =	strace $0x9000004D  }
0x152: {  	[bflag:$0x2] =	sbarrier.arrive $0xFFFF  }
0x153: {  	p0 =	sne.s32 s21, $0x0;
	s0 =	rddreg [dreg:$0x2]  }
0x154: {  	s0 =	sadd.s32 @!p0 $0x100000, s0  }
0x155: {  	[sflag:s0] =	ssyncadd.tile.s32 @!p0 $0x1;
	_ =	shalt  }
.Lfunc_end2:
_tile_overlayer_lowered:
.L_overlay_start_2:
0x156: {  	(tag) =	ssettag $0x2  }
0x157: {  	s0 =	rddreg [dreg:$0x0];
	s2 =	stileid.u32  }
0x158: {  	s1 =	rddreg [dreg:$0x1];
	p0 =	sne.s32 s2, $0x0  }
0x159: {  	s3 =	rddreg [dreg:$0x2];
	[bflag:$0x3] =	sbarrier.arrive $0xFFFF;
	s2 =	simm.s32 @!p0 $0x1C06  }
0x15a: {  	[timem:s3], [sflag:s2] =	dma.local @!p0 [hbm:s0], s1  }
0x15b: {  	s0 =	simm.s32 @!p0 $0x6  }
0x15c: {  	_ =	swait.ge @!p0 [sflag:s0], s1  }
0x15d: {  	s1 =	ssub.s32 @!p0 $0x0, s1;
	[sflag:s0] =	ssyncset.done @!p0 $0x0  }
0x15e: {  	[sflag:s0] =	ssyncadd.s32 @!p0 s1  }
0x15f: {  	[bflag:$0x3] =	sbarrier.arrive $0xFFFF  }
0x160: {  	_ =	shalt  }

// kernel: kernel.8.cloned.1.call-start
scs
__scs_entry_jumppad:
0x0: {  	(pc) =	sbr.rel $0x88, $3  }
0x1: {  	(tag) =	ssettag $0x0;
	lr =	simm.s32 $0x1  }
0x2: {  	[smem:$0x3F91] =	sst lr;
	_ =	strace $0xD0000000  }
0x3: {  	_ = 	snop  }
0x4: {  	_ = 	snop  }
0x5: {  	_ = 	snop  }
0x6: {  	_ = 	snop  }
0x7: {  	_ = 	snop  }
__scs_overlays_trampoline_lowered:
0x8: {  	[smem:$0x3FA0] =	sst s0  }
0x9: {  	[smem:$0x3FA1] =	sst s1  }
0xa: {  	[smem:$0x3FA2] =	sst s2  }
0xb: {  	[smem:$0x3FA3] =	sst s3  }
0xc: {  	[smem:$0x3FA4] =	sst s4  }
0xd: {  	[smem:$0x3FA5] =	sst s5  }
0xe: {  	[smem:$0x3FA6] =	sst s6  }
0xf: {  	[smem:$0x3FA7] =	sst s7  }
0x10: {  	[smem:$0x3FA8] =	sst s8  }
0x11: {  	[smem:$0x3FA9] =	sst s9;
	s0 =	simm.s32 @!p0 $0x0  }
0x12: {  	s1 =	sld [smem:$0x3F8F];
	s0 =	simm.s32 @p0 $0x1  }
0x13: {  	[smem:$0x3FAA] =	sst s0;
	s0 =	simm.s32 @!p1 $0x0  }
0x14: {  	s2 =	sld [smem:$0x3F8E];
	s0 =	simm.s32 @p1 $0x1  }
0x15: {  	[smem:$0x3FAB] =	sst s0;
	s0 =	simm.s32 @!p2 $0x0  }
0x16: {  	s3 =	sld [smem:$0x3FDB];
	s0 =	simm.s32 @p2 $0x1  }
0x17: {  	s4 =	simm.s32 $0x1BF5;
	[smem:$0x3FAD] =	sst s0  }
0x18: {  	s0 =	sld [smem:$0x3F90];
	_ =	swait.ge [sflag:s4], $0x0  }
0x19: {  	s7 =	sld [smem:$0x3F91]  }
0x1a: {  	s8 =	sadd.s32 $0xFFFFE003, lr  }
0x1b: {  	s9 =	sadd.s32 $0xFFFFFEF7, lr;
	s5 =	simm.s32 $0xFFFFFFFF;
	p2 =	slt.u32 s8, $0xFFFFF086  }
0x1c: {  	p1 =	slt.u32 s9, $0xF7A;
	s5 =	simm.s32 @!p2 $0x0  }
0x1d: {  	s5 =	simm.s32 @p1 $0x1;
	p0 =	seq.s32 s7, s2  }
0x1e: {  	s7 =	smul.u32 @!p0 $0xF7A, s2;
	p2 =	seq.s32 @!p0 s5, $0x0  }
0x1f: {  	s9 =	smul.u32 $0xF7A, s1;
	s8 =	simm.s32 @!p0 $0x1BF5;
	p2 =	por !p2, p0  }
0x20: {  	[sflag:s8] =	ssyncset.s32 @!p0 $0xFFFFF086;
	s6 =	sadd.s32 @!p0 s3, s7;
	s7 =	simm.s32 @!p0 $0x108  }
0x21: {  	s3 =	sadd.s32 s3, s9;
	s6 =	sadd.s32 @!p0 $0x88, s6;
	s7 =	simm.s32 @p2 $0x1082  }
0x22: {  	[simem:s7], [sflag:s8] =	dma.local @!p0 [hbm:s6], $0xF7A  }
0x23: {  	s9 =	sor.u32 $0xD0000000, s2;
	s6 =	simm.s32 $0x108;
	_ =	swait.ge @!p0 [sflag:s8], $0x0  }
0x24: {  	s3 =	sadd.s32 $0x88, s3;
	s6 =	simm.s32 @!p1 $0x1082;
	[sflag:s4] =	ssyncset.s32 $0xFFFFF086  }
0x25: {  	[simem:s6], [sflag:s4] =	dma.local [hbm:s3], $0xF7A  }
0x26: {  	[smem:$0x3F91] =	sst s1;
	(tag) =	ssettag s2;
	_ =	strace s9  }
0x27: {  	s1 =	sld [smem:$0x3FA1]  }
0x28: {  	s2 =	sld [smem:$0x3FA2]  }
0x29: {  	s4 =	sld [smem:$0x3FA4]  }
0x2a: {  	p0 =	seq.s32 s5, $0x0;
	s5 =	sld [smem:$0x3FA5]  }
0x2b: {  	s6 =	sld [smem:$0x3FA6]  }
0x2c: {  	s7 =	sld [smem:$0x3FA7]  }
0x2d: {  	s3 =	simm.s32 $0x108;
	s8 =	sld [smem:$0x3FA8]  }
0x2e: {  	s3 =	simm.s32 @!p0 $0x1082;
	s9 =	sld [smem:$0x3FA9]  }
0x2f: {  	lr =	sadd.s32 s0, s3;
	s0 =	sld [smem:$0x3FA0]  }
0x30: {  	s3 =	sld [smem:$0x3FA3]  }
0x31: {  	[smem:$0x3FAC] =	sst s10  }
0x32: {  	s10 =	sld [smem:$0x3FAA];
	_ =	sdelay $0x3  }
0x33: {  	p0 =	seq.s32 s10, $0x1;
	s10 =	sld [smem:$0x3FAC];
	_ =	sdelay $0x3  }
0x34: {  	[smem:$0x3FAC] =	sst s10  }
0x35: {  	s10 =	sld [smem:$0x3FAB];
	_ =	sdelay $0x3  }
0x36: {  	p1 =	seq.s32 s10, $0x1;
	s10 =	sld [smem:$0x3FAC];
	_ =	sdelay $0x3  }
0x37: {  	[smem:$0x3FAC] =	sst s10  }
0x38: {  	s10 =	sld [smem:$0x3FAD]  }
0x39: {  	_ = 	snop;
	(pc) =	sbr.ind lr, $3  }
0x3a: {  	_ = 	snop  }
0x3b: {  	_ = 	snop  }
0x3c: {  	p2 =	seq.s32 s10, $0x1;
	s10 =	sld [smem:$0x3FAC]  }
0x3d: {  	_ =	shalt  }
0x3e: {  	_ =	shalt  }
0x3f: {  	_ =	shalt  }
0x40: {  	_ =	shalt  }
0x41: {  	_ =	shalt  }
0x42: {  	_ =	shalt  }
0x43: {  	_ =	shalt  }
0x44: {  	_ =	shalt  }
0x45: {  	_ =	shalt  }
0x46: {  	_ =	shalt  }
0x47: {  	_ =	shalt  }
0x48: {  	_ =	shalt  }
0x49: {  	_ =	shalt  }
0x4a: {  	_ =	shalt  }
0x4b: {  	_ =	shalt  }
0x4c: {  	_ =	shalt  }
0x4d: {  	_ =	shalt  }
0x4e: {  	_ =	shalt  }
0x4f: {  	_ =	shalt  }
0x50: {  	_ =	shalt  }
0x51: {  	_ =	shalt  }
0x52: {  	_ =	shalt  }
0x53: {  	_ =	shalt  }
0x54: {  	_ =	shalt  }
0x55: {  	_ =	shalt  }
0x56: {  	_ =	shalt  }
0x57: {  	_ =	shalt  }
0x58: {  	_ =	shalt  }
0x59: {  	_ =	shalt  }
0x5a: {  	_ =	shalt  }
0x5b: {  	_ =	shalt  }
0x5c: {  	_ =	shalt  }
0x5d: {  	_ =	shalt  }
0x5e: {  	_ =	shalt  }
0x5f: {  	_ =	shalt  }
0x60: {  	_ =	shalt  }
0x61: {  	_ =	shalt  }
0x62: {  	_ =	shalt  }
0x63: {  	_ =	shalt  }
0x64: {  	_ =	shalt  }
0x65: {  	_ =	shalt  }
0x66: {  	_ =	shalt  }
0x67: {  	_ =	shalt  }
0x68: {  	_ =	shalt  }
0x69: {  	_ =	shalt  }
0x6a: {  	_ =	shalt  }
0x6b: {  	_ =	shalt  }
0x6c: {  	_ =	shalt  }
0x6d: {  	_ =	shalt  }
0x6e: {  	_ =	shalt  }
0x6f: {  	_ =	shalt  }
0x70: {  	_ =	shalt  }
0x71: {  	_ =	shalt  }
0x72: {  	_ =	shalt  }
0x73: {  	_ =	shalt  }
0x74: {  	_ =	shalt  }
0x75: {  	_ =	shalt  }
0x76: {  	_ =	shalt  }
0x77: {  	_ =	shalt  }
0x78: {  	_ =	shalt  }
0x79: {  	_ =	shalt  }
0x7a: {  	_ =	shalt  }
0x7b: {  	_ =	shalt  }
0x7c: {  	_ =	shalt  }
0x7d: {  	_ =	shalt  }
0x7e: {  	_ =	shalt  }
0x7f: {  	_ =	shalt  }
0x80: {  	_ =	shalt  }
0x81: {  	_ =	shalt  }
0x82: {  	_ =	shalt  }
0x83: {  	_ =	shalt  }
0x84: {  	_ =	shalt  }
0x85: {  	_ =	shalt  }
0x86: {  	_ =	shalt  }
0x87: {  	_ =	shalt  }
.Lfunc_end0:
.L_simem_size_0:
called_computation_lowered:
.L_overlay_start_0:
0x88: {  	s2 =	sld [smem:$0x3FD9]  }
0x89: {  	s3 =	sld [smem:$0x3FFE];
	_ =	sdelay $0x1  }
0x8a: {  	s1 =	srdreg.scid  }
0x8b: {  	s0 =	sand.u32 $0x1, s1  }
0x8c: {  	s17 =	sshll.u32 s0, $0xA;
	s2 =	sadd.s32 s3, s2  }
0x8d: {  	s2 =	sadd.s32 s2, s17  }
0x8e: {  	[smem:$0x3FB8] =	sst s2  }
0x8f: {  	_ = 	snop  }
0x90: {  	s2 =	sld [smem:$0x3FC9];
	(tm) =	ssettm $0x1  }
0x91: {  	s18 =	sld [smem:$0x3FFB];
	_ =	sdelay $0x3  }
0x92: {  	_ =	strace s18  }
0x93: {  	s3 =	sld [smem:$0x3FFC];
	_ =	sdelay $0x3  }
0x94: {  	_ =	strace s3  }
0x95: {  	s3 =	sld [smem:$0x3FFD];
	_ =	sdelay $0x3  }
0x96: {  	_ =	strace s3  }
0x97: {  	_ =	strace $0x8FFFFFFF  }
0x98: {  	s19 =	sld [smem:$0x3FDB];
	_ =	sdelay $0x1  }
0x99: {  	s4 =	simm.s32 $_scs_section_size  }
0x9a: {  	s5 =	simm.s32 $_size__tile_overlayer_lowered;
	s6 =	simm.s32 $_tile_overlayer_lowered  }
0x9b: {  	s22 =	simm.s32 $0x1BFF;
	s21 =	sshll.u32 s6, $0x1;
	s3 =	sadd.s32 s4, s19  }
0x9c: {  	s7 =	simm.s32 $0x0;
	s20 =	sshll.u32 s5, $0x1;
	s5 =	sadd.s32 s21, s3  }
0x9d: {  	[timem:s7], [sflag:s22] =	dma.local [hbm:s5], s20  }
0x9e: {  	_ =	swait.ge [sflag:s22], s20  }
0x9f: {  	s4 =	ssub.s32 $0x0, s20;
	[sflag:s22] =	ssyncset.done $0x0  }
0xa0: {  	[sflag:s22] =	ssyncadd.s32 s4;
	_ =	sdelay $0x1  }
0xa1: {  	s23 =	simm.s32 $0x1B8B  }
0xa2: {  	_ =	swait.ge [sflag:s23], $0x1  }
0xa3: {  	[sflag:s23] =	ssyncset.done $0x0  }
0xa4: {  	s25 =	simm.s32 $0x1B8E;
	s24 =	sld [smem:$0x3FFE];
	[sflag:s23] =	ssyncadd.s32 $0xFFFFFFFF  }
0xa5: {  	s26 =	simm.s32 $execute0_lowered;
	[smem:$0x3FD2] =	sst s25  }
0xa6: {  	s5 =	sshll.u32 s26, $0x1;
	_ =	strace $0x80000046;
	[dreg:$0x1] =	wrdreg $0xFFFFFFFF  }
0xa7: {  	s28 =	simm.s32 $_size_execute0_lowered;
	s3 =	sadd.s32 s3, s5;
	[dreg:$0x0] =	wrdreg $0x0  }
0xa8: {  	s5 =	sshll.u32 s28, $0x1;
	[dreg:$0x2] =	wrdreg s3  }
0xa9: {  	[dreg:$0x3] =	wrdreg s5  }
0xaa: {  	[dreg:$0x4] =	wrdreg $0xC0  }
0xab: {  	_ =	task [dreg:s7], $0x5FFFF  }
0xac: {  	[dreg:$0x1] =	wrdreg $0xFFFFFFFF  }
0xad: {  	[dreg:$0x0] =	wrdreg $0x60  }
0xae: {  	[dreg:$0x2] =	wrdreg s2  }
0xaf: {  	[dreg:$0x3] =	wrdreg s24  }
0xb0: {  	[dreg:$0x4] =	wrdreg $0xC0000  }
0xb1: {  	[dreg:$0x5] =	wrdreg $0x9  }
0xb2: {  	_ =	task.clear_ibuf [dreg:s7], $0x6FFFF;
	_ =	strace $0x90000046  }
0xb3: {  	s29 =	simm.s32 $0x9;
	_ =	strace $0x80000048  }
0xb4: {  	_ =	swait.ge [sflag:s29], $0x1  }
0xb5: {  	[sflag:s29] =	ssyncadd.s32 $0xFFFFFFFF  }
0xb6: {  	_ =	strace $0x90000048  }
0xb7: {  	_ =	sfence  }
0xb8: {  	s30 =	sld [smem:$0x0];
	_ =	sdelay $0x2  }
0xb9: {  	s31 =	sshll.u32 s1, $0xD;
	s1 =	sshrl.u32 s1, $0x2  }
0xba: {  	s3 =	sand.u32 $0x4000, s31;
	s1 =	sadd.s32 s1, s30  }
0xbb: {  	s0 =	sor.u32 s3, s0;
	s1 =	sshll.u32 s1, $0x11  }
0xbc: {  	s0 =	sor.u32 s1, s0  }
0xbd: {  	s0 =	sadd.s32 $0x8F2B, s0  }
0xbe: {  	[sflag:s0] =	ssyncadd.remote.s32 $0x1  }
0xbf: {  	_ =	sfence.sel $0xFFFF  }
0xc0: {  	[dreg:$0x0] =	wrdreg $0xFFFFFFFF;
	(pc) =	sbr.abs _section_cstart, $3  }
0xc1: {  	[dreg:$0x1] =	wrdreg $0xFFFFFFFF  }
0xc2: {  	_ =	task.clear_ibuf [dreg:s7], $0x2FFFF;
	_ =	strace $0x9FFFFFFF  }
0xc3: {  	(tm) =	ssettm $0x7FFFFFFF  }
tec
execute0_lowered:
.L_overlay_start_1:
0x0: {  	(tag) =	ssettag $0x1  }
0x1: {  	s1 =	rddreg [dreg:$0x0]  }
0x2: {  	s0 =	rddreg [dreg:$0x1]  }
0x3: {  	s2 =	rddreg [dreg:$0x2];
	s3 =	srdreg.scid;
	s4 =	simm.s32 $0x0  }
0x4: {  	s15 =	stileid.u32;
	s29 =	simm.s32 $0x5000;
	s30 =	simm.s32 $0x2  }
0x5: {  	s31 =	simm.s32 $0x3;
	s28 =	simm.s32 $0x8800;
	s6 =	smul.u32 $0x13C00, s15  }
0x6: {  	s3 =	sand.u32 $0x1, s3;
	[smem:$0x7FF] =	sst s4;
	s7 =	smul.u32 $0x2780, s15  }
0x7: {  	s8 =	sadd.s32 $0x12C00, s0;
	s9 =	sadd.s32 $0x2C00, s0;
	p1 =	sne.s32 s15, $0xF  }
0x8: {  	p2 =	seq.s32 s15, $0xF;
	s12 =	smul.u32 $0x4F000, s15;
	s26 =	sadd.s32 $0x25080, s1  }
0x9: {  	s17 =	sshll.u32 s15, $0xB;
	s13 =	sadd.s32 $0x138800, s2;
	s5 =	smul.u32 $0x13C000, s3  }
0xa: {  	_ =	strace $0x80000047;
	s10 =	ssub.s32 $0x2, s3;
	p0 =	seq.s32 s3, $0x0  }
0xb: {  	[dreg:$0x6] =	wrdreg s26;
	s24 =	sadd.s32 s7, s0;
	s11 =	sshrl.u32 s10, $0x1  }
0xc: {  	p1 =	por !p0, !p1;
	p2 =	por !p0, !p2;
	s25 =	sshrl.u32 s12, $0x2  }
0xd: {  	s12 =	sshll.u32 s3, $0xF;
	s7 =	sadd.s32 s1, s7;
	s5 =	sadd.s32 s6, s5  }
0xe: {  	s10 =	ssub.s32 s10, s11;
	p0 =	por !p1, !p1;
	p2 =	por !p2, !p2  }
0xf: {  	s14 =	sadd.s32 s25, s2;
	s6 =	sadd.s32 $0x22C00, s24;
	s18 =	sor.u32 s17, s12  }
0x10: {  	[dreg:$0x8] =	wrdreg s7;
	s25 =	sadd.s32 s12, s8;
	s26 =	sadd.s32 s12, s9  }
0x11: {  	s7 =	simm.s32 $0x4;
	s11 =	simm.s32 $0x1000;
	s12 =	simm.s32 $0x1500  }
0x12: {  	s5 =	sshrl.u32 s5, $0x3;
	[dreg:$0x5] =	wrdreg s6;
	s6 =	sadd.s32 $0x128400, s2  }
0x13: {  	s19 =	sadd.s32 s8, s18;
	s20 =	sor.u32 $0x100, s18;
	p1 =	por p2, p0  }
0x14: {  	s24 =	smax.u32 s10, $0x1;
	s16 =	sadd.s32 s17, s25;
	s17 =	sadd.s32 s17, s26  }
0x15: {  	s25 =	simm.s32 $0x70;
	s26 =	simm.s32 $0x1800;
	s10 =	simm.s32 $0x5  }
0x16: {  	s5 =	sadd.s32 s5, s0;
	s0 =	sadd.s32 $0x49D00, s0;
	[dreg:$0x9] =	wrdreg s19  }
0x17: {  	s21 =	sadd.s32 s8, s20;
	s22 =	sadd.s32 s9, s20;
	p1 =	seq.s32 @!p1 s3, $0x0  }
0x18: {  	[dreg:$0xe] =	wrdreg s24;
	s8 =	smov.u32 s14;
	s24 =	simm.s32 $0x1200  }
0x19: {  	s3 =	simm.s32 $0x1080;
	s14 =	simm.s32 $0x1100;
	[dreg:$0x7] =	wrdreg s0  }
0x1a: {  	s19 =	simm.s32 $0x1680;
	s20 =	simm.s32 $0x1780;
	[dreg:$0xb] =	wrdreg s21  }
0x1b: {  	s0 =	sadd.s32 s9, s18;
	[dreg:$0xc] =	wrdreg s22;
	s23 =	sadd.s32 $0x4A400, s5  }
0x1c: {  	p1 =	por @!p0 p1, p2;
	p2 =	por !p2, p0;
	s9 =	simm.s32 $0x1480  }
0x1d: {  	s18 =	simm.s32 $0x1180;
	[dreg:$0x4] =	wrdreg s8;
	p1 =	por p1, p0  }
.Ltmp0:
0x1e: {  	[dreg:$0xa] =	wrdreg s0;
	s0 =	sshll.u32 @!p1 s15, $0x6;
	(pc) =	sbr.rel .LBB2_1-.Ltmp0, $4  }
0x1f: {  	s5 =	simm.s32 $0x0;
	[dreg:$0xd] =	wrdreg s23;
	s0 =	sor.u32 @!p1 $0x1C06, s0  }
0x20: {  	s23 =	simm.s32 $0xC00;
	[dreg:$0xf] =	wrdreg s0;
	s0 =	sshrl.u32 @!p2 s6, $0x3  }
0x21: {  	s15 =	simm.s32 $0x1600;
	[dreg:$0x10] =	wrdreg s0;
	s0 =	sshrl.u32 @!p2 s13, $0x3  }
0x22: {  	s6 =	simm.s32 $0x6;
	s13 =	simm.s32 $0x1580;
	[dreg:$0x11] =	wrdreg s0  }
.LBB2_4:
0x23: {  	s21 =	stileid.u32;
	[bflag:$0x0] =	sbarrier.arrive $0xFFFF  }
0x24: {  	s0 =	sshll.u32 s21, $0x6;
	s8 =	rddreg [dreg:$0x4]  }
0x25: {  	s22 =	rddreg [dreg:$0xd];
	s0 =	sor.u32 $0x1C06, s0;
	s5 =	sshrl.u32 s8, $0x3  }
0x26: {  	[hbm:s22], [sflag:s0] =	dma.local [spmem:s5], $0x2780  }
0x27: {  	_ =	swait.ge [sflag:s6], $0x2780  }
0x28: {  	s0 =	rddreg [dreg:$0x12]  }
0x29: {  	s22 =	rddreg [dreg:$0xe];
	s5 =	sadd.s32 $0x1, s0  }
0x2a: {  	p3 =	sne.s32 s5, s22  }
.Ltmp1:
0x2b: {  	_ = 	snop;
	(pc) =	sbr.rel @!p3 .LBB2_5-.Ltmp1, $3  }
0x2c: {  	_ =	sdelay $0x1  }
0x2d: {  	[sflag:s6] =	ssyncset.done $0x0  }
0x2e: {  	[sflag:s6] =	ssyncadd.s32 $0xFFFFD880  }
.LBB2_1:
0x2f: {  	[dreg:$0x12] =	wrdreg s5  }
0x30: {  	s0 =	rddreg [dreg:$0x5]  }
0x31: {  	s5 =	sshrl.u32 @!p1 s8, $0x3;
	s22 =	rddreg [dreg:$0xf]  }
0x32: {  	[spmem:s5], [sflag:s22] =	dma.local @!p1 [hbm:s0], $0x2780  }
0x33: {  	s5 =	simm.s32 @!p1 $0x6  }
0x34: {  	_ =	swait.ge @!p1 [sflag:s5], $0x2780  }
0x35: {  	[sflag:s5] =	ssyncset.done @!p1 $0x0;
	s0 =	rddreg [dreg:$0x6]  }
0x36: {  	s22 =	rddreg [dreg:$0x10];
	[sflag:s5] =	ssyncadd.s32 @!p1 $0xFFFFD880;
	s5 =	simm.s32 @!p2 $0x1FC6  }
0x37: {  	[spmem:s22], [sflag:s5] =	dma.local @!p2 [hbm:s0], $0x2080  }
0x38: {  	s22 =	simm.s32 @!p2 $0x6  }
0x39: {  	_ =	swait.ge @!p2 [sflag:s22], $0x2080  }
0x3a: {  	[sflag:s22] =	ssyncset.done @!p2 $0x0;
	s0 =	rddreg [dreg:$0x7]  }
0x3b: {  	s21 =	rddreg [dreg:$0x11];
	[sflag:s22] =	ssyncadd.s32 @!p2 $0xFFFFDF80  }
0x3c: {  	[spmem:s21], [sflag:s5] =	dma.local @!p2 [hbm:s0], $0x700  }
0x3d: {  	s0 =	stileid.u32  }
0x3e: {  	_ =	swait.ge @!p2 [sflag:s22], $0x700;
	s5 =	sshll.u32 @p0 s0, $0x6  }
0x3f: {  	[sflag:s22] =	ssyncset.done @!p2 $0x0;
	s5 =	sor.u32 @p0 $0x1C06, s5  }
0x40: {  	s0 =	rddreg [dreg:$0x8];
	[sflag:s22] =	ssyncadd.s32 @!p2 $0xFFFFF900;
	s22 =	sshrl.u32 @p0 s8, $0x3  }
0x41: {  	[spmem:s22], [sflag:s5] =	dma.local @p0 [hbm:s0], $0x2780  }
0x42: {  	s5 =	simm.s32 @p0 $0x6  }
0x43: {  	_ =	swait.ge @p0 [sflag:s5], $0x2780  }
0x44: {  	[sflag:s5] =	ssyncset.done @p0 $0x0  }
0x45: {  	[sflag:s5] =	ssyncadd.s32 @p0 $0xFFFFD880  }
0x46: {  	[bflag:$0x0] =	sbarrier.arrive $0xFFFF  }
0x47: {  	s8 =	rddreg [dreg:$0x9]  }
0x48: {  	[tilespmem:s4], [sflag:$0x1] =	stream.linear.gather [hbm4b:s8+s4], $0x600, $0x38;
	[tilespmem:$0x1FC00] =	vst v63  }
0x49: {  	s22 =	simm.s32 $0x600;
	s5 =	simm.s32 $0x1;
	s21 =	rddreg [dreg:$0xa]  }
0x4a: {  	[tilespmem:s22], [sflag:$0x1] =	stream.linear.gather [hbm4b:s21+s4], $0x600, $0x38;
	[tilespmem:$0x1FC00] =	vst v63  }
0x4b: {  	_ =	swait.ge [sflag:s5], $0x600  }
0x4c: {  	[sflag:s5] =	ssyncset.done $0x0  }
0x4d: {  	[sflag:s5] =	ssyncadd.s32 $0xFFFFFA00  }
0x4e: {  	_ =	swait.ge [sflag:s5], $0x600  }
0x4f: {  	[sflag:s5] =	ssyncset.done $0x0  }
0x50: {  	s8 =	rddreg [dreg:$0xb];
	[sflag:s5] =	ssyncadd.s32 $0xFFFFFA00  }
0x51: {  	[tilespmem:s23], [sflag:$0x2] =	stream.linear.gather [hbm4b:s8+s4], $0x600, $0x38;
	[tilespmem:$0x1FC00] =	vst v63  }
0x52: {  	s21 =	rddreg [dreg:$0xc]  }
0x53: {  	[tilespmem:s24], [sflag:$0x2] =	stream.linear.gather [hbm4b:s21+s4], $0x600, $0x38;
	[tilespmem:$0x1FC00] =	vst v63  }
0x54: {  	_ = 	snop  }
0x55: {  	[tilespmem:s26], [sflag:$0x3] =	stream.indirect.gather [hbm4b:s1+s25], $0x80, s4, s25, $0xb8;
	[tilespmem:$0x1FC00] =	vst v63  }
0x56: {  	s22 =	simm.s32 $0x80;
	s5 =	simm.s32 $0x0  }
0x57: {  	[tilespmem:s29], [sflag:$0x4] =	stream.indirect.gather [hbm4b:s1+s25], $0x80, s22, s25, $0xb8;
	[tilespmem:$0x1FC00] =	vst v63  }
.LBB2_2:
0x58: {  	_ =	swait.ge [sflag:s30], $0x600  }
0x59: {  	[sflag:s30] =	ssyncset.done $0x0  }
0x5a: {  	[sflag:s30] =	ssyncadd.s32 $0xFFFFFA00  }
0x5b: {  	_ =	swait.ge [sflag:s30], $0x600  }
0x5c: {  	[sflag:s30] =	ssyncset.done $0x0  }
0x5d: {  	[sflag:s30] =	ssyncadd.s32 $0xFFFFFA00  }
0x5e: {  	_ =	swait.ge [sflag:s31], $0x3800  }
0x5f: {  	[sflag:s31] =	ssyncset.done $0x0  }
0x60: {  	s0 =	simm.s32 $0x100;
	[sflag:s31] =	ssyncadd.s32 $0xFFFFC800  }
0x61: {  	[tilespmem:s28], [sflag:$0x5] =	stream.indirect.gather [hbm4b:s1+s25], $0x80, s0, s25, $0xb8;
	[tilespmem:$0x1FC00] =	vst v63  }
0x62: {  	s22 =	simm.s32 $0x600  }
0x63: {  	[spmem:s2] =	stream.indirect.scatter.add.f32 [tilespmem:s26], [sflag:$0x6], $0x80, s22, s25, $0xb8;
	[tilespmem:$0x1FC00] =	vst v63  }
0x64: {  	_ =	swait.ge [sflag:s6], $0x3800  }
0x65: {  	[sflag:s6] =	ssyncset.done $0x0  }
0x66: {  	[sflag:s6] =	ssyncadd.s32 $0xFFFFC800  }
0x67: {  	_ =	swait.ge [sflag:s7], $0x3800  }
0x68: {  	[sflag:s7] =	ssyncset.done $0x0  }
0x69: {  	s8 =	simm.s32 $0x180;
	[sflag:s7] =	ssyncadd.s32 $0xFFFFC800  }
0x6a: {  	[tilespmem:s26], [sflag:$0x3] =	stream.indirect.gather [hbm4b:s1+s25], $0x80, s8, s25, $0xb8;
	[tilespmem:$0x1FC00] =	vst v63  }
0x6b: {  	s21 =	simm.s32 $0x680  }
0x6c: {  	[spmem:s2] =	stream.indirect.scatter.add.f32 [tilespmem:s29], [sflag:$0x6], $0x80, s21, s25, $0xb8;
	[tilespmem:$0x1FC00] =	vst v63  }
0x6d: {  	_ =	swait.ge [sflag:s6], $0x3800  }
0x6e: {  	[sflag:s6] =	ssyncset.done $0x0  }
0x6f: {  	[sflag:s6] =	ssyncadd.s32 $0xFFFFC800  }
0x70: {  	_ =	swait.ge [sflag:s10], $0x3800  }
0x71: {  	[sflag:s10] =	ssyncset.done $0x0  }
0x72: {  	s22 =	simm.s32 $0x200;
	[sflag:s10] =	ssyncadd.s32 $0xFFFFC800  }
0x73: {  	[tilespmem:s29], [sflag:$0x4] =	stream.indirect.gather [hbm4b:s1+s25], $0x80, s22, s25, $0xb8;
	[tilespmem:$0x1FC00] =	vst v63  }
0x74: {  	s8 =	simm.s32 $0x700  }
0x75: {  	[spmem:s2] =	stream.indirect.scatter.add.f32 [tilespmem:s28], [sflag:$0x6], $0x80, s8, s25, $0xb8;
	[tilespmem:$0x1FC00] =	vst v63  }
0x76: {  	_ =	swait.ge [sflag:s6], $0x3800  }
0x77: {  	[sflag:s6] =	ssyncset.done $0x0  }
0x78: {  	[sflag:s6] =	ssyncadd.s32 $0xFFFFC800  }
0x79: {  	_ =	swait.ge [sflag:s31], $0x3800  }
0x7a: {  	[sflag:s31] =	ssyncset.done $0x0  }
0x7b: {  	s21 =	simm.s32 $0x280;
	[sflag:s31] =	ssyncadd.s32 $0xFFFFC800  }
0x7c: {  	[tilespmem:s28], [sflag:$0x5] =	stream.indirect.gather [hbm4b:s1+s25], $0x80, s21, s25, $0xb8;
	[tilespmem:$0x1FC00] =	vst v63  }
0x7d: {  	s22 =	simm.s32 $0x780  }
0x7e: {  	[spmem:s2] =	stream.indirect.scatter.add.f32 [tilespmem:s26], [sflag:$0x6], $0x80, s22, s25, $0xb8;
	[tilespmem:$0x1FC00] =	vst v63  }
0x7f: {  	_ =	swait.ge [sflag:s6], $0x3800  }
0x80: {  	[sflag:s6] =	ssyncset.done $0x0  }
0x81: {  	[sflag:s6] =	ssyncadd.s32 $0xFFFFC800  }
0x82: {  	_ =	swait.ge [sflag:s7], $0x3800  }
0x83: {  	[sflag:s7] =	ssyncset.done $0x0  }
0x84: {  	s8 =	simm.s32 $0x300;
	[sflag:s7] =	ssyncadd.s32 $0xFFFFC800  }
0x85: {  	[tilespmem:s26], [sflag:$0x3] =	stream.indirect.gather [hbm4b:s1+s25], $0x80, s8, s25, $0xb8;
	[tilespmem:$0x1FC00] =	vst v63  }
0x86: {  	s21 =	simm.s32 $0x800  }
0x87: {  	[spmem:s2] =	stream.indirect.scatter.add.f32 [tilespmem:s29], [sflag:$0x6], $0x80, s21, s25, $0xb8;
	[tilespmem:$0x1FC00] =	vst v63  }
0x88: {  	_ =	swait.ge [sflag:s6], $0x3800  }
0x89: {  	[sflag:s6] =	ssyncset.done $0x0  }
0x8a: {  	[sflag:s6] =	ssyncadd.s32 $0xFFFFC800  }
0x8b: {  	_ =	swait.ge [sflag:s10], $0x3800  }
0x8c: {  	[sflag:s10] =	ssyncset.done $0x0  }
0x8d: {  	s22 =	simm.s32 $0x380;
	[sflag:s10] =	ssyncadd.s32 $0xFFFFC800  }
0x8e: {  	[tilespmem:s29], [sflag:$0x4] =	stream.indirect.gather [hbm4b:s1+s25], $0x80, s22, s25, $0xb8;
	[tilespmem:$0x1FC00] =	vst v63  }
0x8f: {  	s8 =	simm.s32 $0x880  }
0x90: {  	[spmem:s2] =	stream.indirect.scatter.add.f32 [tilespmem:s28], [sflag:$0x6], $0x80, s8, s25, $0xb8;
	[tilespmem:$0x1FC00] =	vst v63  }
0x91: {  	_ =	swait.ge [sflag:s6], $0x3800  }
0x92: {  	[sflag:s6] =	ssyncset.done $0x0  }
0x93: {  	[sflag:s6] =	ssyncadd.s32 $0xFFFFC800  }
0x94: {  	_ =	swait.ge [sflag:s31], $0x3800  }
0x95: {  	[sflag:s31] =	ssyncset.done $0x0  }
0x96: {  	s21 =	simm.s32 $0x400;
	[sflag:s31] =	ssyncadd.s32 $0xFFFFC800  }
0x97: {  	[tilespmem:s28], [sflag:$0x5] =	stream.indirect.gather [hbm4b:s1+s25], $0x80, s21, s25, $0xb8;
	[tilespmem:$0x1FC00] =	vst v63  }
0x98: {  	s22 =	simm.s32 $0x900  }
0x99: {  	[spmem:s2] =	stream.indirect.scatter.add.f32 [tilespmem:s26], [sflag:$0x6], $0x80, s22, s25, $0xb8;
	[tilespmem:$0x1FC00] =	vst v63  }
0x9a: {  	_ =	swait.ge [sflag:s6], $0x3800  }
0x9b: {  	[sflag:s6] =	ssyncset.done $0x0  }
0x9c: {  	[sflag:s6] =	ssyncadd.s32 $0xFFFFC800  }
0x9d: {  	_ =	swait.ge [sflag:s7], $0x3800  }
0x9e: {  	[sflag:s7] =	ssyncset.done $0x0  }
0x9f: {  	s8 =	simm.s32 $0x480;
	[sflag:s7] =	ssyncadd.s32 $0xFFFFC800  }
0xa0: {  	[tilespmem:s26], [sflag:$0x3] =	stream.indirect.gather [hbm4b:s1+s25], $0x80, s8, s25, $0xb8;
	[tilespmem:$0x1FC00] =	vst v63  }
0xa1: {  	s21 =	simm.s32 $0x980  }
0xa2: {  	[spmem:s2] =	stream.indirect.scatter.add.f32 [tilespmem:s29], [sflag:$0x6], $0x80, s21, s25, $0xb8;
	[tilespmem:$0x1FC00] =	vst v63  }
0xa3: {  	_ =	swait.ge [sflag:s6], $0x3800  }
0xa4: {  	[sflag:s6] =	ssyncset.done $0x0  }
0xa5: {  	[sflag:s6] =	ssyncadd.s32 $0xFFFFC800  }
0xa6: {  	_ =	swait.ge [sflag:s10], $0x3800  }
0xa7: {  	[sflag:s10] =	ssyncset.done $0x0  }
0xa8: {  	s22 =	simm.s32 $0x500;
	[sflag:s10] =	ssyncadd.s32 $0xFFFFC800  }
0xa9: {  	[tilespmem:s29], [sflag:$0x4] =	stream.indirect.gather [hbm4b:s1+s25], $0x80, s22, s25, $0xb8;
	[tilespmem:$0x1FC00] =	vst v63  }
0xaa: {  	s8 =	simm.s32 $0xA00  }
0xab: {  	[spmem:s2] =	stream.indirect.scatter.add.f32 [tilespmem:s28], [sflag:$0x6], $0x80, s8, s25, $0xb8;
	[tilespmem:$0x1FC00] =	vst v63  }
0xac: {  	_ =	swait.ge [sflag:s6], $0x3800  }
0xad: {  	[sflag:s6] =	ssyncset.done $0x0  }
0xae: {  	[sflag:s6] =	ssyncadd.s32 $0xFFFFC800  }
0xaf: {  	_ =	swait.ge [sflag:s31], $0x3800  }
0xb0: {  	[sflag:s31] =	ssyncset.done $0x0  }
0xb1: {  	s21 =	simm.s32 $0x580;
	[sflag:s31] =	ssyncadd.s32 $0xFFFFC800  }
0xb2: {  	[tilespmem:s28], [sflag:$0x5] =	stream.indirect.gather [hbm4b:s1+s25], $0x80, s21, s25, $0xb8;
	[tilespmem:$0x1FC00] =	vst v63  }
0xb3: {  	s22 =	simm.s32 $0xA80  }
0xb4: {  	[spmem:s2] =	stream.indirect.scatter.add.f32 [tilespmem:s26], [sflag:$0x6], $0x80, s22, s25, $0xb8;
	[tilespmem:$0x1FC00] =	vst v63  }
0xb5: {  	_ =	swait.ge [sflag:s6], $0x3800  }
0xb6: {  	[sflag:s6] =	ssyncset.done $0x0  }
0xb7: {  	[sflag:s6] =	ssyncadd.s32 $0xFFFFC800  }
0xb8: {  	_ =	swait.ge [sflag:s7], $0x3800  }
0xb9: {  	[sflag:s7] =	ssyncset.done $0x0  }
0xba: {  	[sflag:s7] =	ssyncadd.s32 $0xFFFFC800  }
0xbb: {  	[tilespmem:s26], [sflag:$0x3] =	stream.indirect.gather [hbm4b:s1+s25], $0x80, s23, s25, $0xb8;
	[tilespmem:$0x1FC00] =	vst v63  }
0xbc: {  	s8 =	simm.s32 $0xB00  }
0xbd: {  	[spmem:s2] =	stream.indirect.scatter.add.f32 [tilespmem:s29], [sflag:$0x6], $0x80, s8, s25, $0xb8;
	[tilespmem:$0x1FC00] =	vst v63  }
0xbe: {  	_ =	swait.ge [sflag:s6], $0x3800  }
0xbf: {  	[sflag:s6] =	ssyncset.done $0x0  }
0xc0: {  	[sflag:s6] =	ssyncadd.s32 $0xFFFFC800  }
0xc1: {  	_ =	swait.ge [sflag:s10], $0x3800  }
0xc2: {  	[sflag:s10] =	ssyncset.done $0x0  }
0xc3: {  	s21 =	simm.s32 $0xC80;
	[sflag:s10] =	ssyncadd.s32 $0xFFFFC800  }
0xc4: {  	[tilespmem:s29], [sflag:$0x4] =	stream.indirect.gather [hbm4b:s1+s25], $0x80, s21, s25, $0xb8;
	[tilespmem:$0x1FC00] =	vst v63  }
0xc5: {  	s22 =	simm.s32 $0xB80  }
0xc6: {  	[spmem:s2] =	stream.indirect.scatter.add.f32 [tilespmem:s28], [sflag:$0x6], $0x80, s22, s25, $0xb8;
	[tilespmem:$0x1FC00] =	vst v63  }
0xc7: {  	p3 =	seq.s32 s5, $0x600;
	_ =	swait.ge [sflag:s6], $0x3800  }
0xc8: {  	s22 =	sadd.s32 @!p3 s5, s16;
	[sflag:s6] =	ssyncset.done $0x0  }
0xc9: {  	s0 =	sadd.s32 @!p3 $0x200, s22;
	s22 =	simm.s32 @!p3 $0x0;
	[sflag:s6] =	ssyncadd.s32 $0xFFFFC800  }
0xca: {  	[tilespmem:s22], [sflag:$0x1] =	stream.linear.gather @!p3 [hbm4b:s0+s22], $0x600, $0x38;
	[tilespmem:$0x1FC00] =	vst v63  }
0xcb: {  	s0 =	sadd.s32 @!p3 s5, s17  }
0xcc: {  	s21 =	simm.s32 @!p3 $0x600;
	s0 =	sadd.s32 @!p3 $0x200, s0  }
0xcd: {  	[tilespmem:s21], [sflag:$0x1] =	stream.linear.gather @!p3 [hbm4b:s0+s22], $0x600, $0x38;
	[tilespmem:$0x1FC00] =	vst v63  }
0xce: {  	s0 =	simm.s32 @!p3 $0x1  }
0xcf: {  	_ =	swait.ge @!p3 [sflag:s0], $0x600  }
0xd0: {  	[sflag:s0] =	ssyncset.done @!p3 $0x0  }
0xd1: {  	[sflag:s0] =	ssyncadd.s32 @!p3 $0xFFFFFA00  }
0xd2: {  	_ =	swait.ge @!p3 [sflag:s0], $0x600  }
0xd3: {  	[sflag:s0] =	ssyncset.done @!p3 $0x0  }
0xd4: {  	[sflag:s0] =	ssyncadd.s32 @!p3 $0xFFFFFA00  }
0xd5: {  	_ =	swait.ge [sflag:s31], $0x3800  }
0xd6: {  	[sflag:s31] =	ssyncset.done $0x0  }
0xd7: {  	s8 =	simm.s32 $0xD00;
	[sflag:s31] =	ssyncadd.s32 $0xFFFFC800  }
0xd8: {  	[tilespmem:s28], [sflag:$0x5] =	stream.indirect.gather [hbm4b:s1+s25], $0x80, s8, s25, $0xb8;
	[tilespmem:$0x1FC00] =	vst v63  }
0xd9: {  	_ = 	snop  }
0xda: {  	[spmem:s2] =	stream.indirect.scatter.add.f32 [tilespmem:s26], [sflag:$0x6], $0x80, s24, s25, $0xb8;
	[tilespmem:$0x1FC00] =	vst v63  }
0xdb: {  	_ =	swait.ge [sflag:s6], $0x3800  }
0xdc: {  	[sflag:s6] =	ssyncset.done $0x0  }
0xdd: {  	[sflag:s6] =	ssyncadd.s32 $0xFFFFC800  }
0xde: {  	_ =	swait.ge [sflag:s7], $0x3800  }
0xdf: {  	[sflag:s7] =	ssyncset.done $0x0  }
0xe0: {  	s21 =	simm.s32 $0xD80;
	[sflag:s7] =	ssyncadd.s32 $0xFFFFC800  }
0xe1: {  	[tilespmem:s26], [sflag:$0x3] =	stream.indirect.gather [hbm4b:s1+s25], $0x80, s21, s25, $0xb8;
	[tilespmem:$0x1FC00] =	vst v63  }
0xe2: {  	s8 =	simm.s32 $0x1280  }
0xe3: {  	[spmem:s2] =	stream.indirect.scatter.add.f32 [tilespmem:s29], [sflag:$0x6], $0x80, s8, s25, $0xb8;
	[tilespmem:$0x1FC00] =	vst v63  }
0xe4: {  	_ =	swait.ge [sflag:s6], $0x3800  }
0xe5: {  	[sflag:s6] =	ssyncset.done $0x0  }
0xe6: {  	[sflag:s6] =	ssyncadd.s32 $0xFFFFC800  }
0xe7: {  	_ =	swait.ge [sflag:s10], $0x3800  }
0xe8: {  	[sflag:s10] =	ssyncset.done $0x0  }
0xe9: {  	s21 =	simm.s32 $0xE00;
	[sflag:s10] =	ssyncadd.s32 $0xFFFFC800  }
0xea: {  	[tilespmem:s29], [sflag:$0x4] =	stream.indirect.gather [hbm4b:s1+s25], $0x80, s21, s25, $0xb8;
	[tilespmem:$0x1FC00] =	vst v63  }
0xeb: {  	s8 =	simm.s32 $0x1300  }
0xec: {  	[spmem:s2] =	stream.indirect.scatter.add.f32 [tilespmem:s28], [sflag:$0x6], $0x80, s8, s25, $0xb8;
	[tilespmem:$0x1FC00] =	vst v63  }
0xed: {  	_ =	swait.ge [sflag:s6], $0x3800  }
0xee: {  	[sflag:s6] =	ssyncset.done $0x0  }
0xef: {  	[sflag:s6] =	ssyncadd.s32 $0xFFFFC800  }
0xf0: {  	_ =	swait.ge [sflag:s31], $0x3800  }
0xf1: {  	[sflag:s31] =	ssyncset.done $0x0  }
0xf2: {  	s21 =	simm.s32 $0xE80;
	[sflag:s31] =	ssyncadd.s32 $0xFFFFC800  }
0xf3: {  	[tilespmem:s28], [sflag:$0x5] =	stream.indirect.gather [hbm4b:s1+s25], $0x80, s21, s25, $0xb8;
	[tilespmem:$0x1FC00] =	vst v63  }
0xf4: {  	s8 =	simm.s32 $0x1380  }
0xf5: {  	[spmem:s2] =	stream.indirect.scatter.add.f32 [tilespmem:s26], [sflag:$0x6], $0x80, s8, s25, $0xb8;
	[tilespmem:$0x1FC00] =	vst v63  }
0xf6: {  	_ =	swait.ge [sflag:s6], $0x3800  }
0xf7: {  	[sflag:s6] =	ssyncset.done $0x0  }
0xf8: {  	[sflag:s6] =	ssyncadd.s32 $0xFFFFC800  }
0xf9: {  	_ =	swait.ge [sflag:s7], $0x3800  }
0xfa: {  	[sflag:s7] =	ssyncset.done $0x0  }
0xfb: {  	s21 =	simm.s32 $0xF00;
	[sflag:s7] =	ssyncadd.s32 $0xFFFFC800  }
0xfc: {  	[tilespmem:s26], [sflag:$0x3] =	stream.indirect.gather [hbm4b:s1+s25], $0x80, s21, s25, $0xb8;
	[tilespmem:$0x1FC00] =	vst v63  }
0xfd: {  	s8 =	simm.s32 $0x1400  }
0xfe: {  	[spmem:s2] =	stream.indirect.scatter.add.f32 [tilespmem:s29], [sflag:$0x6], $0x80, s8, s25, $0xb8;
	[tilespmem:$0x1FC00] =	vst v63  }
0xff: {  	_ =	swait.ge [sflag:s6], $0x3800  }
0x100: {  	[sflag:s6] =	ssyncset.done $0x0  }
0x101: {  	[sflag:s6] =	ssyncadd.s32 $0xFFFFC800  }
0x102: {  	_ =	swait.ge [sflag:s10], $0x3800  }
0x103: {  	[sflag:s10] =	ssyncset.done $0x0  }
0x104: {  	s21 =	simm.s32 $0xF80;
	[sflag:s10] =	ssyncadd.s32 $0xFFFFC800  }
0x105: {  	[tilespmem:s29], [sflag:$0x4] =	stream.indirect.gather [hbm4b:s1+s25], $0x80, s21, s25, $0xb8;
	[tilespmem:$0x1FC00] =	vst v63  }
0x106: {  	_ = 	snop  }
0x107: {  	[spmem:s2] =	stream.indirect.scatter.add.f32 [tilespmem:s28], [sflag:$0x6], $0x80, s9, s25, $0xb8;
	[tilespmem:$0x1FC00] =	vst v63  }
0x108: {  	_ =	swait.ge [sflag:s6], $0x3800  }
0x109: {  	[sflag:s6] =	ssyncset.done $0x0  }
0x10a: {  	[sflag:s6] =	ssyncadd.s32 $0xFFFFC800  }
0x10b: {  	_ =	swait.ge [sflag:s31], $0x3800  }
0x10c: {  	[sflag:s31] =	ssyncset.done $0x0  }
0x10d: {  	[sflag:s31] =	ssyncadd.s32 $0xFFFFC800  }
0x10e: {  	[tilespmem:s28], [sflag:$0x5] =	stream.indirect.gather [hbm4b:s1+s25], $0x80, s11, s25, $0xb8;
	[tilespmem:$0x1FC00] =	vst v63  }
0x10f: {  	_ = 	snop  }
0x110: {  	[spmem:s2] =	stream.indirect.scatter.add.f32 [tilespmem:s26], [sflag:$0x6], $0x80, s12, s25, $0xb8;
	[tilespmem:$0x1FC00] =	vst v63  }
0x111: {  	_ =	swait.ge [sflag:s6], $0x3800  }
0x112: {  	[sflag:s6] =	ssyncset.done $0x0  }
0x113: {  	[sflag:s6] =	ssyncadd.s32 $0xFFFFC800  }
0x114: {  	_ =	swait.ge [sflag:s7], $0x3800  }
0x115: {  	[sflag:s7] =	ssyncset.done $0x0  }
0x116: {  	[sflag:s7] =	ssyncadd.s32 $0xFFFFC800  }
0x117: {  	[tilespmem:s26], [sflag:$0x3] =	stream.indirect.gather [hbm4b:s1+s25], $0x80, s3, s25, $0xb8;
	[tilespmem:$0x1FC00] =	vst v63  }
0x118: {  	_ = 	snop  }
0x119: {  	[spmem:s2] =	stream.indirect.scatter.add.f32 [tilespmem:s29], [sflag:$0x6], $0x80, s13, s25, $0xb8;
	[tilespmem:$0x1FC00] =	vst v63  }
0x11a: {  	_ =	swait.ge [sflag:s6], $0x3800  }
0x11b: {  	[sflag:s6] =	ssyncset.done $0x0  }
0x11c: {  	[sflag:s6] =	ssyncadd.s32 $0xFFFFC800  }
0x11d: {  	_ =	swait.ge [sflag:s10], $0x3800  }
0x11e: {  	[sflag:s10] =	ssyncset.done $0x0  }
0x11f: {  	[sflag:s10] =	ssyncadd.s32 $0xFFFFC800  }
0x120: {  	[tilespmem:s29], [sflag:$0x4] =	stream.indirect.gather [hbm4b:s1+s25], $0x80, s14, s25, $0xb8;
	[tilespmem:$0x1FC00] =	vst v63  }
0x121: {  	_ = 	snop  }
0x122: {  	[spmem:s2] =	stream.indirect.scatter.add.f32 [tilespmem:s28], [sflag:$0x6], $0x80, s15, s25, $0xb8;
	[tilespmem:$0x1FC00] =	vst v63  }
0x123: {  	_ =	swait.ge [sflag:s6], $0x3800  }
0x124: {  	[sflag:s6] =	ssyncset.done $0x0  }
0x125: {  	[sflag:s6] =	ssyncadd.s32 $0xFFFFC800  }
0x126: {  	_ =	swait.ge [sflag:s31], $0x3800  }
0x127: {  	[sflag:s31] =	ssyncset.done $0x0  }
0x128: {  	[sflag:s31] =	ssyncadd.s32 $0xFFFFC800  }
0x129: {  	[tilespmem:s28], [sflag:$0x5] =	stream.indirect.gather [hbm4b:s1+s25], $0x80, s18, s25, $0xb8;
	[tilespmem:$0x1FC00] =	vst v63  }
0x12a: {  	_ = 	snop  }
0x12b: {  	[spmem:s2] =	stream.indirect.scatter.add.f32 [tilespmem:s26], [sflag:$0x6], $0x80, s19, s25, $0xb8;
	[tilespmem:$0x1FC00] =	vst v63  }
0x12c: {  	_ =	swait.ge [sflag:s6], $0x3800  }
0x12d: {  	[sflag:s6] =	ssyncset.done $0x0  }
0x12e: {  	[sflag:s6] =	ssyncadd.s32 $0xFFFFC800  }
0x12f: {  	_ =	swait.ge [sflag:s7], $0x3800  }
0x130: {  	s0 =	simm.s32 @p3 $0x70;
	[sflag:s7] =	ssyncset.done $0x0  }
0x131: {  	s8 =	simm.s32 @p3 $0x5000;
	s21 =	simm.s32 @p3 $0x1700;
	[sflag:s7] =	ssyncadd.s32 $0xFFFFC800  }
0x132: {  	[spmem:s2] =	stream.indirect.scatter.add.f32 @p3 [tilespmem:s8], [sflag:$0x6], $0x80, s21, s0, $0xb8;
	[tilespmem:$0x1FC00] =	vst v63  }
0x133: {  	s0 =	simm.s32 @p3 $0x6  }
0x134: {  	_ =	swait.ge @p3 [sflag:s0], $0x3800  }
0x135: {  	[sflag:s0] =	ssyncset.done @p3 $0x0  }
0x136: {  	[sflag:s0] =	ssyncadd.s32 @p3 $0xFFFFC800;
	s0 =	simm.s32 @p3 $0x5  }
0x137: {  	_ =	swait.ge @p3 [sflag:s0], $0x3800  }
0x138: {  	[sflag:s0] =	ssyncset.done @p3 $0x0  }
0x139: {  	s8 =	simm.s32 @!p3 $0x1800;
	[sflag:s0] =	ssyncadd.s32 @p3 $0xFFFFC800;
	s0 =	simm.s32 @!p3 $0x70  }
0x13a: {  	[tilespmem:s8], [sflag:$0x3] =	stream.indirect.gather @!p3 [hbm4b:s1+s0], $0x80, s22, s0, $0xb8;
	[tilespmem:$0x1FC00] =	vst v63  }
0x13b: {  	s21 =	simm.s32 @!p3 $0x5000;
	s8 =	simm.s32 @!p3 $0x1700  }
0x13c: {  	[spmem:s2] =	stream.indirect.scatter.add.f32 @!p3 [tilespmem:s21], [sflag:$0x6], $0x80, s8, s0, $0xb8;
	[tilespmem:$0x1FC00] =	vst v63  }
0x13d: {  	s8 =	simm.s32 @!p3 $0x6  }
0x13e: {  	_ =	swait.ge @!p3 [sflag:s8], $0x3800  }
0x13f: {  	[sflag:s8] =	ssyncset.done @!p3 $0x0  }
0x140: {  	[sflag:s8] =	ssyncadd.s32 @!p3 $0xFFFFC800;
	s8 =	simm.s32 @!p3 $0x5  }
0x141: {  	_ =	swait.ge @!p3 [sflag:s8], $0x3800  }
0x142: {  	[sflag:s8] =	ssyncset.done @!p3 $0x0  }
0x143: {  	[sflag:s8] =	ssyncadd.s32 @!p3 $0xFFFFC800;
	s8 =	simm.s32 @!p3 $0x80  }
0x144: {  	[tilespmem:s21], [sflag:$0x4] =	stream.indirect.gather @!p3 [hbm4b:s1+s0], $0x80, s8, s0, $0xb8;
	[tilespmem:$0x1FC00] =	vst v63  }
.Ltmp2:
0x145: {  	_ = 	snop;
	(pc) =	sbr.rel @p3 .LBB2_4-.Ltmp2, $4  }
0x146: {  	[spmem:s2] =	stream.indirect.scatter.add.f32 [tilespmem:s28], [sflag:$0x6], $0x80, s20, s25, $0xb8;
	[tilespmem:$0x1FC00] =	vst v63  }
0x147: {  	_ =	swait.ge [sflag:s6], $0x3800  }
0x148: {  	[sflag:s6] =	ssyncset.done $0x0  }
0x149: {  	[sflag:s6] =	ssyncadd.s32 $0xFFFFC800  }
.Ltmp3:
0x14a: {  	s0 =	sadd.s32 s5, s16;
	(pc) =	sbr.rel .LBB2_2-.Ltmp3, $4  }
0x14b: {  	s22 =	sadd.s32 s5, s17;
	s0 =	sadd.s32 $0x300, s0  }
0x14c: {  	[tilespmem:s23], [sflag:$0x2] =	stream.linear.gather [hbm4b:s0+s4], $0x600, $0x38;
	[tilespmem:$0x1FC00] =	vst v63  }
0x14d: {  	s5 =	sadd.s32 $0x200, s5;
	s0 =	sadd.s32 $0x300, s22  }
0x14e: {  	[tilespmem:s24], [sflag:$0x2] =	stream.linear.gather [hbm4b:s0+s4], $0x600, $0x38;
	[tilespmem:$0x1FC00] =	vst v63  }
.LBB2_5:
0x14f: {  	_ =	sfence.sel $0x180000  }
0x150: {  	[bflag:$0x0] =	sbarrier.arrive $0xFFFF  }
0x151: {  	_ =	strace $0x90000047  }
0x152: {  	[bflag:$0x2] =	sbarrier.arrive $0xFFFF  }
0x153: {  	p0 =	sne.s32 s21, $0x0;
	s0 =	rddreg [dreg:$0x3]  }
0x154: {  	s0 =	sadd.s32 @!p0 $0x100000, s0  }
0x155: {  	[sflag:s0] =	ssyncadd.tile.s32 @!p0 $0x1;
	_ =	shalt  }
.Lfunc_end2:
_tile_overlayer_lowered:
.L_overlay_start_2:
0x156: {  	(tag) =	ssettag $0x2  }
0x157: {  	s0 =	rddreg [dreg:$0x0];
	s2 =	stileid.u32  }
0x158: {  	s1 =	rddreg [dreg:$0x1];
	p0 =	sne.s32 s2, $0x0  }
0x159: {  	s3 =	rddreg [dreg:$0x2];
	[bflag:$0x3] =	sbarrier.arrive $0xFFFF;
	s2 =	simm.s32 @!p0 $0x1C06  }
0x15a: {  	[timem:s3], [sflag:s2] =	dma.local @!p0 [hbm:s0], s1  }
0x15b: {  	s0 =	simm.s32 @!p0 $0x6  }
0x15c: {  	_ =	swait.ge @!p0 [sflag:s0], s1  }
0x15d: {  	s1 =	ssub.s32 @!p0 $0x0, s1;
	[sflag:s0] =	ssyncset.done @!p0 $0x0  }
0x15e: {  	[sflag:s0] =	ssyncadd.s32 @!p0 s1  }
0x15f: {  	[bflag:$0x3] =	sbarrier.arrive $0xFFFF  }
0x160: {  	_ =	shalt  }

</sc_bundles>
